<compile_context>
chip_gen: v7x
topology: tpu7x:2x2x1
jax: 0.10.2.dev20260603
libtpu: 0.0.44.dev20260713+nightly
codegen_flags: <defaults>
</compile_context>

<pallas_src>
import functools

import jax
import jax.numpy as jnp
from jax import lax
from jax.experimental import pallas as pl
from jax.experimental.pallas import tpu as pltpu
from jax.experimental.pallas import tpu_sc as plsc

N = 50000
IN_DIM = 128
HID = 64
NUM_LAYERS = 5

CHUNK = 128
TILES = 16
CPT = 400
IB = 40
NBLK = CPT // IB
NCHUNKS = TILES * CPT
EPAD = NCHUNKS * CHUNK
SROWS = 50048
ZR = SROWS // TILES
WR = ZR
DEGC = 8

RB = 2176
FROWS = SROWS // 4
FB = RB // 4
GRID = SROWS // RB


def _sc_mesh():
    return plsc.VectorSubcoreMesh(core_axis_name="c", subcore_axis_name="s")


def _sc_degrees(src_d, dst_g, zeros_deg, ones_deg):

    @functools.partial(
        pl.kernel,
        mesh=_sc_mesh(),
        compiler_params=pltpu.CompilerParams(use_tc_tiling_on_sc=False),
        out_type=[
            jax.ShapeDtypeStruct((SROWS, DEGC), jnp.float32),
            jax.ShapeDtypeStruct((SROWS, DEGC), jnp.float32),
        ],
        scratch_types=[
            pltpu.VMEM((IB, CHUNK), jnp.int32),
            pltpu.VMEM((CHUNK, DEGC), jnp.float32),
            pltpu.VMEM_SHARED((SROWS, DEGC), jnp.float32),
            pltpu.SemaphoreType.DMA,
        ],
    )
    def deg_kernel(srcd_hbm, dstg_hbm, zeros_hbm, ones_hbm,
                   dego_hbm, degi_hbm, idx_v, ones_v, deg_sh, dsem):
        cid = lax.axis_index("c")
        sid = lax.axis_index("s")
        pltpu.sync_copy(zeros_hbm, deg_sh.at[pl.ds(sid * ZR, ZR)])
        pltpu.sync_copy(ones_hbm, ones_v)
        plsc.subcore_barrier()

        def blk(b, carry):
            off = sid * CPT + b * IB

            @pl.when(cid == 0)
            def _():
                pltpu.sync_copy(srcd_hbm.at[pl.ds(off, IB)], idx_v)

            @pl.when(cid == 1)
            def _():
                pltpu.sync_copy(dstg_hbm.at[pl.ds(off, IB)], idx_v)

            def s_start(j):
                pltpu.async_copy(ones_v, deg_sh.at[idx_v.at[j]], dsem,
                                 add=True)

            def s_wait(j):
                pltpu.make_async_copy(ones_v, deg_sh.at[idx_v.at[j]],
                                      dsem).wait()

            for j in range(4):
                s_start(j)

            def body(k, c):
                s_start(k + 4)
                s_wait(k)
                return c

            lax.fori_loop(0, IB - 4, body, 0)
            for j in range(4):
                s_wait(IB - 4 + j)
            return carry

        lax.fori_loop(0, NBLK, blk, 0)
        plsc.subcore_barrier()

        @pl.when(cid == 0)
        def _():
            pltpu.sync_copy(deg_sh.at[pl.ds(sid * WR, WR)],
                            dego_hbm.at[pl.ds(sid * WR, WR)])

        @pl.when(cid == 1)
        def _():
            pltpu.sync_copy(deg_sh.at[pl.ds(sid * WR, WR)],
                            degi_hbm.at[pl.ds(sid * WR, WR)])

    return deg_kernel(src_d, dst_g, zeros_deg, ones_deg)


def _sc_aggregate(f0, f1, src_g, dst_g, zeros_agg):

    @functools.partial(
        pl.kernel,
        mesh=_sc_mesh(),
        compiler_params=pltpu.CompilerParams(use_tc_tiling_on_sc=False),
        out_type=[
            jax.ShapeDtypeStruct((SROWS, HID // 2), jnp.float32),
            jax.ShapeDtypeStruct((SROWS, HID // 2), jnp.float32),
        ],
        scratch_types=[
            pltpu.VMEM((IB, CHUNK), jnp.int32),
            pltpu.VMEM((IB, CHUNK), jnp.int32),
            pltpu.VMEM((CHUNK, HID // 2), jnp.float32),
            pltpu.VMEM((CHUNK, HID // 2), jnp.float32),
            pltpu.VMEM((CHUNK, HID // 2), jnp.float32),
            pltpu.VMEM((CHUNK, HID // 2), jnp.float32),
            pltpu.SemaphoreType.DMA,
            pltpu.SemaphoreType.DMA,
            pltpu.SemaphoreType.DMA,
            pltpu.SemaphoreType.DMA,
            pltpu.VMEM_SHARED((SROWS, HID // 2), jnp.float32),
        ],
    )
    def agg_kernel(f0_hbm, f1_hbm, srcg_hbm, dstg_hbm, zeros_hbm,
                   out0_hbm, out1_hbm, src_v, dst_v, rows_a, rows_b,
                   rows_c, rows_d, sem_a, sem_b, sem_c, sem_d, agg_sh):
        cid = lax.axis_index("c")
        sid = lax.axis_index("s")
        pltpu.sync_copy(zeros_hbm, agg_sh.at[pl.ds(sid * ZR, ZR)])
        plsc.subcore_barrier()

        def gather_start(j, buf, sem):
            @pl.when(cid == 0)
            def _():
                pltpu.async_copy(f0_hbm.at[src_v.at[j]], buf, sem)

            @pl.when(cid == 1)
            def _():
                pltpu.async_copy(f1_hbm.at[src_v.at[j]], buf, sem)

        def gather_wait(j, buf, sem):
            pltpu.make_async_copy(f0_hbm.at[src_v.at[j]], buf, sem).wait()

        bufs = ((rows_a, sem_a), (rows_b, sem_b),
                (rows_c, sem_c), (rows_d, sem_d))

        def blk(b, carry):
            off = sid * CPT + b * IB
            pltpu.sync_copy(srcg_hbm.at[pl.ds(off, IB)], src_v)
            pltpu.sync_copy(dstg_hbm.at[pl.ds(off, IB)], dst_v)
            for i in range(3):
                gather_start(i, *bufs[i])

            def body(k4, c):
                j = 4 * k4
                for i in range(4):
                    nxt = j + i + 3
                    buf, sem = bufs[(i + 3) % 4]

                    @pl.when(nxt < IB)
                    def _():
                        gather_start(nxt, buf, sem)

                    gather_wait(j + i, *bufs[i])
                    pltpu.sync_copy(bufs[i][0], agg_sh.at[dst_v.at[j + i]],
                                    add=True)
                return c

            lax.fori_loop(0, IB // 4, body, 0)
            return carry

        lax.fori_loop(0, NBLK, blk, 0)
        plsc.subcore_barrier()

        @pl.when(cid == 0)
        def _():
            pltpu.sync_copy(agg_sh.at[pl.ds(sid * WR, WR)],
                            out0_hbm.at[pl.ds(sid * WR, WR)])

        @pl.when(cid == 1)
        def _():
            pltpu.sync_copy(agg_sh.at[pl.ds(sid * WR, WR)],
                            out1_hbm.at[pl.ds(sid * WR, WR)])

    return agg_kernel(f0, f1, src_g, dst_g, zeros_agg)


def _tc_enc_a(h, enc_W1, b1):

    def body(h_ref, w_ref, b_ref, t_ref, stats_ref, acc_ref):
        i = pl.program_id(0)
        t = lax.dot_general(h_ref[...], w_ref[...], (((1,), (1,)), ((), ())),
                            preferred_element_type=jnp.float32) + b_ref[...]
        t_ref[...] = t
        rows = lax.broadcasted_iota(jnp.int32, (RB, 1), 0) + i * RB
        tm = t * (rows < N).astype(jnp.float32)
        s = jnp.concatenate([jnp.sum(tm, 0, keepdims=True),
                             jnp.sum(tm * t, 0, keepdims=True)], 0)

        @pl.when(i == 0)
        def _():
            acc_ref[...] = jnp.zeros_like(acc_ref)

        acc_ref[...] += s
        stats_ref[...] = acc_ref[...]

    return pl.pallas_call(
        body,
        grid=(GRID,),
        in_specs=[
            pl.BlockSpec((RB, IN_DIM), lambda i: (i, 0)),
            pl.BlockSpec((HID, IN_DIM), lambda i: (0, 0)),
            pl.BlockSpec((1, HID), lambda i: (0, 0)),
        ],
        out_specs=[
            pl.BlockSpec((RB, HID), lambda i: (i, 0)),
            pl.BlockSpec((2, HID), lambda i: (0, 0)),
        ],
        out_shape=[
            jax.ShapeDtypeStruct((SROWS, HID), jnp.float32),
            jax.ShapeDtypeStruct((2, HID), jnp.float32),
        ],
        scratch_shapes=[pltpu.VMEM((2, HID), jnp.float32)],
    )(h, enc_W1, b1)


def _tc_enc_b(t, stats, gamma, beta, enc_W2, b2, deg_s):

    def body(t_ref, st_ref, g_ref, be_ref, w_ref, b_ref, ds_ref,
             x_ref, f0_ref, f1_ref):
        s = st_ref[...]
        mean = s[0:1, :] * (1.0 / N)
        var = s[1:2, :] * (1.0 / N) - mean * mean
        inv = lax.rsqrt(var + 1e-5)
        xn = (t_ref[...] - mean) * (inv * g_ref[...]) + be_ref[...]
        xn = jnp.maximum(xn, 0.0)
        x = lax.dot_general(xn, w_ref[...], (((1,), (1,)), ((), ())),
                            preferred_element_type=jnp.float32) + b_ref[...]
        x_ref[...] = x
        ns = lax.rsqrt(jnp.maximum(ds_ref[...][:, 0:1], 1.0))
        f = x * ns
        f0_ref[...] = f[:, : HID // 2]
        f1_ref[...] = f[:, HID // 2:]

    return pl.pallas_call(
        body,
        grid=(GRID,),
        in_specs=[
            pl.BlockSpec((RB, HID), lambda i: (i, 0)),
            pl.BlockSpec((2, HID), lambda i: (0, 0)),
            pl.BlockSpec((1, HID), lambda i: (0, 0)),
            pl.BlockSpec((1, HID), lambda i: (0, 0)),
            pl.BlockSpec((HID, HID), lambda i: (0, 0)),
            pl.BlockSpec((1, HID), lambda i: (0, 0)),
            pl.BlockSpec((RB, DEGC), lambda i: (i, 0)),
        ],
        out_specs=[
            pl.BlockSpec((RB, HID), lambda i: (i, 0)),
            pl.BlockSpec((RB, HID // 2), lambda i: (i, 0)),
            pl.BlockSpec((RB, HID // 2), lambda i: (i, 0)),
        ],
        out_shape=[
            jax.ShapeDtypeStruct((SROWS, HID), jnp.float32),
            jax.ShapeDtypeStruct((SROWS, HID // 2), jnp.float32),
            jax.ShapeDtypeStruct((SROWS, HID // 2), jnp.float32),
        ],
    )(t, stats, gamma, beta, enc_W2, b2, deg_s)


def _tc_layer(a0, a1, deg_d, deg_s, W, acc, last):

    def body(a0_ref, a1_ref, dd_ref, ds_ref, w_ref, acc_ref, *out_refs):
        agg = jnp.concatenate([a0_ref[...], a1_ref[...]], 1)
        nd = lax.rsqrt(jnp.maximum(dd_ref[...][:, 0:1], 1.0))
        hc = lax.dot_general(agg * nd, w_ref[...], (((1,), (0,)), ((), ())),
                             preferred_element_type=jnp.float32)
        if not last:
            hc = jnp.maximum(hc, 0.0)
            out_refs[0][...] = acc_ref[...] + hc
            ns = lax.rsqrt(jnp.maximum(ds_ref[...][:, 0:1], 1.0))
            f = hc * ns
            out_refs[1][...] = f[:, : HID // 2]
            out_refs[2][...] = f[:, HID // 2:]
        else:
            out_refs[0][...] = (acc_ref[...] + hc) * (1.0 / (NUM_LAYERS + 1))

    out_specs = [pl.BlockSpec((RB, HID), lambda i: (i, 0))]
    out_shape = [jax.ShapeDtypeStruct((SROWS, HID), jnp.float32)]
    if not last:
        out_specs += [pl.BlockSpec((RB, HID // 2), lambda i: (i, 0))] * 2
        out_shape += [jax.ShapeDtypeStruct((SROWS, HID // 2), jnp.float32)] * 2

    return pl.pallas_call(
        body,
        grid=(GRID,),
        in_specs=[
            pl.BlockSpec((RB, HID // 2), lambda i: (i, 0)),
            pl.BlockSpec((RB, HID // 2), lambda i: (i, 0)),
            pl.BlockSpec((RB, DEGC), lambda i: (i, 0)),
            pl.BlockSpec((RB, DEGC), lambda i: (i, 0)),
            pl.BlockSpec((HID, HID), lambda i: (0, 0)),
            pl.BlockSpec((RB, HID), lambda i: (i, 0)),
        ],
        out_specs=out_specs,
        out_shape=out_shape,
    )(a0, a1, deg_d, deg_s, W, acc)


def kernel(h, edge_index, enc_W1, enc_b1, bn_gamma, bn_beta, enc_W2,
           enc_b2, gcn_W):
    E = edge_index.shape[1]
    pad = EPAD - E
    src = edge_index[0]
    dst = edge_index[1]
    zero_pad = jnp.zeros((pad,), jnp.int32)
    sac_pad = jnp.full((pad,), N, jnp.int32)
    src_g = jnp.concatenate([src, zero_pad]).reshape(NCHUNKS, CHUNK)
    dst_g = jnp.concatenate([dst, sac_pad]).reshape(NCHUNKS, CHUNK)
    src_d = jnp.concatenate([src, sac_pad]).reshape(NCHUNKS, CHUNK)

    zeros_deg = jnp.zeros((ZR, DEGC), jnp.float32)
    ones_deg = jnp.ones((CHUNK, DEGC), jnp.float32)
    zeros_agg = jnp.zeros((ZR, HID // 2), jnp.float32)

    deg_s, deg_d = _sc_degrees(src_d, dst_g, zeros_deg, ones_deg)

    b1 = enc_b1.reshape(1, HID)
    b2 = enc_b2.reshape(1, HID)
    gamma = bn_gamma.reshape(1, HID)
    beta = bn_beta.reshape(1, HID)

    h_pad = jnp.concatenate(
        [h, jnp.zeros((SROWS - N, IN_DIM), jnp.float32)], 0)
    t, stats = _tc_enc_a(h_pad, enc_W1, b1)
    acc, f0, f1 = _tc_enc_b(t, stats, gamma, beta, enc_W2, b2, deg_s)

    for i in range(NUM_LAYERS):
        a0, a1 = _sc_aggregate(f0, f1, src_g, dst_g, zeros_agg)
        last = i == NUM_LAYERS - 1
        outs = _tc_layer(a0, a1, deg_d, deg_s, gcn_W[i], acc, last)
        if last:
            acc = outs[0]
        else:
            acc, f0, f1 = outs
    return acc[:N]

# --- scband reference (transcript-rebuilt; emitter-appended) ---
"""Pipeline reference for scband-gcnencoder-39659728011299 (READ-ONLY COPY).

The authoritative reference and input builder live on the scoring server;
editing this copy changes nothing except your own understanding.
"""

import jax, jax.numpy as jnp
import numpy as np

N = 50000
E = 800000
IN_DIM = 128
HID = 64
NUM_LAYERS = 5


def setup_inputs(seed: int = 0) -> dict:
    key = jax.random.key(seed)
    ks = jax.random.split(key, 8)
    h = jax.random.normal(ks[0], (N, IN_DIM), dtype=jnp.float32)
    edge_index = jax.random.randint(ks[1], (2, E), 0, N, dtype=jnp.int32)
    # encoder: Linear(128,64) -> BN(64) -> ReLU -> Linear(64,64); init normal std=0.01
    enc_W1 = jax.random.normal(ks[2], (IN_DIM // 2, IN_DIM), dtype=jnp.float32) * 0.01
    enc_b1 = jnp.zeros((IN_DIM // 2,), dtype=jnp.float32)
    bn_gamma = jnp.ones((IN_DIM // 2,), dtype=jnp.float32)
    bn_beta = jnp.zeros((IN_DIM // 2,), dtype=jnp.float32)
    enc_W2 = jax.random.normal(ks[3], (HID, IN_DIM // 2), dtype=jnp.float32) * 0.01
    enc_b2 = jnp.zeros((HID,), dtype=jnp.float32)
    # GCN weights, xavier_uniform with gain=sqrt(2) (relu)
    gain = float(np.sqrt(2.0))
    limit = gain * float(np.sqrt(6.0 / (HID + HID)))
    gcn_W = jax.random.uniform(ks[4], (NUM_LAYERS, HID, HID), dtype=jnp.float32, minval=-limit, maxval=limit)
    return {"h": h, "edge_index": edge_index, "enc_W1": enc_W1, "enc_b1": enc_b1,
            "bn_gamma": bn_gamma, "bn_beta": bn_beta, "enc_W2": enc_W2, "enc_b2": enc_b2,
            "gcn_W": gcn_W}


def reference(h, edge_index, enc_W1, enc_b1, bn_gamma, bn_beta, enc_W2, enc_b2, gcn_W):
    # encoder MLP (BatchNorm in train mode: batch statistics, biased var, eps=1e-5)
    x = h @ enc_W1.T + enc_b1
    mean = jnp.mean(x, axis=0)
    var = jnp.mean((x - mean) ** 2, axis=0)
    x = (x - mean) / jnp.sqrt(var + 1e-5) * bn_gamma + bn_beta
    x = jax.nn.relu(x)
    x = x @ enc_W2.T + enc_b2

    src = edge_index[0]
    dst = edge_index[1]
    # DGL GraphConv norm='both': out-degree^{-1/2} on src side, in-degree^{-1/2} on dst side (clamped >=1)
    deg_out = jnp.clip(jnp.zeros((N,), jnp.float32).at[src].add(1.0), 1.0, None)
    deg_in = jnp.clip(jnp.zeros((N,), jnp.float32).at[dst].add(1.0), 1.0, None)
    norm_s = deg_out ** -0.5
    norm_d = deg_in ** -0.5

    layers = [x]
    hcur = x
    for i in range(NUM_LAYERS):
        # dropout is identity in eval / deterministic reference
        f = hcur * norm_s[:, None]
        agg = jnp.zeros((N, HID), jnp.float32).at[dst].add(f[src])
        agg = agg * norm_d[:, None]
        hcur = agg @ gcn_W[i]
        if i < NUM_LAYERS - 1:
            hcur = jax.nn.relu(hcur)
        layers.append(hcur)

    out = jnp.mean(jnp.stack(layers, axis=1), axis=1)
    return out

if __name__ == "__main__":
    import jax
    _d = setup_inputs()
    print(jax.jit(kernel)(*tuple(_d.values())))

</pallas_src>

<mosaic_0001>
#map = affine_map<(d0, d1) -> (0, 0)>
module attributes {stable_mosaic.version = 14 : i64} {
  func.func @agg_kernel(%arg0: i32, %arg1: i32, %arg2: memref<50048x32xf32, #tpu.memory_space<hbm>>, %arg3: memref<50048x32xf32, #tpu.memory_space<hbm>>, %arg4: memref<6400x128xi32, #tpu.memory_space<hbm>>, %arg5: memref<6400x128xi32, #tpu.memory_space<hbm>>, %arg6: memref<3128x32xf32, #tpu.memory_space<hbm>>, %arg7: memref<50048x32xf32, #tpu.memory_space<hbm>>, %arg8: memref<50048x32xf32, #tpu.memory_space<hbm>>, %arg9: memref<40x128xi32, #tpu.memory_space<vmem>>, %arg10: memref<40x128xi32, #tpu.memory_space<vmem>>, %arg11: memref<128x32xf32, #tpu.memory_space<vmem>>, %arg12: memref<128x32xf32, #tpu.memory_space<vmem>>, %arg13: memref<128x32xf32, #tpu.memory_space<vmem>>, %arg14: memref<128x32xf32, #tpu.memory_space<vmem>>, %arg15: memref<!tpu.dma_semaphore, #tpu.memory_space<semaphore_mem>>, %arg16: memref<!tpu.dma_semaphore, #tpu.memory_space<semaphore_mem>>, %arg17: memref<!tpu.dma_semaphore, #tpu.memory_space<semaphore_mem>>, %arg18: memref<!tpu.dma_semaphore, #tpu.memory_space<semaphore_mem>>, %arg19: memref<50048x32xf32, #tpu.memory_space<vmem_shared>>) attributes {dimension_semantics = [#tpu.dimension_semantics<core_parallel>, #tpu.dimension_semantics<subcore_parallel>], iteration_bounds = array<i64: 2, 16>, scalar_prefetch = 0 : i64, scratch_operands = 11 : i64, tpu.core_type = #tpu.core_type<sc_vector_subcore>, window_params = [{transform_indices = #map}, {transform_indices = #map}, {transform_indices = #map}, {transform_indices = #map}, {transform_indices = #map}, {transform_indices = #map}, {transform_indices = #map}]} {
    %mul3A = arith.constant 3128 : i32
    %mul3A_0 = arith.muli %arg1, %mul3A : i32
    "tpu.region"() ({
      %run_scoped3A = tpu.sem_alloc : memref<!tpu.dma_semaphore, #tpu.memory_space<semaphore_mem>>
      %dma_start3A = arith.constant 0 : i32
      %dma_start3A_14 = tpu.memref_slice %arg19[%mul3A_0, %dma_start3A] : memref<50048x32xf32, #tpu.memory_space<vmem_shared>> -> memref<3128x32xf32, #tpu.memory_space<vmem_shared>>
      tpu.enqueue_dma source(%arg6 : memref<3128x32xf32, #tpu.memory_space<hbm>>) target(%dma_start3A_14 : memref<3128x32xf32, #tpu.memory_space<vmem_shared>>) target_semaphore(%run_scoped3A : memref<!tpu.dma_semaphore, #tpu.memory_space<semaphore_mem>>)
      %dma_wait3A = arith.constant 0 : i32
      %dma_wait3A_15 = tpu.memref_slice %arg19[%mul3A_0, %dma_wait3A] : memref<50048x32xf32, #tpu.memory_space<vmem_shared>> -> memref<3128x32xf32, #tpu.memory_space<vmem_shared>>
      tpu.wait_dma2 semaphore(%run_scoped3A : memref<!tpu.dma_semaphore, #tpu.memory_space<semaphore_mem>>) src(%arg6 : memref<3128x32xf32, #tpu.memory_space<hbm>>) dst(%dma_wait3A_15 : memref<3128x32xf32, #tpu.memory_space<vmem_shared>>)
      tpu.yield
    }) : () -> ()
    %barrier3A = arith.constant 0 : index
    tpu.barrier barrier_id(%barrier3A)
    %scan3A = arith.constant 0 : i32
    %scan3A_1 = arith.constant 0 : i32
    %scan3A_2 = arith.constant 10 : i32
    %scan3A_3 = arith.addi %scan3A_1, %scan3A_2 : i32
    %scan3A_4 = arith.constant 1 : i32
    scf.for %scan3A_14 = %scan3A_1 to %scan3A_3 step %scan3A_4  : i32 {
      %mul3A_15 = arith.constant 400 : i32
      %mul3A_16 = arith.muli %arg1, %mul3A_15 : i32
      %mul3A_17 = arith.constant 40 : i32
      %mul3A_18 = arith.muli %scan3A_14, %mul3A_17 : i32
      %add3A = arith.addi %mul3A_16, %mul3A_18 : i32
      "tpu.region"() ({
        %run_scoped3A = tpu.sem_alloc : memref<!tpu.dma_semaphore, #tpu.memory_space<semaphore_mem>>
        %dma_start3A = arith.constant 0 : i32
        %dma_start3A_55 = tpu.memref_slice %arg4[%add3A, %dma_start3A] : memref<6400x128xi32, #tpu.memory_space<hbm>> -> memref<40x128xi32, #tpu.memory_space<hbm>>
        %dma_start3A_56 = arith.constant 0 : i32
        %dma_start3A_57 = tpu.memref_slice %arg4[%add3A, %dma_start3A_56] : memref<6400x128xi32, #tpu.memory_space<hbm>> -> memref<40x128xi32, #tpu.memory_space<hbm>>
        tpu.enqueue_dma source(%dma_start3A_57 : memref<40x128xi32, #tpu.memory_space<hbm>>) target(%arg9 : memref<40x128xi32, #tpu.memory_space<vmem>>) target_semaphore(%run_scoped3A : memref<!tpu.dma_semaphore, #tpu.memory_space<semaphore_mem>>)
        %dma_wait3A = arith.constant 0 : i32
        %dma_wait3A_58 = tpu.memref_slice %arg4[%add3A, %dma_wait3A] : memref<6400x128xi32, #tpu.memory_space<hbm>> -> memref<40x128xi32, #tpu.memory_space<hbm>>
        %dma_wait3A_59 = arith.constant 0 : i32
        %dma_wait3A_60 = tpu.memref_slice %arg4[%add3A, %dma_wait3A_59] : memref<6400x128xi32, #tpu.memory_space<hbm>> -> memref<40x128xi32, #tpu.memory_space<hbm>>
        tpu.wait_dma2 semaphore(%run_scoped3A : memref<!tpu.dma_semaphore, #tpu.memory_space<semaphore_mem>>) src(%dma_wait3A_60 : memref<40x128xi32, #tpu.memory_space<hbm>>) dst(%arg9 : memref<40x128xi32, #tpu.memory_space<vmem>>)
        tpu.yield
      }) : () -> ()
      "tpu.region"() ({
        %run_scoped3A = tpu.sem_alloc : memref<!tpu.dma_semaphore, #tpu.memory_space<semaphore_mem>>
        %dma_start3A = arith.constant 0 : i32
        %dma_start3A_55 = tpu.memref_slice %arg5[%add3A, %dma_start3A] : memref<6400x128xi32, #tpu.memory_space<hbm>> -> memref<40x128xi32, #tpu.memory_space<hbm>>
        %dma_start3A_56 = arith.constant 0 : i32
        %dma_start3A_57 = tpu.memref_slice %arg5[%add3A, %dma_start3A_56] : memref<6400x128xi32, #tpu.memory_space<hbm>> -> memref<40x128xi32, #tpu.memory_space<hbm>>
        tpu.enqueue_dma source(%dma_start3A_57 : memref<40x128xi32, #tpu.memory_space<hbm>>) target(%arg10 : memref<40x128xi32, #tpu.memory_space<vmem>>) target_semaphore(%run_scoped3A : memref<!tpu.dma_semaphore, #tpu.memory_space<semaphore_mem>>)
        %dma_wait3A = arith.constant 0 : i32
        %dma_wait3A_58 = tpu.memref_slice %arg5[%add3A, %dma_wait3A] : memref<6400x128xi32, #tpu.memory_space<hbm>> -> memref<40x128xi32, #tpu.memory_space<hbm>>
        %dma_wait3A_59 = arith.constant 0 : i32
        %dma_wait3A_60 = tpu.memref_slice %arg5[%add3A, %dma_wait3A_59] : memref<6400x128xi32, #tpu.memory_space<hbm>> -> memref<40x128xi32, #tpu.memory_space<hbm>>
        tpu.wait_dma2 semaphore(%run_scoped3A : memref<!tpu.dma_semaphore, #tpu.memory_space<semaphore_mem>>) src(%dma_wait3A_60 : memref<40x128xi32, #tpu.memory_space<hbm>>) dst(%arg10 : memref<40x128xi32, #tpu.memory_space<vmem>>)
        tpu.yield
      }) : () -> ()
      %eq3A_19 = arith.constant 0 : i32
      %eq3A_20 = arith.cmpi eq, %arg0, %eq3A_19 : i32
      %convert_element_type3A_21 = arith.extui %eq3A_20 : i1 to i32
      %cond3A_22 = arith.constant 0 : i32
      %cond3A_23 = arith.cmpi ne, %convert_element_type3A_21, %cond3A_22 : i32
      scf.if %cond3A_23 {
        %dma_start3A = arith.constant 0 : i32
        %dma_start3A_55 = arith.constant 0 : i32
        %dma_start3A_56 = tpu.memref_slice %arg9[%dma_start3A, %dma_start3A_55] : memref<40x128xi32, #tpu.memory_space<vmem>> -> memref<1x128xi32, #tpu.memory_space<vmem>>
        %dma_start3A_57 = tpu.memref_squeeze %dma_start3A_56 : memref<1x128xi32, #tpu.memory_space<vmem>> -> memref<128xi32, #tpu.memory_space<vmem>>
        %dma_start3A_58 = arith.constant 0 : i32
        %dma_start3A_59 = arith.constant 0 : i32
        %dma_start3A_60 = tpu.memref_slice %arg2[%dma_start3A_58, %dma_start3A_59] : memref<50048x32xf32, #tpu.memory_space<hbm>> -> memref<50048x32xf32, #tpu.memory_space<hbm>>
        tpu.enqueue_indirect_dma source(%dma_start3A_60 : memref<50048x32xf32, #tpu.memory_space<hbm>>) target(%arg11 : memref<128x32xf32, #tpu.memory_space<vmem>>) offsets(%dma_start3A_57 : memref<128xi32, #tpu.memory_space<vmem>>) semaphore(%arg15 : memref<!tpu.dma_semaphore, #tpu.memory_space<semaphore_mem>>)
      } else {
      }
      %eq3A_24 = arith.constant 1 : i32
      %eq3A_25 = arith.cmpi eq, %arg0, %eq3A_24 : i32
      %convert_element_type3A_26 = arith.extui %eq3A_25 : i1 to i32
      %cond3A_27 = arith.constant 0 : i32
      %cond3A_28 = arith.cmpi ne, %convert_element_type3A_26, %cond3A_27 : i32
      scf.if %cond3A_28 {
        %dma_start3A = arith.constant 0 : i32
        %dma_start3A_55 = arith.constant 0 : i32
        %dma_start3A_56 = tpu.memref_slice %arg9[%dma_start3A, %dma_start3A_55] : memref<40x128xi32, #tpu.memory_space<vmem>> -> memref<1x128xi32, #tpu.memory_space<vmem>>
        %dma_start3A_57 = tpu.memref_squeeze %dma_start3A_56 : memref<1x128xi32, #tpu.memory_space<vmem>> -> memref<128xi32, #tpu.memory_space<vmem>>
        %dma_start3A_58 = arith.constant 0 : i32
        %dma_start3A_59 = arith.constant 0 : i32
        %dma_start3A_60 = tpu.memref_slice %arg3[%dma_start3A_58, %dma_start3A_59] : memref<50048x32xf32, #tpu.memory_space<hbm>> -> memref<50048x32xf32, #tpu.memory_space<hbm>>
        tpu.enqueue_indirect_dma source(%dma_start3A_60 : memref<50048x32xf32, #tpu.memory_space<hbm>>) target(%arg11 : memref<128x32xf32, #tpu.memory_space<vmem>>) offsets(%dma_start3A_57 : memref<128xi32, #tpu.memory_space<vmem>>) semaphore(%arg15 : memref<!tpu.dma_semaphore, #tpu.memory_space<semaphore_mem>>)
      } else {
      }
      %eq3A_29 = arith.constant 0 : i32
      %eq3A_30 = arith.cmpi eq, %arg0, %eq3A_29 : i32
      %convert_element_type3A_31 = arith.extui %eq3A_30 : i1 to i32
      %cond3A_32 = arith.constant 0 : i32
      %cond3A_33 = arith.cmpi ne, %convert_element_type3A_31, %cond3A_32 : i32
      scf.if %cond3A_33 {
        %dma_start3A = arith.constant 1 : i32
        %dma_start3A_55 = arith.constant 0 : i32
        %dma_start3A_56 = tpu.memref_slice %arg9[%dma_start3A, %dma_start3A_55] : memref<40x128xi32, #tpu.memory_space<vmem>> -> memref<1x128xi32, #tpu.memory_space<vmem>>
        %dma_start3A_57 = tpu.memref_squeeze %dma_start3A_56 : memref<1x128xi32, #tpu.memory_space<vmem>> -> memref<128xi32, #tpu.memory_space<vmem>>
        %dma_start3A_58 = arith.constant 0 : i32
        %dma_start3A_59 = arith.constant 0 : i32
        %dma_start3A_60 = tpu.memref_slice %arg2[%dma_start3A_58, %dma_start3A_59] : memref<50048x32xf32, #tpu.memory_space<hbm>> -> memref<50048x32xf32, #tpu.memory_space<hbm>>
        tpu.enqueue_indirect_dma source(%dma_start3A_60 : memref<50048x32xf32, #tpu.memory_space<hbm>>) target(%arg12 : memref<128x32xf32, #tpu.memory_space<vmem>>) offsets(%dma_start3A_57 : memref<128xi32, #tpu.memory_space<vmem>>) semaphore(%arg16 : memref<!tpu.dma_semaphore, #tpu.memory_space<semaphore_mem>>)
      } else {
      }
      %eq3A_34 = arith.constant 1 : i32
      %eq3A_35 = arith.cmpi eq, %arg0, %eq3A_34 : i32
      %convert_element_type3A_36 = arith.extui %eq3A_35 : i1 to i32
      %cond3A_37 = arith.constant 0 : i32
      %cond3A_38 = arith.cmpi ne, %convert_element_type3A_36, %cond3A_37 : i32
      scf.if %cond3A_38 {
        %dma_start3A = arith.constant 1 : i32
        %dma_start3A_55 = arith.constant 0 : i32
        %dma_start3A_56 = tpu.memref_slice %arg9[%dma_start3A, %dma_start3A_55] : memref<40x128xi32, #tpu.memory_space<vmem>> -> memref<1x128xi32, #tpu.memory_space<vmem>>
        %dma_start3A_57 = tpu.memref_squeeze %dma_start3A_56 : memref<1x128xi32, #tpu.memory_space<vmem>> -> memref<128xi32, #tpu.memory_space<vmem>>
        %dma_start3A_58 = arith.constant 0 : i32
        %dma_start3A_59 = arith.constant 0 : i32
        %dma_start3A_60 = tpu.memref_slice %arg3[%dma_start3A_58, %dma_start3A_59] : memref<50048x32xf32, #tpu.memory_space<hbm>> -> memref<50048x32xf32, #tpu.memory_space<hbm>>
        tpu.enqueue_indirect_dma source(%dma_start3A_60 : memref<50048x32xf32, #tpu.memory_space<hbm>>) target(%arg12 : memref<128x32xf32, #tpu.memory_space<vmem>>) offsets(%dma_start3A_57 : memref<128xi32, #tpu.memory_space<vmem>>) semaphore(%arg16 : memref<!tpu.dma_semaphore, #tpu.memory_space<semaphore_mem>>)
      } else {
      }
      %eq3A_39 = arith.constant 0 : i32
      %eq3A_40 = arith.cmpi eq, %arg0, %eq3A_39 : i32
      %convert_element_type3A_41 = arith.extui %eq3A_40 : i1 to i32
      %cond3A_42 = arith.constant 0 : i32
      %cond3A_43 = arith.cmpi ne, %convert_element_type3A_41, %cond3A_42 : i32
      scf.if %cond3A_43 {
        %dma_start3A = arith.constant 2 : i32
        %dma_start3A_55 = arith.constant 0 : i32
        %dma_start3A_56 = tpu.memref_slice %arg9[%dma_start3A, %dma_start3A_55] : memref<40x128xi32, #tpu.memory_space<vmem>> -> memref<1x128xi32, #tpu.memory_space<vmem>>
        %dma_start3A_57 = tpu.memref_squeeze %dma_start3A_56 : memref<1x128xi32, #tpu.memory_space<vmem>> -> memref<128xi32, #tpu.memory_space<vmem>>
        %dma_start3A_58 = arith.constant 0 : i32
        %dma_start3A_59 = arith.constant 0 : i32
        %dma_start3A_60 = tpu.memref_slice %arg2[%dma_start3A_58, %dma_start3A_59] : memref<50048x32xf32, #tpu.memory_space<hbm>> -> memref<50048x32xf32, #tpu.memory_space<hbm>>
        tpu.enqueue_indirect_dma source(%dma_start3A_60 : memref<50048x32xf32, #tpu.memory_space<hbm>>) target(%arg13 : memref<128x32xf32, #tpu.memory_space<vmem>>) offsets(%dma_start3A_57 : memref<128xi32, #tpu.memory_space<vmem>>) semaphore(%arg17 : memref<!tpu.dma_semaphore, #tpu.memory_space<semaphore_mem>>)
      } else {
      }
      %eq3A_44 = arith.constant 1 : i32
      %eq3A_45 = arith.cmpi eq, %arg0, %eq3A_44 : i32
      %convert_element_type3A_46 = arith.extui %eq3A_45 : i1 to i32
      %cond3A_47 = arith.constant 0 : i32
      %cond3A_48 = arith.cmpi ne, %convert_element_type3A_46, %cond3A_47 : i32
      scf.if %cond3A_48 {
        %dma_start3A = arith.constant 2 : i32
        %dma_start3A_55 = arith.constant 0 : i32
        %dma_start3A_56 = tpu.memref_slice %arg9[%dma_start3A, %dma_start3A_55] : memref<40x128xi32, #tpu.memory_space<vmem>> -> memref<1x128xi32, #tpu.memory_space<vmem>>
        %dma_start3A_57 = tpu.memref_squeeze %dma_start3A_56 : memref<1x128xi32, #tpu.memory_space<vmem>> -> memref<128xi32, #tpu.memory_space<vmem>>
        %dma_start3A_58 = arith.constant 0 : i32
        %dma_start3A_59 = arith.constant 0 : i32
        %dma_start3A_60 = tpu.memref_slice %arg3[%dma_start3A_58, %dma_start3A_59] : memref<50048x32xf32, #tpu.memory_space<hbm>> -> memref<50048x32xf32, #tpu.memory_space<hbm>>
        tpu.enqueue_indirect_dma source(%dma_start3A_60 : memref<50048x32xf32, #tpu.memory_space<hbm>>) target(%arg13 : memref<128x32xf32, #tpu.memory_space<vmem>>) offsets(%dma_start3A_57 : memref<128xi32, #tpu.memory_space<vmem>>) semaphore(%arg17 : memref<!tpu.dma_semaphore, #tpu.memory_space<semaphore_mem>>)
      } else {
      }
      %scan3A_49 = arith.constant 0 : i32
      %scan3A_50 = arith.constant 0 : i32
      %scan3A_51 = arith.constant 10 : i32
      %scan3A_52 = arith.addi %scan3A_50, %scan3A_51 : i32
      %scan3A_53 = arith.constant 1 : i32
      scf.for %scan3A_55 = %scan3A_50 to %scan3A_52 step %scan3A_53  : i32 {
        %mul3A_56 = arith.constant 4 : i32
        %mul3A_57 = arith.muli %mul3A_56, %scan3A_55 : i32
        %add3A_58 = arith.constant 0 : i32
        %add3A_59 = arith.addi %mul3A_57, %add3A_58 : i32
        %add3A_60 = arith.constant 3 : i32
        %add3A_61 = arith.addi %add3A_59, %add3A_60 : i32
        %lt3A = arith.constant 40 : i32
        %lt3A_62 = arith.cmpi slt, %add3A_61, %lt3A : i32
        %convert_element_type3A_63 = arith.extui %lt3A_62 : i1 to i32
        %cond3A_64 = arith.constant 0 : i32
        %cond3A_65 = arith.cmpi ne, %convert_element_type3A_63, %cond3A_64 : i32
        scf.if %cond3A_65 {
          %eq3A_132 = arith.constant 0 : i32
          %eq3A_133 = arith.cmpi eq, %arg0, %eq3A_132 : i32
          %convert_element_type3A_134 = arith.extui %eq3A_133 : i1 to i32
          %cond3A_135 = arith.constant 0 : i32
          %cond3A_136 = arith.cmpi ne, %convert_element_type3A_134, %cond3A_135 : i32
          scf.if %cond3A_136 {
            %dma_start3A = arith.constant 0 : i32
            %dma_start3A_142 = tpu.memref_slice %arg9[%add3A_61, %dma_start3A] : memref<40x128xi32, #tpu.memory_space<vmem>> -> memref<1x128xi32, #tpu.memory_space<vmem>>
            %dma_start3A_143 = tpu.memref_squeeze %dma_start3A_142 : memref<1x128xi32, #tpu.memory_space<vmem>> -> memref<128xi32, #tpu.memory_space<vmem>>
            %dma_start3A_144 = arith.constant 0 : i32
            %dma_start3A_145 = arith.constant 0 : i32
            %dma_start3A_146 = tpu.memref_slice %arg2[%dma_start3A_144, %dma_start3A_145] : memref<50048x32xf32, #tpu.memory_space<hbm>> -> memref<50048x32xf32, #tpu.memory_space<hbm>>
            tpu.enqueue_indirect_dma source(%dma_start3A_146 : memref<50048x32xf32, #tpu.memory_space<hbm>>) target(%arg14 : memref<128x32xf32, #tpu.memory_space<vmem>>) offsets(%dma_start3A_143 : memref<128xi32, #tpu.memory_space<vmem>>) semaphore(%arg18 : memref<!tpu.dma_semaphore, #tpu.memory_space<semaphore_mem>>)
          } else {
          }
          %eq3A_137 = arith.constant 1 : i32
          %eq3A_138 = arith.cmpi eq, %arg0, %eq3A_137 : i32
          %convert_element_type3A_139 = arith.extui %eq3A_138 : i1 to i32
          %cond3A_140 = arith.constant 0 : i32
          %cond3A_141 = arith.cmpi ne, %convert_element_type3A_139, %cond3A_140 : i32
          scf.if %cond3A_141 {
            %dma_start3A = arith.constant 0 : i32
            %dma_start3A_142 = tpu.memref_slice %arg9[%add3A_61, %dma_start3A] : memref<40x128xi32, #tpu.memory_space<vmem>> -> memref<1x128xi32, #tpu.memory_space<vmem>>
            %dma_start3A_143 = tpu.memref_squeeze %dma_start3A_142 : memref<1x128xi32, #tpu.memory_space<vmem>> -> memref<128xi32, #tpu.memory_space<vmem>>
            %dma_start3A_144 = arith.constant 0 : i32
            %dma_start3A_145 = arith.constant 0 : i32
            %dma_start3A_146 = tpu.memref_slice %arg3[%dma_start3A_144, %dma_start3A_145] : memref<50048x32xf32, #tpu.memory_space<hbm>> -> memref<50048x32xf32, #tpu.memory_space<hbm>>
            tpu.enqueue_indirect_dma source(%dma_start3A_146 : memref<50048x32xf32, #tpu.memory_space<hbm>>) target(%arg14 : memref<128x32xf32, #tpu.memory_space<vmem>>) offsets(%dma_start3A_143 : memref<128xi32, #tpu.memory_space<vmem>>) semaphore(%arg18 : memref<!tpu.dma_semaphore, #tpu.memory_space<semaphore_mem>>)
          } else {
          }
        } else {
        }
        %add3A_66 = arith.constant 0 : i32
        %add3A_67 = arith.addi %mul3A_57, %add3A_66 : i32
        %dma_wait3A = arith.constant 0 : i32
        %dma_wait3A_68 = tpu.memref_slice %arg9[%add3A_67, %dma_wait3A] : memref<40x128xi32, #tpu.memory_space<vmem>> -> memref<1x128xi32, #tpu.memory_space<vmem>>
        %dma_wait3A_69 = tpu.memref_squeeze %dma_wait3A_68 : memref<1x128xi32, #tpu.memory_space<vmem>> -> memref<128xi32, #tpu.memory_space<vmem>>
        %dma_wait3A_70 = arith.constant 0 : i32
        %dma_wait3A_71 = arith.constant 0 : i32
        %dma_wait3A_72 = tpu.memref_slice %arg2[%dma_wait3A_70, %dma_wait3A_71] : memref<50048x32xf32, #tpu.memory_space<hbm>> -> memref<50048x32xf32, #tpu.memory_space<hbm>>
        tpu.wait_indirect_dma semaphore(%arg15 : memref<!tpu.dma_semaphore, #tpu.memory_space<semaphore_mem>>) src(%dma_wait3A_72 : memref<50048x32xf32, #tpu.memory_space<hbm>>) dst(%arg11 : memref<128x32xf32, #tpu.memory_space<vmem>>)
        %add3A_73 = arith.constant 0 : i32
        %add3A_74 = arith.addi %mul3A_57, %add3A_73 : i32
        "tpu.region"() ({
          %run_scoped3A = tpu.sem_alloc : memref<!tpu.dma_semaphore, #tpu.memory_space<semaphore_mem>>
          %dma_start3A = arith.constant 0 : i32
          %dma_start3A_132 = tpu.memref_slice %arg10[%add3A_74, %dma_start3A] : memref<40x128xi32, #tpu.memory_space<vmem>> -> memref<1x128xi32, #tpu.memory_space<vmem>>
          %dma_start3A_133 = tpu.memref_squeeze %dma_start3A_132 : memref<1x128xi32, #tpu.memory_space<vmem>> -> memref<128xi32, #tpu.memory_space<vmem>>
          %dma_start3A_134 = arith.constant 0 : i32
          %dma_start3A_135 = arith.constant 0 : i32
          %dma_start3A_136 = tpu.memref_slice %arg19[%dma_start3A_134, %dma_start3A_135] : memref<50048x32xf32, #tpu.memory_space<vmem_shared>> -> memref<50048x32xf32, #tpu.memory_space<vmem_shared>>
          tpu.enqueue_indirect_dma source(%arg11 : memref<128x32xf32, #tpu.memory_space<vmem>>) target(%dma_start3A_136 : memref<50048x32xf32, #tpu.memory_space<vmem_shared>>) offsets(%dma_start3A_133 : memref<128xi32, #tpu.memory_space<vmem>>) semaphore(%run_scoped3A : memref<!tpu.dma_semaphore, #tpu.memory_space<semaphore_mem>>) {add = true}
          %dma_wait3A_137 = arith.constant 0 : i32
          %dma_wait3A_138 = tpu.memref_slice %arg10[%add3A_74, %dma_wait3A_137] : memref<40x128xi32, #tpu.memory_space<vmem>> -> memref<1x128xi32, #tpu.memory_space<vmem>>
          %dma_wait3A_139 = tpu.memref_squeeze %dma_wait3A_138 : memref<1x128xi32, #tpu.memory_space<vmem>> -> memref<128xi32, #tpu.memory_space<vmem>>
          %dma_wait3A_140 = arith.constant 0 : i32
          %dma_wait3A_141 = arith.constant 0 : i32
          %dma_wait3A_142 = tpu.memref_slice %arg19[%dma_wait3A_140, %dma_wait3A_141] : memref<50048x32xf32, #tpu.memory_space<vmem_shared>> -> memref<50048x32xf32, #tpu.memory_space<vmem_shared>>
          tpu.wait_indirect_dma semaphore(%run_scoped3A : memref<!tpu.dma_semaphore, #tpu.memory_space<semaphore_mem>>) src(%arg11 : memref<128x32xf32, #tpu.memory_space<vmem>>) dst(%dma_wait3A_142 : memref<50048x32xf32, #tpu.memory_space<vmem_shared>>)
          tpu.yield
        }) : () -> ()
        %add3A_75 = arith.constant 1 : i32
        %add3A_76 = arith.addi %mul3A_57, %add3A_75 : i32
        %add3A_77 = arith.constant 3 : i32
        %add3A_78 = arith.addi %add3A_76, %add3A_77 : i32
        %lt3A_79 = arith.constant 40 : i32
        %lt3A_80 = arith.cmpi slt, %add3A_78, %lt3A_79 : i32
        %convert_element_type3A_81 = arith.extui %lt3A_80 : i1 to i32
        %cond3A_82 = arith.constant 0 : i32
        %cond3A_83 = arith.cmpi ne, %convert_element_type3A_81, %cond3A_82 : i32
        scf.if %cond3A_83 {
          %eq3A_132 = arith.constant 0 : i32
          %eq3A_133 = arith.cmpi eq, %arg0, %eq3A_132 : i32
          %convert_element_type3A_134 = arith.extui %eq3A_133 : i1 to i32
          %cond3A_135 = arith.constant 0 : i32
          %cond3A_136 = arith.cmpi ne, %convert_element_type3A_134, %cond3A_135 : i32
          scf.if %cond3A_136 {
            %dma_start3A = arith.constant 0 : i32
            %dma_start3A_142 = tpu.memref_slice %arg9[%add3A_78, %dma_start3A] : memref<40x128xi32, #tpu.memory_space<vmem>> -> memref<1x128xi32, #tpu.memory_space<vmem>>
            %dma_start3A_143 = tpu.memref_squeeze %dma_start3A_142 : memref<1x128xi32, #tpu.memory_space<vmem>> -> memref<128xi32, #tpu.memory_space<vmem>>
            %dma_start3A_144 = arith.constant 0 : i32
            %dma_start3A_145 = arith.constant 0 : i32
            %dma_start3A_146 = tpu.memref_slice %arg2[%dma_start3A_144, %dma_start3A_145] : memref<50048x32xf32, #tpu.memory_space<hbm>> -> memref<50048x32xf32, #tpu.memory_space<hbm>>
            tpu.enqueue_indirect_dma source(%dma_start3A_146 : memref<50048x32xf32, #tpu.memory_space<hbm>>) target(%arg11 : memref<128x32xf32, #tpu.memory_space<vmem>>) offsets(%dma_start3A_143 : memref<128xi32, #tpu.memory_space<vmem>>) semaphore(%arg15 : memref<!tpu.dma_semaphore, #tpu.memory_space<semaphore_mem>>)
          } else {
          }
          %eq3A_137 = arith.constant 1 : i32
          %eq3A_138 = arith.cmpi eq, %arg0, %eq3A_137 : i32
          %convert_element_type3A_139 = arith.extui %eq3A_138 : i1 to i32
          %cond3A_140 = arith.constant 0 : i32
          %cond3A_141 = arith.cmpi ne, %convert_element_type3A_139, %cond3A_140 : i32
          scf.if %cond3A_141 {
            %dma_start3A = arith.constant 0 : i32
            %dma_start3A_142 = tpu.memref_slice %arg9[%add3A_78, %dma_start3A] : memref<40x128xi32, #tpu.memory_space<vmem>> -> memref<1x128xi32, #tpu.memory_space<vmem>>
            %dma_start3A_143 = tpu.memref_squeeze %dma_start3A_142 : memref<1x128xi32, #tpu.memory_space<vmem>> -> memref<128xi32, #tpu.memory_space<vmem>>
            %dma_start3A_144 = arith.constant 0 : i32
            %dma_start3A_145 = arith.constant 0 : i32
            %dma_start3A_146 = tpu.memref_slice %arg3[%dma_start3A_144, %dma_start3A_145] : memref<50048x32xf32, #tpu.memory_space<hbm>> -> memref<50048x32xf32, #tpu.memory_space<hbm>>
            tpu.enqueue_indirect_dma source(%dma_start3A_146 : memref<50048x32xf32, #tpu.memory_space<hbm>>) target(%arg11 : memref<128x32xf32, #tpu.memory_space<vmem>>) offsets(%dma_start3A_143 : memref<128xi32, #tpu.memory_space<vmem>>) semaphore(%arg15 : memref<!tpu.dma_semaphore, #tpu.memory_space<semaphore_mem>>)
          } else {
          }
        } else {
        }
        %add3A_84 = arith.constant 1 : i32
        %add3A_85 = arith.addi %mul3A_57, %add3A_84 : i32
        %dma_wait3A_86 = arith.constant 0 : i32
        %dma_wait3A_87 = tpu.memref_slice %arg9[%add3A_85, %dma_wait3A_86] : memref<40x128xi32, #tpu.memory_space<vmem>> -> memref<1x128xi32, #tpu.memory_space<vmem>>
        %dma_wait3A_88 = tpu.memref_squeeze %dma_wait3A_87 : memref<1x128xi32, #tpu.memory_space<vmem>> -> memref<128xi32, #tpu.memory_space<vmem>>
        %dma_wait3A_89 = arith.constant 0 : i32
        %dma_wait3A_90 = arith.constant 0 : i32
        %dma_wait3A_91 = tpu.memref_slice %arg2[%dma_wait3A_89, %dma_wait3A_90] : memref<50048x32xf32, #tpu.memory_space<hbm>> -> memref<50048x32xf32, #tpu.memory_space<hbm>>
        tpu.wait_indirect_dma semaphore(%arg16 : memref<!tpu.dma_semaphore, #tpu.memory_space<semaphore_mem>>) src(%dma_wait3A_91 : memref<50048x32xf32, #tpu.memory_space<hbm>>) dst(%arg12 : memref<128x32xf32, #tpu.memory_space<vmem>>)
        %add3A_92 = arith.constant 1 : i32
        %add3A_93 = arith.addi %mul3A_57, %add3A_92 : i32
        "tpu.region"() ({
          %run_scoped3A = tpu.sem_alloc : memref<!tpu.dma_semaphore, #tpu.memory_space<semaphore_mem>>
          %dma_start3A = arith.constant 0 : i32
          %dma_start3A_132 = tpu.memref_slice %arg10[%add3A_93, %dma_start3A] : memref<40x128xi32, #tpu.memory_space<vmem>> -> memref<1x128xi32, #tpu.memory_space<vmem>>
          %dma_start3A_133 = tpu.memref_squeeze %dma_start3A_132 : memref<1x128xi32, #tpu.memory_space<vmem>> -> memref<128xi32, #tpu.memory_space<vmem>>
          %dma_start3A_134 = arith.constant 0 : i32
          %dma_start3A_135 = arith.constant 0 : i32
          %dma_start3A_136 = tpu.memref_slice %arg19[%dma_start3A_134, %dma_start3A_135] : memref<50048x32xf32, #tpu.memory_space<vmem_shared>> -> memref<50048x32xf32, #tpu.memory_space<vmem_shared>>
          tpu.enqueue_indirect_dma source(%arg12 : memref<128x32xf32, #tpu.memory_space<vmem>>) target(%dma_start3A_136 : memref<50048x32xf32, #tpu.memory_space<vmem_shared>>) offsets(%dma_start3A_133 : memref<128xi32, #tpu.memory_space<vmem>>) semaphore(%run_scoped3A : memref<!tpu.dma_semaphore, #tpu.memory_space<semaphore_mem>>) {add = true}
          %dma_wait3A_137 = arith.constant 0 : i32
          %dma_wait3A_138 = tpu.memref_slice %arg10[%add3A_93, %dma_wait3A_137] : memref<40x128xi32, #tpu.memory_space<vmem>> -> memref<1x128xi32, #tpu.memory_space<vmem>>
          %dma_wait3A_139 = tpu.memref_squeeze %dma_wait3A_138 : memref<1x128xi32, #tpu.memory_space<vmem>> -> memref<128xi32, #tpu.memory_space<vmem>>
          %dma_wait3A_140 = arith.constant 0 : i32
          %dma_wait3A_141 = arith.constant 0 : i32
          %dma_wait3A_142 = tpu.memref_slice %arg19[%dma_wait3A_140, %dma_wait3A_141] : memref<50048x32xf32, #tpu.memory_space<vmem_shared>> -> memref<50048x32xf32, #tpu.memory_space<vmem_shared>>
          tpu.wait_indirect_dma semaphore(%run_scoped3A : memref<!tpu.dma_semaphore, #tpu.memory_space<semaphore_mem>>) src(%arg12 : memref<128x32xf32, #tpu.memory_space<vmem>>) dst(%dma_wait3A_142 : memref<50048x32xf32, #tpu.memory_space<vmem_shared>>)
          tpu.yield
        }) : () -> ()
        %add3A_94 = arith.constant 2 : i32
        %add3A_95 = arith.addi %mul3A_57, %add3A_94 : i32
        %add3A_96 = arith.constant 3 : i32
        %add3A_97 = arith.addi %add3A_95, %add3A_96 : i32
        %lt3A_98 = arith.constant 40 : i32
        %lt3A_99 = arith.cmpi slt, %add3A_97, %lt3A_98 : i32
        %convert_element_type3A_100 = arith.extui %lt3A_99 : i1 to i32
        %cond3A_101 = arith.constant 0 : i32
        %cond3A_102 = arith.cmpi ne, %convert_element_type3A_100, %cond3A_101 : i32
        scf.if %cond3A_102 {
          %eq3A_132 = arith.constant 0 : i32
          %eq3A_133 = arith.cmpi eq, %arg0, %eq3A_132 : i32
          %convert_element_type3A_134 = arith.extui %eq3A_133 : i1 to i32
          %cond3A_135 = arith.constant 0 : i32
          %cond3A_136 = arith.cmpi ne, %convert_element_type3A_134, %cond3A_135 : i32
          scf.if %cond3A_136 {
            %dma_start3A = arith.constant 0 : i32
            %dma_start3A_142 = tpu.memref_slice %arg9[%add3A_97, %dma_start3A] : memref<40x128xi32, #tpu.memory_space<vmem>> -> memref<1x128xi32, #tpu.memory_space<vmem>>
            %dma_start3A_143 = tpu.memref_squeeze %dma_start3A_142 : memref<1x128xi32, #tpu.memory_space<vmem>> -> memref<128xi32, #tpu.memory_space<vmem>>
            %dma_start3A_144 = arith.constant 0 : i32
            %dma_start3A_145 = arith.constant 0 : i32
            %dma_start3A_146 = tpu.memref_slice %arg2[%dma_start3A_144, %dma_start3A_145] : memref<50048x32xf32, #tpu.memory_space<hbm>> -> memref<50048x32xf32, #tpu.memory_space<hbm>>
            tpu.enqueue_indirect_dma source(%dma_start3A_146 : memref<50048x32xf32, #tpu.memory_space<hbm>>) target(%arg12 : memref<128x32xf32, #tpu.memory_space<vmem>>) offsets(%dma_start3A_143 : memref<128xi32, #tpu.memory_space<vmem>>) semaphore(%arg16 : memref<!tpu.dma_semaphore, #tpu.memory_space<semaphore_mem>>)
          } else {
          }
          %eq3A_137 = arith.constant 1 : i32
          %eq3A_138 = arith.cmpi eq, %arg0, %eq3A_137 : i32
          %convert_element_type3A_139 = arith.extui %eq3A_138 : i1 to i32
          %cond3A_140 = arith.constant 0 : i32
          %cond3A_141 = arith.cmpi ne, %convert_element_type3A_139, %cond3A_140 : i32
          scf.if %cond3A_141 {
            %dma_start3A = arith.constant 0 : i32
            %dma_start3A_142 = tpu.memref_slice %arg9[%add3A_97, %dma_start3A] : memref<40x128xi32, #tpu.memory_space<vmem>> -> memref<1x128xi32, #tpu.memory_space<vmem>>
            %dma_start3A_143 = tpu.memref_squeeze %dma_start3A_142 : memref<1x128xi32, #tpu.memory_space<vmem>> -> memref<128xi32, #tpu.memory_space<vmem>>
            %dma_start3A_144 = arith.constant 0 : i32
            %dma_start3A_145 = arith.constant 0 : i32
            %dma_start3A_146 = tpu.memref_slice %arg3[%dma_start3A_144, %dma_start3A_145] : memref<50048x32xf32, #tpu.memory_space<hbm>> -> memref<50048x32xf32, #tpu.memory_space<hbm>>
            tpu.enqueue_indirect_dma source(%dma_start3A_146 : memref<50048x32xf32, #tpu.memory_space<hbm>>) target(%arg12 : memref<128x32xf32, #tpu.memory_space<vmem>>) offsets(%dma_start3A_143 : memref<128xi32, #tpu.memory_space<vmem>>) semaphore(%arg16 : memref<!tpu.dma_semaphore, #tpu.memory_space<semaphore_mem>>)
          } else {
          }
        } else {
        }
        %add3A_103 = arith.constant 2 : i32
        %add3A_104 = arith.addi %mul3A_57, %add3A_103 : i32
        %dma_wait3A_105 = arith.constant 0 : i32
        %dma_wait3A_106 = tpu.memref_slice %arg9[%add3A_104, %dma_wait3A_105] : memref<40x128xi32, #tpu.memory_space<vmem>> -> memref<1x128xi32, #tpu.memory_space<vmem>>
        %dma_wait3A_107 = tpu.memref_squeeze %dma_wait3A_106 : memref<1x128xi32, #tpu.memory_space<vmem>> -> memref<128xi32, #tpu.memory_space<vmem>>
        %dma_wait3A_108 = arith.constant 0 : i32
        %dma_wait3A_109 = arith.constant 0 : i32
        %dma_wait3A_110 = tpu.memref_slice %arg2[%dma_wait3A_108, %dma_wait3A_109] : memref<50048x32xf32, #tpu.memory_space<hbm>> -> memref<50048x32xf32, #tpu.memory_space<hbm>>
        tpu.wait_indirect_dma semaphore(%arg17 : memref<!tpu.dma_semaphore, #tpu.memory_space<semaphore_mem>>) src(%dma_wait3A_110 : memref<50048x32xf32, #tpu.memory_space<hbm>>) dst(%arg13 : memref<128x32xf32, #tpu.memory_space<vmem>>)
        %add3A_111 = arith.constant 2 : i32
        %add3A_112 = arith.addi %mul3A_57, %add3A_111 : i32
        "tpu.region"() ({
          %run_scoped3A = tpu.sem_alloc : memref<!tpu.dma_semaphore, #tpu.memory_space<semaphore_mem>>
          %dma_start3A = arith.constant 0 : i32
          %dma_start3A_132 = tpu.memref_slice %arg10[%add3A_112, %dma_start3A] : memref<40x128xi32, #tpu.memory_space<vmem>> -> memref<1x128xi32, #tpu.memory_space<vmem>>
          %dma_start3A_133 = tpu.memref_squeeze %dma_start3A_132 : memref<1x128xi32, #tpu.memory_space<vmem>> -> memref<128xi32, #tpu.memory_space<vmem>>
          %dma_start3A_134 = arith.constant 0 : i32
          %dma_start3A_135 = arith.constant 0 : i32
          %dma_start3A_136 = tpu.memref_slice %arg19[%dma_start3A_134, %dma_start3A_135] : memref<50048x32xf32, #tpu.memory_space<vmem_shared>> -> memref<50048x32xf32, #tpu.memory_space<vmem_shared>>
          tpu.enqueue_indirect_dma source(%arg13 : memref<128x32xf32, #tpu.memory_space<vmem>>) target(%dma_start3A_136 : memref<50048x32xf32, #tpu.memory_space<vmem_shared>>) offsets(%dma_start3A_133 : memref<128xi32, #tpu.memory_space<vmem>>) semaphore(%run_scoped3A : memref<!tpu.dma_semaphore, #tpu.memory_space<semaphore_mem>>) {add = true}
          %dma_wait3A_137 = arith.constant 0 : i32
          %dma_wait3A_138 = tpu.memref_slice %arg10[%add3A_112, %dma_wait3A_137] : memref<40x128xi32, #tpu.memory_space<vmem>> -> memref<1x128xi32, #tpu.memory_space<vmem>>
          %dma_wait3A_139 = tpu.memref_squeeze %dma_wait3A_138 : memref<1x128xi32, #tpu.memory_space<vmem>> -> memref<128xi32, #tpu.memory_space<vmem>>
          %dma_wait3A_140 = arith.constant 0 : i32
          %dma_wait3A_141 = arith.constant 0 : i32
          %dma_wait3A_142 = tpu.memref_slice %arg19[%dma_wait3A_140, %dma_wait3A_141] : memref<50048x32xf32, #tpu.memory_space<vmem_shared>> -> memref<50048x32xf32, #tpu.memory_space<vmem_shared>>
          tpu.wait_indirect_dma semaphore(%run_scoped3A : memref<!tpu.dma_semaphore, #tpu.memory_space<semaphore_mem>>) src(%arg13 : memref<128x32xf32, #tpu.memory_space<vmem>>) dst(%dma_wait3A_142 : memref<50048x32xf32, #tpu.memory_space<vmem_shared>>)
          tpu.yield
        }) : () -> ()
        %add3A_113 = arith.constant 3 : i32
        %add3A_114 = arith.addi %mul3A_57, %add3A_113 : i32
        %add3A_115 = arith.constant 3 : i32
        %add3A_116 = arith.addi %add3A_114, %add3A_115 : i32
        %lt3A_117 = arith.constant 40 : i32
        %lt3A_118 = arith.cmpi slt, %add3A_116, %lt3A_117 : i32
        %convert_element_type3A_119 = arith.extui %lt3A_118 : i1 to i32
        %cond3A_120 = arith.constant 0 : i32
        %cond3A_121 = arith.cmpi ne, %convert_element_type3A_119, %cond3A_120 : i32
        scf.if %cond3A_121 {
          %eq3A_132 = arith.constant 0 : i32
          %eq3A_133 = arith.cmpi eq, %arg0, %eq3A_132 : i32
          %convert_element_type3A_134 = arith.extui %eq3A_133 : i1 to i32
          %cond3A_135 = arith.constant 0 : i32
          %cond3A_136 = arith.cmpi ne, %convert_element_type3A_134, %cond3A_135 : i32
          scf.if %cond3A_136 {
            %dma_start3A = arith.constant 0 : i32
            %dma_start3A_142 = tpu.memref_slice %arg9[%add3A_116, %dma_start3A] : memref<40x128xi32, #tpu.memory_space<vmem>> -> memref<1x128xi32, #tpu.memory_space<vmem>>
            %dma_start3A_143 = tpu.memref_squeeze %dma_start3A_142 : memref<1x128xi32, #tpu.memory_space<vmem>> -> memref<128xi32, #tpu.memory_space<vmem>>
            %dma_start3A_144 = arith.constant 0 : i32
            %dma_start3A_145 = arith.constant 0 : i32
            %dma_start3A_146 = tpu.memref_slice %arg2[%dma_start3A_144, %dma_start3A_145] : memref<50048x32xf32, #tpu.memory_space<hbm>> -> memref<50048x32xf32, #tpu.memory_space<hbm>>
            tpu.enqueue_indirect_dma source(%dma_start3A_146 : memref<50048x32xf32, #tpu.memory_space<hbm>>) target(%arg13 : memref<128x32xf32, #tpu.memory_space<vmem>>) offsets(%dma_start3A_143 : memref<128xi32, #tpu.memory_space<vmem>>) semaphore(%arg17 : memref<!tpu.dma_semaphore, #tpu.memory_space<semaphore_mem>>)
          } else {
          }
          %eq3A_137 = arith.constant 1 : i32
          %eq3A_138 = arith.cmpi eq, %arg0, %eq3A_137 : i32
          %convert_element_type3A_139 = arith.extui %eq3A_138 : i1 to i32
          %cond3A_140 = arith.constant 0 : i32
          %cond3A_141 = arith.cmpi ne, %convert_element_type3A_139, %cond3A_140 : i32
          scf.if %cond3A_141 {
            %dma_start3A = arith.constant 0 : i32
            %dma_start3A_142 = tpu.memref_slice %arg9[%add3A_116, %dma_start3A] : memref<40x128xi32, #tpu.memory_space<vmem>> -> memref<1x128xi32, #tpu.memory_space<vmem>>
            %dma_start3A_143 = tpu.memref_squeeze %dma_start3A_142 : memref<1x128xi32, #tpu.memory_space<vmem>> -> memref<128xi32, #tpu.memory_space<vmem>>
            %dma_start3A_144 = arith.constant 0 : i32
            %dma_start3A_145 = arith.constant 0 : i32
            %dma_start3A_146 = tpu.memref_slice %arg3[%dma_start3A_144, %dma_start3A_145] : memref<50048x32xf32, #tpu.memory_space<hbm>> -> memref<50048x32xf32, #tpu.memory_space<hbm>>
            tpu.enqueue_indirect_dma source(%dma_start3A_146 : memref<50048x32xf32, #tpu.memory_space<hbm>>) target(%arg13 : memref<128x32xf32, #tpu.memory_space<vmem>>) offsets(%dma_start3A_143 : memref<128xi32, #tpu.memory_space<vmem>>) semaphore(%arg17 : memref<!tpu.dma_semaphore, #tpu.memory_space<semaphore_mem>>)
          } else {
          }
        } else {
        }
        %add3A_122 = arith.constant 3 : i32
        %add3A_123 = arith.addi %mul3A_57, %add3A_122 : i32
        %dma_wait3A_124 = arith.constant 0 : i32
        %dma_wait3A_125 = tpu.memref_slice %arg9[%add3A_123, %dma_wait3A_124] : memref<40x128xi32, #tpu.memory_space<vmem>> -> memref<1x128xi32, #tpu.memory_space<vmem>>
        %dma_wait3A_126 = tpu.memref_squeeze %dma_wait3A_125 : memref<1x128xi32, #tpu.memory_space<vmem>> -> memref<128xi32, #tpu.memory_space<vmem>>
        %dma_wait3A_127 = arith.constant 0 : i32
        %dma_wait3A_128 = arith.constant 0 : i32
        %dma_wait3A_129 = tpu.memref_slice %arg2[%dma_wait3A_127, %dma_wait3A_128] : memref<50048x32xf32, #tpu.memory_space<hbm>> -> memref<50048x32xf32, #tpu.memory_space<hbm>>
        tpu.wait_indirect_dma semaphore(%arg18 : memref<!tpu.dma_semaphore, #tpu.memory_space<semaphore_mem>>) src(%dma_wait3A_129 : memref<50048x32xf32, #tpu.memory_space<hbm>>) dst(%arg14 : memref<128x32xf32, #tpu.memory_space<vmem>>)
        %add3A_130 = arith.constant 3 : i32
        %add3A_131 = arith.addi %mul3A_57, %add3A_130 : i32
        "tpu.region"() ({
          %run_scoped3A = tpu.sem_alloc : memref<!tpu.dma_semaphore, #tpu.memory_space<semaphore_mem>>
          %dma_start3A = arith.constant 0 : i32
          %dma_start3A_132 = tpu.memref_slice %arg10[%add3A_131, %dma_start3A] : memref<40x128xi32, #tpu.memory_space<vmem>> -> memref<1x128xi32, #tpu.memory_space<vmem>>
          %dma_start3A_133 = tpu.memref_squeeze %dma_start3A_132 : memref<1x128xi32, #tpu.memory_space<vmem>> -> memref<128xi32, #tpu.memory_space<vmem>>
          %dma_start3A_134 = arith.constant 0 : i32
          %dma_start3A_135 = arith.constant 0 : i32
          %dma_start3A_136 = tpu.memref_slice %arg19[%dma_start3A_134, %dma_start3A_135] : memref<50048x32xf32, #tpu.memory_space<vmem_shared>> -> memref<50048x32xf32, #tpu.memory_space<vmem_shared>>
          tpu.enqueue_indirect_dma source(%arg14 : memref<128x32xf32, #tpu.memory_space<vmem>>) target(%dma_start3A_136 : memref<50048x32xf32, #tpu.memory_space<vmem_shared>>) offsets(%dma_start3A_133 : memref<128xi32, #tpu.memory_space<vmem>>) semaphore(%run_scoped3A : memref<!tpu.dma_semaphore, #tpu.memory_space<semaphore_mem>>) {add = true}
          %dma_wait3A_137 = arith.constant 0 : i32
          %dma_wait3A_138 = tpu.memref_slice %arg10[%add3A_131, %dma_wait3A_137] : memref<40x128xi32, #tpu.memory_space<vmem>> -> memref<1x128xi32, #tpu.memory_space<vmem>>
          %dma_wait3A_139 = tpu.memref_squeeze %dma_wait3A_138 : memref<1x128xi32, #tpu.memory_space<vmem>> -> memref<128xi32, #tpu.memory_space<vmem>>
          %dma_wait3A_140 = arith.constant 0 : i32
          %dma_wait3A_141 = arith.constant 0 : i32
          %dma_wait3A_142 = tpu.memref_slice %arg19[%dma_wait3A_140, %dma_wait3A_141] : memref<50048x32xf32, #tpu.memory_space<vmem_shared>> -> memref<50048x32xf32, #tpu.memory_space<vmem_shared>>
          tpu.wait_indirect_dma semaphore(%run_scoped3A : memref<!tpu.dma_semaphore, #tpu.memory_space<semaphore_mem>>) src(%arg14 : memref<128x32xf32, #tpu.memory_space<vmem>>) dst(%dma_wait3A_142 : memref<50048x32xf32, #tpu.memory_space<vmem_shared>>)
          tpu.yield
        }) : () -> ()
      }
      %scan3A_54 = arith.constant 10 : i32
    }
    %scan3A_5 = arith.constant 10 : i32
    %barrier3A_6 = arith.constant 0 : index
    tpu.barrier barrier_id(%barrier3A_6)
    %eq3A = arith.constant 0 : i32
    %eq3A_7 = arith.cmpi eq, %arg0, %eq3A : i32
    %convert_element_type3A = arith.extui %eq3A_7 : i1 to i32
    %cond3A = arith.constant 0 : i32
    %cond3A_8 = arith.cmpi ne, %convert_element_type3A, %cond3A : i32
    scf.if %cond3A_8 {
      %mul3A_14 = arith.constant 3128 : i32
      %mul3A_15 = arith.muli %arg1, %mul3A_14 : i32
      %mul3A_16 = arith.constant 3128 : i32
      %mul3A_17 = arith.muli %arg1, %mul3A_16 : i32
      "tpu.region"() ({
        %run_scoped3A = tpu.sem_alloc : memref<!tpu.dma_semaphore, #tpu.memory_space<semaphore_mem>>
        %dma_start3A = arith.constant 0 : i32
        %dma_start3A_18 = tpu.memref_slice %arg7[%mul3A_17, %dma_start3A] : memref<50048x32xf32, #tpu.memory_space<hbm>> -> memref<3128x32xf32, #tpu.memory_space<hbm>>
        %dma_start3A_19 = arith.constant 0 : i32
        %dma_start3A_20 = tpu.memref_slice %arg19[%mul3A_15, %dma_start3A_19] : memref<50048x32xf32, #tpu.memory_space<vmem_shared>> -> memref<3128x32xf32, #tpu.memory_space<vmem_shared>>
        tpu.enqueue_dma source(%dma_start3A_20 : memref<3128x32xf32, #tpu.memory_space<vmem_shared>>) target(%dma_start3A_18 : memref<3128x32xf32, #tpu.memory_space<hbm>>) target_semaphore(%run_scoped3A : memref<!tpu.dma_semaphore, #tpu.memory_space<semaphore_mem>>)
        %dma_wait3A = arith.constant 0 : i32
        %dma_wait3A_21 = tpu.memref_slice %arg7[%mul3A_17, %dma_wait3A] : memref<50048x32xf32, #tpu.memory_space<hbm>> -> memref<3128x32xf32, #tpu.memory_space<hbm>>
        %dma_wait3A_22 = arith.constant 0 : i32
        %dma_wait3A_23 = tpu.memref_slice %arg19[%mul3A_15, %dma_wait3A_22] : memref<50048x32xf32, #tpu.memory_space<vmem_shared>> -> memref<3128x32xf32, #tpu.memory_space<vmem_shared>>
        tpu.wait_dma2 semaphore(%run_scoped3A : memref<!tpu.dma_semaphore, #tpu.memory_space<semaphore_mem>>) src(%dma_wait3A_23 : memref<3128x32xf32, #tpu.memory_space<vmem_shared>>) dst(%dma_wait3A_21 : memref<3128x32xf32, #tpu.memory_space<hbm>>)
        tpu.yield
      }) : () -> ()
    } else {
    }
    %eq3A_9 = arith.constant 1 : i32
    %eq3A_10 = arith.cmpi eq, %arg0, %eq3A_9 : i32
    %convert_element_type3A_11 = arith.extui %eq3A_10 : i1 to i32
    %cond3A_12 = arith.constant 0 : i32
    %cond3A_13 = arith.cmpi ne, %convert_element_type3A_11, %cond3A_12 : i32
    scf.if %cond3A_13 {
      %mul3A_14 = arith.constant 3128 : i32
      %mul3A_15 = arith.muli %arg1, %mul3A_14 : i32
      %mul3A_16 = arith.constant 3128 : i32
      %mul3A_17 = arith.muli %arg1, %mul3A_16 : i32
      "tpu.region"() ({
        %run_scoped3A = tpu.sem_alloc : memref<!tpu.dma_semaphore, #tpu.memory_space<semaphore_mem>>
        %dma_start3A = arith.constant 0 : i32
        %dma_start3A_18 = tpu.memref_slice %arg8[%mul3A_17, %dma_start3A] : memref<50048x32xf32, #tpu.memory_space<hbm>> -> memref<3128x32xf32, #tpu.memory_space<hbm>>
        %dma_start3A_19 = arith.constant 0 : i32
        %dma_start3A_20 = tpu.memref_slice %arg19[%mul3A_15, %dma_start3A_19] : memref<50048x32xf32, #tpu.memory_space<vmem_shared>> -> memref<3128x32xf32, #tpu.memory_space<vmem_shared>>
        tpu.enqueue_dma source(%dma_start3A_20 : memref<3128x32xf32, #tpu.memory_space<vmem_shared>>) target(%dma_start3A_18 : memref<3128x32xf32, #tpu.memory_space<hbm>>) target_semaphore(%run_scoped3A : memref<!tpu.dma_semaphore, #tpu.memory_space<semaphore_mem>>)
        %dma_wait3A = arith.constant 0 : i32
        %dma_wait3A_21 = tpu.memref_slice %arg8[%mul3A_17, %dma_wait3A] : memref<50048x32xf32, #tpu.memory_space<hbm>> -> memref<3128x32xf32, #tpu.memory_space<hbm>>
        %dma_wait3A_22 = arith.constant 0 : i32
        %dma_wait3A_23 = tpu.memref_slice %arg19[%mul3A_15, %dma_wait3A_22] : memref<50048x32xf32, #tpu.memory_space<vmem_shared>> -> memref<3128x32xf32, #tpu.memory_space<vmem_shared>>
        tpu.wait_dma2 semaphore(%run_scoped3A : memref<!tpu.dma_semaphore, #tpu.memory_space<semaphore_mem>>) src(%dma_wait3A_23 : memref<3128x32xf32, #tpu.memory_space<vmem_shared>>) dst(%dma_wait3A_21 : memref<3128x32xf32, #tpu.memory_space<hbm>>)
        tpu.yield
      }) : () -> ()
    } else {
    }
    return
  }
}

#map = affine_map<(d0, d1) -> (0, 0)>
module attributes {stable_mosaic.version = 14 : i64} {
  func.func @agg_kernel(%arg0: i32, %arg1: i32, %arg2: memref<50048x32xf32, #tpu.memory_space<hbm>>, %arg3: memref<50048x32xf32, #tpu.memory_space<hbm>>, %arg4: memref<6400x128xi32, #tpu.memory_space<hbm>>, %arg5: memref<6400x128xi32, #tpu.memory_space<hbm>>, %arg6: memref<3128x32xf32, #tpu.memory_space<hbm>>, %arg7: memref<50048x32xf32, #tpu.memory_space<hbm>>, %arg8: memref<50048x32xf32, #tpu.memory_space<hbm>>, %arg9: memref<40x128xi32, #tpu.memory_space<vmem>>, %arg10: memref<40x128xi32, #tpu.memory_space<vmem>>, %arg11: memref<128x32xf32, #tpu.memory_space<vmem>>, %arg12: memref<128x32xf32, #tpu.memory_space<vmem>>, %arg13: memref<128x32xf32, #tpu.memory_space<vmem>>, %arg14: memref<128x32xf32, #tpu.memory_space<vmem>>, %arg15: memref<!tpu.dma_semaphore, #tpu.memory_space<semaphore_mem>>, %arg16: memref<!tpu.dma_semaphore, #tpu.memory_space<semaphore_mem>>, %arg17: memref<!tpu.dma_semaphore, #tpu.memory_space<semaphore_mem>>, %arg18: memref<!tpu.dma_semaphore, #tpu.memory_space<semaphore_mem>>, %arg19: memref<50048x32xf32, #tpu.memory_space<vmem_shared>>) attributes {dimension_semantics = [#tpu.dimension_semantics<core_parallel>, #tpu.dimension_semantics<subcore_parallel>], iteration_bounds = array<i64: 2, 16>, scalar_prefetch = 0 : i64, scratch_operands = 11 : i64, tpu.core_type = #tpu.core_type<sc_vector_subcore>, window_params = [{transform_indices = #map}, {transform_indices = #map}, {transform_indices = #map}, {transform_indices = #map}, {transform_indices = #map}, {transform_indices = #map}, {transform_indices = #map}]} {
    %mul3A = arith.constant 3128 : i32
    %mul3A_0 = arith.muli %arg1, %mul3A : i32
    "tpu.region"() ({
      %run_scoped3A = tpu.sem_alloc : memref<!tpu.dma_semaphore, #tpu.memory_space<semaphore_mem>>
      %dma_start3A = arith.constant 0 : i32
      %dma_start3A_14 = tpu.memref_slice %arg19[%mul3A_0, %dma_start3A] : memref<50048x32xf32, #tpu.memory_space<vmem_shared>> -> memref<3128x32xf32, #tpu.memory_space<vmem_shared>>
      tpu.enqueue_dma source(%arg6 : memref<3128x32xf32, #tpu.memory_space<hbm>>) target(%dma_start3A_14 : memref<3128x32xf32, #tpu.memory_space<vmem_shared>>) target_semaphore(%run_scoped3A : memref<!tpu.dma_semaphore, #tpu.memory_space<semaphore_mem>>)
      %dma_wait3A = arith.constant 0 : i32
      %dma_wait3A_15 = tpu.memref_slice %arg19[%mul3A_0, %dma_wait3A] : memref<50048x32xf32, #tpu.memory_space<vmem_shared>> -> memref<3128x32xf32, #tpu.memory_space<vmem_shared>>
      tpu.wait_dma2 semaphore(%run_scoped3A : memref<!tpu.dma_semaphore, #tpu.memory_space<semaphore_mem>>) src(%arg6 : memref<3128x32xf32, #tpu.memory_space<hbm>>) dst(%dma_wait3A_15 : memref<3128x32xf32, #tpu.memory_space<vmem_shared>>)
      tpu.yield
    }) : () -> ()
    %barrier3A = arith.constant 0 : index
    tpu.barrier barrier_id(%barrier3A)
    %scan3A = arith.constant 0 : i32
    %scan3A_1 = arith.constant 0 : i32
    %scan3A_2 = arith.constant 10 : i32
    %scan3A_3 = arith.addi %scan3A_1, %scan3A_2 : i32
    %scan3A_4 = arith.constant 1 : i32
    scf.for %scan3A_14 = %scan3A_1 to %scan3A_3 step %scan3A_4  : i32 {
      %mul3A_15 = arith.constant 400 : i32
      %mul3A_16 = arith.muli %arg1, %mul3A_15 : i32
      %mul3A_17 = arith.constant 40 : i32
      %mul3A_18 = arith.muli %scan3A_14, %mul3A_17 : i32
      %add3A = arith.addi %mul3A_16, %mul3A_18 : i32
      "tpu.region"() ({
        %run_scoped3A = tpu.sem_alloc : memref<!tpu.dma_semaphore, #tpu.memory_space<semaphore_mem>>
        %dma_start3A = arith.constant 0 : i32
        %dma_start3A_55 = tpu.memref_slice %arg4[%add3A, %dma_start3A] : memref<6400x128xi32, #tpu.memory_space<hbm>> -> memref<40x128xi32, #tpu.memory_space<hbm>>
        %dma_start3A_56 = arith.constant 0 : i32
        %dma_start3A_57 = tpu.memref_slice %arg4[%add3A, %dma_start3A_56] : memref<6400x128xi32, #tpu.memory_space<hbm>> -> memref<40x128xi32, #tpu.memory_space<hbm>>
        tpu.enqueue_dma source(%dma_start3A_57 : memref<40x128xi32, #tpu.memory_space<hbm>>) target(%arg9 : memref<40x128xi32, #tpu.memory_space<vmem>>) target_semaphore(%run_scoped3A : memref<!tpu.dma_semaphore, #tpu.memory_space<semaphore_mem>>)
        %dma_wait3A = arith.constant 0 : i32
        %dma_wait3A_58 = tpu.memref_slice %arg4[%add3A, %dma_wait3A] : memref<6400x128xi32, #tpu.memory_space<hbm>> -> memref<40x128xi32, #tpu.memory_space<hbm>>
        %dma_wait3A_59 = arith.constant 0 : i32
        %dma_wait3A_60 = tpu.memref_slice %arg4[%add3A, %dma_wait3A_59] : memref<6400x128xi32, #tpu.memory_space<hbm>> -> memref<40x128xi32, #tpu.memory_space<hbm>>
        tpu.wait_dma2 semaphore(%run_scoped3A : memref<!tpu.dma_semaphore, #tpu.memory_space<semaphore_mem>>) src(%dma_wait3A_60 : memref<40x128xi32, #tpu.memory_space<hbm>>) dst(%arg9 : memref<40x128xi32, #tpu.memory_space<vmem>>)
        tpu.yield
      }) : () -> ()
      "tpu.region"() ({
        %run_scoped3A = tpu.sem_alloc : memref<!tpu.dma_semaphore, #tpu.memory_space<semaphore_mem>>
        %dma_start3A = arith.constant 0 : i32
        %dma_start3A_55 = tpu.memref_slice %arg5[%add3A, %dma_start3A] : memref<6400x128xi32, #tpu.memory_space<hbm>> -> memref<40x128xi32, #tpu.memory_space<hbm>>
        %dma_start3A_56 = arith.constant 0 : i32
        %dma_start3A_57 = tpu.memref_slice %arg5[%add3A, %dma_start3A_56] : memref<6400x128xi32, #tpu.memory_space<hbm>> -> memref<40x128xi32, #tpu.memory_space<hbm>>
        tpu.enqueue_dma source(%dma_start3A_57 : memref<40x128xi32, #tpu.memory_space<hbm>>) target(%arg10 : memref<40x128xi32, #tpu.memory_space<vmem>>) target_semaphore(%run_scoped3A : memref<!tpu.dma_semaphore, #tpu.memory_space<semaphore_mem>>)
        %dma_wait3A = arith.constant 0 : i32
        %dma_wait3A_58 = tpu.memref_slice %arg5[%add3A, %dma_wait3A] : memref<6400x128xi32, #tpu.memory_space<hbm>> -> memref<40x128xi32, #tpu.memory_space<hbm>>
        %dma_wait3A_59 = arith.constant 0 : i32
        %dma_wait3A_60 = tpu.memref_slice %arg5[%add3A, %dma_wait3A_59] : memref<6400x128xi32, #tpu.memory_space<hbm>> -> memref<40x128xi32, #tpu.memory_space<hbm>>
        tpu.wait_dma2 semaphore(%run_scoped3A : memref<!tpu.dma_semaphore, #tpu.memory_space<semaphore_mem>>) src(%dma_wait3A_60 : memref<40x128xi32, #tpu.memory_space<hbm>>) dst(%arg10 : memref<40x128xi32, #tpu.memory_space<vmem>>)
        tpu.yield
      }) : () -> ()
      %eq3A_19 = arith.constant 0 : i32
      %eq3A_20 = arith.cmpi eq, %arg0, %eq3A_19 : i32
      %convert_element_type3A_21 = arith.extui %eq3A_20 : i1 to i32
      %cond3A_22 = arith.constant 0 : i32
      %cond3A_23 = arith.cmpi ne, %convert_element_type3A_21, %cond3A_22 : i32
      scf.if %cond3A_23 {
        %dma_start3A = arith.constant 0 : i32
        %dma_start3A_55 = arith.constant 0 : i32
        %dma_start3A_56 = tpu.memref_slice %arg9[%dma_start3A, %dma_start3A_55] : memref<40x128xi32, #tpu.memory_space<vmem>> -> memref<1x128xi32, #tpu.memory_space<vmem>>
        %dma_start3A_57 = tpu.memref_squeeze %dma_start3A_56 : memref<1x128xi32, #tpu.memory_space<vmem>> -> memref<128xi32, #tpu.memory_space<vmem>>
        %dma_start3A_58 = arith.constant 0 : i32
        %dma_start3A_59 = arith.constant 0 : i32
        %dma_start3A_60 = tpu.memref_slice %arg2[%dma_start3A_58, %dma_start3A_59] : memref<50048x32xf32, #tpu.memory_space<hbm>> -> memref<50048x32xf32, #tpu.memory_space<hbm>>
        tpu.enqueue_indirect_dma source(%dma_start3A_60 : memref<50048x32xf32, #tpu.memory_space<hbm>>) target(%arg11 : memref<128x32xf32, #tpu.memory_space<vmem>>) offsets(%dma_start3A_57 : memref<128xi32, #tpu.memory_space<vmem>>) semaphore(%arg15 : memref<!tpu.dma_semaphore, #tpu.memory_space<semaphore_mem>>)
      } else {
      }
      %eq3A_24 = arith.constant 1 : i32
      %eq3A_25 = arith.cmpi eq, %arg0, %eq3A_24 : i32
      %convert_element_type3A_26 = arith.extui %eq3A_25 : i1 to i32
      %cond3A_27 = arith.constant 0 : i32
      %cond3A_28 = arith.cmpi ne, %convert_element_type3A_26, %cond3A_27 : i32
      scf.if %cond3A_28 {
        %dma_start3A = arith.constant 0 : i32
        %dma_start3A_55 = arith.constant 0 : i32
        %dma_start3A_56 = tpu.memref_slice %arg9[%dma_start3A, %dma_start3A_55] : memref<40x128xi32, #tpu.memory_space<vmem>> -> memref<1x128xi32, #tpu.memory_space<vmem>>
        %dma_start3A_57 = tpu.memref_squeeze %dma_start3A_56 : memref<1x128xi32, #tpu.memory_space<vmem>> -> memref<128xi32, #tpu.memory_space<vmem>>
        %dma_start3A_58 = arith.constant 0 : i32
        %dma_start3A_59 = arith.constant 0 : i32
        %dma_start3A_60 = tpu.memref_slice %arg3[%dma_start3A_58, %dma_start3A_59] : memref<50048x32xf32, #tpu.memory_space<hbm>> -> memref<50048x32xf32, #tpu.memory_space<hbm>>
        tpu.enqueue_indirect_dma source(%dma_start3A_60 : memref<50048x32xf32, #tpu.memory_space<hbm>>) target(%arg11 : memref<128x32xf32, #tpu.memory_space<vmem>>) offsets(%dma_start3A_57 : memref<128xi32, #tpu.memory_space<vmem>>) semaphore(%arg15 : memref<!tpu.dma_semaphore, #tpu.memory_space<semaphore_mem>>)
      } else {
      }
      %eq3A_29 = arith.constant 0 : i32
      %eq3A_30 = arith.cmpi eq, %arg0, %eq3A_29 : i32
      %convert_element_type3A_31 = arith.extui %eq3A_30 : i1 to i32
      %cond3A_32 = arith.constant 0 : i32
      %cond3A_33 = arith.cmpi ne, %convert_element_type3A_31, %cond3A_32 : i32
      scf.if %cond3A_33 {
        %dma_start3A = arith.constant 1 : i32
        %dma_start3A_55 = arith.constant 0 : i32
        %dma_start3A_56 = tpu.memref_slice %arg9[%dma_start3A, %dma_start3A_55] : memref<40x128xi32, #tpu.memory_space<vmem>> -> memref<1x128xi32, #tpu.memory_space<vmem>>
        %dma_start3A_57 = tpu.memref_squeeze %dma_start3A_56 : memref<1x128xi32, #tpu.memory_space<vmem>> -> memref<128xi32, #tpu.memory_space<vmem>>
        %dma_start3A_58 = arith.constant 0 : i32
        %dma_start3A_59 = arith.constant 0 : i32
        %dma_start3A_60 = tpu.memref_slice %arg2[%dma_start3A_58, %dma_start3A_59] : memref<50048x32xf32, #tpu.memory_space<hbm>> -> memref<50048x32xf32, #tpu.memory_space<hbm>>
        tpu.enqueue_indirect_dma source(%dma_start3A_60 : memref<50048x32xf32, #tpu.memory_space<hbm>>) target(%arg12 : memref<128x32xf32, #tpu.memory_space<vmem>>) offsets(%dma_start3A_57 : memref<128xi32, #tpu.memory_space<vmem>>) semaphore(%arg16 : memref<!tpu.dma_semaphore, #tpu.memory_space<semaphore_mem>>)
      } else {
      }
      %eq3A_34 = arith.constant 1 : i32
      %eq3A_35 = arith.cmpi eq, %arg0, %eq3A_34 : i32
      %convert_element_type3A_36 = arith.extui %eq3A_35 : i1 to i32
      %cond3A_37 = arith.constant 0 : i32
      %cond3A_38 = arith.cmpi ne, %convert_element_type3A_36, %cond3A_37 : i32
      scf.if %cond3A_38 {
        %dma_start3A = arith.constant 1 : i32
        %dma_start3A_55 = arith.constant 0 : i32
        %dma_start3A_56 = tpu.memref_slice %arg9[%dma_start3A, %dma_start3A_55] : memref<40x128xi32, #tpu.memory_space<vmem>> -> memref<1x128xi32, #tpu.memory_space<vmem>>
        %dma_start3A_57 = tpu.memref_squeeze %dma_start3A_56 : memref<1x128xi32, #tpu.memory_space<vmem>> -> memref<128xi32, #tpu.memory_space<vmem>>
        %dma_start3A_58 = arith.constant 0 : i32
        %dma_start3A_59 = arith.constant 0 : i32
        %dma_start3A_60 = tpu.memref_slice %arg3[%dma_start3A_58, %dma_start3A_59] : memref<50048x32xf32, #tpu.memory_space<hbm>> -> memref<50048x32xf32, #tpu.memory_space<hbm>>
        tpu.enqueue_indirect_dma source(%dma_start3A_60 : memref<50048x32xf32, #tpu.memory_space<hbm>>) target(%arg12 : memref<128x32xf32, #tpu.memory_space<vmem>>) offsets(%dma_start3A_57 : memref<128xi32, #tpu.memory_space<vmem>>) semaphore(%arg16 : memref<!tpu.dma_semaphore, #tpu.memory_space<semaphore_mem>>)
      } else {
      }
      %eq3A_39 = arith.constant 0 : i32
      %eq3A_40 = arith.cmpi eq, %arg0, %eq3A_39 : i32
      %convert_element_type3A_41 = arith.extui %eq3A_40 : i1 to i32
      %cond3A_42 = arith.constant 0 : i32
      %cond3A_43 = arith.cmpi ne, %convert_element_type3A_41, %cond3A_42 : i32
      scf.if %cond3A_43 {
        %dma_start3A = arith.constant 2 : i32
        %dma_start3A_55 = arith.constant 0 : i32
        %dma_start3A_56 = tpu.memref_slice %arg9[%dma_start3A, %dma_start3A_55] : memref<40x128xi32, #tpu.memory_space<vmem>> -> memref<1x128xi32, #tpu.memory_space<vmem>>
        %dma_start3A_57 = tpu.memref_squeeze %dma_start3A_56 : memref<1x128xi32, #tpu.memory_space<vmem>> -> memref<128xi32, #tpu.memory_space<vmem>>
        %dma_start3A_58 = arith.constant 0 : i32
        %dma_start3A_59 = arith.constant 0 : i32
        %dma_start3A_60 = tpu.memref_slice %arg2[%dma_start3A_58, %dma_start3A_59] : memref<50048x32xf32, #tpu.memory_space<hbm>> -> memref<50048x32xf32, #tpu.memory_space<hbm>>
        tpu.enqueue_indirect_dma source(%dma_start3A_60 : memref<50048x32xf32, #tpu.memory_space<hbm>>) target(%arg13 : memref<128x32xf32, #tpu.memory_space<vmem>>) offsets(%dma_start3A_57 : memref<128xi32, #tpu.memory_space<vmem>>) semaphore(%arg17 : memref<!tpu.dma_semaphore, #tpu.memory_space<semaphore_mem>>)
      } else {
      }
      %eq3A_44 = arith.constant 1 : i32
      %eq3A_45 = arith.cmpi eq, %arg0, %eq3A_44 : i32
      %convert_element_type3A_46 = arith.extui %eq3A_45 : i1 to i32
      %cond3A_47 = arith.constant 0 : i32
      %cond3A_48 = arith.cmpi ne, %convert_element_type3A_46, %cond3A_47 : i32
      scf.if %cond3A_48 {
        %dma_start3A = arith.constant 2 : i32
        %dma_start3A_55 = arith.constant 0 : i32
        %dma_start3A_56 = tpu.memref_slice %arg9[%dma_start3A, %dma_start3A_55] : memref<40x128xi32, #tpu.memory_space<vmem>> -> memref<1x128xi32, #tpu.memory_space<vmem>>
        %dma_start3A_57 = tpu.memref_squeeze %dma_start3A_56 : memref<1x128xi32, #tpu.memory_space<vmem>> -> memref<128xi32, #tpu.memory_space<vmem>>
        %dma_start3A_58 = arith.constant 0 : i32
        %dma_start3A_59 = arith.constant 0 : i32
        %dma_start3A_60 = tpu.memref_slice %arg3[%dma_start3A_58, %dma_start3A_59] : memref<50048x32xf32, #tpu.memory_space<hbm>> -> memref<50048x32xf32, #tpu.memory_space<hbm>>
        tpu.enqueue_indirect_dma source(%dma_start3A_60 : memref<50048x32xf32, #tpu.memory_space<hbm>>) target(%arg13 : memref<128x32xf32, #tpu.memory_space<vmem>>) offsets(%dma_start3A_57 : memref<128xi32, #tpu.memory_space<vmem>>) semaphore(%arg17 : memref<!tpu.dma_semaphore, #tpu.memory_space<semaphore_mem>>)
      } else {
      }
      %scan3A_49 = arith.constant 0 : i32
      %scan3A_50 = arith.constant 0 : i32
      %scan3A_51 = arith.constant 10 : i32
      %scan3A_52 = arith.addi %scan3A_50, %scan3A_51 : i32
      %scan3A_53 = arith.constant 1 : i32
      scf.for %scan3A_55 = %scan3A_50 to %scan3A_52 step %scan3A_53  : i32 {
        %mul3A_56 = arith.constant 4 : i32
        %mul3A_57 = arith.muli %mul3A_56, %scan3A_55 : i32
        %add3A_58 = arith.constant 0 : i32
        %add3A_59 = arith.addi %mul3A_57, %add3A_58 : i32
        %add3A_60 = arith.constant 3 : i32
        %add3A_61 = arith.addi %add3A_59, %add3A_60 : i32
        %lt3A = arith.constant 40 : i32
        %lt3A_62 = arith.cmpi slt, %add3A_61, %lt3A : i32
        %convert_element_type3A_63 = arith.extui %lt3A_62 : i1 to i32
        %cond3A_64 = arith.constant 0 : i32
        %cond3A_65 = arith.cmpi ne, %convert_element_type3A_63, %cond3A_64 : i32
        scf.if %cond3A_65 {
          %eq3A_132 = arith.constant 0 : i32
          %eq3A_133 = arith.cmpi eq, %arg0, %eq3A_132 : i32
          %convert_element_type3A_134 = arith.extui %eq3A_133 : i1 to i32
          %cond3A_135 = arith.constant 0 : i32
          %cond3A_136 = arith.cmpi ne, %convert_element_type3A_134, %cond3A_135 : i32
          scf.if %cond3A_136 {
            %dma_start3A = arith.constant 0 : i32
            %dma_start3A_142 = tpu.memref_slice %arg9[%add3A_61, %dma_start3A] : memref<40x128xi32, #tpu.memory_space<vmem>> -> memref<1x128xi32, #tpu.memory_space<vmem>>
            %dma_start3A_143 = tpu.memref_squeeze %dma_start3A_142 : memref<1x128xi32, #tpu.memory_space<vmem>> -> memref<128xi32, #tpu.memory_space<vmem>>
            %dma_start3A_144 = arith.constant 0 : i32
            %dma_start3A_145 = arith.constant 0 : i32
            %dma_start3A_146 = tpu.memref_slice %arg2[%dma_start3A_144, %dma_start3A_145] : memref<50048x32xf32, #tpu.memory_space<hbm>> -> memref<50048x32xf32, #tpu.memory_space<hbm>>
            tpu.enqueue_indirect_dma source(%dma_start3A_146 : memref<50048x32xf32, #tpu.memory_space<hbm>>) target(%arg14 : memref<128x32xf32, #tpu.memory_space<vmem>>) offsets(%dma_start3A_143 : memref<128xi32, #tpu.memory_space<vmem>>) semaphore(%arg18 : memref<!tpu.dma_semaphore, #tpu.memory_space<semaphore_mem>>)
          } else {
          }
          %eq3A_137 = arith.constant 1 : i32
          %eq3A_138 = arith.cmpi eq, %arg0, %eq3A_137 : i32
          %convert_element_type3A_139 = arith.extui %eq3A_138 : i1 to i32
          %cond3A_140 = arith.constant 0 : i32
          %cond3A_141 = arith.cmpi ne, %convert_element_type3A_139, %cond3A_140 : i32
          scf.if %cond3A_141 {
            %dma_start3A = arith.constant 0 : i32
            %dma_start3A_142 = tpu.memref_slice %arg9[%add3A_61, %dma_start3A] : memref<40x128xi32, #tpu.memory_space<vmem>> -> memref<1x128xi32, #tpu.memory_space<vmem>>
            %dma_start3A_143 = tpu.memref_squeeze %dma_start3A_142 : memref<1x128xi32, #tpu.memory_space<vmem>> -> memref<128xi32, #tpu.memory_space<vmem>>
            %dma_start3A_144 = arith.constant 0 : i32
            %dma_start3A_145 = arith.constant 0 : i32
            %dma_start3A_146 = tpu.memref_slice %arg3[%dma_start3A_144, %dma_start3A_145] : memref<50048x32xf32, #tpu.memory_space<hbm>> -> memref<50048x32xf32, #tpu.memory_space<hbm>>
            tpu.enqueue_indirect_dma source(%dma_start3A_146 : memref<50048x32xf32, #tpu.memory_space<hbm>>) target(%arg14 : memref<128x32xf32, #tpu.memory_space<vmem>>) offsets(%dma_start3A_143 : memref<128xi32, #tpu.memory_space<vmem>>) semaphore(%arg18 : memref<!tpu.dma_semaphore, #tpu.memory_space<semaphore_mem>>)
          } else {
          }
        } else {
        }
        %add3A_66 = arith.constant 0 : i32
        %add3A_67 = arith.addi %mul3A_57, %add3A_66 : i32
        %dma_wait3A = arith.constant 0 : i32
        %dma_wait3A_68 = tpu.memref_slice %arg9[%add3A_67, %dma_wait3A] : memref<40x128xi32, #tpu.memory_space<vmem>> -> memref<1x128xi32, #tpu.memory_space<vmem>>
        %dma_wait3A_69 = tpu.memref_squeeze %dma_wait3A_68 : memref<1x128xi32, #tpu.memory_space<vmem>> -> memref<128xi32, #tpu.memory_space<vmem>>
        %dma_wait3A_70 = arith.constant 0 : i32
        %dma_wait3A_71 = arith.constant 0 : i32
        %dma_wait3A_72 = tpu.memref_slice %arg2[%dma_wait3A_70, %dma_wait3A_71] : memref<50048x32xf32, #tpu.memory_space<hbm>> -> memref<50048x32xf32, #tpu.memory_space<hbm>>
        tpu.wait_indirect_dma semaphore(%arg15 : memref<!tpu.dma_semaphore, #tpu.memory_space<semaphore_mem>>) src(%dma_wait3A_72 : memref<50048x32xf32, #tpu.memory_space<hbm>>) dst(%arg11 : memref<128x32xf32, #tpu.memory_space<vmem>>)
        %add3A_73 = arith.constant 0 : i32
        %add3A_74 = arith.addi %mul3A_57, %add3A_73 : i32
        "tpu.region"() ({
          %run_scoped3A = tpu.sem_alloc : memref<!tpu.dma_semaphore, #tpu.memory_space<semaphore_mem>>
          %dma_start3A = arith.constant 0 : i32
          %dma_start3A_132 = tpu.memref_slice %arg10[%add3A_74, %dma_start3A] : memref<40x128xi32, #tpu.memory_space<vmem>> -> memref<1x128xi32, #tpu.memory_space<vmem>>
          %dma_start3A_133 = tpu.memref_squeeze %dma_start3A_132 : memref<1x128xi32, #tpu.memory_space<vmem>> -> memref<128xi32, #tpu.memory_space<vmem>>
          %dma_start3A_134 = arith.constant 0 : i32
          %dma_start3A_135 = arith.constant 0 : i32
          %dma_start3A_136 = tpu.memref_slice %arg19[%dma_start3A_134, %dma_start3A_135] : memref<50048x32xf32, #tpu.memory_space<vmem_shared>> -> memref<50048x32xf32, #tpu.memory_space<vmem_shared>>
          tpu.enqueue_indirect_dma source(%arg11 : memref<128x32xf32, #tpu.memory_space<vmem>>) target(%dma_start3A_136 : memref<50048x32xf32, #tpu.memory_space<vmem_shared>>) offsets(%dma_start3A_133 : memref<128xi32, #tpu.memory_space<vmem>>) semaphore(%run_scoped3A : memref<!tpu.dma_semaphore, #tpu.memory_space<semaphore_mem>>) {add = true}
          %dma_wait3A_137 = arith.constant 0 : i32
          %dma_wait3A_138 = tpu.memref_slice %arg10[%add3A_74, %dma_wait3A_137] : memref<40x128xi32, #tpu.memory_space<vmem>> -> memref<1x128xi32, #tpu.memory_space<vmem>>
          %dma_wait3A_139 = tpu.memref_squeeze %dma_wait3A_138 : memref<1x128xi32, #tpu.memory_space<vmem>> -> memref<128xi32, #tpu.memory_space<vmem>>
          %dma_wait3A_140 = arith.constant 0 : i32
          %dma_wait3A_141 = arith.constant 0 : i32
          %dma_wait3A_142 = tpu.memref_slice %arg19[%dma_wait3A_140, %dma_wait3A_141] : memref<50048x32xf32, #tpu.memory_space<vmem_shared>> -> memref<50048x32xf32, #tpu.memory_space<vmem_shared>>
          tpu.wait_indirect_dma semaphore(%run_scoped3A : memref<!tpu.dma_semaphore, #tpu.memory_space<semaphore_mem>>) src(%arg11 : memref<128x32xf32, #tpu.memory_space<vmem>>) dst(%dma_wait3A_142 : memref<50048x32xf32, #tpu.memory_space<vmem_shared>>)
          tpu.yield
        }) : () -> ()
        %add3A_75 = arith.constant 1 : i32
        %add3A_76 = arith.addi %mul3A_57, %add3A_75 : i32
        %add3A_77 = arith.constant 3 : i32
        %add3A_78 = arith.addi %add3A_76, %add3A_77 : i32
        %lt3A_79 = arith.constant 40 : i32
        %lt3A_80 = arith.cmpi slt, %add3A_78, %lt3A_79 : i32
        %convert_element_type3A_81 = arith.extui %lt3A_80 : i1 to i32
        %cond3A_82 = arith.constant 0 : i32
        %cond3A_83 = arith.cmpi ne, %convert_element_type3A_81, %cond3A_82 : i32
        scf.if %cond3A_83 {
          %eq3A_132 = arith.constant 0 : i32
          %eq3A_133 = arith.cmpi eq, %arg0, %eq3A_132 : i32
          %convert_element_type3A_134 = arith.extui %eq3A_133 : i1 to i32
          %cond3A_135 = arith.constant 0 : i32
          %cond3A_136 = arith.cmpi ne, %convert_element_type3A_134, %cond3A_135 : i32
          scf.if %cond3A_136 {
            %dma_start3A = arith.constant 0 : i32
            %dma_start3A_142 = tpu.memref_slice %arg9[%add3A_78, %dma_start3A] : memref<40x128xi32, #tpu.memory_space<vmem>> -> memref<1x128xi32, #tpu.memory_space<vmem>>
            %dma_start3A_143 = tpu.memref_squeeze %dma_start3A_142 : memref<1x128xi32, #tpu.memory_space<vmem>> -> memref<128xi32, #tpu.memory_space<vmem>>
            %dma_start3A_144 = arith.constant 0 : i32
            %dma_start3A_145 = arith.constant 0 : i32
            %dma_start3A_146 = tpu.memref_slice %arg2[%dma_start3A_144, %dma_start3A_145] : memref<50048x32xf32, #tpu.memory_space<hbm>> -> memref<50048x32xf32, #tpu.memory_space<hbm>>
            tpu.enqueue_indirect_dma source(%dma_start3A_146 : memref<50048x32xf32, #tpu.memory_space<hbm>>) target(%arg11 : memref<128x32xf32, #tpu.memory_space<vmem>>) offsets(%dma_start3A_143 : memref<128xi32, #tpu.memory_space<vmem>>) semaphore(%arg15 : memref<!tpu.dma_semaphore, #tpu.memory_space<semaphore_mem>>)
          } else {
          }
          %eq3A_137 = arith.constant 1 : i32
          %eq3A_138 = arith.cmpi eq, %arg0, %eq3A_137 : i32
          %convert_element_type3A_139 = arith.extui %eq3A_138 : i1 to i32
          %cond3A_140 = arith.constant 0 : i32
          %cond3A_141 = arith.cmpi ne, %convert_element_type3A_139, %cond3A_140 : i32
          scf.if %cond3A_141 {
            %dma_start3A = arith.constant 0 : i32
            %dma_start3A_142 = tpu.memref_slice %arg9[%add3A_78, %dma_start3A] : memref<40x128xi32, #tpu.memory_space<vmem>> -> memref<1x128xi32, #tpu.memory_space<vmem>>
            %dma_start3A_143 = tpu.memref_squeeze %dma_start3A_142 : memref<1x128xi32, #tpu.memory_space<vmem>> -> memref<128xi32, #tpu.memory_space<vmem>>
            %dma_start3A_144 = arith.constant 0 : i32
            %dma_start3A_145 = arith.constant 0 : i32
            %dma_start3A_146 = tpu.memref_slice %arg3[%dma_start3A_144, %dma_start3A_145] : memref<50048x32xf32, #tpu.memory_space<hbm>> -> memref<50048x32xf32, #tpu.memory_space<hbm>>
            tpu.enqueue_indirect_dma source(%dma_start3A_146 : memref<50048x32xf32, #tpu.memory_space<hbm>>) target(%arg11 : memref<128x32xf32, #tpu.memory_space<vmem>>) offsets(%dma_start3A_143 : memref<128xi32, #tpu.memory_space<vmem>>) semaphore(%arg15 : memref<!tpu.dma_semaphore, #tpu.memory_space<semaphore_mem>>)
          } else {
          }
        } else {
        }
        %add3A_84 = arith.constant 1 : i32
        %add3A_85 = arith.addi %mul3A_57, %add3A_84 : i32
        %dma_wait3A_86 = arith.constant 0 : i32
        %dma_wait3A_87 = tpu.memref_slice %arg9[%add3A_85, %dma_wait3A_86] : memref<40x128xi32, #tpu.memory_space<vmem>> -> memref<1x128xi32, #tpu.memory_space<vmem>>
        %dma_wait3A_88 = tpu.memref_squeeze %dma_wait3A_87 : memref<1x128xi32, #tpu.memory_space<vmem>> -> memref<128xi32, #tpu.memory_space<vmem>>
        %dma_wait3A_89 = arith.constant 0 : i32
        %dma_wait3A_90 = arith.constant 0 : i32
        %dma_wait3A_91 = tpu.memref_slice %arg2[%dma_wait3A_89, %dma_wait3A_90] : memref<50048x32xf32, #tpu.memory_space<hbm>> -> memref<50048x32xf32, #tpu.memory_space<hbm>>
        tpu.wait_indirect_dma semaphore(%arg16 : memref<!tpu.dma_semaphore, #tpu.memory_space<semaphore_mem>>) src(%dma_wait3A_91 : memref<50048x32xf32, #tpu.memory_space<hbm>>) dst(%arg12 : memref<128x32xf32, #tpu.memory_space<vmem>>)
        %add3A_92 = arith.constant 1 : i32
        %add3A_93 = arith.addi %mul3A_57, %add3A_92 : i32
        "tpu.region"() ({
          %run_scoped3A = tpu.sem_alloc : memref<!tpu.dma_semaphore, #tpu.memory_space<semaphore_mem>>
          %dma_start3A = arith.constant 0 : i32
          %dma_start3A_132 = tpu.memref_slice %arg10[%add3A_93, %dma_start3A] : memref<40x128xi32, #tpu.memory_space<vmem>> -> memref<1x128xi32, #tpu.memory_space<vmem>>
          %dma_start3A_133 = tpu.memref_squeeze %dma_start3A_132 : memref<1x128xi32, #tpu.memory_space<vmem>> -> memref<128xi32, #tpu.memory_space<vmem>>
          %dma_start3A_134 = arith.constant 0 : i32
          %dma_start3A_135 = arith.constant 0 : i32
          %dma_start3A_136 = tpu.memref_slice %arg19[%dma_start3A_134, %dma_start3A_135] : memref<50048x32xf32, #tpu.memory_space<vmem_shared>> -> memref<50048x32xf32, #tpu.memory_space<vmem_shared>>
          tpu.enqueue_indirect_dma source(%arg12 : memref<128x32xf32, #tpu.memory_space<vmem>>) target(%dma_start3A_136 : memref<50048x32xf32, #tpu.memory_space<vmem_shared>>) offsets(%dma_start3A_133 : memref<128xi32, #tpu.memory_space<vmem>>) semaphore(%run_scoped3A : memref<!tpu.dma_semaphore, #tpu.memory_space<semaphore_mem>>) {add = true}
          %dma_wait3A_137 = arith.constant 0 : i32
          %dma_wait3A_138 = tpu.memref_slice %arg10[%add3A_93, %dma_wait3A_137] : memref<40x128xi32, #tpu.memory_space<vmem>> -> memref<1x128xi32, #tpu.memory_space<vmem>>
          %dma_wait3A_139 = tpu.memref_squeeze %dma_wait3A_138 : memref<1x128xi32, #tpu.memory_space<vmem>> -> memref<128xi32, #tpu.memory_space<vmem>>
          %dma_wait3A_140 = arith.constant 0 : i32
          %dma_wait3A_141 = arith.constant 0 : i32
          %dma_wait3A_142 = tpu.memref_slice %arg19[%dma_wait3A_140, %dma_wait3A_141] : memref<50048x32xf32, #tpu.memory_space<vmem_shared>> -> memref<50048x32xf32, #tpu.memory_space<vmem_shared>>
          tpu.wait_indirect_dma semaphore(%run_scoped3A : memref<!tpu.dma_semaphore, #tpu.memory_space<semaphore_mem>>) src(%arg12 : memref<128x32xf32, #tpu.memory_space<vmem>>) dst(%dma_wait3A_142 : memref<50048x32xf32, #tpu.memory_space<vmem_shared>>)
          tpu.yield
        }) : () -> ()
        %add3A_94 = arith.constant 2 : i32
        %add3A_95 = arith.addi %mul3A_57, %add3A_94 : i32
        %add3A_96 = arith.constant 3 : i32
        %add3A_97 = arith.addi %add3A_95, %add3A_96 : i32
        %lt3A_98 = arith.constant 40 : i32
        %lt3A_99 = arith.cmpi slt, %add3A_97, %lt3A_98 : i32
        %convert_element_type3A_100 = arith.extui %lt3A_99 : i1 to i32
        %cond3A_101 = arith.constant 0 : i32
        %cond3A_102 = arith.cmpi ne, %convert_element_type3A_100, %cond3A_101 : i32
        scf.if %cond3A_102 {
          %eq3A_132 = arith.constant 0 : i32
          %eq3A_133 = arith.cmpi eq, %arg0, %eq3A_132 : i32
          %convert_element_type3A_134 = arith.extui %eq3A_133 : i1 to i32
          %cond3A_135 = arith.constant 0 : i32
          %cond3A_136 = arith.cmpi ne, %convert_element_type3A_134, %cond3A_135 : i32
          scf.if %cond3A_136 {
            %dma_start3A = arith.constant 0 : i32
            %dma_start3A_142 = tpu.memref_slice %arg9[%add3A_97, %dma_start3A] : memref<40x128xi32, #tpu.memory_space<vmem>> -> memref<1x128xi32, #tpu.memory_space<vmem>>
            %dma_start3A_143 = tpu.memref_squeeze %dma_start3A_142 : memref<1x128xi32, #tpu.memory_space<vmem>> -> memref<128xi32, #tpu.memory_space<vmem>>
            %dma_start3A_144 = arith.constant 0 : i32
            %dma_start3A_145 = arith.constant 0 : i32
            %dma_start3A_146 = tpu.memref_slice %arg2[%dma_start3A_144, %dma_start3A_145] : memref<50048x32xf32, #tpu.memory_space<hbm>> -> memref<50048x32xf32, #tpu.memory_space<hbm>>
            tpu.enqueue_indirect_dma source(%dma_start3A_146 : memref<50048x32xf32, #tpu.memory_space<hbm>>) target(%arg12 : memref<128x32xf32, #tpu.memory_space<vmem>>) offsets(%dma_start3A_143 : memref<128xi32, #tpu.memory_space<vmem>>) semaphore(%arg16 : memref<!tpu.dma_semaphore, #tpu.memory_space<semaphore_mem>>)
          } else {
          }
          %eq3A_137 = arith.constant 1 : i32
          %eq3A_138 = arith.cmpi eq, %arg0, %eq3A_137 : i32
          %convert_element_type3A_139 = arith.extui %eq3A_138 : i1 to i32
          %cond3A_140 = arith.constant 0 : i32
          %cond3A_141 = arith.cmpi ne, %convert_element_type3A_139, %cond3A_140 : i32
          scf.if %cond3A_141 {
            %dma_start3A = arith.constant 0 : i32
            %dma_start3A_142 = tpu.memref_slice %arg9[%add3A_97, %dma_start3A] : memref<40x128xi32, #tpu.memory_space<vmem>> -> memref<1x128xi32, #tpu.memory_space<vmem>>
            %dma_start3A_143 = tpu.memref_squeeze %dma_start3A_142 : memref<1x128xi32, #tpu.memory_space<vmem>> -> memref<128xi32, #tpu.memory_space<vmem>>
            %dma_start3A_144 = arith.constant 0 : i32
            %dma_start3A_145 = arith.constant 0 : i32
            %dma_start3A_146 = tpu.memref_slice %arg3[%dma_start3A_144, %dma_start3A_145] : memref<50048x32xf32, #tpu.memory_space<hbm>> -> memref<50048x32xf32, #tpu.memory_space<hbm>>
            tpu.enqueue_indirect_dma source(%dma_start3A_146 : memref<50048x32xf32, #tpu.memory_space<hbm>>) target(%arg12 : memref<128x32xf32, #tpu.memory_space<vmem>>) offsets(%dma_start3A_143 : memref<128xi32, #tpu.memory_space<vmem>>) semaphore(%arg16 : memref<!tpu.dma_semaphore, #tpu.memory_space<semaphore_mem>>)
          } else {
          }
        } else {
        }
        %add3A_103 = arith.constant 2 : i32
        %add3A_104 = arith.addi %mul3A_57, %add3A_103 : i32
        %dma_wait3A_105 = arith.constant 0 : i32
        %dma_wait3A_106 = tpu.memref_slice %arg9[%add3A_104, %dma_wait3A_105] : memref<40x128xi32, #tpu.memory_space<vmem>> -> memref<1x128xi32, #tpu.memory_space<vmem>>
        %dma_wait3A_107 = tpu.memref_squeeze %dma_wait3A_106 : memref<1x128xi32, #tpu.memory_space<vmem>> -> memref<128xi32, #tpu.memory_space<vmem>>
        %dma_wait3A_108 = arith.constant 0 : i32
        %dma_wait3A_109 = arith.constant 0 : i32
        %dma_wait3A_110 = tpu.memref_slice %arg2[%dma_wait3A_108, %dma_wait3A_109] : memref<50048x32xf32, #tpu.memory_space<hbm>> -> memref<50048x32xf32, #tpu.memory_space<hbm>>
        tpu.wait_indirect_dma semaphore(%arg17 : memref<!tpu.dma_semaphore, #tpu.memory_space<semaphore_mem>>) src(%dma_wait3A_110 : memref<50048x32xf32, #tpu.memory_space<hbm>>) dst(%arg13 : memref<128x32xf32, #tpu.memory_space<vmem>>)
        %add3A_111 = arith.constant 2 : i32
        %add3A_112 = arith.addi %mul3A_57, %add3A_111 : i32
        "tpu.region"() ({
          %run_scoped3A = tpu.sem_alloc : memref<!tpu.dma_semaphore, #tpu.memory_space<semaphore_mem>>
          %dma_start3A = arith.constant 0 : i32
          %dma_start3A_132 = tpu.memref_slice %arg10[%add3A_112, %dma_start3A] : memref<40x128xi32, #tpu.memory_space<vmem>> -> memref<1x128xi32, #tpu.memory_space<vmem>>
          %dma_start3A_133 = tpu.memref_squeeze %dma_start3A_132 : memref<1x128xi32, #tpu.memory_space<vmem>> -> memref<128xi32, #tpu.memory_space<vmem>>
          %dma_start3A_134 = arith.constant 0 : i32
          %dma_start3A_135 = arith.constant 0 : i32
          %dma_start3A_136 = tpu.memref_slice %arg19[%dma_start3A_134, %dma_start3A_135] : memref<50048x32xf32, #tpu.memory_space<vmem_shared>> -> memref<50048x32xf32, #tpu.memory_space<vmem_shared>>
          tpu.enqueue_indirect_dma source(%arg13 : memref<128x32xf32, #tpu.memory_space<vmem>>) target(%dma_start3A_136 : memref<50048x32xf32, #tpu.memory_space<vmem_shared>>) offsets(%dma_start3A_133 : memref<128xi32, #tpu.memory_space<vmem>>) semaphore(%run_scoped3A : memref<!tpu.dma_semaphore, #tpu.memory_space<semaphore_mem>>) {add = true}
          %dma_wait3A_137 = arith.constant 0 : i32
          %dma_wait3A_138 = tpu.memref_slice %arg10[%add3A_112, %dma_wait3A_137] : memref<40x128xi32, #tpu.memory_space<vmem>> -> memref<1x128xi32, #tpu.memory_space<vmem>>
          %dma_wait3A_139 = tpu.memref_squeeze %dma_wait3A_138 : memref<1x128xi32, #tpu.memory_space<vmem>> -> memref<128xi32, #tpu.memory_space<vmem>>
          %dma_wait3A_140 = arith.constant 0 : i32
          %dma_wait3A_141 = arith.constant 0 : i32
          %dma_wait3A_142 = tpu.memref_slice %arg19[%dma_wait3A_140, %dma_wait3A_141] : memref<50048x32xf32, #tpu.memory_space<vmem_shared>> -> memref<50048x32xf32, #tpu.memory_space<vmem_shared>>
          tpu.wait_indirect_dma semaphore(%run_scoped3A : memref<!tpu.dma_semaphore, #tpu.memory_space<semaphore_mem>>) src(%arg13 : memref<128x32xf32, #tpu.memory_space<vmem>>) dst(%dma_wait3A_142 : memref<50048x32xf32, #tpu.memory_space<vmem_shared>>)
          tpu.yield
        }) : () -> ()
        %add3A_113 = arith.constant 3 : i32
        %add3A_114 = arith.addi %mul3A_57, %add3A_113 : i32
        %add3A_115 = arith.constant 3 : i32
        %add3A_116 = arith.addi %add3A_114, %add3A_115 : i32
        %lt3A_117 = arith.constant 40 : i32
        %lt3A_118 = arith.cmpi slt, %add3A_116, %lt3A_117 : i32
        %convert_element_type3A_119 = arith.extui %lt3A_118 : i1 to i32
        %cond3A_120 = arith.constant 0 : i32
        %cond3A_121 = arith.cmpi ne, %convert_element_type3A_119, %cond3A_120 : i32
        scf.if %cond3A_121 {
          %eq3A_132 = arith.constant 0 : i32
          %eq3A_133 = arith.cmpi eq, %arg0, %eq3A_132 : i32
          %convert_element_type3A_134 = arith.extui %eq3A_133 : i1 to i32
          %cond3A_135 = arith.constant 0 : i32
          %cond3A_136 = arith.cmpi ne, %convert_element_type3A_134, %cond3A_135 : i32
          scf.if %cond3A_136 {
            %dma_start3A = arith.constant 0 : i32
            %dma_start3A_142 = tpu.memref_slice %arg9[%add3A_116, %dma_start3A] : memref<40x128xi32, #tpu.memory_space<vmem>> -> memref<1x128xi32, #tpu.memory_space<vmem>>
            %dma_start3A_143 = tpu.memref_squeeze %dma_start3A_142 : memref<1x128xi32, #tpu.memory_space<vmem>> -> memref<128xi32, #tpu.memory_space<vmem>>
            %dma_start3A_144 = arith.constant 0 : i32
            %dma_start3A_145 = arith.constant 0 : i32
            %dma_start3A_146 = tpu.memref_slice %arg2[%dma_start3A_144, %dma_start3A_145] : memref<50048x32xf32, #tpu.memory_space<hbm>> -> memref<50048x32xf32, #tpu.memory_space<hbm>>
            tpu.enqueue_indirect_dma source(%dma_start3A_146 : memref<50048x32xf32, #tpu.memory_space<hbm>>) target(%arg13 : memref<128x32xf32, #tpu.memory_space<vmem>>) offsets(%dma_start3A_143 : memref<128xi32, #tpu.memory_space<vmem>>) semaphore(%arg17 : memref<!tpu.dma_semaphore, #tpu.memory_space<semaphore_mem>>)
          } else {
          }
          %eq3A_137 = arith.constant 1 : i32
          %eq3A_138 = arith.cmpi eq, %arg0, %eq3A_137 : i32
          %convert_element_type3A_139 = arith.extui %eq3A_138 : i1 to i32
          %cond3A_140 = arith.constant 0 : i32
          %cond3A_141 = arith.cmpi ne, %convert_element_type3A_139, %cond3A_140 : i32
          scf.if %cond3A_141 {
            %dma_start3A = arith.constant 0 : i32
            %dma_start3A_142 = tpu.memref_slice %arg9[%add3A_116, %dma_start3A] : memref<40x128xi32, #tpu.memory_space<vmem>> -> memref<1x128xi32, #tpu.memory_space<vmem>>
            %dma_start3A_143 = tpu.memref_squeeze %dma_start3A_142 : memref<1x128xi32, #tpu.memory_space<vmem>> -> memref<128xi32, #tpu.memory_space<vmem>>
            %dma_start3A_144 = arith.constant 0 : i32
            %dma_start3A_145 = arith.constant 0 : i32
            %dma_start3A_146 = tpu.memref_slice %arg3[%dma_start3A_144, %dma_start3A_145] : memref<50048x32xf32, #tpu.memory_space<hbm>> -> memref<50048x32xf32, #tpu.memory_space<hbm>>
            tpu.enqueue_indirect_dma source(%dma_start3A_146 : memref<50048x32xf32, #tpu.memory_space<hbm>>) target(%arg13 : memref<128x32xf32, #tpu.memory_space<vmem>>) offsets(%dma_start3A_143 : memref<128xi32, #tpu.memory_space<vmem>>) semaphore(%arg17 : memref<!tpu.dma_semaphore, #tpu.memory_space<semaphore_mem>>)
          } else {
          }
        } else {
        }
        %add3A_122 = arith.constant 3 : i32
        %add3A_123 = arith.addi %mul3A_57, %add3A_122 : i32
        %dma_wait3A_124 = arith.constant 0 : i32
        %dma_wait3A_125 = tpu.memref_slice %arg9[%add3A_123, %dma_wait3A_124] : memref<40x128xi32, #tpu.memory_space<vmem>> -> memref<1x128xi32, #tpu.memory_space<vmem>>
        %dma_wait3A_126 = tpu.memref_squeeze %dma_wait3A_125 : memref<1x128xi32, #tpu.memory_space<vmem>> -> memref<128xi32, #tpu.memory_space<vmem>>
        %dma_wait3A_127 = arith.constant 0 : i32
        %dma_wait3A_128 = arith.constant 0 : i32
        %dma_wait3A_129 = tpu.memref_slice %arg2[%dma_wait3A_127, %dma_wait3A_128] : memref<50048x32xf32, #tpu.memory_space<hbm>> -> memref<50048x32xf32, #tpu.memory_space<hbm>>
        tpu.wait_indirect_dma semaphore(%arg18 : memref<!tpu.dma_semaphore, #tpu.memory_space<semaphore_mem>>) src(%dma_wait3A_129 : memref<50048x32xf32, #tpu.memory_space<hbm>>) dst(%arg14 : memref<128x32xf32, #tpu.memory_space<vmem>>)
        %add3A_130 = arith.constant 3 : i32
        %add3A_131 = arith.addi %mul3A_57, %add3A_130 : i32
        "tpu.region"() ({
          %run_scoped3A = tpu.sem_alloc : memref<!tpu.dma_semaphore, #tpu.memory_space<semaphore_mem>>
          %dma_start3A = arith.constant 0 : i32
          %dma_start3A_132 = tpu.memref_slice %arg10[%add3A_131, %dma_start3A] : memref<40x128xi32, #tpu.memory_space<vmem>> -> memref<1x128xi32, #tpu.memory_space<vmem>>
          %dma_start3A_133 = tpu.memref_squeeze %dma_start3A_132 : memref<1x128xi32, #tpu.memory_space<vmem>> -> memref<128xi32, #tpu.memory_space<vmem>>
          %dma_start3A_134 = arith.constant 0 : i32
          %dma_start3A_135 = arith.constant 0 : i32
          %dma_start3A_136 = tpu.memref_slice %arg19[%dma_start3A_134, %dma_start3A_135] : memref<50048x32xf32, #tpu.memory_space<vmem_shared>> -> memref<50048x32xf32, #tpu.memory_space<vmem_shared>>
          tpu.enqueue_indirect_dma source(%arg14 : memref<128x32xf32, #tpu.memory_space<vmem>>) target(%dma_start3A_136 : memref<50048x32xf32, #tpu.memory_space<vmem_shared>>) offsets(%dma_start3A_133 : memref<128xi32, #tpu.memory_space<vmem>>) semaphore(%run_scoped3A : memref<!tpu.dma_semaphore, #tpu.memory_space<semaphore_mem>>) {add = true}
          %dma_wait3A_137 = arith.constant 0 : i32
          %dma_wait3A_138 = tpu.memref_slice %arg10[%add3A_131, %dma_wait3A_137] : memref<40x128xi32, #tpu.memory_space<vmem>> -> memref<1x128xi32, #tpu.memory_space<vmem>>
          %dma_wait3A_139 = tpu.memref_squeeze %dma_wait3A_138 : memref<1x128xi32, #tpu.memory_space<vmem>> -> memref<128xi32, #tpu.memory_space<vmem>>
          %dma_wait3A_140 = arith.constant 0 : i32
          %dma_wait3A_141 = arith.constant 0 : i32
          %dma_wait3A_142 = tpu.memref_slice %arg19[%dma_wait3A_140, %dma_wait3A_141] : memref<50048x32xf32, #tpu.memory_space<vmem_shared>> -> memref<50048x32xf32, #tpu.memory_space<vmem_shared>>
          tpu.wait_indirect_dma semaphore(%run_scoped3A : memref<!tpu.dma_semaphore, #tpu.memory_space<semaphore_mem>>) src(%arg14 : memref<128x32xf32, #tpu.memory_space<vmem>>) dst(%dma_wait3A_142 : memref<50048x32xf32, #tpu.memory_space<vmem_shared>>)
          tpu.yield
        }) : () -> ()
      }
      %scan3A_54 = arith.constant 10 : i32
    }
    %scan3A_5 = arith.constant 10 : i32
    %barrier3A_6 = arith.constant 0 : index
    tpu.barrier barrier_id(%barrier3A_6)
    %eq3A = arith.constant 0 : i32
    %eq3A_7 = arith.cmpi eq, %arg0, %eq3A : i32
    %convert_element_type3A = arith.extui %eq3A_7 : i1 to i32
    %cond3A = arith.constant 0 : i32
    %cond3A_8 = arith.cmpi ne, %convert_element_type3A, %cond3A : i32
    scf.if %cond3A_8 {
      %mul3A_14 = arith.constant 3128 : i32
      %mul3A_15 = arith.muli %arg1, %mul3A_14 : i32
      %mul3A_16 = arith.constant 3128 : i32
      %mul3A_17 = arith.muli %arg1, %mul3A_16 : i32
      "tpu.region"() ({
        %run_scoped3A = tpu.sem_alloc : memref<!tpu.dma_semaphore, #tpu.memory_space<semaphore_mem>>
        %dma_start3A = arith.constant 0 : i32
        %dma_start3A_18 = tpu.memref_slice %arg7[%mul3A_17, %dma_start3A] : memref<50048x32xf32, #tpu.memory_space<hbm>> -> memref<3128x32xf32, #tpu.memory_space<hbm>>
        %dma_start3A_19 = arith.constant 0 : i32
        %dma_start3A_20 = tpu.memref_slice %arg19[%mul3A_15, %dma_start3A_19] : memref<50048x32xf32, #tpu.memory_space<vmem_shared>> -> memref<3128x32xf32, #tpu.memory_space<vmem_shared>>
        tpu.enqueue_dma source(%dma_start3A_20 : memref<3128x32xf32, #tpu.memory_space<vmem_shared>>) target(%dma_start3A_18 : memref<3128x32xf32, #tpu.memory_space<hbm>>) target_semaphore(%run_scoped3A : memref<!tpu.dma_semaphore, #tpu.memory_space<semaphore_mem>>)
        %dma_wait3A = arith.constant 0 : i32
        %dma_wait3A_21 = tpu.memref_slice %arg7[%mul3A_17, %dma_wait3A] : memref<50048x32xf32, #tpu.memory_space<hbm>> -> memref<3128x32xf32, #tpu.memory_space<hbm>>
        %dma_wait3A_22 = arith.constant 0 : i32
        %dma_wait3A_23 = tpu.memref_slice %arg19[%mul3A_15, %dma_wait3A_22] : memref<50048x32xf32, #tpu.memory_space<vmem_shared>> -> memref<3128x32xf32, #tpu.memory_space<vmem_shared>>
        tpu.wait_dma2 semaphore(%run_scoped3A : memref<!tpu.dma_semaphore, #tpu.memory_space<semaphore_mem>>) src(%dma_wait3A_23 : memref<3128x32xf32, #tpu.memory_space<vmem_shared>>) dst(%dma_wait3A_21 : memref<3128x32xf32, #tpu.memory_space<hbm>>)
        tpu.yield
      }) : () -> ()
    } else {
    }
    %eq3A_9 = arith.constant 1 : i32
    %eq3A_10 = arith.cmpi eq, %arg0, %eq3A_9 : i32
    %convert_element_type3A_11 = arith.extui %eq3A_10 : i1 to i32
    %cond3A_12 = arith.constant 0 : i32
    %cond3A_13 = arith.cmpi ne, %convert_element_type3A_11, %cond3A_12 : i32
    scf.if %cond3A_13 {
      %mul3A_14 = arith.constant 3128 : i32
      %mul3A_15 = arith.muli %arg1, %mul3A_14 : i32
      %mul3A_16 = arith.constant 3128 : i32
      %mul3A_17 = arith.muli %arg1, %mul3A_16 : i32
      "tpu.region"() ({
        %run_scoped3A = tpu.sem_alloc : memref<!tpu.dma_semaphore, #tpu.memory_space<semaphore_mem>>
        %dma_start3A = arith.constant 0 : i32
        %dma_start3A_18 = tpu.memref_slice %arg8[%mul3A_17, %dma_start3A] : memref<50048x32xf32, #tpu.memory_space<hbm>> -> memref<3128x32xf32, #tpu.memory_space<hbm>>
        %dma_start3A_19 = arith.constant 0 : i32
        %dma_start3A_20 = tpu.memref_slice %arg19[%mul3A_15, %dma_start3A_19] : memref<50048x32xf32, #tpu.memory_space<vmem_shared>> -> memref<3128x32xf32, #tpu.memory_space<vmem_shared>>
        tpu.enqueue_dma source(%dma_start3A_20 : memref<3128x32xf32, #tpu.memory_space<vmem_shared>>) target(%dma_start3A_18 : memref<3128x32xf32, #tpu.memory_space<hbm>>) target_semaphore(%run_scoped3A : memref<!tpu.dma_semaphore, #tpu.memory_space<semaphore_mem>>)
        %dma_wait3A = arith.constant 0 : i32
        %dma_wait3A_21 = tpu.memref_slice %arg8[%mul3A_17, %dma_wait3A] : memref<50048x32xf32, #tpu.memory_space<hbm>> -> memref<3128x32xf32, #tpu.memory_space<hbm>>
        %dma_wait3A_22 = arith.constant 0 : i32
        %dma_wait3A_23 = tpu.memref_slice %arg19[%mul3A_15, %dma_wait3A_22] : memref<50048x32xf32, #tpu.memory_space<vmem_shared>> -> memref<3128x32xf32, #tpu.memory_space<vmem_shared>>
        tpu.wait_dma2 semaphore(%run_scoped3A : memref<!tpu.dma_semaphore, #tpu.memory_space<semaphore_mem>>) src(%dma_wait3A_23 : memref<3128x32xf32, #tpu.memory_space<vmem_shared>>) dst(%dma_wait3A_21 : memref<3128x32xf32, #tpu.memory_space<hbm>>)
        tpu.yield
      }) : () -> ()
    } else {
    }
    return
  }
}

#map = affine_map<(d0, d1) -> (0, 0)>
module attributes {stable_mosaic.version = 14 : i64} {
  func.func @agg_kernel(%arg0: i32, %arg1: i32, %arg2: memref<50048x32xf32, #tpu.memory_space<hbm>>, %arg3: memref<50048x32xf32, #tpu.memory_space<hbm>>, %arg4: memref<6400x128xi32, #tpu.memory_space<hbm>>, %arg5: memref<6400x128xi32, #tpu.memory_space<hbm>>, %arg6: memref<3128x32xf32, #tpu.memory_space<hbm>>, %arg7: memref<50048x32xf32, #tpu.memory_space<hbm>>, %arg8: memref<50048x32xf32, #tpu.memory_space<hbm>>, %arg9: memref<40x128xi32, #tpu.memory_space<vmem>>, %arg10: memref<40x128xi32, #tpu.memory_space<vmem>>, %arg11: memref<128x32xf32, #tpu.memory_space<vmem>>, %arg12: memref<128x32xf32, #tpu.memory_space<vmem>>, %arg13: memref<128x32xf32, #tpu.memory_space<vmem>>, %arg14: memref<128x32xf32, #tpu.memory_space<vmem>>, %arg15: memref<!tpu.dma_semaphore, #tpu.memory_space<semaphore_mem>>, %arg16: memref<!tpu.dma_semaphore, #tpu.memory_space<semaphore_mem>>, %arg17: memref<!tpu.dma_semaphore, #tpu.memory_space<semaphore_mem>>, %arg18: memref<!tpu.dma_semaphore, #tpu.memory_space<semaphore_mem>>, %arg19: memref<50048x32xf32, #tpu.memory_space<vmem_shared>>) attributes {dimension_semantics = [#tpu.dimension_semantics<core_parallel>, #tpu.dimension_semantics<subcore_parallel>], iteration_bounds = array<i64: 2, 16>, scalar_prefetch = 0 : i64, scratch_operands = 11 : i64, tpu.core_type = #tpu.core_type<sc_vector_subcore>, window_params = [{transform_indices = #map}, {transform_indices = #map}, {transform_indices = #map}, {transform_indices = #map}, {transform_indices = #map}, {transform_indices = #map}, {transform_indices = #map}]} {
    %mul3A = arith.constant 3128 : i32
    %mul3A_0 = arith.muli %arg1, %mul3A : i32
    "tpu.region"() ({
      %run_scoped3A = tpu.sem_alloc : memref<!tpu.dma_semaphore, #tpu.memory_space<semaphore_mem>>
      %dma_start3A = arith.constant 0 : i32
      %dma_start3A_14 = tpu.memref_slice %arg19[%mul3A_0, %dma_start3A] : memref<50048x32xf32, #tpu.memory_space<vmem_shared>> -> memref<3128x32xf32, #tpu.memory_space<vmem_shared>>
      tpu.enqueue_dma source(%arg6 : memref<3128x32xf32, #tpu.memory_space<hbm>>) target(%dma_start3A_14 : memref<3128x32xf32, #tpu.memory_space<vmem_shared>>) target_semaphore(%run_scoped3A : memref<!tpu.dma_semaphore, #tpu.memory_space<semaphore_mem>>)
      %dma_wait3A = arith.constant 0 : i32
      %dma_wait3A_15 = tpu.memref_slice %arg19[%mul3A_0, %dma_wait3A] : memref<50048x32xf32, #tpu.memory_space<vmem_shared>> -> memref<3128x32xf32, #tpu.memory_space<vmem_shared>>
      tpu.wait_dma2 semaphore(%run_scoped3A : memref<!tpu.dma_semaphore, #tpu.memory_space<semaphore_mem>>) src(%arg6 : memref<3128x32xf32, #tpu.memory_space<hbm>>) dst(%dma_wait3A_15 : memref<3128x32xf32, #tpu.memory_space<vmem_shared>>)
      tpu.yield
    }) : () -> ()
    %barrier3A = arith.constant 0 : index
    tpu.barrier barrier_id(%barrier3A)
    %scan3A = arith.constant 0 : i32
    %scan3A_1 = arith.constant 0 : i32
    %scan3A_2 = arith.constant 10 : i32
    %scan3A_3 = arith.addi %scan3A_1, %scan3A_2 : i32
    %scan3A_4 = arith.constant 1 : i32
    scf.for %scan3A_14 = %scan3A_1 to %scan3A_3 step %scan3A_4  : i32 {
      %mul3A_15 = arith.constant 400 : i32
      %mul3A_16 = arith.muli %arg1, %mul3A_15 : i32
      %mul3A_17 = arith.constant 40 : i32
      %mul3A_18 = arith.muli %scan3A_14, %mul3A_17 : i32
      %add3A = arith.addi %mul3A_16, %mul3A_18 : i32
      "tpu.region"() ({
        %run_scoped3A = tpu.sem_alloc : memref<!tpu.dma_semaphore, #tpu.memory_space<semaphore_mem>>
        %dma_start3A = arith.constant 0 : i32
        %dma_start3A_55 = tpu.memref_slice %arg4[%add3A, %dma_start3A] : memref<6400x128xi32, #tpu.memory_space<hbm>> -> memref<40x128xi32, #tpu.memory_space<hbm>>
        %dma_start3A_56 = arith.constant 0 : i32
        %dma_start3A_57 = tpu.memref_slice %arg4[%add3A, %dma_start3A_56] : memref<6400x128xi32, #tpu.memory_space<hbm>> -> memref<40x128xi32, #tpu.memory_space<hbm>>
        tpu.enqueue_dma source(%dma_start3A_57 : memref<40x128xi32, #tpu.memory_space<hbm>>) target(%arg9 : memref<40x128xi32, #tpu.memory_space<vmem>>) target_semaphore(%run_scoped3A : memref<!tpu.dma_semaphore, #tpu.memory_space<semaphore_mem>>)
        %dma_wait3A = arith.constant 0 : i32
        %dma_wait3A_58 = tpu.memref_slice %arg4[%add3A, %dma_wait3A] : memref<6400x128xi32, #tpu.memory_space<hbm>> -> memref<40x128xi32, #tpu.memory_space<hbm>>
        %dma_wait3A_59 = arith.constant 0 : i32
        %dma_wait3A_60 = tpu.memref_slice %arg4[%add3A, %dma_wait3A_59] : memref<6400x128xi32, #tpu.memory_space<hbm>> -> memref<40x128xi32, #tpu.memory_space<hbm>>
        tpu.wait_dma2 semaphore(%run_scoped3A : memref<!tpu.dma_semaphore, #tpu.memory_space<semaphore_mem>>) src(%dma_wait3A_60 : memref<40x128xi32, #tpu.memory_space<hbm>>) dst(%arg9 : memref<40x128xi32, #tpu.memory_space<vmem>>)
        tpu.yield
      }) : () -> ()
      "tpu.region"() ({
        %run_scoped3A = tpu.sem_alloc : memref<!tpu.dma_semaphore, #tpu.memory_space<semaphore_mem>>
        %dma_start3A = arith.constant 0 : i32
        %dma_start3A_55 = tpu.memref_slice %arg5[%add3A, %dma_start3A] : memref<6400x128xi32, #tpu.memory_space<hbm>> -> memref<40x128xi32, #tpu.memory_space<hbm>>
        %dma_start3A_56 = arith.constant 0 : i32
        %dma_start3A_57 = tpu.memref_slice %arg5[%add3A, %dma_start3A_56] : memref<6400x128xi32, #tpu.memory_space<hbm>> -> memref<40x128xi32, #tpu.memory_space<hbm>>
        tpu.enqueue_dma source(%dma_start3A_57 : memref<40x128xi32, #tpu.memory_space<hbm>>) target(%arg10 : memref<40x128xi32, #tpu.memory_space<vmem>>) target_semaphore(%run_scoped3A : memref<!tpu.dma_semaphore, #tpu.memory_space<semaphore_mem>>)
        %dma_wait3A = arith.constant 0 : i32
        %dma_wait3A_58 = tpu.memref_slice %arg5[%add3A, %dma_wait3A] : memref<6400x128xi32, #tpu.memory_space<hbm>> -> memref<40x128xi32, #tpu.memory_space<hbm>>
        %dma_wait3A_59 = arith.constant 0 : i32
        %dma_wait3A_60 = tpu.memref_slice %arg5[%add3A, %dma_wait3A_59] : memref<6400x128xi32, #tpu.memory_space<hbm>> -> memref<40x128xi32, #tpu.memory_space<hbm>>
        tpu.wait_dma2 semaphore(%run_scoped3A : memref<!tpu.dma_semaphore, #tpu.memory_space<semaphore_mem>>) src(%dma_wait3A_60 : memref<40x128xi32, #tpu.memory_space<hbm>>) dst(%arg10 : memref<40x128xi32, #tpu.memory_space<vmem>>)
        tpu.yield
      }) : () -> ()
      %eq3A_19 = arith.constant 0 : i32
      %eq3A_20 = arith.cmpi eq, %arg0, %eq3A_19 : i32
      %convert_element_type3A_21 = arith.extui %eq3A_20 : i1 to i32
      %cond3A_22 = arith.constant 0 : i32
      %cond3A_23 = arith.cmpi ne, %convert_element_type3A_21, %cond3A_22 : i32
      scf.if %cond3A_23 {
        %dma_start3A = arith.constant 0 : i32
        %dma_start3A_55 = arith.constant 0 : i32
        %dma_start3A_56 = tpu.memref_slice %arg9[%dma_start3A, %dma_start3A_55] : memref<40x128xi32, #tpu.memory_space<vmem>> -> memref<1x128xi32, #tpu.memory_space<vmem>>
        %dma_start3A_57 = tpu.memref_squeeze %dma_start3A_56 : memref<1x128xi32, #tpu.memory_space<vmem>> -> memref<128xi32, #tpu.memory_space<vmem>>
        %dma_start3A_58 = arith.constant 0 : i32
        %dma_start3A_59 = arith.constant 0 : i32
        %dma_start3A_60 = tpu.memref_slice %arg2[%dma_start3A_58, %dma_start3A_59] : memref<50048x32xf32, #tpu.memory_space<hbm>> -> memref<50048x32xf32, #tpu.memory_space<hbm>>
        tpu.enqueue_indirect_dma source(%dma_start3A_60 : memref<50048x32xf32, #tpu.memory_space<hbm>>) target(%arg11 : memref<128x32xf32, #tpu.memory_space<vmem>>) offsets(%dma_start3A_57 : memref<128xi32, #tpu.memory_space<vmem>>) semaphore(%arg15 : memref<!tpu.dma_semaphore, #tpu.memory_space<semaphore_mem>>)
      } else {
      }
      %eq3A_24 = arith.constant 1 : i32
      %eq3A_25 = arith.cmpi eq, %arg0, %eq3A_24 : i32
      %convert_element_type3A_26 = arith.extui %eq3A_25 : i1 to i32
      %cond3A_27 = arith.constant 0 : i32
      %cond3A_28 = arith.cmpi ne, %convert_element_type3A_26, %cond3A_27 : i32
      scf.if %cond3A_28 {
        %dma_start3A = arith.constant 0 : i32
        %dma_start3A_55 = arith.constant 0 : i32
        %dma_start3A_56 = tpu.memref_slice %arg9[%dma_start3A, %dma_start3A_55] : memref<40x128xi32, #tpu.memory_space<vmem>> -> memref<1x128xi32, #tpu.memory_space<vmem>>
        %dma_start3A_57 = tpu.memref_squeeze %dma_start3A_56 : memref<1x128xi32, #tpu.memory_space<vmem>> -> memref<128xi32, #tpu.memory_space<vmem>>
        %dma_start3A_58 = arith.constant 0 : i32
        %dma_start3A_59 = arith.constant 0 : i32
        %dma_start3A_60 = tpu.memref_slice %arg3[%dma_start3A_58, %dma_start3A_59] : memref<50048x32xf32, #tpu.memory_space<hbm>> -> memref<50048x32xf32, #tpu.memory_space<hbm>>
        tpu.enqueue_indirect_dma source(%dma_start3A_60 : memref<50048x32xf32, #tpu.memory_space<hbm>>) target(%arg11 : memref<128x32xf32, #tpu.memory_space<vmem>>) offsets(%dma_start3A_57 : memref<128xi32, #tpu.memory_space<vmem>>) semaphore(%arg15 : memref<!tpu.dma_semaphore, #tpu.memory_space<semaphore_mem>>)
      } else {
      }
      %eq3A_29 = arith.constant 0 : i32
      %eq3A_30 = arith.cmpi eq, %arg0, %eq3A_29 : i32
      %convert_element_type3A_31 = arith.extui %eq3A_30 : i1 to i32
      %cond3A_32 = arith.constant 0 : i32
      %cond3A_33 = arith.cmpi ne, %convert_element_type3A_31, %cond3A_32 : i32
      scf.if %cond3A_33 {
        %dma_start3A = arith.constant 1 : i32
        %dma_start3A_55 = arith.constant 0 : i32
        %dma_start3A_56 = tpu.memref_slice %arg9[%dma_start3A, %dma_start3A_55] : memref<40x128xi32, #tpu.memory_space<vmem>> -> memref<1x128xi32, #tpu.memory_space<vmem>>
        %dma_start3A_57 = tpu.memref_squeeze %dma_start3A_56 : memref<1x128xi32, #tpu.memory_space<vmem>> -> memref<128xi32, #tpu.memory_space<vmem>>
        %dma_start3A_58 = arith.constant 0 : i32
        %dma_start3A_59 = arith.constant 0 : i32
        %dma_start3A_60 = tpu.memref_slice %arg2[%dma_start3A_58, %dma_start3A_59] : memref<50048x32xf32, #tpu.memory_space<hbm>> -> memref<50048x32xf32, #tpu.memory_space<hbm>>
        tpu.enqueue_indirect_dma source(%dma_start3A_60 : memref<50048x32xf32, #tpu.memory_space<hbm>>) target(%arg12 : memref<128x32xf32, #tpu.memory_space<vmem>>) offsets(%dma_start3A_57 : memref<128xi32, #tpu.memory_space<vmem>>) semaphore(%arg16 : memref<!tpu.dma_semaphore, #tpu.memory_space<semaphore_mem>>)
      } else {
      }
      %eq3A_34 = arith.constant 1 : i32
      %eq3A_35 = arith.cmpi eq, %arg0, %eq3A_34 : i32
      %convert_element_type3A_36 = arith.extui %eq3A_35 : i1 to i32
      %cond3A_37 = arith.constant 0 : i32
      %cond3A_38 = arith.cmpi ne, %convert_element_type3A_36, %cond3A_37 : i32
      scf.if %cond3A_38 {
        %dma_start3A = arith.constant 1 : i32
        %dma_start3A_55 = arith.constant 0 : i32
        %dma_start3A_56 = tpu.memref_slice %arg9[%dma_start3A, %dma_start3A_55] : memref<40x128xi32, #tpu.memory_space<vmem>> -> memref<1x128xi32, #tpu.memory_space<vmem>>
        %dma_start3A_57 = tpu.memref_squeeze %dma_start3A_56 : memref<1x128xi32, #tpu.memory_space<vmem>> -> memref<128xi32, #tpu.memory_space<vmem>>
        %dma_start3A_58 = arith.constant 0 : i32
        %dma_start3A_59 = arith.constant 0 : i32
        %dma_start3A_60 = tpu.memref_slice %arg3[%dma_start3A_58, %dma_start3A_59] : memref<50048x32xf32, #tpu.memory_space<hbm>> -> memref<50048x32xf32, #tpu.memory_space<hbm>>
        tpu.enqueue_indirect_dma source(%dma_start3A_60 : memref<50048x32xf32, #tpu.memory_space<hbm>>) target(%arg12 : memref<128x32xf32, #tpu.memory_space<vmem>>) offsets(%dma_start3A_57 : memref<128xi32, #tpu.memory_space<vmem>>) semaphore(%arg16 : memref<!tpu.dma_semaphore, #tpu.memory_space<semaphore_mem>>)
      } else {
      }
      %eq3A_39 = arith.constant 0 : i32
      %eq3A_40 = arith.cmpi eq, %arg0, %eq3A_39 : i32
      %convert_element_type3A_41 = arith.extui %eq3A_40 : i1 to i32
      %cond3A_42 = arith.constant 0 : i32
      %cond3A_43 = arith.cmpi ne, %convert_element_type3A_41, %cond3A_42 : i32
      scf.if %cond3A_43 {
        %dma_start3A = arith.constant 2 : i32
        %dma_start3A_55 = arith.constant 0 : i32
        %dma_start3A_56 = tpu.memref_slice %arg9[%dma_start3A, %dma_start3A_55] : memref<40x128xi32, #tpu.memory_space<vmem>> -> memref<1x128xi32, #tpu.memory_space<vmem>>
        %dma_start3A_57 = tpu.memref_squeeze %dma_start3A_56 : memref<1x128xi32, #tpu.memory_space<vmem>> -> memref<128xi32, #tpu.memory_space<vmem>>
        %dma_start3A_58 = arith.constant 0 : i32
        %dma_start3A_59 = arith.constant 0 : i32
        %dma_start3A_60 = tpu.memref_slice %arg2[%dma_start3A_58, %dma_start3A_59] : memref<50048x32xf32, #tpu.memory_space<hbm>> -> memref<50048x32xf32, #tpu.memory_space<hbm>>
        tpu.enqueue_indirect_dma source(%dma_start3A_60 : memref<50048x32xf32, #tpu.memory_space<hbm>>) target(%arg13 : memref<128x32xf32, #tpu.memory_space<vmem>>) offsets(%dma_start3A_57 : memref<128xi32, #tpu.memory_space<vmem>>) semaphore(%arg17 : memref<!tpu.dma_semaphore, #tpu.memory_space<semaphore_mem>>)
      } else {
      }
      %eq3A_44 = arith.constant 1 : i32
      %eq3A_45 = arith.cmpi eq, %arg0, %eq3A_44 : i32
      %convert_element_type3A_46 = arith.extui %eq3A_45 : i1 to i32
      %cond3A_47 = arith.constant 0 : i32
      %cond3A_48 = arith.cmpi ne, %convert_element_type3A_46, %cond3A_47 : i32
      scf.if %cond3A_48 {
        %dma_start3A = arith.constant 2 : i32
        %dma_start3A_55 = arith.constant 0 : i32
        %dma_start3A_56 = tpu.memref_slice %arg9[%dma_start3A, %dma_start3A_55] : memref<40x128xi32, #tpu.memory_space<vmem>> -> memref<1x128xi32, #tpu.memory_space<vmem>>
        %dma_start3A_57 = tpu.memref_squeeze %dma_start3A_56 : memref<1x128xi32, #tpu.memory_space<vmem>> -> memref<128xi32, #tpu.memory_space<vmem>>
        %dma_start3A_58 = arith.constant 0 : i32
        %dma_start3A_59 = arith.constant 0 : i32
        %dma_start3A_60 = tpu.memref_slice %arg3[%dma_start3A_58, %dma_start3A_59] : memref<50048x32xf32, #tpu.memory_space<hbm>> -> memref<50048x32xf32, #tpu.memory_space<hbm>>
        tpu.enqueue_indirect_dma source(%dma_start3A_60 : memref<50048x32xf32, #tpu.memory_space<hbm>>) target(%arg13 : memref<128x32xf32, #tpu.memory_space<vmem>>) offsets(%dma_start3A_57 : memref<128xi32, #tpu.memory_space<vmem>>) semaphore(%arg17 : memref<!tpu.dma_semaphore, #tpu.memory_space<semaphore_mem>>)
      } else {
      }
      %scan3A_49 = arith.constant 0 : i32
      %scan3A_50 = arith.constant 0 : i32
      %scan3A_51 = arith.constant 10 : i32
      %scan3A_52 = arith.addi %scan3A_50, %scan3A_51 : i32
      %scan3A_53 = arith.constant 1 : i32
      scf.for %scan3A_55 = %scan3A_50 to %scan3A_52 step %scan3A_53  : i32 {
        %mul3A_56 = arith.constant 4 : i32
        %mul3A_57 = arith.muli %mul3A_56, %scan3A_55 : i32
        %add3A_58 = arith.constant 0 : i32
        %add3A_59 = arith.addi %mul3A_57, %add3A_58 : i32
        %add3A_60 = arith.constant 3 : i32
        %add3A_61 = arith.addi %add3A_59, %add3A_60 : i32
        %lt3A = arith.constant 40 : i32
        %lt3A_62 = arith.cmpi slt, %add3A_61, %lt3A : i32
        %convert_element_type3A_63 = arith.extui %lt3A_62 : i1 to i32
        %cond3A_64 = arith.constant 0 : i32
        %cond3A_65 = arith.cmpi ne, %convert_element_type3A_63, %cond3A_64 : i32
        scf.if %cond3A_65 {
          %eq3A_132 = arith.constant 0 : i32
          %eq3A_133 = arith.cmpi eq, %arg0, %eq3A_132 : i32
          %convert_element_type3A_134 = arith.extui %eq3A_133 : i1 to i32
          %cond3A_135 = arith.constant 0 : i32
          %cond3A_136 = arith.cmpi ne, %convert_element_type3A_134, %cond3A_135 : i32
          scf.if %cond3A_136 {
            %dma_start3A = arith.constant 0 : i32
            %dma_start3A_142 = tpu.memref_slice %arg9[%add3A_61, %dma_start3A] : memref<40x128xi32, #tpu.memory_space<vmem>> -> memref<1x128xi32, #tpu.memory_space<vmem>>
            %dma_start3A_143 = tpu.memref_squeeze %dma_start3A_142 : memref<1x128xi32, #tpu.memory_space<vmem>> -> memref<128xi32, #tpu.memory_space<vmem>>
            %dma_start3A_144 = arith.constant 0 : i32
            %dma_start3A_145 = arith.constant 0 : i32
            %dma_start3A_146 = tpu.memref_slice %arg2[%dma_start3A_144, %dma_start3A_145] : memref<50048x32xf32, #tpu.memory_space<hbm>> -> memref<50048x32xf32, #tpu.memory_space<hbm>>
            tpu.enqueue_indirect_dma source(%dma_start3A_146 : memref<50048x32xf32, #tpu.memory_space<hbm>>) target(%arg14 : memref<128x32xf32, #tpu.memory_space<vmem>>) offsets(%dma_start3A_143 : memref<128xi32, #tpu.memory_space<vmem>>) semaphore(%arg18 : memref<!tpu.dma_semaphore, #tpu.memory_space<semaphore_mem>>)
          } else {
          }
          %eq3A_137 = arith.constant 1 : i32
          %eq3A_138 = arith.cmpi eq, %arg0, %eq3A_137 : i32
          %convert_element_type3A_139 = arith.extui %eq3A_138 : i1 to i32
          %cond3A_140 = arith.constant 0 : i32
          %cond3A_141 = arith.cmpi ne, %convert_element_type3A_139, %cond3A_140 : i32
          scf.if %cond3A_141 {
            %dma_start3A = arith.constant 0 : i32
            %dma_start3A_142 = tpu.memref_slice %arg9[%add3A_61, %dma_start3A] : memref<40x128xi32, #tpu.memory_space<vmem>> -> memref<1x128xi32, #tpu.memory_space<vmem>>
            %dma_start3A_143 = tpu.memref_squeeze %dma_start3A_142 : memref<1x128xi32, #tpu.memory_space<vmem>> -> memref<128xi32, #tpu.memory_space<vmem>>
            %dma_start3A_144 = arith.constant 0 : i32
            %dma_start3A_145 = arith.constant 0 : i32
            %dma_start3A_146 = tpu.memref_slice %arg3[%dma_start3A_144, %dma_start3A_145] : memref<50048x32xf32, #tpu.memory_space<hbm>> -> memref<50048x32xf32, #tpu.memory_space<hbm>>
            tpu.enqueue_indirect_dma source(%dma_start3A_146 : memref<50048x32xf32, #tpu.memory_space<hbm>>) target(%arg14 : memref<128x32xf32, #tpu.memory_space<vmem>>) offsets(%dma_start3A_143 : memref<128xi32, #tpu.memory_space<vmem>>) semaphore(%arg18 : memref<!tpu.dma_semaphore, #tpu.memory_space<semaphore_mem>>)
          } else {
          }
        } else {
        }
        %add3A_66 = arith.constant 0 : i32
        %add3A_67 = arith.addi %mul3A_57, %add3A_66 : i32
        %dma_wait3A = arith.constant 0 : i32
        %dma_wait3A_68 = tpu.memref_slice %arg9[%add3A_67, %dma_wait3A] : memref<40x128xi32, #tpu.memory_space<vmem>> -> memref<1x128xi32, #tpu.memory_space<vmem>>
        %dma_wait3A_69 = tpu.memref_squeeze %dma_wait3A_68 : memref<1x128xi32, #tpu.memory_space<vmem>> -> memref<128xi32, #tpu.memory_space<vmem>>
        %dma_wait3A_70 = arith.constant 0 : i32
        %dma_wait3A_71 = arith.constant 0 : i32
        %dma_wait3A_72 = tpu.memref_slice %arg2[%dma_wait3A_70, %dma_wait3A_71] : memref<50048x32xf32, #tpu.memory_space<hbm>> -> memref<50048x32xf32, #tpu.memory_space<hbm>>
        tpu.wait_indirect_dma semaphore(%arg15 : memref<!tpu.dma_semaphore, #tpu.memory_space<semaphore_mem>>) src(%dma_wait3A_72 : memref<50048x32xf32, #tpu.memory_space<hbm>>) dst(%arg11 : memref<128x32xf32, #tpu.memory_space<vmem>>)
        %add3A_73 = arith.constant 0 : i32
        %add3A_74 = arith.addi %mul3A_57, %add3A_73 : i32
        "tpu.region"() ({
          %run_scoped3A = tpu.sem_alloc : memref<!tpu.dma_semaphore, #tpu.memory_space<semaphore_mem>>
          %dma_start3A = arith.constant 0 : i32
          %dma_start3A_132 = tpu.memref_slice %arg10[%add3A_74, %dma_start3A] : memref<40x128xi32, #tpu.memory_space<vmem>> -> memref<1x128xi32, #tpu.memory_space<vmem>>
          %dma_start3A_133 = tpu.memref_squeeze %dma_start3A_132 : memref<1x128xi32, #tpu.memory_space<vmem>> -> memref<128xi32, #tpu.memory_space<vmem>>
          %dma_start3A_134 = arith.constant 0 : i32
          %dma_start3A_135 = arith.constant 0 : i32
          %dma_start3A_136 = tpu.memref_slice %arg19[%dma_start3A_134, %dma_start3A_135] : memref<50048x32xf32, #tpu.memory_space<vmem_shared>> -> memref<50048x32xf32, #tpu.memory_space<vmem_shared>>
          tpu.enqueue_indirect_dma source(%arg11 : memref<128x32xf32, #tpu.memory_space<vmem>>) target(%dma_start3A_136 : memref<50048x32xf32, #tpu.memory_space<vmem_shared>>) offsets(%dma_start3A_133 : memref<128xi32, #tpu.memory_space<vmem>>) semaphore(%run_scoped3A : memref<!tpu.dma_semaphore, #tpu.memory_space<semaphore_mem>>) {add = true}
          %dma_wait3A_137 = arith.constant 0 : i32
          %dma_wait3A_138 = tpu.memref_slice %arg10[%add3A_74, %dma_wait3A_137] : memref<40x128xi32, #tpu.memory_space<vmem>> -> memref<1x128xi32, #tpu.memory_space<vmem>>
          %dma_wait3A_139 = tpu.memref_squeeze %dma_wait3A_138 : memref<1x128xi32, #tpu.memory_space<vmem>> -> memref<128xi32, #tpu.memory_space<vmem>>
          %dma_wait3A_140 = arith.constant 0 : i32
          %dma_wait3A_141 = arith.constant 0 : i32
          %dma_wait3A_142 = tpu.memref_slice %arg19[%dma_wait3A_140, %dma_wait3A_141] : memref<50048x32xf32, #tpu.memory_space<vmem_shared>> -> memref<50048x32xf32, #tpu.memory_space<vmem_shared>>
          tpu.wait_indirect_dma semaphore(%run_scoped3A : memref<!tpu.dma_semaphore, #tpu.memory_space<semaphore_mem>>) src(%arg11 : memref<128x32xf32, #tpu.memory_space<vmem>>) dst(%dma_wait3A_142 : memref<50048x32xf32, #tpu.memory_space<vmem_shared>>)
          tpu.yield
        }) : () -> ()
        %add3A_75 = arith.constant 1 : i32
        %add3A_76 = arith.addi %mul3A_57, %add3A_75 : i32
        %add3A_77 = arith.constant 3 : i32
        %add3A_78 = arith.addi %add3A_76, %add3A_77 : i32
        %lt3A_79 = arith.constant 40 : i32
        %lt3A_80 = arith.cmpi slt, %add3A_78, %lt3A_79 : i32
        %convert_element_type3A_81 = arith.extui %lt3A_80 : i1 to i32
        %cond3A_82 = arith.constant 0 : i32
        %cond3A_83 = arith.cmpi ne, %convert_element_type3A_81, %cond3A_82 : i32
        scf.if %cond3A_83 {
          %eq3A_132 = arith.constant 0 : i32
          %eq3A_133 = arith.cmpi eq, %arg0, %eq3A_132 : i32
          %convert_element_type3A_134 = arith.extui %eq3A_133 : i1 to i32
          %cond3A_135 = arith.constant 0 : i32
          %cond3A_136 = arith.cmpi ne, %convert_element_type3A_134, %cond3A_135 : i32
          scf.if %cond3A_136 {
            %dma_start3A = arith.constant 0 : i32
            %dma_start3A_142 = tpu.memref_slice %arg9[%add3A_78, %dma_start3A] : memref<40x128xi32, #tpu.memory_space<vmem>> -> memref<1x128xi32, #tpu.memory_space<vmem>>
            %dma_start3A_143 = tpu.memref_squeeze %dma_start3A_142 : memref<1x128xi32, #tpu.memory_space<vmem>> -> memref<128xi32, #tpu.memory_space<vmem>>
            %dma_start3A_144 = arith.constant 0 : i32
            %dma_start3A_145 = arith.constant 0 : i32
            %dma_start3A_146 = tpu.memref_slice %arg2[%dma_start3A_144, %dma_start3A_145] : memref<50048x32xf32, #tpu.memory_space<hbm>> -> memref<50048x32xf32, #tpu.memory_space<hbm>>
            tpu.enqueue_indirect_dma source(%dma_start3A_146 : memref<50048x32xf32, #tpu.memory_space<hbm>>) target(%arg11 : memref<128x32xf32, #tpu.memory_space<vmem>>) offsets(%dma_start3A_143 : memref<128xi32, #tpu.memory_space<vmem>>) semaphore(%arg15 : memref<!tpu.dma_semaphore, #tpu.memory_space<semaphore_mem>>)
          } else {
          }
          %eq3A_137 = arith.constant 1 : i32
          %eq3A_138 = arith.cmpi eq, %arg0, %eq3A_137 : i32
          %convert_element_type3A_139 = arith.extui %eq3A_138 : i1 to i32
          %cond3A_140 = arith.constant 0 : i32
          %cond3A_141 = arith.cmpi ne, %convert_element_type3A_139, %cond3A_140 : i32
          scf.if %cond3A_141 {
            %dma_start3A = arith.constant 0 : i32
            %dma_start3A_142 = tpu.memref_slice %arg9[%add3A_78, %dma_start3A] : memref<40x128xi32, #tpu.memory_space<vmem>> -> memref<1x128xi32, #tpu.memory_space<vmem>>
            %dma_start3A_143 = tpu.memref_squeeze %dma_start3A_142 : memref<1x128xi32, #tpu.memory_space<vmem>> -> memref<128xi32, #tpu.memory_space<vmem>>
            %dma_start3A_144 = arith.constant 0 : i32
            %dma_start3A_145 = arith.constant 0 : i32
            %dma_start3A_146 = tpu.memref_slice %arg3[%dma_start3A_144, %dma_start3A_145] : memref<50048x32xf32, #tpu.memory_space<hbm>> -> memref<50048x32xf32, #tpu.memory_space<hbm>>
            tpu.enqueue_indirect_dma source(%dma_start3A_146 : memref<50048x32xf32, #tpu.memory_space<hbm>>) target(%arg11 : memref<128x32xf32, #tpu.memory_space<vmem>>) offsets(%dma_start3A_143 : memref<128xi32, #tpu.memory_space<vmem>>) semaphore(%arg15 : memref<!tpu.dma_semaphore, #tpu.memory_space<semaphore_mem>>)
          } else {
          }
        } else {
        }
        %add3A_84 = arith.constant 1 : i32
        %add3A_85 = arith.addi %mul3A_57, %add3A_84 : i32
        %dma_wait3A_86 = arith.constant 0 : i32
        %dma_wait3A_87 = tpu.memref_slice %arg9[%add3A_85, %dma_wait3A_86] : memref<40x128xi32, #tpu.memory_space<vmem>> -> memref<1x128xi32, #tpu.memory_space<vmem>>
        %dma_wait3A_88 = tpu.memref_squeeze %dma_wait3A_87 : memref<1x128xi32, #tpu.memory_space<vmem>> -> memref<128xi32, #tpu.memory_space<vmem>>
        %dma_wait3A_89 = arith.constant 0 : i32
        %dma_wait3A_90 = arith.constant 0 : i32
        %dma_wait3A_91 = tpu.memref_slice %arg2[%dma_wait3A_89, %dma_wait3A_90] : memref<50048x32xf32, #tpu.memory_space<hbm>> -> memref<50048x32xf32, #tpu.memory_space<hbm>>
        tpu.wait_indirect_dma semaphore(%arg16 : memref<!tpu.dma_semaphore, #tpu.memory_space<semaphore_mem>>) src(%dma_wait3A_91 : memref<50048x32xf32, #tpu.memory_space<hbm>>) dst(%arg12 : memref<128x32xf32, #tpu.memory_space<vmem>>)
        %add3A_92 = arith.constant 1 : i32
        %add3A_93 = arith.addi %mul3A_57, %add3A_92 : i32
        "tpu.region"() ({
          %run_scoped3A = tpu.sem_alloc : memref<!tpu.dma_semaphore, #tpu.memory_space<semaphore_mem>>
          %dma_start3A = arith.constant 0 : i32
          %dma_start3A_132 = tpu.memref_slice %arg10[%add3A_93, %dma_start3A] : memref<40x128xi32, #tpu.memory_space<vmem>> -> memref<1x128xi32, #tpu.memory_space<vmem>>
          %dma_start3A_133 = tpu.memref_squeeze %dma_start3A_132 : memref<1x128xi32, #tpu.memory_space<vmem>> -> memref<128xi32, #tpu.memory_space<vmem>>
          %dma_start3A_134 = arith.constant 0 : i32
          %dma_start3A_135 = arith.constant 0 : i32
          %dma_start3A_136 = tpu.memref_slice %arg19[%dma_start3A_134, %dma_start3A_135] : memref<50048x32xf32, #tpu.memory_space<vmem_shared>> -> memref<50048x32xf32, #tpu.memory_space<vmem_shared>>
          tpu.enqueue_indirect_dma source(%arg12 : memref<128x32xf32, #tpu.memory_space<vmem>>) target(%dma_start3A_136 : memref<50048x32xf32, #tpu.memory_space<vmem_shared>>) offsets(%dma_start3A_133 : memref<128xi32, #tpu.memory_space<vmem>>) semaphore(%run_scoped3A : memref<!tpu.dma_semaphore, #tpu.memory_space<semaphore_mem>>) {add = true}
          %dma_wait3A_137 = arith.constant 0 : i32
          %dma_wait3A_138 = tpu.memref_slice %arg10[%add3A_93, %dma_wait3A_137] : memref<40x128xi32, #tpu.memory_space<vmem>> -> memref<1x128xi32, #tpu.memory_space<vmem>>
          %dma_wait3A_139 = tpu.memref_squeeze %dma_wait3A_138 : memref<1x128xi32, #tpu.memory_space<vmem>> -> memref<128xi32, #tpu.memory_space<vmem>>
          %dma_wait3A_140 = arith.constant 0 : i32
          %dma_wait3A_141 = arith.constant 0 : i32
          %dma_wait3A_142 = tpu.memref_slice %arg19[%dma_wait3A_140, %dma_wait3A_141] : memref<50048x32xf32, #tpu.memory_space<vmem_shared>> -> memref<50048x32xf32, #tpu.memory_space<vmem_shared>>
          tpu.wait_indirect_dma semaphore(%run_scoped3A : memref<!tpu.dma_semaphore, #tpu.memory_space<semaphore_mem>>) src(%arg12 : memref<128x32xf32, #tpu.memory_space<vmem>>) dst(%dma_wait3A_142 : memref<50048x32xf32, #tpu.memory_space<vmem_shared>>)
          tpu.yield
        }) : () -> ()
        %add3A_94 = arith.constant 2 : i32
        %add3A_95 = arith.addi %mul3A_57, %add3A_94 : i32
        %add3A_96 = arith.constant 3 : i32
        %add3A_97 = arith.addi %add3A_95, %add3A_96 : i32
        %lt3A_98 = arith.constant 40 : i32
        %lt3A_99 = arith.cmpi slt, %add3A_97, %lt3A_98 : i32
        %convert_element_type3A_100 = arith.extui %lt3A_99 : i1 to i32
        %cond3A_101 = arith.constant 0 : i32
        %cond3A_102 = arith.cmpi ne, %convert_element_type3A_100, %cond3A_101 : i32
        scf.if %cond3A_102 {
          %eq3A_132 = arith.constant 0 : i32
          %eq3A_133 = arith.cmpi eq, %arg0, %eq3A_132 : i32
          %convert_element_type3A_134 = arith.extui %eq3A_133 : i1 to i32
          %cond3A_135 = arith.constant 0 : i32
          %cond3A_136 = arith.cmpi ne, %convert_element_type3A_134, %cond3A_135 : i32
          scf.if %cond3A_136 {
            %dma_start3A = arith.constant 0 : i32
            %dma_start3A_142 = tpu.memref_slice %arg9[%add3A_97, %dma_start3A] : memref<40x128xi32, #tpu.memory_space<vmem>> -> memref<1x128xi32, #tpu.memory_space<vmem>>
            %dma_start3A_143 = tpu.memref_squeeze %dma_start3A_142 : memref<1x128xi32, #tpu.memory_space<vmem>> -> memref<128xi32, #tpu.memory_space<vmem>>
            %dma_start3A_144 = arith.constant 0 : i32
            %dma_start3A_145 = arith.constant 0 : i32
            %dma_start3A_146 = tpu.memref_slice %arg2[%dma_start3A_144, %dma_start3A_145] : memref<50048x32xf32, #tpu.memory_space<hbm>> -> memref<50048x32xf32, #tpu.memory_space<hbm>>
            tpu.enqueue_indirect_dma source(%dma_start3A_146 : memref<50048x32xf32, #tpu.memory_space<hbm>>) target(%arg12 : memref<128x32xf32, #tpu.memory_space<vmem>>) offsets(%dma_start3A_143 : memref<128xi32, #tpu.memory_space<vmem>>) semaphore(%arg16 : memref<!tpu.dma_semaphore, #tpu.memory_space<semaphore_mem>>)
          } else {
          }
          %eq3A_137 = arith.constant 1 : i32
          %eq3A_138 = arith.cmpi eq, %arg0, %eq3A_137 : i32
          %convert_element_type3A_139 = arith.extui %eq3A_138 : i1 to i32
          %cond3A_140 = arith.constant 0 : i32
          %cond3A_141 = arith.cmpi ne, %convert_element_type3A_139, %cond3A_140 : i32
          scf.if %cond3A_141 {
            %dma_start3A = arith.constant 0 : i32
            %dma_start3A_142 = tpu.memref_slice %arg9[%add3A_97, %dma_start3A] : memref<40x128xi32, #tpu.memory_space<vmem>> -> memref<1x128xi32, #tpu.memory_space<vmem>>
            %dma_start3A_143 = tpu.memref_squeeze %dma_start3A_142 : memref<1x128xi32, #tpu.memory_space<vmem>> -> memref<128xi32, #tpu.memory_space<vmem>>
            %dma_start3A_144 = arith.constant 0 : i32
            %dma_start3A_145 = arith.constant 0 : i32
            %dma_start3A_146 = tpu.memref_slice %arg3[%dma_start3A_144, %dma_start3A_145] : memref<50048x32xf32, #tpu.memory_space<hbm>> -> memref<50048x32xf32, #tpu.memory_space<hbm>>
            tpu.enqueue_indirect_dma source(%dma_start3A_146 : memref<50048x32xf32, #tpu.memory_space<hbm>>) target(%arg12 : memref<128x32xf32, #tpu.memory_space<vmem>>) offsets(%dma_start3A_143 : memref<128xi32, #tpu.memory_space<vmem>>) semaphore(%arg16 : memref<!tpu.dma_semaphore, #tpu.memory_space<semaphore_mem>>)
          } else {
          }
        } else {
        }
        %add3A_103 = arith.constant 2 : i32
        %add3A_104 = arith.addi %mul3A_57, %add3A_103 : i32
        %dma_wait3A_105 = arith.constant 0 : i32
        %dma_wait3A_106 = tpu.memref_slice %arg9[%add3A_104, %dma_wait3A_105] : memref<40x128xi32, #tpu.memory_space<vmem>> -> memref<1x128xi32, #tpu.memory_space<vmem>>
        %dma_wait3A_107 = tpu.memref_squeeze %dma_wait3A_106 : memref<1x128xi32, #tpu.memory_space<vmem>> -> memref<128xi32, #tpu.memory_space<vmem>>
        %dma_wait3A_108 = arith.constant 0 : i32
        %dma_wait3A_109 = arith.constant 0 : i32
        %dma_wait3A_110 = tpu.memref_slice %arg2[%dma_wait3A_108, %dma_wait3A_109] : memref<50048x32xf32, #tpu.memory_space<hbm>> -> memref<50048x32xf32, #tpu.memory_space<hbm>>
        tpu.wait_indirect_dma semaphore(%arg17 : memref<!tpu.dma_semaphore, #tpu.memory_space<semaphore_mem>>) src(%dma_wait3A_110 : memref<50048x32xf32, #tpu.memory_space<hbm>>) dst(%arg13 : memref<128x32xf32, #tpu.memory_space<vmem>>)
        %add3A_111 = arith.constant 2 : i32
        %add3A_112 = arith.addi %mul3A_57, %add3A_111 : i32
        "tpu.region"() ({
          %run_scoped3A = tpu.sem_alloc : memref<!tpu.dma_semaphore, #tpu.memory_space<semaphore_mem>>
          %dma_start3A = arith.constant 0 : i32
          %dma_start3A_132 = tpu.memref_slice %arg10[%add3A_112, %dma_start3A] : memref<40x128xi32, #tpu.memory_space<vmem>> -> memref<1x128xi32, #tpu.memory_space<vmem>>
          %dma_start3A_133 = tpu.memref_squeeze %dma_start3A_132 : memref<1x128xi32, #tpu.memory_space<vmem>> -> memref<128xi32, #tpu.memory_space<vmem>>
          %dma_start3A_134 = arith.constant 0 : i32
          %dma_start3A_135 = arith.constant 0 : i32
          %dma_start3A_136 = tpu.memref_slice %arg19[%dma_start3A_134, %dma_start3A_135] : memref<50048x32xf32, #tpu.memory_space<vmem_shared>> -> memref<50048x32xf32, #tpu.memory_space<vmem_shared>>
          tpu.enqueue_indirect_dma source(%arg13 : memref<128x32xf32, #tpu.memory_space<vmem>>) target(%dma_start3A_136 : memref<50048x32xf32, #tpu.memory_space<vmem_shared>>) offsets(%dma_start3A_133 : memref<128xi32, #tpu.memory_space<vmem>>) semaphore(%run_scoped3A : memref<!tpu.dma_semaphore, #tpu.memory_space<semaphore_mem>>) {add = true}
          %dma_wait3A_137 = arith.constant 0 : i32
          %dma_wait3A_138 = tpu.memref_slice %arg10[%add3A_112, %dma_wait3A_137] : memref<40x128xi32, #tpu.memory_space<vmem>> -> memref<1x128xi32, #tpu.memory_space<vmem>>
          %dma_wait3A_139 = tpu.memref_squeeze %dma_wait3A_138 : memref<1x128xi32, #tpu.memory_space<vmem>> -> memref<128xi32, #tpu.memory_space<vmem>>
          %dma_wait3A_140 = arith.constant 0 : i32
          %dma_wait3A_141 = arith.constant 0 : i32
          %dma_wait3A_142 = tpu.memref_slice %arg19[%dma_wait3A_140, %dma_wait3A_141] : memref<50048x32xf32, #tpu.memory_space<vmem_shared>> -> memref<50048x32xf32, #tpu.memory_space<vmem_shared>>
          tpu.wait_indirect_dma semaphore(%run_scoped3A : memref<!tpu.dma_semaphore, #tpu.memory_space<semaphore_mem>>) src(%arg13 : memref<128x32xf32, #tpu.memory_space<vmem>>) dst(%dma_wait3A_142 : memref<50048x32xf32, #tpu.memory_space<vmem_shared>>)
          tpu.yield
        }) : () -> ()
        %add3A_113 = arith.constant 3 : i32
        %add3A_114 = arith.addi %mul3A_57, %add3A_113 : i32
        %add3A_115 = arith.constant 3 : i32
        %add3A_116 = arith.addi %add3A_114, %add3A_115 : i32
        %lt3A_117 = arith.constant 40 : i32
        %lt3A_118 = arith.cmpi slt, %add3A_116, %lt3A_117 : i32
        %convert_element_type3A_119 = arith.extui %lt3A_118 : i1 to i32
        %cond3A_120 = arith.constant 0 : i32
        %cond3A_121 = arith.cmpi ne, %convert_element_type3A_119, %cond3A_120 : i32
        scf.if %cond3A_121 {
          %eq3A_132 = arith.constant 0 : i32
          %eq3A_133 = arith.cmpi eq, %arg0, %eq3A_132 : i32
          %convert_element_type3A_134 = arith.extui %eq3A_133 : i1 to i32
          %cond3A_135 = arith.constant 0 : i32
          %cond3A_136 = arith.cmpi ne, %convert_element_type3A_134, %cond3A_135 : i32
          scf.if %cond3A_136 {
            %dma_start3A = arith.constant 0 : i32
            %dma_start3A_142 = tpu.memref_slice %arg9[%add3A_116, %dma_start3A] : memref<40x128xi32, #tpu.memory_space<vmem>> -> memref<1x128xi32, #tpu.memory_space<vmem>>
            %dma_start3A_143 = tpu.memref_squeeze %dma_start3A_142 : memref<1x128xi32, #tpu.memory_space<vmem>> -> memref<128xi32, #tpu.memory_space<vmem>>
            %dma_start3A_144 = arith.constant 0 : i32
            %dma_start3A_145 = arith.constant 0 : i32
            %dma_start3A_146 = tpu.memref_slice %arg2[%dma_start3A_144, %dma_start3A_145] : memref<50048x32xf32, #tpu.memory_space<hbm>> -> memref<50048x32xf32, #tpu.memory_space<hbm>>
            tpu.enqueue_indirect_dma source(%dma_start3A_146 : memref<50048x32xf32, #tpu.memory_space<hbm>>) target(%arg13 : memref<128x32xf32, #tpu.memory_space<vmem>>) offsets(%dma_start3A_143 : memref<128xi32, #tpu.memory_space<vmem>>) semaphore(%arg17 : memref<!tpu.dma_semaphore, #tpu.memory_space<semaphore_mem>>)
          } else {
          }
          %eq3A_137 = arith.constant 1 : i32
          %eq3A_138 = arith.cmpi eq, %arg0, %eq3A_137 : i32
          %convert_element_type3A_139 = arith.extui %eq3A_138 : i1 to i32
          %cond3A_140 = arith.constant 0 : i32
          %cond3A_141 = arith.cmpi ne, %convert_element_type3A_139, %cond3A_140 : i32
          scf.if %cond3A_141 {
            %dma_start3A = arith.constant 0 : i32
            %dma_start3A_142 = tpu.memref_slice %arg9[%add3A_116, %dma_start3A] : memref<40x128xi32, #tpu.memory_space<vmem>> -> memref<1x128xi32, #tpu.memory_space<vmem>>
            %dma_start3A_143 = tpu.memref_squeeze %dma_start3A_142 : memref<1x128xi32, #tpu.memory_space<vmem>> -> memref<128xi32, #tpu.memory_space<vmem>>
            %dma_start3A_144 = arith.constant 0 : i32
            %dma_start3A_145 = arith.constant 0 : i32
            %dma_start3A_146 = tpu.memref_slice %arg3[%dma_start3A_144, %dma_start3A_145] : memref<50048x32xf32, #tpu.memory_space<hbm>> -> memref<50048x32xf32, #tpu.memory_space<hbm>>
            tpu.enqueue_indirect_dma source(%dma_start3A_146 : memref<50048x32xf32, #tpu.memory_space<hbm>>) target(%arg13 : memref<128x32xf32, #tpu.memory_space<vmem>>) offsets(%dma_start3A_143 : memref<128xi32, #tpu.memory_space<vmem>>) semaphore(%arg17 : memref<!tpu.dma_semaphore, #tpu.memory_space<semaphore_mem>>)
          } else {
          }
        } else {
        }
        %add3A_122 = arith.constant 3 : i32
        %add3A_123 = arith.addi %mul3A_57, %add3A_122 : i32
        %dma_wait3A_124 = arith.constant 0 : i32
        %dma_wait3A_125 = tpu.memref_slice %arg9[%add3A_123, %dma_wait3A_124] : memref<40x128xi32, #tpu.memory_space<vmem>> -> memref<1x128xi32, #tpu.memory_space<vmem>>
        %dma_wait3A_126 = tpu.memref_squeeze %dma_wait3A_125 : memref<1x128xi32, #tpu.memory_space<vmem>> -> memref<128xi32, #tpu.memory_space<vmem>>
        %dma_wait3A_127 = arith.constant 0 : i32
        %dma_wait3A_128 = arith.constant 0 : i32
        %dma_wait3A_129 = tpu.memref_slice %arg2[%dma_wait3A_127, %dma_wait3A_128] : memref<50048x32xf32, #tpu.memory_space<hbm>> -> memref<50048x32xf32, #tpu.memory_space<hbm>>
        tpu.wait_indirect_dma semaphore(%arg18 : memref<!tpu.dma_semaphore, #tpu.memory_space<semaphore_mem>>) src(%dma_wait3A_129 : memref<50048x32xf32, #tpu.memory_space<hbm>>) dst(%arg14 : memref<128x32xf32, #tpu.memory_space<vmem>>)
        %add3A_130 = arith.constant 3 : i32
        %add3A_131 = arith.addi %mul3A_57, %add3A_130 : i32
        "tpu.region"() ({
          %run_scoped3A = tpu.sem_alloc : memref<!tpu.dma_semaphore, #tpu.memory_space<semaphore_mem>>
          %dma_start3A = arith.constant 0 : i32
          %dma_start3A_132 = tpu.memref_slice %arg10[%add3A_131, %dma_start3A] : memref<40x128xi32, #tpu.memory_space<vmem>> -> memref<1x128xi32, #tpu.memory_space<vmem>>
          %dma_start3A_133 = tpu.memref_squeeze %dma_start3A_132 : memref<1x128xi32, #tpu.memory_space<vmem>> -> memref<128xi32, #tpu.memory_space<vmem>>
          %dma_start3A_134 = arith.constant 0 : i32
          %dma_start3A_135 = arith.constant 0 : i32
          %dma_start3A_136 = tpu.memref_slice %arg19[%dma_start3A_134, %dma_start3A_135] : memref<50048x32xf32, #tpu.memory_space<vmem_shared>> -> memref<50048x32xf32, #tpu.memory_space<vmem_shared>>
          tpu.enqueue_indirect_dma source(%arg14 : memref<128x32xf32, #tpu.memory_space<vmem>>) target(%dma_start3A_136 : memref<50048x32xf32, #tpu.memory_space<vmem_shared>>) offsets(%dma_start3A_133 : memref<128xi32, #tpu.memory_space<vmem>>) semaphore(%run_scoped3A : memref<!tpu.dma_semaphore, #tpu.memory_space<semaphore_mem>>) {add = true}
          %dma_wait3A_137 = arith.constant 0 : i32
          %dma_wait3A_138 = tpu.memref_slice %arg10[%add3A_131, %dma_wait3A_137] : memref<40x128xi32, #tpu.memory_space<vmem>> -> memref<1x128xi32, #tpu.memory_space<vmem>>
          %dma_wait3A_139 = tpu.memref_squeeze %dma_wait3A_138 : memref<1x128xi32, #tpu.memory_space<vmem>> -> memref<128xi32, #tpu.memory_space<vmem>>
          %dma_wait3A_140 = arith.constant 0 : i32
          %dma_wait3A_141 = arith.constant 0 : i32
          %dma_wait3A_142 = tpu.memref_slice %arg19[%dma_wait3A_140, %dma_wait3A_141] : memref<50048x32xf32, #tpu.memory_space<vmem_shared>> -> memref<50048x32xf32, #tpu.memory_space<vmem_shared>>
          tpu.wait_indirect_dma semaphore(%run_scoped3A : memref<!tpu.dma_semaphore, #tpu.memory_space<semaphore_mem>>) src(%arg14 : memref<128x32xf32, #tpu.memory_space<vmem>>) dst(%dma_wait3A_142 : memref<50048x32xf32, #tpu.memory_space<vmem_shared>>)
          tpu.yield
        }) : () -> ()
      }
      %scan3A_54 = arith.constant 10 : i32
    }
    %scan3A_5 = arith.constant 10 : i32
    %barrier3A_6 = arith.constant 0 : index
    tpu.barrier barrier_id(%barrier3A_6)
    %eq3A = arith.constant 0 : i32
    %eq3A_7 = arith.cmpi eq, %arg0, %eq3A : i32
    %convert_element_type3A = arith.extui %eq3A_7 : i1 to i32
    %cond3A = arith.constant 0 : i32
    %cond3A_8 = arith.cmpi ne, %convert_element_type3A, %cond3A : i32
    scf.if %cond3A_8 {
      %mul3A_14 = arith.constant 3128 : i32
      %mul3A_15 = arith.muli %arg1, %mul3A_14 : i32
      %mul3A_16 = arith.constant 3128 : i32
      %mul3A_17 = arith.muli %arg1, %mul3A_16 : i32
      "tpu.region"() ({
        %run_scoped3A = tpu.sem_alloc : memref<!tpu.dma_semaphore, #tpu.memory_space<semaphore_mem>>
        %dma_start3A = arith.constant 0 : i32
        %dma_start3A_18 = tpu.memref_slice %arg7[%mul3A_17, %dma_start3A] : memref<50048x32xf32, #tpu.memory_space<hbm>> -> memref<3128x32xf32, #tpu.memory_space<hbm>>
        %dma_start3A_19 = arith.constant 0 : i32
        %dma_start3A_20 = tpu.memref_slice %arg19[%mul3A_15, %dma_start3A_19] : memref<50048x32xf32, #tpu.memory_space<vmem_shared>> -> memref<3128x32xf32, #tpu.memory_space<vmem_shared>>
        tpu.enqueue_dma source(%dma_start3A_20 : memref<3128x32xf32, #tpu.memory_space<vmem_shared>>) target(%dma_start3A_18 : memref<3128x32xf32, #tpu.memory_space<hbm>>) target_semaphore(%run_scoped3A : memref<!tpu.dma_semaphore, #tpu.memory_space<semaphore_mem>>)
        %dma_wait3A = arith.constant 0 : i32
        %dma_wait3A_21 = tpu.memref_slice %arg7[%mul3A_17, %dma_wait3A] : memref<50048x32xf32, #tpu.memory_space<hbm>> -> memref<3128x32xf32, #tpu.memory_space<hbm>>
        %dma_wait3A_22 = arith.constant 0 : i32
        %dma_wait3A_23 = tpu.memref_slice %arg19[%mul3A_15, %dma_wait3A_22] : memref<50048x32xf32, #tpu.memory_space<vmem_shared>> -> memref<3128x32xf32, #tpu.memory_space<vmem_shared>>
        tpu.wait_dma2 semaphore(%run_scoped3A : memref<!tpu.dma_semaphore, #tpu.memory_space<semaphore_mem>>) src(%dma_wait3A_23 : memref<3128x32xf32, #tpu.memory_space<vmem_shared>>) dst(%dma_wait3A_21 : memref<3128x32xf32, #tpu.memory_space<hbm>>)
        tpu.yield
      }) : () -> ()
    } else {
    }
    %eq3A_9 = arith.constant 1 : i32
    %eq3A_10 = arith.cmpi eq, %arg0, %eq3A_9 : i32
    %convert_element_type3A_11 = arith.extui %eq3A_10 : i1 to i32
    %cond3A_12 = arith.constant 0 : i32
    %cond3A_13 = arith.cmpi ne, %convert_element_type3A_11, %cond3A_12 : i32
    scf.if %cond3A_13 {
      %mul3A_14 = arith.constant 3128 : i32
      %mul3A_15 = arith.muli %arg1, %mul3A_14 : i32
      %mul3A_16 = arith.constant 3128 : i32
      %mul3A_17 = arith.muli %arg1, %mul3A_16 : i32
      "tpu.region"() ({
        %run_scoped3A = tpu.sem_alloc : memref<!tpu.dma_semaphore, #tpu.memory_space<semaphore_mem>>
        %dma_start3A = arith.constant 0 : i32
        %dma_start3A_18 = tpu.memref_slice %arg8[%mul3A_17, %dma_start3A] : memref<50048x32xf32, #tpu.memory_space<hbm>> -> memref<3128x32xf32, #tpu.memory_space<hbm>>
        %dma_start3A_19 = arith.constant 0 : i32
        %dma_start3A_20 = tpu.memref_slice %arg19[%mul3A_15, %dma_start3A_19] : memref<50048x32xf32, #tpu.memory_space<vmem_shared>> -> memref<3128x32xf32, #tpu.memory_space<vmem_shared>>
        tpu.enqueue_dma source(%dma_start3A_20 : memref<3128x32xf32, #tpu.memory_space<vmem_shared>>) target(%dma_start3A_18 : memref<3128x32xf32, #tpu.memory_space<hbm>>) target_semaphore(%run_scoped3A : memref<!tpu.dma_semaphore, #tpu.memory_space<semaphore_mem>>)
        %dma_wait3A = arith.constant 0 : i32
        %dma_wait3A_21 = tpu.memref_slice %arg8[%mul3A_17, %dma_wait3A] : memref<50048x32xf32, #tpu.memory_space<hbm>> -> memref<3128x32xf32, #tpu.memory_space<hbm>>
        %dma_wait3A_22 = arith.constant 0 : i32
        %dma_wait3A_23 = tpu.memref_slice %arg19[%mul3A_15, %dma_wait3A_22] : memref<50048x32xf32, #tpu.memory_space<vmem_shared>> -> memref<3128x32xf32, #tpu.memory_space<vmem_shared>>
        tpu.wait_dma2 semaphore(%run_scoped3A : memref<!tpu.dma_semaphore, #tpu.memory_space<semaphore_mem>>) src(%dma_wait3A_23 : memref<3128x32xf32, #tpu.memory_space<vmem_shared>>) dst(%dma_wait3A_21 : memref<3128x32xf32, #tpu.memory_space<hbm>>)
        tpu.yield
      }) : () -> ()
    } else {
    }
    return
  }
}

#map = affine_map<(d0, d1) -> (0, 0)>
module attributes {stable_mosaic.version = 14 : i64} {
  func.func @deg_kernel(%arg0: i32, %arg1: i32, %arg2: memref<6400x128xi32, #tpu.memory_space<hbm>>, %arg3: memref<6400x128xi32, #tpu.memory_space<hbm>>, %arg4: memref<3128x8xf32, #tpu.memory_space<hbm>>, %arg5: memref<128x8xf32, #tpu.memory_space<hbm>>, %arg6: memref<50048x8xf32, #tpu.memory_space<hbm>>, %arg7: memref<50048x8xf32, #tpu.memory_space<hbm>>, %arg8: memref<40x128xi32, #tpu.memory_space<vmem>>, %arg9: memref<128x8xf32, #tpu.memory_space<vmem>>, %arg10: memref<50048x8xf32, #tpu.memory_space<vmem_shared>>, %arg11: memref<!tpu.dma_semaphore, #tpu.memory_space<semaphore_mem>>) attributes {dimension_semantics = [#tpu.dimension_semantics<core_parallel>, #tpu.dimension_semantics<subcore_parallel>], iteration_bounds = array<i64: 2, 16>, scalar_prefetch = 0 : i64, scratch_operands = 4 : i64, tpu.core_type = #tpu.core_type<sc_vector_subcore>, window_params = [{transform_indices = #map}, {transform_indices = #map}, {transform_indices = #map}, {transform_indices = #map}, {transform_indices = #map}, {transform_indices = #map}]} {
    %mul3A = arith.constant 3128 : i32
    %mul3A_0 = arith.muli %arg1, %mul3A : i32
    "tpu.region"() ({
      %run_scoped3A = tpu.sem_alloc : memref<!tpu.dma_semaphore, #tpu.memory_space<semaphore_mem>>
      %dma_start3A = arith.constant 0 : i32
      %dma_start3A_14 = tpu.memref_slice %arg10[%mul3A_0, %dma_start3A] : memref<50048x8xf32, #tpu.memory_space<vmem_shared>> -> memref<3128x8xf32, #tpu.memory_space<vmem_shared>>
      tpu.enqueue_dma source(%arg4 : memref<3128x8xf32, #tpu.memory_space<hbm>>) target(%dma_start3A_14 : memref<3128x8xf32, #tpu.memory_space<vmem_shared>>) target_semaphore(%run_scoped3A : memref<!tpu.dma_semaphore, #tpu.memory_space<semaphore_mem>>)
      %dma_wait3A = arith.constant 0 : i32
      %dma_wait3A_15 = tpu.memref_slice %arg10[%mul3A_0, %dma_wait3A] : memref<50048x8xf32, #tpu.memory_space<vmem_shared>> -> memref<3128x8xf32, #tpu.memory_space<vmem_shared>>
      tpu.wait_dma2 semaphore(%run_scoped3A : memref<!tpu.dma_semaphore, #tpu.memory_space<semaphore_mem>>) src(%arg4 : memref<3128x8xf32, #tpu.memory_space<hbm>>) dst(%dma_wait3A_15 : memref<3128x8xf32, #tpu.memory_space<vmem_shared>>)
      tpu.yield
    }) : () -> ()
    "tpu.region"() ({
      %run_scoped3A = tpu.sem_alloc : memref<!tpu.dma_semaphore, #tpu.memory_space<semaphore_mem>>
      tpu.enqueue_dma source(%arg5 : memref<128x8xf32, #tpu.memory_space<hbm>>) target(%arg9 : memref<128x8xf32, #tpu.memory_space<vmem>>) target_semaphore(%run_scoped3A : memref<!tpu.dma_semaphore, #tpu.memory_space<semaphore_mem>>)
      tpu.wait_dma2 semaphore(%run_scoped3A : memref<!tpu.dma_semaphore, #tpu.memory_space<semaphore_mem>>) src(%arg5 : memref<128x8xf32, #tpu.memory_space<hbm>>) dst(%arg9 : memref<128x8xf32, #tpu.memory_space<vmem>>)
      tpu.yield
    }) : () -> ()
    %barrier3A = arith.constant 0 : index
    tpu.barrier barrier_id(%barrier3A)
    %scan3A = arith.constant 0 : i32
    %scan3A_1 = arith.constant 0 : i32
    %scan3A_2 = arith.constant 10 : i32
    %scan3A_3 = arith.addi %scan3A_1, %scan3A_2 : i32
    %scan3A_4 = arith.constant 1 : i32
    scf.for %scan3A_14 = %scan3A_1 to %scan3A_3 step %scan3A_4  : i32 {
      %mul3A_15 = arith.constant 400 : i32
      %mul3A_16 = arith.muli %arg1, %mul3A_15 : i32
      %mul3A_17 = arith.constant 40 : i32
      %mul3A_18 = arith.muli %scan3A_14, %mul3A_17 : i32
      %add3A = arith.addi %mul3A_16, %mul3A_18 : i32
      %eq3A_19 = arith.constant 0 : i32
      %eq3A_20 = arith.cmpi eq, %arg0, %eq3A_19 : i32
      %convert_element_type3A_21 = arith.extui %eq3A_20 : i1 to i32
      %cond3A_22 = arith.constant 0 : i32
      %cond3A_23 = arith.cmpi ne, %convert_element_type3A_21, %cond3A_22 : i32
      scf.if %cond3A_23 {
        "tpu.region"() ({
          %run_scoped3A = tpu.sem_alloc : memref<!tpu.dma_semaphore, #tpu.memory_space<semaphore_mem>>
          %dma_start3A_89 = arith.constant 0 : i32
          %dma_start3A_90 = tpu.memref_slice %arg2[%add3A, %dma_start3A_89] : memref<6400x128xi32, #tpu.memory_space<hbm>> -> memref<40x128xi32, #tpu.memory_space<hbm>>
          %dma_start3A_91 = arith.constant 0 : i32
          %dma_start3A_92 = tpu.memref_slice %arg2[%add3A, %dma_start3A_91] : memref<6400x128xi32, #tpu.memory_space<hbm>> -> memref<40x128xi32, #tpu.memory_space<hbm>>
          tpu.enqueue_dma source(%dma_start3A_92 : memref<40x128xi32, #tpu.memory_space<hbm>>) target(%arg8 : memref<40x128xi32, #tpu.memory_space<vmem>>) target_semaphore(%run_scoped3A : memref<!tpu.dma_semaphore, #tpu.memory_space<semaphore_mem>>)
          %dma_wait3A_93 = arith.constant 0 : i32
          %dma_wait3A_94 = tpu.memref_slice %arg2[%add3A, %dma_wait3A_93] : memref<6400x128xi32, #tpu.memory_space<hbm>> -> memref<40x128xi32, #tpu.memory_space<hbm>>
          %dma_wait3A_95 = arith.constant 0 : i32
          %dma_wait3A_96 = tpu.memref_slice %arg2[%add3A, %dma_wait3A_95] : memref<6400x128xi32, #tpu.memory_space<hbm>> -> memref<40x128xi32, #tpu.memory_space<hbm>>
          tpu.wait_dma2 semaphore(%run_scoped3A : memref<!tpu.dma_semaphore, #tpu.memory_space<semaphore_mem>>) src(%dma_wait3A_96 : memref<40x128xi32, #tpu.memory_space<hbm>>) dst(%arg8 : memref<40x128xi32, #tpu.memory_space<vmem>>)
          tpu.yield
        }) : () -> ()
      } else {
      }
      %eq3A_24 = arith.constant 1 : i32
      %eq3A_25 = arith.cmpi eq, %arg0, %eq3A_24 : i32
      %convert_element_type3A_26 = arith.extui %eq3A_25 : i1 to i32
      %cond3A_27 = arith.constant 0 : i32
      %cond3A_28 = arith.cmpi ne, %convert_element_type3A_26, %cond3A_27 : i32
      scf.if %cond3A_28 {
        "tpu.region"() ({
          %run_scoped3A = tpu.sem_alloc : memref<!tpu.dma_semaphore, #tpu.memory_space<semaphore_mem>>
          %dma_start3A_89 = arith.constant 0 : i32
          %dma_start3A_90 = tpu.memref_slice %arg3[%add3A, %dma_start3A_89] : memref<6400x128xi32, #tpu.memory_space<hbm>> -> memref<40x128xi32, #tpu.memory_space<hbm>>
          %dma_start3A_91 = arith.constant 0 : i32
          %dma_start3A_92 = tpu.memref_slice %arg3[%add3A, %dma_start3A_91] : memref<6400x128xi32, #tpu.memory_space<hbm>> -> memref<40x128xi32, #tpu.memory_space<hbm>>
          tpu.enqueue_dma source(%dma_start3A_92 : memref<40x128xi32, #tpu.memory_space<hbm>>) target(%arg8 : memref<40x128xi32, #tpu.memory_space<vmem>>) target_semaphore(%run_scoped3A : memref<!tpu.dma_semaphore, #tpu.memory_space<semaphore_mem>>)
          %dma_wait3A_93 = arith.constant 0 : i32
          %dma_wait3A_94 = tpu.memref_slice %arg3[%add3A, %dma_wait3A_93] : memref<6400x128xi32, #tpu.memory_space<hbm>> -> memref<40x128xi32, #tpu.memory_space<hbm>>
          %dma_wait3A_95 = arith.constant 0 : i32
          %dma_wait3A_96 = tpu.memref_slice %arg3[%add3A, %dma_wait3A_95] : memref<6400x128xi32, #tpu.memory_space<hbm>> -> memref<40x128xi32, #tpu.memory_space<hbm>>
          tpu.wait_dma2 semaphore(%run_scoped3A : memref<!tpu.dma_semaphore, #tpu.memory_space<semaphore_mem>>) src(%dma_wait3A_96 : memref<40x128xi32, #tpu.memory_space<hbm>>) dst(%arg8 : memref<40x128xi32, #tpu.memory_space<vmem>>)
          tpu.yield
        }) : () -> ()
      } else {
      }
      %dma_start3A = arith.constant 0 : i32
      %dma_start3A_29 = arith.constant 0 : i32
      %dma_start3A_30 = tpu.memref_slice %arg8[%dma_start3A, %dma_start3A_29] : memref<40x128xi32, #tpu.memory_space<vmem>> -> memref<1x128xi32, #tpu.memory_space<vmem>>
      %dma_start3A_31 = tpu.memref_squeeze %dma_start3A_30 : memref<1x128xi32, #tpu.memory_space<vmem>> -> memref<128xi32, #tpu.memory_space<vmem>>
      %dma_start3A_32 = arith.constant 0 : i32
      %dma_start3A_33 = arith.constant 0 : i32
      %dma_start3A_34 = tpu.memref_slice %arg10[%dma_start3A_32, %dma_start3A_33] : memref<50048x8xf32, #tpu.memory_space<vmem_shared>> -> memref<50048x8xf32, #tpu.memory_space<vmem_shared>>
      tpu.enqueue_indirect_dma source(%arg9 : memref<128x8xf32, #tpu.memory_space<vmem>>) target(%dma_start3A_34 : memref<50048x8xf32, #tpu.memory_space<vmem_shared>>) offsets(%dma_start3A_31 : memref<128xi32, #tpu.memory_space<vmem>>) semaphore(%arg11 : memref<!tpu.dma_semaphore, #tpu.memory_space<semaphore_mem>>) {add = true}
      %dma_start3A_35 = arith.constant 1 : i32
      %dma_start3A_36 = arith.constant 0 : i32
      %dma_start3A_37 = tpu.memref_slice %arg8[%dma_start3A_35, %dma_start3A_36] : memref<40x128xi32, #tpu.memory_space<vmem>> -> memref<1x128xi32, #tpu.memory_space<vmem>>
      %dma_start3A_38 = tpu.memref_squeeze %dma_start3A_37 : memref<1x128xi32, #tpu.memory_space<vmem>> -> memref<128xi32, #tpu.memory_space<vmem>>
      %dma_start3A_39 = arith.constant 0 : i32
      %dma_start3A_40 = arith.constant 0 : i32
      %dma_start3A_41 = tpu.memref_slice %arg10[%dma_start3A_39, %dma_start3A_40] : memref<50048x8xf32, #tpu.memory_space<vmem_shared>> -> memref<50048x8xf32, #tpu.memory_space<vmem_shared>>
      tpu.enqueue_indirect_dma source(%arg9 : memref<128x8xf32, #tpu.memory_space<vmem>>) target(%dma_start3A_41 : memref<50048x8xf32, #tpu.memory_space<vmem_shared>>) offsets(%dma_start3A_38 : memref<128xi32, #tpu.memory_space<vmem>>) semaphore(%arg11 : memref<!tpu.dma_semaphore, #tpu.memory_space<semaphore_mem>>) {add = true}
      %dma_start3A_42 = arith.constant 2 : i32
      %dma_start3A_43 = arith.constant 0 : i32
      %dma_start3A_44 = tpu.memref_slice %arg8[%dma_start3A_42, %dma_start3A_43] : memref<40x128xi32, #tpu.memory_space<vmem>> -> memref<1x128xi32, #tpu.memory_space<vmem>>
      %dma_start3A_45 = tpu.memref_squeeze %dma_start3A_44 : memref<1x128xi32, #tpu.memory_space<vmem>> -> memref<128xi32, #tpu.memory_space<vmem>>
      %dma_start3A_46 = arith.constant 0 : i32
      %dma_start3A_47 = arith.constant 0 : i32
      %dma_start3A_48 = tpu.memref_slice %arg10[%dma_start3A_46, %dma_start3A_47] : memref<50048x8xf32, #tpu.memory_space<vmem_shared>> -> memref<50048x8xf32, #tpu.memory_space<vmem_shared>>
      tpu.enqueue_indirect_dma source(%arg9 : memref<128x8xf32, #tpu.memory_space<vmem>>) target(%dma_start3A_48 : memref<50048x8xf32, #tpu.memory_space<vmem_shared>>) offsets(%dma_start3A_45 : memref<128xi32, #tpu.memory_space<vmem>>) semaphore(%arg11 : memref<!tpu.dma_semaphore, #tpu.memory_space<semaphore_mem>>) {add = true}
      %dma_start3A_49 = arith.constant 3 : i32
      %dma_start3A_50 = arith.constant 0 : i32
      %dma_start3A_51 = tpu.memref_slice %arg8[%dma_start3A_49, %dma_start3A_50] : memref<40x128xi32, #tpu.memory_space<vmem>> -> memref<1x128xi32, #tpu.memory_space<vmem>>
      %dma_start3A_52 = tpu.memref_squeeze %dma_start3A_51 : memref<1x128xi32, #tpu.memory_space<vmem>> -> memref<128xi32, #tpu.memory_space<vmem>>
      %dma_start3A_53 = arith.constant 0 : i32
      %dma_start3A_54 = arith.constant 0 : i32
      %dma_start3A_55 = tpu.memref_slice %arg10[%dma_start3A_53, %dma_start3A_54] : memref<50048x8xf32, #tpu.memory_space<vmem_shared>> -> memref<50048x8xf32, #tpu.memory_space<vmem_shared>>
      tpu.enqueue_indirect_dma source(%arg9 : memref<128x8xf32, #tpu.memory_space<vmem>>) target(%dma_start3A_55 : memref<50048x8xf32, #tpu.memory_space<vmem_shared>>) offsets(%dma_start3A_52 : memref<128xi32, #tpu.memory_space<vmem>>) semaphore(%arg11 : memref<!tpu.dma_semaphore, #tpu.memory_space<semaphore_mem>>) {add = true}
      %scan3A_56 = arith.constant 0 : i32
      %scan3A_57 = arith.constant 0 : i32
      %scan3A_58 = arith.constant 36 : i32
      %scan3A_59 = arith.addi %scan3A_57, %scan3A_58 : i32
      %scan3A_60 = arith.constant 1 : i32
      scf.for %scan3A_89 = %scan3A_57 to %scan3A_59 step %scan3A_60  : i32 {
        %add3A_90 = arith.constant 4 : i32
        %add3A_91 = arith.addi %scan3A_89, %add3A_90 : i32
        %dma_start3A_92 = arith.constant 0 : i32
        %dma_start3A_93 = tpu.memref_slice %arg8[%add3A_91, %dma_start3A_92] : memref<40x128xi32, #tpu.memory_space<vmem>> -> memref<1x128xi32, #tpu.memory_space<vmem>>
        %dma_start3A_94 = tpu.memref_squeeze %dma_start3A_93 : memref<1x128xi32, #tpu.memory_space<vmem>> -> memref<128xi32, #tpu.memory_space<vmem>>
        %dma_start3A_95 = arith.constant 0 : i32
        %dma_start3A_96 = arith.constant 0 : i32
        %dma_start3A_97 = tpu.memref_slice %arg10[%dma_start3A_95, %dma_start3A_96] : memref<50048x8xf32, #tpu.memory_space<vmem_shared>> -> memref<50048x8xf32, #tpu.memory_space<vmem_shared>>
        tpu.enqueue_indirect_dma source(%arg9 : memref<128x8xf32, #tpu.memory_space<vmem>>) target(%dma_start3A_97 : memref<50048x8xf32, #tpu.memory_space<vmem_shared>>) offsets(%dma_start3A_94 : memref<128xi32, #tpu.memory_space<vmem>>) semaphore(%arg11 : memref<!tpu.dma_semaphore, #tpu.memory_space<semaphore_mem>>) {add = true}
        %dma_wait3A_98 = arith.constant 0 : i32
        %dma_wait3A_99 = tpu.memref_slice %arg8[%scan3A_89, %dma_wait3A_98] : memref<40x128xi32, #tpu.memory_space<vmem>> -> memref<1x128xi32, #tpu.memory_space<vmem>>
        %dma_wait3A_100 = tpu.memref_squeeze %dma_wait3A_99 : memref<1x128xi32, #tpu.memory_space<vmem>> -> memref<128xi32, #tpu.memory_space<vmem>>
        %dma_wait3A_101 = arith.constant 0 : i32
        %dma_wait3A_102 = arith.constant 0 : i32
        %dma_wait3A_103 = tpu.memref_slice %arg10[%dma_wait3A_101, %dma_wait3A_102] : memref<50048x8xf32, #tpu.memory_space<vmem_shared>> -> memref<50048x8xf32, #tpu.memory_space<vmem_shared>>
        tpu.wait_indirect_dma semaphore(%arg11 : memref<!tpu.dma_semaphore, #tpu.memory_space<semaphore_mem>>) src(%arg9 : memref<128x8xf32, #tpu.memory_space<vmem>>) dst(%dma_wait3A_103 : memref<50048x8xf32, #tpu.memory_space<vmem_shared>>)
      }
      %scan3A_61 = arith.constant 36 : i32
      %dma_wait3A = arith.constant 36 : i32
      %dma_wait3A_62 = arith.constant 0 : i32
      %dma_wait3A_63 = tpu.memref_slice %arg8[%dma_wait3A, %dma_wait3A_62] : memref<40x128xi32, #tpu.memory_space<vmem>> -> memref<1x128xi32, #tpu.memory_space<vmem>>
      %dma_wait3A_64 = tpu.memref_squeeze %dma_wait3A_63 : memref<1x128xi32, #tpu.memory_space<vmem>> -> memref<128xi32, #tpu.memory_space<vmem>>
      %dma_wait3A_65 = arith.constant 0 : i32
      %dma_wait3A_66 = arith.constant 0 : i32
      %dma_wait3A_67 = tpu.memref_slice %arg10[%dma_wait3A_65, %dma_wait3A_66] : memref<50048x8xf32, #tpu.memory_space<vmem_shared>> -> memref<50048x8xf32, #tpu.memory_space<vmem_shared>>
      tpu.wait_indirect_dma semaphore(%arg11 : memref<!tpu.dma_semaphore, #tpu.memory_space<semaphore_mem>>) src(%arg9 : memref<128x8xf32, #tpu.memory_space<vmem>>) dst(%dma_wait3A_67 : memref<50048x8xf32, #tpu.memory_space<vmem_shared>>)
      %dma_wait3A_68 = arith.constant 37 : i32
      %dma_wait3A_69 = arith.constant 0 : i32
      %dma_wait3A_70 = tpu.memref_slice %arg8[%dma_wait3A_68, %dma_wait3A_69] : memref<40x128xi32, #tpu.memory_space<vmem>> -> memref<1x128xi32, #tpu.memory_space<vmem>>
      %dma_wait3A_71 = tpu.memref_squeeze %dma_wait3A_70 : memref<1x128xi32, #tpu.memory_space<vmem>> -> memref<128xi32, #tpu.memory_space<vmem>>
      %dma_wait3A_72 = arith.constant 0 : i32
      %dma_wait3A_73 = arith.constant 0 : i32
      %dma_wait3A_74 = tpu.memref_slice %arg10[%dma_wait3A_72, %dma_wait3A_73] : memref<50048x8xf32, #tpu.memory_space<vmem_shared>> -> memref<50048x8xf32, #tpu.memory_space<vmem_shared>>
      tpu.wait_indirect_dma semaphore(%arg11 : memref<!tpu.dma_semaphore, #tpu.memory_space<semaphore_mem>>) src(%arg9 : memref<128x8xf32, #tpu.memory_space<vmem>>) dst(%dma_wait3A_74 : memref<50048x8xf32, #tpu.memory_space<vmem_shared>>)
      %dma_wait3A_75 = arith.constant 38 : i32
      %dma_wait3A_76 = arith.constant 0 : i32
      %dma_wait3A_77 = tpu.memref_slice %arg8[%dma_wait3A_75, %dma_wait3A_76] : memref<40x128xi32, #tpu.memory_space<vmem>> -> memref<1x128xi32, #tpu.memory_space<vmem>>
      %dma_wait3A_78 = tpu.memref_squeeze %dma_wait3A_77 : memref<1x128xi32, #tpu.memory_space<vmem>> -> memref<128xi32, #tpu.memory_space<vmem>>
      %dma_wait3A_79 = arith.constant 0 : i32
      %dma_wait3A_80 = arith.constant 0 : i32
      %dma_wait3A_81 = tpu.memref_slice %arg10[%dma_wait3A_79, %dma_wait3A_80] : memref<50048x8xf32, #tpu.memory_space<vmem_shared>> -> memref<50048x8xf32, #tpu.memory_space<vmem_shared>>
      tpu.wait_indirect_dma semaphore(%arg11 : memref<!tpu.dma_semaphore, #tpu.memory_space<semaphore_mem>>) src(%arg9 : memref<128x8xf32, #tpu.memory_space<vmem>>) dst(%dma_wait3A_81 : memref<50048x8xf32, #tpu.memory_space<vmem_shared>>)
      %dma_wait3A_82 = arith.constant 39 : i32
      %dma_wait3A_83 = arith.constant 0 : i32
      %dma_wait3A_84 = tpu.memref_slice %arg8[%dma_wait3A_82, %dma_wait3A_83] : memref<40x128xi32, #tpu.memory_space<vmem>> -> memref<1x128xi32, #tpu.memory_space<vmem>>
      %dma_wait3A_85 = tpu.memref_squeeze %dma_wait3A_84 : memref<1x128xi32, #tpu.memory_space<vmem>> -> memref<128xi32, #tpu.memory_space<vmem>>
      %dma_wait3A_86 = arith.constant 0 : i32
      %dma_wait3A_87 = arith.constant 0 : i32
      %dma_wait3A_88 = tpu.memref_slice %arg10[%dma_wait3A_86, %dma_wait3A_87] : memref<50048x8xf32, #tpu.memory_space<vmem_shared>> -> memref<50048x8xf32, #tpu.memory_space<vmem_shared>>
      tpu.wait_indirect_dma semaphore(%arg11 : memref<!tpu.dma_semaphore, #tpu.memory_space<semaphore_mem>>) src(%arg9 : memref<128x8xf32, #tpu.memory_space<vmem>>) dst(%dma_wait3A_88 : memref<50048x8xf32, #tpu.memory_space<vmem_shared>>)
    }
    %scan3A_5 = arith.constant 10 : i32
    %barrier3A_6 = arith.constant 0 : index
    tpu.barrier barrier_id(%barrier3A_6)
    %eq3A = arith.constant 0 : i32
    %eq3A_7 = arith.cmpi eq, %arg0, %eq3A : i32
    %convert_element_type3A = arith.extui %eq3A_7 : i1 to i32
    %cond3A = arith.constant 0 : i32
    %cond3A_8 = arith.cmpi ne, %convert_element_type3A, %cond3A : i32
    scf.if %cond3A_8 {
      %mul3A_14 = arith.constant 3128 : i32
      %mul3A_15 = arith.muli %arg1, %mul3A_14 : i32
      %mul3A_16 = arith.constant 3128 : i32
      %mul3A_17 = arith.muli %arg1, %mul3A_16 : i32
      "tpu.region"() ({
        %run_scoped3A = tpu.sem_alloc : memref<!tpu.dma_semaphore, #tpu.memory_space<semaphore_mem>>
        %dma_start3A = arith.constant 0 : i32
        %dma_start3A_18 = tpu.memref_slice %arg6[%mul3A_17, %dma_start3A] : memref<50048x8xf32, #tpu.memory_space<hbm>> -> memref<3128x8xf32, #tpu.memory_space<hbm>>
        %dma_start3A_19 = arith.constant 0 : i32
        %dma_start3A_20 = tpu.memref_slice %arg10[%mul3A_15, %dma_start3A_19] : memref<50048x8xf32, #tpu.memory_space<vmem_shared>> -> memref<3128x8xf32, #tpu.memory_space<vmem_shared>>
        tpu.enqueue_dma source(%dma_start3A_20 : memref<3128x8xf32, #tpu.memory_space<vmem_shared>>) target(%dma_start3A_18 : memref<3128x8xf32, #tpu.memory_space<hbm>>) target_semaphore(%run_scoped3A : memref<!tpu.dma_semaphore, #tpu.memory_space<semaphore_mem>>)
        %dma_wait3A = arith.constant 0 : i32
        %dma_wait3A_21 = tpu.memref_slice %arg6[%mul3A_17, %dma_wait3A] : memref<50048x8xf32, #tpu.memory_space<hbm>> -> memref<3128x8xf32, #tpu.memory_space<hbm>>
        %dma_wait3A_22 = arith.constant 0 : i32
        %dma_wait3A_23 = tpu.memref_slice %arg10[%mul3A_15, %dma_wait3A_22] : memref<50048x8xf32, #tpu.memory_space<vmem_shared>> -> memref<3128x8xf32, #tpu.memory_space<vmem_shared>>
        tpu.wait_dma2 semaphore(%run_scoped3A : memref<!tpu.dma_semaphore, #tpu.memory_space<semaphore_mem>>) src(%dma_wait3A_23 : memref<3128x8xf32, #tpu.memory_space<vmem_shared>>) dst(%dma_wait3A_21 : memref<3128x8xf32, #tpu.memory_space<hbm>>)
        tpu.yield
      }) : () -> ()
    } else {
    }
    %eq3A_9 = arith.constant 1 : i32
    %eq3A_10 = arith.cmpi eq, %arg0, %eq3A_9 : i32
    %convert_element_type3A_11 = arith.extui %eq3A_10 : i1 to i32
    %cond3A_12 = arith.constant 0 : i32
    %cond3A_13 = arith.cmpi ne, %convert_element_type3A_11, %cond3A_12 : i32
    scf.if %cond3A_13 {
      %mul3A_14 = arith.constant 3128 : i32
      %mul3A_15 = arith.muli %arg1, %mul3A_14 : i32
      %mul3A_16 = arith.constant 3128 : i32
      %mul3A_17 = arith.muli %arg1, %mul3A_16 : i32
      "tpu.region"() ({
        %run_scoped3A = tpu.sem_alloc : memref<!tpu.dma_semaphore, #tpu.memory_space<semaphore_mem>>
        %dma_start3A = arith.constant 0 : i32
        %dma_start3A_18 = tpu.memref_slice %arg7[%mul3A_17, %dma_start3A] : memref<50048x8xf32, #tpu.memory_space<hbm>> -> memref<3128x8xf32, #tpu.memory_space<hbm>>
        %dma_start3A_19 = arith.constant 0 : i32
        %dma_start3A_20 = tpu.memref_slice %arg10[%mul3A_15, %dma_start3A_19] : memref<50048x8xf32, #tpu.memory_space<vmem_shared>> -> memref<3128x8xf32, #tpu.memory_space<vmem_shared>>
        tpu.enqueue_dma source(%dma_start3A_20 : memref<3128x8xf32, #tpu.memory_space<vmem_shared>>) target(%dma_start3A_18 : memref<3128x8xf32, #tpu.memory_space<hbm>>) target_semaphore(%run_scoped3A : memref<!tpu.dma_semaphore, #tpu.memory_space<semaphore_mem>>)
        %dma_wait3A = arith.constant 0 : i32
        %dma_wait3A_21 = tpu.memref_slice %arg7[%mul3A_17, %dma_wait3A] : memref<50048x8xf32, #tpu.memory_space<hbm>> -> memref<3128x8xf32, #tpu.memory_space<hbm>>
        %dma_wait3A_22 = arith.constant 0 : i32
        %dma_wait3A_23 = tpu.memref_slice %arg10[%mul3A_15, %dma_wait3A_22] : memref<50048x8xf32, #tpu.memory_space<vmem_shared>> -> memref<3128x8xf32, #tpu.memory_space<vmem_shared>>
        tpu.wait_dma2 semaphore(%run_scoped3A : memref<!tpu.dma_semaphore, #tpu.memory_space<semaphore_mem>>) src(%dma_wait3A_23 : memref<3128x8xf32, #tpu.memory_space<vmem_shared>>) dst(%dma_wait3A_21 : memref<3128x8xf32, #tpu.memory_space<hbm>>)
        tpu.yield
      }) : () -> ()
    } else {
    }
    return
  }
}

#map = affine_map<(d0, d1) -> (0, 0)>
module attributes {stable_mosaic.version = 14 : i64} {
  func.func @agg_kernel(%arg0: i32, %arg1: i32, %arg2: memref<50048x32xf32, #tpu.memory_space<hbm>>, %arg3: memref<50048x32xf32, #tpu.memory_space<hbm>>, %arg4: memref<6400x128xi32, #tpu.memory_space<hbm>>, %arg5: memref<6400x128xi32, #tpu.memory_space<hbm>>, %arg6: memref<3128x32xf32, #tpu.memory_space<hbm>>, %arg7: memref<50048x32xf32, #tpu.memory_space<hbm>>, %arg8: memref<50048x32xf32, #tpu.memory_space<hbm>>, %arg9: memref<40x128xi32, #tpu.memory_space<vmem>>, %arg10: memref<40x128xi32, #tpu.memory_space<vmem>>, %arg11: memref<128x32xf32, #tpu.memory_space<vmem>>, %arg12: memref<128x32xf32, #tpu.memory_space<vmem>>, %arg13: memref<128x32xf32, #tpu.memory_space<vmem>>, %arg14: memref<128x32xf32, #tpu.memory_space<vmem>>, %arg15: memref<!tpu.dma_semaphore, #tpu.memory_space<semaphore_mem>>, %arg16: memref<!tpu.dma_semaphore, #tpu.memory_space<semaphore_mem>>, %arg17: memref<!tpu.dma_semaphore, #tpu.memory_space<semaphore_mem>>, %arg18: memref<!tpu.dma_semaphore, #tpu.memory_space<semaphore_mem>>, %arg19: memref<50048x32xf32, #tpu.memory_space<vmem_shared>>) attributes {dimension_semantics = [#tpu.dimension_semantics<core_parallel>, #tpu.dimension_semantics<subcore_parallel>], iteration_bounds = array<i64: 2, 16>, scalar_prefetch = 0 : i64, scratch_operands = 11 : i64, tpu.core_type = #tpu.core_type<sc_vector_subcore>, window_params = [{transform_indices = #map}, {transform_indices = #map}, {transform_indices = #map}, {transform_indices = #map}, {transform_indices = #map}, {transform_indices = #map}, {transform_indices = #map}]} {
    %mul3A = arith.constant 3128 : i32
    %mul3A_0 = arith.muli %arg1, %mul3A : i32
    "tpu.region"() ({
      %run_scoped3A = tpu.sem_alloc : memref<!tpu.dma_semaphore, #tpu.memory_space<semaphore_mem>>
      %dma_start3A = arith.constant 0 : i32
      %dma_start3A_14 = tpu.memref_slice %arg19[%mul3A_0, %dma_start3A] : memref<50048x32xf32, #tpu.memory_space<vmem_shared>> -> memref<3128x32xf32, #tpu.memory_space<vmem_shared>>
      tpu.enqueue_dma source(%arg6 : memref<3128x32xf32, #tpu.memory_space<hbm>>) target(%dma_start3A_14 : memref<3128x32xf32, #tpu.memory_space<vmem_shared>>) target_semaphore(%run_scoped3A : memref<!tpu.dma_semaphore, #tpu.memory_space<semaphore_mem>>)
      %dma_wait3A = arith.constant 0 : i32
      %dma_wait3A_15 = tpu.memref_slice %arg19[%mul3A_0, %dma_wait3A] : memref<50048x32xf32, #tpu.memory_space<vmem_shared>> -> memref<3128x32xf32, #tpu.memory_space<vmem_shared>>
      tpu.wait_dma2 semaphore(%run_scoped3A : memref<!tpu.dma_semaphore, #tpu.memory_space<semaphore_mem>>) src(%arg6 : memref<3128x32xf32, #tpu.memory_space<hbm>>) dst(%dma_wait3A_15 : memref<3128x32xf32, #tpu.memory_space<vmem_shared>>)
      tpu.yield
    }) : () -> ()
    %barrier3A = arith.constant 0 : index
    tpu.barrier barrier_id(%barrier3A)
    %scan3A = arith.constant 0 : i32
    %scan3A_1 = arith.constant 0 : i32
    %scan3A_2 = arith.constant 10 : i32
    %scan3A_3 = arith.addi %scan3A_1, %scan3A_2 : i32
    %scan3A_4 = arith.constant 1 : i32
    scf.for %scan3A_14 = %scan3A_1 to %scan3A_3 step %scan3A_4  : i32 {
      %mul3A_15 = arith.constant 400 : i32
      %mul3A_16 = arith.muli %arg1, %mul3A_15 : i32
      %mul3A_17 = arith.constant 40 : i32
      %mul3A_18 = arith.muli %scan3A_14, %mul3A_17 : i32
      %add3A = arith.addi %mul3A_16, %mul3A_18 : i32
      "tpu.region"() ({
        %run_scoped3A = tpu.sem_alloc : memref<!tpu.dma_semaphore, #tpu.memory_space<semaphore_mem>>
        %dma_start3A = arith.constant 0 : i32
        %dma_start3A_55 = tpu.memref_slice %arg4[%add3A, %dma_start3A] : memref<6400x128xi32, #tpu.memory_space<hbm>> -> memref<40x128xi32, #tpu.memory_space<hbm>>
        %dma_start3A_56 = arith.constant 0 : i32
        %dma_start3A_57 = tpu.memref_slice %arg4[%add3A, %dma_start3A_56] : memref<6400x128xi32, #tpu.memory_space<hbm>> -> memref<40x128xi32, #tpu.memory_space<hbm>>
        tpu.enqueue_dma source(%dma_start3A_57 : memref<40x128xi32, #tpu.memory_space<hbm>>) target(%arg9 : memref<40x128xi32, #tpu.memory_space<vmem>>) target_semaphore(%run_scoped3A : memref<!tpu.dma_semaphore, #tpu.memory_space<semaphore_mem>>)
        %dma_wait3A = arith.constant 0 : i32
        %dma_wait3A_58 = tpu.memref_slice %arg4[%add3A, %dma_wait3A] : memref<6400x128xi32, #tpu.memory_space<hbm>> -> memref<40x128xi32, #tpu.memory_space<hbm>>
        %dma_wait3A_59 = arith.constant 0 : i32
        %dma_wait3A_60 = tpu.memref_slice %arg4[%add3A, %dma_wait3A_59] : memref<6400x128xi32, #tpu.memory_space<hbm>> -> memref<40x128xi32, #tpu.memory_space<hbm>>
        tpu.wait_dma2 semaphore(%run_scoped3A : memref<!tpu.dma_semaphore, #tpu.memory_space<semaphore_mem>>) src(%dma_wait3A_60 : memref<40x128xi32, #tpu.memory_space<hbm>>) dst(%arg9 : memref<40x128xi32, #tpu.memory_space<vmem>>)
        tpu.yield
      }) : () -> ()
      "tpu.region"() ({
        %run_scoped3A = tpu.sem_alloc : memref<!tpu.dma_semaphore, #tpu.memory_space<semaphore_mem>>
        %dma_start3A = arith.constant 0 : i32
        %dma_start3A_55 = tpu.memref_slice %arg5[%add3A, %dma_start3A] : memref<6400x128xi32, #tpu.memory_space<hbm>> -> memref<40x128xi32, #tpu.memory_space<hbm>>
        %dma_start3A_56 = arith.constant 0 : i32
        %dma_start3A_57 = tpu.memref_slice %arg5[%add3A, %dma_start3A_56] : memref<6400x128xi32, #tpu.memory_space<hbm>> -> memref<40x128xi32, #tpu.memory_space<hbm>>
        tpu.enqueue_dma source(%dma_start3A_57 : memref<40x128xi32, #tpu.memory_space<hbm>>) target(%arg10 : memref<40x128xi32, #tpu.memory_space<vmem>>) target_semaphore(%run_scoped3A : memref<!tpu.dma_semaphore, #tpu.memory_space<semaphore_mem>>)
        %dma_wait3A = arith.constant 0 : i32
        %dma_wait3A_58 = tpu.memref_slice %arg5[%add3A, %dma_wait3A] : memref<6400x128xi32, #tpu.memory_space<hbm>> -> memref<40x128xi32, #tpu.memory_space<hbm>>
        %dma_wait3A_59 = arith.constant 0 : i32
        %dma_wait3A_60 = tpu.memref_slice %arg5[%add3A, %dma_wait3A_59] : memref<6400x128xi32, #tpu.memory_space<hbm>> -> memref<40x128xi32, #tpu.memory_space<hbm>>
        tpu.wait_dma2 semaphore(%run_scoped3A : memref<!tpu.dma_semaphore, #tpu.memory_space<semaphore_mem>>) src(%dma_wait3A_60 : memref<40x128xi32, #tpu.memory_space<hbm>>) dst(%arg10 : memref<40x128xi32, #tpu.memory_space<vmem>>)
        tpu.yield
      }) : () -> ()
      %eq3A_19 = arith.constant 0 : i32
      %eq3A_20 = arith.cmpi eq, %arg0, %eq3A_19 : i32
      %convert_element_type3A_21 = arith.extui %eq3A_20 : i1 to i32
      %cond3A_22 = arith.constant 0 : i32
      %cond3A_23 = arith.cmpi ne, %convert_element_type3A_21, %cond3A_22 : i32
      scf.if %cond3A_23 {
        %dma_start3A = arith.constant 0 : i32
        %dma_start3A_55 = arith.constant 0 : i32
        %dma_start3A_56 = tpu.memref_slice %arg9[%dma_start3A, %dma_start3A_55] : memref<40x128xi32, #tpu.memory_space<vmem>> -> memref<1x128xi32, #tpu.memory_space<vmem>>
        %dma_start3A_57 = tpu.memref_squeeze %dma_start3A_56 : memref<1x128xi32, #tpu.memory_space<vmem>> -> memref<128xi32, #tpu.memory_space<vmem>>
        %dma_start3A_58 = arith.constant 0 : i32
        %dma_start3A_59 = arith.constant 0 : i32
        %dma_start3A_60 = tpu.memref_slice %arg2[%dma_start3A_58, %dma_start3A_59] : memref<50048x32xf32, #tpu.memory_space<hbm>> -> memref<50048x32xf32, #tpu.memory_space<hbm>>
        tpu.enqueue_indirect_dma source(%dma_start3A_60 : memref<50048x32xf32, #tpu.memory_space<hbm>>) target(%arg11 : memref<128x32xf32, #tpu.memory_space<vmem>>) offsets(%dma_start3A_57 : memref<128xi32, #tpu.memory_space<vmem>>) semaphore(%arg15 : memref<!tpu.dma_semaphore, #tpu.memory_space<semaphore_mem>>)
      } else {
      }
      %eq3A_24 = arith.constant 1 : i32
      %eq3A_25 = arith.cmpi eq, %arg0, %eq3A_24 : i32
      %convert_element_type3A_26 = arith.extui %eq3A_25 : i1 to i32
      %cond3A_27 = arith.constant 0 : i32
      %cond3A_28 = arith.cmpi ne, %convert_element_type3A_26, %cond3A_27 : i32
      scf.if %cond3A_28 {
        %dma_start3A = arith.constant 0 : i32
        %dma_start3A_55 = arith.constant 0 : i32
        %dma_start3A_56 = tpu.memref_slice %arg9[%dma_start3A, %dma_start3A_55] : memref<40x128xi32, #tpu.memory_space<vmem>> -> memref<1x128xi32, #tpu.memory_space<vmem>>
        %dma_start3A_57 = tpu.memref_squeeze %dma_start3A_56 : memref<1x128xi32, #tpu.memory_space<vmem>> -> memref<128xi32, #tpu.memory_space<vmem>>
        %dma_start3A_58 = arith.constant 0 : i32
        %dma_start3A_59 = arith.constant 0 : i32
        %dma_start3A_60 = tpu.memref_slice %arg3[%dma_start3A_58, %dma_start3A_59] : memref<50048x32xf32, #tpu.memory_space<hbm>> -> memref<50048x32xf32, #tpu.memory_space<hbm>>
        tpu.enqueue_indirect_dma source(%dma_start3A_60 : memref<50048x32xf32, #tpu.memory_space<hbm>>) target(%arg11 : memref<128x32xf32, #tpu.memory_space<vmem>>) offsets(%dma_start3A_57 : memref<128xi32, #tpu.memory_space<vmem>>) semaphore(%arg15 : memref<!tpu.dma_semaphore, #tpu.memory_space<semaphore_mem>>)
      } else {
      }
      %eq3A_29 = arith.constant 0 : i32
      %eq3A_30 = arith.cmpi eq, %arg0, %eq3A_29 : i32
      %convert_element_type3A_31 = arith.extui %eq3A_30 : i1 to i32
      %cond3A_32 = arith.constant 0 : i32
      %cond3A_33 = arith.cmpi ne, %convert_element_type3A_31, %cond3A_32 : i32
      scf.if %cond3A_33 {
        %dma_start3A = arith.constant 1 : i32
        %dma_start3A_55 = arith.constant 0 : i32
        %dma_start3A_56 = tpu.memref_slice %arg9[%dma_start3A, %dma_start3A_55] : memref<40x128xi32, #tpu.memory_space<vmem>> -> memref<1x128xi32, #tpu.memory_space<vmem>>
        %dma_start3A_57 = tpu.memref_squeeze %dma_start3A_56 : memref<1x128xi32, #tpu.memory_space<vmem>> -> memref<128xi32, #tpu.memory_space<vmem>>
        %dma_start3A_58 = arith.constant 0 : i32
        %dma_start3A_59 = arith.constant 0 : i32
        %dma_start3A_60 = tpu.memref_slice %arg2[%dma_start3A_58, %dma_start3A_59] : memref<50048x32xf32, #tpu.memory_space<hbm>> -> memref<50048x32xf32, #tpu.memory_space<hbm>>
        tpu.enqueue_indirect_dma source(%dma_start3A_60 : memref<50048x32xf32, #tpu.memory_space<hbm>>) target(%arg12 : memref<128x32xf32, #tpu.memory_space<vmem>>) offsets(%dma_start3A_57 : memref<128xi32, #tpu.memory_space<vmem>>) semaphore(%arg16 : memref<!tpu.dma_semaphore, #tpu.memory_space<semaphore_mem>>)
      } else {
      }
      %eq3A_34 = arith.constant 1 : i32
      %eq3A_35 = arith.cmpi eq, %arg0, %eq3A_34 : i32
      %convert_element_type3A_36 = arith.extui %eq3A_35 : i1 to i32
      %cond3A_37 = arith.constant 0 : i32
      %cond3A_38 = arith.cmpi ne, %convert_element_type3A_36, %cond3A_37 : i32
      scf.if %cond3A_38 {
        %dma_start3A = arith.constant 1 : i32
        %dma_start3A_55 = arith.constant 0 : i32
        %dma_start3A_56 = tpu.memref_slice %arg9[%dma_start3A, %dma_start3A_55] : memref<40x128xi32, #tpu.memory_space<vmem>> -> memref<1x128xi32, #tpu.memory_space<vmem>>
        %dma_start3A_57 = tpu.memref_squeeze %dma_start3A_56 : memref<1x128xi32, #tpu.memory_space<vmem>> -> memref<128xi32, #tpu.memory_space<vmem>>
        %dma_start3A_58 = arith.constant 0 : i32
        %dma_start3A_59 = arith.constant 0 : i32
        %dma_start3A_60 = tpu.memref_slice %arg3[%dma_start3A_58, %dma_start3A_59] : memref<50048x32xf32, #tpu.memory_space<hbm>> -> memref<50048x32xf32, #tpu.memory_space<hbm>>
        tpu.enqueue_indirect_dma source(%dma_start3A_60 : memref<50048x32xf32, #tpu.memory_space<hbm>>) target(%arg12 : memref<128x32xf32, #tpu.memory_space<vmem>>) offsets(%dma_start3A_57 : memref<128xi32, #tpu.memory_space<vmem>>) semaphore(%arg16 : memref<!tpu.dma_semaphore, #tpu.memory_space<semaphore_mem>>)
      } else {
      }
      %eq3A_39 = arith.constant 0 : i32
      %eq3A_40 = arith.cmpi eq, %arg0, %eq3A_39 : i32
      %convert_element_type3A_41 = arith.extui %eq3A_40 : i1 to i32
      %cond3A_42 = arith.constant 0 : i32
      %cond3A_43 = arith.cmpi ne, %convert_element_type3A_41, %cond3A_42 : i32
      scf.if %cond3A_43 {
        %dma_start3A = arith.constant 2 : i32
        %dma_start3A_55 = arith.constant 0 : i32
        %dma_start3A_56 = tpu.memref_slice %arg9[%dma_start3A, %dma_start3A_55] : memref<40x128xi32, #tpu.memory_space<vmem>> -> memref<1x128xi32, #tpu.memory_space<vmem>>
        %dma_start3A_57 = tpu.memref_squeeze %dma_start3A_56 : memref<1x128xi32, #tpu.memory_space<vmem>> -> memref<128xi32, #tpu.memory_space<vmem>>
        %dma_start3A_58 = arith.constant 0 : i32
        %dma_start3A_59 = arith.constant 0 : i32
        %dma_start3A_60 = tpu.memref_slice %arg2[%dma_start3A_58, %dma_start3A_59] : memref<50048x32xf32, #tpu.memory_space<hbm>> -> memref<50048x32xf32, #tpu.memory_space<hbm>>
        tpu.enqueue_indirect_dma source(%dma_start3A_60 : memref<50048x32xf32, #tpu.memory_space<hbm>>) target(%arg13 : memref<128x32xf32, #tpu.memory_space<vmem>>) offsets(%dma_start3A_57 : memref<128xi32, #tpu.memory_space<vmem>>) semaphore(%arg17 : memref<!tpu.dma_semaphore, #tpu.memory_space<semaphore_mem>>)
      } else {
      }
      %eq3A_44 = arith.constant 1 : i32
      %eq3A_45 = arith.cmpi eq, %arg0, %eq3A_44 : i32
      %convert_element_type3A_46 = arith.extui %eq3A_45 : i1 to i32
      %cond3A_47 = arith.constant 0 : i32
      %cond3A_48 = arith.cmpi ne, %convert_element_type3A_46, %cond3A_47 : i32
      scf.if %cond3A_48 {
        %dma_start3A = arith.constant 2 : i32
        %dma_start3A_55 = arith.constant 0 : i32
        %dma_start3A_56 = tpu.memref_slice %arg9[%dma_start3A, %dma_start3A_55] : memref<40x128xi32, #tpu.memory_space<vmem>> -> memref<1x128xi32, #tpu.memory_space<vmem>>
        %dma_start3A_57 = tpu.memref_squeeze %dma_start3A_56 : memref<1x128xi32, #tpu.memory_space<vmem>> -> memref<128xi32, #tpu.memory_space<vmem>>
        %dma_start3A_58 = arith.constant 0 : i32
        %dma_start3A_59 = arith.constant 0 : i32
        %dma_start3A_60 = tpu.memref_slice %arg3[%dma_start3A_58, %dma_start3A_59] : memref<50048x32xf32, #tpu.memory_space<hbm>> -> memref<50048x32xf32, #tpu.memory_space<hbm>>
        tpu.enqueue_indirect_dma source(%dma_start3A_60 : memref<50048x32xf32, #tpu.memory_space<hbm>>) target(%arg13 : memref<128x32xf32, #tpu.memory_space<vmem>>) offsets(%dma_start3A_57 : memref<128xi32, #tpu.memory_space<vmem>>) semaphore(%arg17 : memref<!tpu.dma_semaphore, #tpu.memory_space<semaphore_mem>>)
      } else {
      }
      %scan3A_49 = arith.constant 0 : i32
      %scan3A_50 = arith.constant 0 : i32
      %scan3A_51 = arith.constant 10 : i32
      %scan3A_52 = arith.addi %scan3A_50, %scan3A_51 : i32
      %scan3A_53 = arith.constant 1 : i32
      scf.for %scan3A_55 = %scan3A_50 to %scan3A_52 step %scan3A_53  : i32 {
        %mul3A_56 = arith.constant 4 : i32
        %mul3A_57 = arith.muli %mul3A_56, %scan3A_55 : i32
        %add3A_58 = arith.constant 0 : i32
        %add3A_59 = arith.addi %mul3A_57, %add3A_58 : i32
        %add3A_60 = arith.constant 3 : i32
        %add3A_61 = arith.addi %add3A_59, %add3A_60 : i32
        %lt3A = arith.constant 40 : i32
        %lt3A_62 = arith.cmpi slt, %add3A_61, %lt3A : i32
        %convert_element_type3A_63 = arith.extui %lt3A_62 : i1 to i32
        %cond3A_64 = arith.constant 0 : i32
        %cond3A_65 = arith.cmpi ne, %convert_element_type3A_63, %cond3A_64 : i32
        scf.if %cond3A_65 {
          %eq3A_132 = arith.constant 0 : i32
          %eq3A_133 = arith.cmpi eq, %arg0, %eq3A_132 : i32
          %convert_element_type3A_134 = arith.extui %eq3A_133 : i1 to i32
          %cond3A_135 = arith.constant 0 : i32
          %cond3A_136 = arith.cmpi ne, %convert_element_type3A_134, %cond3A_135 : i32
          scf.if %cond3A_136 {
            %dma_start3A = arith.constant 0 : i32
            %dma_start3A_142 = tpu.memref_slice %arg9[%add3A_61, %dma_start3A] : memref<40x128xi32, #tpu.memory_space<vmem>> -> memref<1x128xi32, #tpu.memory_space<vmem>>
            %dma_start3A_143 = tpu.memref_squeeze %dma_start3A_142 : memref<1x128xi32, #tpu.memory_space<vmem>> -> memref<128xi32, #tpu.memory_space<vmem>>
            %dma_start3A_144 = arith.constant 0 : i32
            %dma_start3A_145 = arith.constant 0 : i32
            %dma_start3A_146 = tpu.memref_slice %arg2[%dma_start3A_144, %dma_start3A_145] : memref<50048x32xf32, #tpu.memory_space<hbm>> -> memref<50048x32xf32, #tpu.memory_space<hbm>>
            tpu.enqueue_indirect_dma source(%dma_start3A_146 : memref<50048x32xf32, #tpu.memory_space<hbm>>) target(%arg14 : memref<128x32xf32, #tpu.memory_space<vmem>>) offsets(%dma_start3A_143 : memref<128xi32, #tpu.memory_space<vmem>>) semaphore(%arg18 : memref<!tpu.dma_semaphore, #tpu.memory_space<semaphore_mem>>)
          } else {
          }
          %eq3A_137 = arith.constant 1 : i32
          %eq3A_138 = arith.cmpi eq, %arg0, %eq3A_137 : i32
          %convert_element_type3A_139 = arith.extui %eq3A_138 : i1 to i32
          %cond3A_140 = arith.constant 0 : i32
          %cond3A_141 = arith.cmpi ne, %convert_element_type3A_139, %cond3A_140 : i32
          scf.if %cond3A_141 {
            %dma_start3A = arith.constant 0 : i32
            %dma_start3A_142 = tpu.memref_slice %arg9[%add3A_61, %dma_start3A] : memref<40x128xi32, #tpu.memory_space<vmem>> -> memref<1x128xi32, #tpu.memory_space<vmem>>
            %dma_start3A_143 = tpu.memref_squeeze %dma_start3A_142 : memref<1x128xi32, #tpu.memory_space<vmem>> -> memref<128xi32, #tpu.memory_space<vmem>>
            %dma_start3A_144 = arith.constant 0 : i32
            %dma_start3A_145 = arith.constant 0 : i32
            %dma_start3A_146 = tpu.memref_slice %arg3[%dma_start3A_144, %dma_start3A_145] : memref<50048x32xf32, #tpu.memory_space<hbm>> -> memref<50048x32xf32, #tpu.memory_space<hbm>>
            tpu.enqueue_indirect_dma source(%dma_start3A_146 : memref<50048x32xf32, #tpu.memory_space<hbm>>) target(%arg14 : memref<128x32xf32, #tpu.memory_space<vmem>>) offsets(%dma_start3A_143 : memref<128xi32, #tpu.memory_space<vmem>>) semaphore(%arg18 : memref<!tpu.dma_semaphore, #tpu.memory_space<semaphore_mem>>)
          } else {
          }
        } else {
        }
        %add3A_66 = arith.constant 0 : i32
        %add3A_67 = arith.addi %mul3A_57, %add3A_66 : i32
        %dma_wait3A = arith.constant 0 : i32
        %dma_wait3A_68 = tpu.memref_slice %arg9[%add3A_67, %dma_wait3A] : memref<40x128xi32, #tpu.memory_space<vmem>> -> memref<1x128xi32, #tpu.memory_space<vmem>>
        %dma_wait3A_69 = tpu.memref_squeeze %dma_wait3A_68 : memref<1x128xi32, #tpu.memory_space<vmem>> -> memref<128xi32, #tpu.memory_space<vmem>>
        %dma_wait3A_70 = arith.constant 0 : i32
        %dma_wait3A_71 = arith.constant 0 : i32
        %dma_wait3A_72 = tpu.memref_slice %arg2[%dma_wait3A_70, %dma_wait3A_71] : memref<50048x32xf32, #tpu.memory_space<hbm>> -> memref<50048x32xf32, #tpu.memory_space<hbm>>
        tpu.wait_indirect_dma semaphore(%arg15 : memref<!tpu.dma_semaphore, #tpu.memory_space<semaphore_mem>>) src(%dma_wait3A_72 : memref<50048x32xf32, #tpu.memory_space<hbm>>) dst(%arg11 : memref<128x32xf32, #tpu.memory_space<vmem>>)
        %add3A_73 = arith.constant 0 : i32
        %add3A_74 = arith.addi %mul3A_57, %add3A_73 : i32
        "tpu.region"() ({
          %run_scoped3A = tpu.sem_alloc : memref<!tpu.dma_semaphore, #tpu.memory_space<semaphore_mem>>
          %dma_start3A = arith.constant 0 : i32
          %dma_start3A_132 = tpu.memref_slice %arg10[%add3A_74, %dma_start3A] : memref<40x128xi32, #tpu.memory_space<vmem>> -> memref<1x128xi32, #tpu.memory_space<vmem>>
          %dma_start3A_133 = tpu.memref_squeeze %dma_start3A_132 : memref<1x128xi32, #tpu.memory_space<vmem>> -> memref<128xi32, #tpu.memory_space<vmem>>
          %dma_start3A_134 = arith.constant 0 : i32
          %dma_start3A_135 = arith.constant 0 : i32
          %dma_start3A_136 = tpu.memref_slice %arg19[%dma_start3A_134, %dma_start3A_135] : memref<50048x32xf32, #tpu.memory_space<vmem_shared>> -> memref<50048x32xf32, #tpu.memory_space<vmem_shared>>
          tpu.enqueue_indirect_dma source(%arg11 : memref<128x32xf32, #tpu.memory_space<vmem>>) target(%dma_start3A_136 : memref<50048x32xf32, #tpu.memory_space<vmem_shared>>) offsets(%dma_start3A_133 : memref<128xi32, #tpu.memory_space<vmem>>) semaphore(%run_scoped3A : memref<!tpu.dma_semaphore, #tpu.memory_space<semaphore_mem>>) {add = true}
          %dma_wait3A_137 = arith.constant 0 : i32
          %dma_wait3A_138 = tpu.memref_slice %arg10[%add3A_74, %dma_wait3A_137] : memref<40x128xi32, #tpu.memory_space<vmem>> -> memref<1x128xi32, #tpu.memory_space<vmem>>
          %dma_wait3A_139 = tpu.memref_squeeze %dma_wait3A_138 : memref<1x128xi32, #tpu.memory_space<vmem>> -> memref<128xi32, #tpu.memory_space<vmem>>
          %dma_wait3A_140 = arith.constant 0 : i32
          %dma_wait3A_141 = arith.constant 0 : i32
          %dma_wait3A_142 = tpu.memref_slice %arg19[%dma_wait3A_140, %dma_wait3A_141] : memref<50048x32xf32, #tpu.memory_space<vmem_shared>> -> memref<50048x32xf32, #tpu.memory_space<vmem_shared>>
          tpu.wait_indirect_dma semaphore(%run_scoped3A : memref<!tpu.dma_semaphore, #tpu.memory_space<semaphore_mem>>) src(%arg11 : memref<128x32xf32, #tpu.memory_space<vmem>>) dst(%dma_wait3A_142 : memref<50048x32xf32, #tpu.memory_space<vmem_shared>>)
          tpu.yield
        }) : () -> ()
        %add3A_75 = arith.constant 1 : i32
        %add3A_76 = arith.addi %mul3A_57, %add3A_75 : i32
        %add3A_77 = arith.constant 3 : i32
        %add3A_78 = arith.addi %add3A_76, %add3A_77 : i32
        %lt3A_79 = arith.constant 40 : i32
        %lt3A_80 = arith.cmpi slt, %add3A_78, %lt3A_79 : i32
        %convert_element_type3A_81 = arith.extui %lt3A_80 : i1 to i32
        %cond3A_82 = arith.constant 0 : i32
        %cond3A_83 = arith.cmpi ne, %convert_element_type3A_81, %cond3A_82 : i32
        scf.if %cond3A_83 {
          %eq3A_132 = arith.constant 0 : i32
          %eq3A_133 = arith.cmpi eq, %arg0, %eq3A_132 : i32
          %convert_element_type3A_134 = arith.extui %eq3A_133 : i1 to i32
          %cond3A_135 = arith.constant 0 : i32
          %cond3A_136 = arith.cmpi ne, %convert_element_type3A_134, %cond3A_135 : i32
          scf.if %cond3A_136 {
            %dma_start3A = arith.constant 0 : i32
            %dma_start3A_142 = tpu.memref_slice %arg9[%add3A_78, %dma_start3A] : memref<40x128xi32, #tpu.memory_space<vmem>> -> memref<1x128xi32, #tpu.memory_space<vmem>>
            %dma_start3A_143 = tpu.memref_squeeze %dma_start3A_142 : memref<1x128xi32, #tpu.memory_space<vmem>> -> memref<128xi32, #tpu.memory_space<vmem>>
            %dma_start3A_144 = arith.constant 0 : i32
            %dma_start3A_145 = arith.constant 0 : i32
            %dma_start3A_146 = tpu.memref_slice %arg2[%dma_start3A_144, %dma_start3A_145] : memref<50048x32xf32, #tpu.memory_space<hbm>> -> memref<50048x32xf32, #tpu.memory_space<hbm>>
            tpu.enqueue_indirect_dma source(%dma_start3A_146 : memref<50048x32xf32, #tpu.memory_space<hbm>>) target(%arg11 : memref<128x32xf32, #tpu.memory_space<vmem>>) offsets(%dma_start3A_143 : memref<128xi32, #tpu.memory_space<vmem>>) semaphore(%arg15 : memref<!tpu.dma_semaphore, #tpu.memory_space<semaphore_mem>>)
          } else {
          }
          %eq3A_137 = arith.constant 1 : i32
          %eq3A_138 = arith.cmpi eq, %arg0, %eq3A_137 : i32
          %convert_element_type3A_139 = arith.extui %eq3A_138 : i1 to i32
          %cond3A_140 = arith.constant 0 : i32
          %cond3A_141 = arith.cmpi ne, %convert_element_type3A_139, %cond3A_140 : i32
          scf.if %cond3A_141 {
            %dma_start3A = arith.constant 0 : i32
            %dma_start3A_142 = tpu.memref_slice %arg9[%add3A_78, %dma_start3A] : memref<40x128xi32, #tpu.memory_space<vmem>> -> memref<1x128xi32, #tpu.memory_space<vmem>>
            %dma_start3A_143 = tpu.memref_squeeze %dma_start3A_142 : memref<1x128xi32, #tpu.memory_space<vmem>> -> memref<128xi32, #tpu.memory_space<vmem>>
            %dma_start3A_144 = arith.constant 0 : i32
            %dma_start3A_145 = arith.constant 0 : i32
            %dma_start3A_146 = tpu.memref_slice %arg3[%dma_start3A_144, %dma_start3A_145] : memref<50048x32xf32, #tpu.memory_space<hbm>> -> memref<50048x32xf32, #tpu.memory_space<hbm>>
            tpu.enqueue_indirect_dma source(%dma_start3A_146 : memref<50048x32xf32, #tpu.memory_space<hbm>>) target(%arg11 : memref<128x32xf32, #tpu.memory_space<vmem>>) offsets(%dma_start3A_143 : memref<128xi32, #tpu.memory_space<vmem>>) semaphore(%arg15 : memref<!tpu.dma_semaphore, #tpu.memory_space<semaphore_mem>>)
          } else {
          }
        } else {
        }
        %add3A_84 = arith.constant 1 : i32
        %add3A_85 = arith.addi %mul3A_57, %add3A_84 : i32
        %dma_wait3A_86 = arith.constant 0 : i32
        %dma_wait3A_87 = tpu.memref_slice %arg9[%add3A_85, %dma_wait3A_86] : memref<40x128xi32, #tpu.memory_space<vmem>> -> memref<1x128xi32, #tpu.memory_space<vmem>>
        %dma_wait3A_88 = tpu.memref_squeeze %dma_wait3A_87 : memref<1x128xi32, #tpu.memory_space<vmem>> -> memref<128xi32, #tpu.memory_space<vmem>>
        %dma_wait3A_89 = arith.constant 0 : i32
        %dma_wait3A_90 = arith.constant 0 : i32
        %dma_wait3A_91 = tpu.memref_slice %arg2[%dma_wait3A_89, %dma_wait3A_90] : memref<50048x32xf32, #tpu.memory_space<hbm>> -> memref<50048x32xf32, #tpu.memory_space<hbm>>
        tpu.wait_indirect_dma semaphore(%arg16 : memref<!tpu.dma_semaphore, #tpu.memory_space<semaphore_mem>>) src(%dma_wait3A_91 : memref<50048x32xf32, #tpu.memory_space<hbm>>) dst(%arg12 : memref<128x32xf32, #tpu.memory_space<vmem>>)
        %add3A_92 = arith.constant 1 : i32
        %add3A_93 = arith.addi %mul3A_57, %add3A_92 : i32
        "tpu.region"() ({
          %run_scoped3A = tpu.sem_alloc : memref<!tpu.dma_semaphore, #tpu.memory_space<semaphore_mem>>
          %dma_start3A = arith.constant 0 : i32
          %dma_start3A_132 = tpu.memref_slice %arg10[%add3A_93, %dma_start3A] : memref<40x128xi32, #tpu.memory_space<vmem>> -> memref<1x128xi32, #tpu.memory_space<vmem>>
          %dma_start3A_133 = tpu.memref_squeeze %dma_start3A_132 : memref<1x128xi32, #tpu.memory_space<vmem>> -> memref<128xi32, #tpu.memory_space<vmem>>
          %dma_start3A_134 = arith.constant 0 : i32
          %dma_start3A_135 = arith.constant 0 : i32
          %dma_start3A_136 = tpu.memref_slice %arg19[%dma_start3A_134, %dma_start3A_135] : memref<50048x32xf32, #tpu.memory_space<vmem_shared>> -> memref<50048x32xf32, #tpu.memory_space<vmem_shared>>
          tpu.enqueue_indirect_dma source(%arg12 : memref<128x32xf32, #tpu.memory_space<vmem>>) target(%dma_start3A_136 : memref<50048x32xf32, #tpu.memory_space<vmem_shared>>) offsets(%dma_start3A_133 : memref<128xi32, #tpu.memory_space<vmem>>) semaphore(%run_scoped3A : memref<!tpu.dma_semaphore, #tpu.memory_space<semaphore_mem>>) {add = true}
          %dma_wait3A_137 = arith.constant 0 : i32
          %dma_wait3A_138 = tpu.memref_slice %arg10[%add3A_93, %dma_wait3A_137] : memref<40x128xi32, #tpu.memory_space<vmem>> -> memref<1x128xi32, #tpu.memory_space<vmem>>
          %dma_wait3A_139 = tpu.memref_squeeze %dma_wait3A_138 : memref<1x128xi32, #tpu.memory_space<vmem>> -> memref<128xi32, #tpu.memory_space<vmem>>
          %dma_wait3A_140 = arith.constant 0 : i32
          %dma_wait3A_141 = arith.constant 0 : i32
          %dma_wait3A_142 = tpu.memref_slice %arg19[%dma_wait3A_140, %dma_wait3A_141] : memref<50048x32xf32, #tpu.memory_space<vmem_shared>> -> memref<50048x32xf32, #tpu.memory_space<vmem_shared>>
          tpu.wait_indirect_dma semaphore(%run_scoped3A : memref<!tpu.dma_semaphore, #tpu.memory_space<semaphore_mem>>) src(%arg12 : memref<128x32xf32, #tpu.memory_space<vmem>>) dst(%dma_wait3A_142 : memref<50048x32xf32, #tpu.memory_space<vmem_shared>>)
          tpu.yield
        }) : () -> ()
        %add3A_94 = arith.constant 2 : i32
        %add3A_95 = arith.addi %mul3A_57, %add3A_94 : i32
        %add3A_96 = arith.constant 3 : i32
        %add3A_97 = arith.addi %add3A_95, %add3A_96 : i32
        %lt3A_98 = arith.constant 40 : i32
        %lt3A_99 = arith.cmpi slt, %add3A_97, %lt3A_98 : i32
        %convert_element_type3A_100 = arith.extui %lt3A_99 : i1 to i32
        %cond3A_101 = arith.constant 0 : i32
        %cond3A_102 = arith.cmpi ne, %convert_element_type3A_100, %cond3A_101 : i32
        scf.if %cond3A_102 {
          %eq3A_132 = arith.constant 0 : i32
          %eq3A_133 = arith.cmpi eq, %arg0, %eq3A_132 : i32
          %convert_element_type3A_134 = arith.extui %eq3A_133 : i1 to i32
          %cond3A_135 = arith.constant 0 : i32
          %cond3A_136 = arith.cmpi ne, %convert_element_type3A_134, %cond3A_135 : i32
          scf.if %cond3A_136 {
            %dma_start3A = arith.constant 0 : i32
            %dma_start3A_142 = tpu.memref_slice %arg9[%add3A_97, %dma_start3A] : memref<40x128xi32, #tpu.memory_space<vmem>> -> memref<1x128xi32, #tpu.memory_space<vmem>>
            %dma_start3A_143 = tpu.memref_squeeze %dma_start3A_142 : memref<1x128xi32, #tpu.memory_space<vmem>> -> memref<128xi32, #tpu.memory_space<vmem>>
            %dma_start3A_144 = arith.constant 0 : i32
            %dma_start3A_145 = arith.constant 0 : i32
            %dma_start3A_146 = tpu.memref_slice %arg2[%dma_start3A_144, %dma_start3A_145] : memref<50048x32xf32, #tpu.memory_space<hbm>> -> memref<50048x32xf32, #tpu.memory_space<hbm>>
            tpu.enqueue_indirect_dma source(%dma_start3A_146 : memref<50048x32xf32, #tpu.memory_space<hbm>>) target(%arg12 : memref<128x32xf32, #tpu.memory_space<vmem>>) offsets(%dma_start3A_143 : memref<128xi32, #tpu.memory_space<vmem>>) semaphore(%arg16 : memref<!tpu.dma_semaphore, #tpu.memory_space<semaphore_mem>>)
          } else {
          }
          %eq3A_137 = arith.constant 1 : i32
          %eq3A_138 = arith.cmpi eq, %arg0, %eq3A_137 : i32
          %convert_element_type3A_139 = arith.extui %eq3A_138 : i1 to i32
          %cond3A_140 = arith.constant 0 : i32
          %cond3A_141 = arith.cmpi ne, %convert_element_type3A_139, %cond3A_140 : i32
          scf.if %cond3A_141 {
            %dma_start3A = arith.constant 0 : i32
            %dma_start3A_142 = tpu.memref_slice %arg9[%add3A_97, %dma_start3A] : memref<40x128xi32, #tpu.memory_space<vmem>> -> memref<1x128xi32, #tpu.memory_space<vmem>>
            %dma_start3A_143 = tpu.memref_squeeze %dma_start3A_142 : memref<1x128xi32, #tpu.memory_space<vmem>> -> memref<128xi32, #tpu.memory_space<vmem>>
            %dma_start3A_144 = arith.constant 0 : i32
            %dma_start3A_145 = arith.constant 0 : i32
            %dma_start3A_146 = tpu.memref_slice %arg3[%dma_start3A_144, %dma_start3A_145] : memref<50048x32xf32, #tpu.memory_space<hbm>> -> memref<50048x32xf32, #tpu.memory_space<hbm>>
            tpu.enqueue_indirect_dma source(%dma_start3A_146 : memref<50048x32xf32, #tpu.memory_space<hbm>>) target(%arg12 : memref<128x32xf32, #tpu.memory_space<vmem>>) offsets(%dma_start3A_143 : memref<128xi32, #tpu.memory_space<vmem>>) semaphore(%arg16 : memref<!tpu.dma_semaphore, #tpu.memory_space<semaphore_mem>>)
          } else {
          }
        } else {
        }
        %add3A_103 = arith.constant 2 : i32
        %add3A_104 = arith.addi %mul3A_57, %add3A_103 : i32
        %dma_wait3A_105 = arith.constant 0 : i32
        %dma_wait3A_106 = tpu.memref_slice %arg9[%add3A_104, %dma_wait3A_105] : memref<40x128xi32, #tpu.memory_space<vmem>> -> memref<1x128xi32, #tpu.memory_space<vmem>>
        %dma_wait3A_107 = tpu.memref_squeeze %dma_wait3A_106 : memref<1x128xi32, #tpu.memory_space<vmem>> -> memref<128xi32, #tpu.memory_space<vmem>>
        %dma_wait3A_108 = arith.constant 0 : i32
        %dma_wait3A_109 = arith.constant 0 : i32
        %dma_wait3A_110 = tpu.memref_slice %arg2[%dma_wait3A_108, %dma_wait3A_109] : memref<50048x32xf32, #tpu.memory_space<hbm>> -> memref<50048x32xf32, #tpu.memory_space<hbm>>
        tpu.wait_indirect_dma semaphore(%arg17 : memref<!tpu.dma_semaphore, #tpu.memory_space<semaphore_mem>>) src(%dma_wait3A_110 : memref<50048x32xf32, #tpu.memory_space<hbm>>) dst(%arg13 : memref<128x32xf32, #tpu.memory_space<vmem>>)
        %add3A_111 = arith.constant 2 : i32
        %add3A_112 = arith.addi %mul3A_57, %add3A_111 : i32
        "tpu.region"() ({
          %run_scoped3A = tpu.sem_alloc : memref<!tpu.dma_semaphore, #tpu.memory_space<semaphore_mem>>
          %dma_start3A = arith.constant 0 : i32
          %dma_start3A_132 = tpu.memref_slice %arg10[%add3A_112, %dma_start3A] : memref<40x128xi32, #tpu.memory_space<vmem>> -> memref<1x128xi32, #tpu.memory_space<vmem>>
          %dma_start3A_133 = tpu.memref_squeeze %dma_start3A_132 : memref<1x128xi32, #tpu.memory_space<vmem>> -> memref<128xi32, #tpu.memory_space<vmem>>
          %dma_start3A_134 = arith.constant 0 : i32
          %dma_start3A_135 = arith.constant 0 : i32
          %dma_start3A_136 = tpu.memref_slice %arg19[%dma_start3A_134, %dma_start3A_135] : memref<50048x32xf32, #tpu.memory_space<vmem_shared>> -> memref<50048x32xf32, #tpu.memory_space<vmem_shared>>
          tpu.enqueue_indirect_dma source(%arg13 : memref<128x32xf32, #tpu.memory_space<vmem>>) target(%dma_start3A_136 : memref<50048x32xf32, #tpu.memory_space<vmem_shared>>) offsets(%dma_start3A_133 : memref<128xi32, #tpu.memory_space<vmem>>) semaphore(%run_scoped3A : memref<!tpu.dma_semaphore, #tpu.memory_space<semaphore_mem>>) {add = true}
          %dma_wait3A_137 = arith.constant 0 : i32
          %dma_wait3A_138 = tpu.memref_slice %arg10[%add3A_112, %dma_wait3A_137] : memref<40x128xi32, #tpu.memory_space<vmem>> -> memref<1x128xi32, #tpu.memory_space<vmem>>
          %dma_wait3A_139 = tpu.memref_squeeze %dma_wait3A_138 : memref<1x128xi32, #tpu.memory_space<vmem>> -> memref<128xi32, #tpu.memory_space<vmem>>
          %dma_wait3A_140 = arith.constant 0 : i32
          %dma_wait3A_141 = arith.constant 0 : i32
          %dma_wait3A_142 = tpu.memref_slice %arg19[%dma_wait3A_140, %dma_wait3A_141] : memref<50048x32xf32, #tpu.memory_space<vmem_shared>> -> memref<50048x32xf32, #tpu.memory_space<vmem_shared>>
          tpu.wait_indirect_dma semaphore(%run_scoped3A : memref<!tpu.dma_semaphore, #tpu.memory_space<semaphore_mem>>) src(%arg13 : memref<128x32xf32, #tpu.memory_space<vmem>>) dst(%dma_wait3A_142 : memref<50048x32xf32, #tpu.memory_space<vmem_shared>>)
          tpu.yield
        }) : () -> ()
        %add3A_113 = arith.constant 3 : i32
        %add3A_114 = arith.addi %mul3A_57, %add3A_113 : i32
        %add3A_115 = arith.constant 3 : i32
        %add3A_116 = arith.addi %add3A_114, %add3A_115 : i32
        %lt3A_117 = arith.constant 40 : i32
        %lt3A_118 = arith.cmpi slt, %add3A_116, %lt3A_117 : i32
        %convert_element_type3A_119 = arith.extui %lt3A_118 : i1 to i32
        %cond3A_120 = arith.constant 0 : i32
        %cond3A_121 = arith.cmpi ne, %convert_element_type3A_119, %cond3A_120 : i32
        scf.if %cond3A_121 {
          %eq3A_132 = arith.constant 0 : i32
          %eq3A_133 = arith.cmpi eq, %arg0, %eq3A_132 : i32
          %convert_element_type3A_134 = arith.extui %eq3A_133 : i1 to i32
          %cond3A_135 = arith.constant 0 : i32
          %cond3A_136 = arith.cmpi ne, %convert_element_type3A_134, %cond3A_135 : i32
          scf.if %cond3A_136 {
            %dma_start3A = arith.constant 0 : i32
            %dma_start3A_142 = tpu.memref_slice %arg9[%add3A_116, %dma_start3A] : memref<40x128xi32, #tpu.memory_space<vmem>> -> memref<1x128xi32, #tpu.memory_space<vmem>>
            %dma_start3A_143 = tpu.memref_squeeze %dma_start3A_142 : memref<1x128xi32, #tpu.memory_space<vmem>> -> memref<128xi32, #tpu.memory_space<vmem>>
            %dma_start3A_144 = arith.constant 0 : i32
            %dma_start3A_145 = arith.constant 0 : i32
            %dma_start3A_146 = tpu.memref_slice %arg2[%dma_start3A_144, %dma_start3A_145] : memref<50048x32xf32, #tpu.memory_space<hbm>> -> memref<50048x32xf32, #tpu.memory_space<hbm>>
            tpu.enqueue_indirect_dma source(%dma_start3A_146 : memref<50048x32xf32, #tpu.memory_space<hbm>>) target(%arg13 : memref<128x32xf32, #tpu.memory_space<vmem>>) offsets(%dma_start3A_143 : memref<128xi32, #tpu.memory_space<vmem>>) semaphore(%arg17 : memref<!tpu.dma_semaphore, #tpu.memory_space<semaphore_mem>>)
          } else {
          }
          %eq3A_137 = arith.constant 1 : i32
          %eq3A_138 = arith.cmpi eq, %arg0, %eq3A_137 : i32
          %convert_element_type3A_139 = arith.extui %eq3A_138 : i1 to i32
          %cond3A_140 = arith.constant 0 : i32
          %cond3A_141 = arith.cmpi ne, %convert_element_type3A_139, %cond3A_140 : i32
          scf.if %cond3A_141 {
            %dma_start3A = arith.constant 0 : i32
            %dma_start3A_142 = tpu.memref_slice %arg9[%add3A_116, %dma_start3A] : memref<40x128xi32, #tpu.memory_space<vmem>> -> memref<1x128xi32, #tpu.memory_space<vmem>>
            %dma_start3A_143 = tpu.memref_squeeze %dma_start3A_142 : memref<1x128xi32, #tpu.memory_space<vmem>> -> memref<128xi32, #tpu.memory_space<vmem>>
            %dma_start3A_144 = arith.constant 0 : i32
            %dma_start3A_145 = arith.constant 0 : i32
            %dma_start3A_146 = tpu.memref_slice %arg3[%dma_start3A_144, %dma_start3A_145] : memref<50048x32xf32, #tpu.memory_space<hbm>> -> memref<50048x32xf32, #tpu.memory_space<hbm>>
            tpu.enqueue_indirect_dma source(%dma_start3A_146 : memref<50048x32xf32, #tpu.memory_space<hbm>>) target(%arg13 : memref<128x32xf32, #tpu.memory_space<vmem>>) offsets(%dma_start3A_143 : memref<128xi32, #tpu.memory_space<vmem>>) semaphore(%arg17 : memref<!tpu.dma_semaphore, #tpu.memory_space<semaphore_mem>>)
          } else {
          }
        } else {
        }
        %add3A_122 = arith.constant 3 : i32
        %add3A_123 = arith.addi %mul3A_57, %add3A_122 : i32
        %dma_wait3A_124 = arith.constant 0 : i32
        %dma_wait3A_125 = tpu.memref_slice %arg9[%add3A_123, %dma_wait3A_124] : memref<40x128xi32, #tpu.memory_space<vmem>> -> memref<1x128xi32, #tpu.memory_space<vmem>>
        %dma_wait3A_126 = tpu.memref_squeeze %dma_wait3A_125 : memref<1x128xi32, #tpu.memory_space<vmem>> -> memref<128xi32, #tpu.memory_space<vmem>>
        %dma_wait3A_127 = arith.constant 0 : i32
        %dma_wait3A_128 = arith.constant 0 : i32
        %dma_wait3A_129 = tpu.memref_slice %arg2[%dma_wait3A_127, %dma_wait3A_128] : memref<50048x32xf32, #tpu.memory_space<hbm>> -> memref<50048x32xf32, #tpu.memory_space<hbm>>
        tpu.wait_indirect_dma semaphore(%arg18 : memref<!tpu.dma_semaphore, #tpu.memory_space<semaphore_mem>>) src(%dma_wait3A_129 : memref<50048x32xf32, #tpu.memory_space<hbm>>) dst(%arg14 : memref<128x32xf32, #tpu.memory_space<vmem>>)
        %add3A_130 = arith.constant 3 : i32
        %add3A_131 = arith.addi %mul3A_57, %add3A_130 : i32
        "tpu.region"() ({
          %run_scoped3A = tpu.sem_alloc : memref<!tpu.dma_semaphore, #tpu.memory_space<semaphore_mem>>
          %dma_start3A = arith.constant 0 : i32
          %dma_start3A_132 = tpu.memref_slice %arg10[%add3A_131, %dma_start3A] : memref<40x128xi32, #tpu.memory_space<vmem>> -> memref<1x128xi32, #tpu.memory_space<vmem>>
          %dma_start3A_133 = tpu.memref_squeeze %dma_start3A_132 : memref<1x128xi32, #tpu.memory_space<vmem>> -> memref<128xi32, #tpu.memory_space<vmem>>
          %dma_start3A_134 = arith.constant 0 : i32
          %dma_start3A_135 = arith.constant 0 : i32
          %dma_start3A_136 = tpu.memref_slice %arg19[%dma_start3A_134, %dma_start3A_135] : memref<50048x32xf32, #tpu.memory_space<vmem_shared>> -> memref<50048x32xf32, #tpu.memory_space<vmem_shared>>
          tpu.enqueue_indirect_dma source(%arg14 : memref<128x32xf32, #tpu.memory_space<vmem>>) target(%dma_start3A_136 : memref<50048x32xf32, #tpu.memory_space<vmem_shared>>) offsets(%dma_start3A_133 : memref<128xi32, #tpu.memory_space<vmem>>) semaphore(%run_scoped3A : memref<!tpu.dma_semaphore, #tpu.memory_space<semaphore_mem>>) {add = true}
          %dma_wait3A_137 = arith.constant 0 : i32
          %dma_wait3A_138 = tpu.memref_slice %arg10[%add3A_131, %dma_wait3A_137] : memref<40x128xi32, #tpu.memory_space<vmem>> -> memref<1x128xi32, #tpu.memory_space<vmem>>
          %dma_wait3A_139 = tpu.memref_squeeze %dma_wait3A_138 : memref<1x128xi32, #tpu.memory_space<vmem>> -> memref<128xi32, #tpu.memory_space<vmem>>
          %dma_wait3A_140 = arith.constant 0 : i32
          %dma_wait3A_141 = arith.constant 0 : i32
          %dma_wait3A_142 = tpu.memref_slice %arg19[%dma_wait3A_140, %dma_wait3A_141] : memref<50048x32xf32, #tpu.memory_space<vmem_shared>> -> memref<50048x32xf32, #tpu.memory_space<vmem_shared>>
          tpu.wait_indirect_dma semaphore(%run_scoped3A : memref<!tpu.dma_semaphore, #tpu.memory_space<semaphore_mem>>) src(%arg14 : memref<128x32xf32, #tpu.memory_space<vmem>>) dst(%dma_wait3A_142 : memref<50048x32xf32, #tpu.memory_space<vmem_shared>>)
          tpu.yield
        }) : () -> ()
      }
      %scan3A_54 = arith.constant 10 : i32
    }
    %scan3A_5 = arith.constant 10 : i32
    %barrier3A_6 = arith.constant 0 : index
    tpu.barrier barrier_id(%barrier3A_6)
    %eq3A = arith.constant 0 : i32
    %eq3A_7 = arith.cmpi eq, %arg0, %eq3A : i32
    %convert_element_type3A = arith.extui %eq3A_7 : i1 to i32
    %cond3A = arith.constant 0 : i32
    %cond3A_8 = arith.cmpi ne, %convert_element_type3A, %cond3A : i32
    scf.if %cond3A_8 {
      %mul3A_14 = arith.constant 3128 : i32
      %mul3A_15 = arith.muli %arg1, %mul3A_14 : i32
      %mul3A_16 = arith.constant 3128 : i32
      %mul3A_17 = arith.muli %arg1, %mul3A_16 : i32
      "tpu.region"() ({
        %run_scoped3A = tpu.sem_alloc : memref<!tpu.dma_semaphore, #tpu.memory_space<semaphore_mem>>
        %dma_start3A = arith.constant 0 : i32
        %dma_start3A_18 = tpu.memref_slice %arg7[%mul3A_17, %dma_start3A] : memref<50048x32xf32, #tpu.memory_space<hbm>> -> memref<3128x32xf32, #tpu.memory_space<hbm>>
        %dma_start3A_19 = arith.constant 0 : i32
        %dma_start3A_20 = tpu.memref_slice %arg19[%mul3A_15, %dma_start3A_19] : memref<50048x32xf32, #tpu.memory_space<vmem_shared>> -> memref<3128x32xf32, #tpu.memory_space<vmem_shared>>
        tpu.enqueue_dma source(%dma_start3A_20 : memref<3128x32xf32, #tpu.memory_space<vmem_shared>>) target(%dma_start3A_18 : memref<3128x32xf32, #tpu.memory_space<hbm>>) target_semaphore(%run_scoped3A : memref<!tpu.dma_semaphore, #tpu.memory_space<semaphore_mem>>)
        %dma_wait3A = arith.constant 0 : i32
        %dma_wait3A_21 = tpu.memref_slice %arg7[%mul3A_17, %dma_wait3A] : memref<50048x32xf32, #tpu.memory_space<hbm>> -> memref<3128x32xf32, #tpu.memory_space<hbm>>
        %dma_wait3A_22 = arith.constant 0 : i32
        %dma_wait3A_23 = tpu.memref_slice %arg19[%mul3A_15, %dma_wait3A_22] : memref<50048x32xf32, #tpu.memory_space<vmem_shared>> -> memref<3128x32xf32, #tpu.memory_space<vmem_shared>>
        tpu.wait_dma2 semaphore(%run_scoped3A : memref<!tpu.dma_semaphore, #tpu.memory_space<semaphore_mem>>) src(%dma_wait3A_23 : memref<3128x32xf32, #tpu.memory_space<vmem_shared>>) dst(%dma_wait3A_21 : memref<3128x32xf32, #tpu.memory_space<hbm>>)
        tpu.yield
      }) : () -> ()
    } else {
    }
    %eq3A_9 = arith.constant 1 : i32
    %eq3A_10 = arith.cmpi eq, %arg0, %eq3A_9 : i32
    %convert_element_type3A_11 = arith.extui %eq3A_10 : i1 to i32
    %cond3A_12 = arith.constant 0 : i32
    %cond3A_13 = arith.cmpi ne, %convert_element_type3A_11, %cond3A_12 : i32
    scf.if %cond3A_13 {
      %mul3A_14 = arith.constant 3128 : i32
      %mul3A_15 = arith.muli %arg1, %mul3A_14 : i32
      %mul3A_16 = arith.constant 3128 : i32
      %mul3A_17 = arith.muli %arg1, %mul3A_16 : i32
      "tpu.region"() ({
        %run_scoped3A = tpu.sem_alloc : memref<!tpu.dma_semaphore, #tpu.memory_space<semaphore_mem>>
        %dma_start3A = arith.constant 0 : i32
        %dma_start3A_18 = tpu.memref_slice %arg8[%mul3A_17, %dma_start3A] : memref<50048x32xf32, #tpu.memory_space<hbm>> -> memref<3128x32xf32, #tpu.memory_space<hbm>>
        %dma_start3A_19 = arith.constant 0 : i32
        %dma_start3A_20 = tpu.memref_slice %arg19[%mul3A_15, %dma_start3A_19] : memref<50048x32xf32, #tpu.memory_space<vmem_shared>> -> memref<3128x32xf32, #tpu.memory_space<vmem_shared>>
        tpu.enqueue_dma source(%dma_start3A_20 : memref<3128x32xf32, #tpu.memory_space<vmem_shared>>) target(%dma_start3A_18 : memref<3128x32xf32, #tpu.memory_space<hbm>>) target_semaphore(%run_scoped3A : memref<!tpu.dma_semaphore, #tpu.memory_space<semaphore_mem>>)
        %dma_wait3A = arith.constant 0 : i32
        %dma_wait3A_21 = tpu.memref_slice %arg8[%mul3A_17, %dma_wait3A] : memref<50048x32xf32, #tpu.memory_space<hbm>> -> memref<3128x32xf32, #tpu.memory_space<hbm>>
        %dma_wait3A_22 = arith.constant 0 : i32
        %dma_wait3A_23 = tpu.memref_slice %arg19[%mul3A_15, %dma_wait3A_22] : memref<50048x32xf32, #tpu.memory_space<vmem_shared>> -> memref<3128x32xf32, #tpu.memory_space<vmem_shared>>
        tpu.wait_dma2 semaphore(%run_scoped3A : memref<!tpu.dma_semaphore, #tpu.memory_space<semaphore_mem>>) src(%dma_wait3A_23 : memref<3128x32xf32, #tpu.memory_space<vmem_shared>>) dst(%dma_wait3A_21 : memref<3128x32xf32, #tpu.memory_space<hbm>>)
        tpu.yield
      }) : () -> ()
    } else {
    }
    return
  }
}

#map = affine_map<(d0, d1) -> (0, 0)>
module attributes {stable_mosaic.version = 14 : i64} {
  func.func @agg_kernel(%arg0: i32, %arg1: i32, %arg2: memref<50048x32xf32, #tpu.memory_space<hbm>>, %arg3: memref<50048x32xf32, #tpu.memory_space<hbm>>, %arg4: memref<6400x128xi32, #tpu.memory_space<hbm>>, %arg5: memref<6400x128xi32, #tpu.memory_space<hbm>>, %arg6: memref<3128x32xf32, #tpu.memory_space<hbm>>, %arg7: memref<50048x32xf32, #tpu.memory_space<hbm>>, %arg8: memref<50048x32xf32, #tpu.memory_space<hbm>>, %arg9: memref<40x128xi32, #tpu.memory_space<vmem>>, %arg10: memref<40x128xi32, #tpu.memory_space<vmem>>, %arg11: memref<128x32xf32, #tpu.memory_space<vmem>>, %arg12: memref<128x32xf32, #tpu.memory_space<vmem>>, %arg13: memref<128x32xf32, #tpu.memory_space<vmem>>, %arg14: memref<128x32xf32, #tpu.memory_space<vmem>>, %arg15: memref<!tpu.dma_semaphore, #tpu.memory_space<semaphore_mem>>, %arg16: memref<!tpu.dma_semaphore, #tpu.memory_space<semaphore_mem>>, %arg17: memref<!tpu.dma_semaphore, #tpu.memory_space<semaphore_mem>>, %arg18: memref<!tpu.dma_semaphore, #tpu.memory_space<semaphore_mem>>, %arg19: memref<50048x32xf32, #tpu.memory_space<vmem_shared>>) attributes {dimension_semantics = [#tpu.dimension_semantics<core_parallel>, #tpu.dimension_semantics<subcore_parallel>], iteration_bounds = array<i64: 2, 16>, scalar_prefetch = 0 : i64, scratch_operands = 11 : i64, tpu.core_type = #tpu.core_type<sc_vector_subcore>, window_params = [{transform_indices = #map}, {transform_indices = #map}, {transform_indices = #map}, {transform_indices = #map}, {transform_indices = #map}, {transform_indices = #map}, {transform_indices = #map}]} {
    %mul3A = arith.constant 3128 : i32
    %mul3A_0 = arith.muli %arg1, %mul3A : i32
    "tpu.region"() ({
      %run_scoped3A = tpu.sem_alloc : memref<!tpu.dma_semaphore, #tpu.memory_space<semaphore_mem>>
      %dma_start3A = arith.constant 0 : i32
      %dma_start3A_14 = tpu.memref_slice %arg19[%mul3A_0, %dma_start3A] : memref<50048x32xf32, #tpu.memory_space<vmem_shared>> -> memref<3128x32xf32, #tpu.memory_space<vmem_shared>>
      tpu.enqueue_dma source(%arg6 : memref<3128x32xf32, #tpu.memory_space<hbm>>) target(%dma_start3A_14 : memref<3128x32xf32, #tpu.memory_space<vmem_shared>>) target_semaphore(%run_scoped3A : memref<!tpu.dma_semaphore, #tpu.memory_space<semaphore_mem>>)
      %dma_wait3A = arith.constant 0 : i32
      %dma_wait3A_15 = tpu.memref_slice %arg19[%mul3A_0, %dma_wait3A] : memref<50048x32xf32, #tpu.memory_space<vmem_shared>> -> memref<3128x32xf32, #tpu.memory_space<vmem_shared>>
      tpu.wait_dma2 semaphore(%run_scoped3A : memref<!tpu.dma_semaphore, #tpu.memory_space<semaphore_mem>>) src(%arg6 : memref<3128x32xf32, #tpu.memory_space<hbm>>) dst(%dma_wait3A_15 : memref<3128x32xf32, #tpu.memory_space<vmem_shared>>)
      tpu.yield
    }) : () -> ()
    %barrier3A = arith.constant 0 : index
    tpu.barrier barrier_id(%barrier3A)
    %scan3A = arith.constant 0 : i32
    %scan3A_1 = arith.constant 0 : i32
    %scan3A_2 = arith.constant 10 : i32
    %scan3A_3 = arith.addi %scan3A_1, %scan3A_2 : i32
    %scan3A_4 = arith.constant 1 : i32
    scf.for %scan3A_14 = %scan3A_1 to %scan3A_3 step %scan3A_4  : i32 {
      %mul3A_15 = arith.constant 400 : i32
      %mul3A_16 = arith.muli %arg1, %mul3A_15 : i32
      %mul3A_17 = arith.constant 40 : i32
      %mul3A_18 = arith.muli %scan3A_14, %mul3A_17 : i32
      %add3A = arith.addi %mul3A_16, %mul3A_18 : i32
      "tpu.region"() ({
        %run_scoped3A = tpu.sem_alloc : memref<!tpu.dma_semaphore, #tpu.memory_space<semaphore_mem>>
        %dma_start3A = arith.constant 0 : i32
        %dma_start3A_55 = tpu.memref_slice %arg4[%add3A, %dma_start3A] : memref<6400x128xi32, #tpu.memory_space<hbm>> -> memref<40x128xi32, #tpu.memory_space<hbm>>
        %dma_start3A_56 = arith.constant 0 : i32
        %dma_start3A_57 = tpu.memref_slice %arg4[%add3A, %dma_start3A_56] : memref<6400x128xi32, #tpu.memory_space<hbm>> -> memref<40x128xi32, #tpu.memory_space<hbm>>
        tpu.enqueue_dma source(%dma_start3A_57 : memref<40x128xi32, #tpu.memory_space<hbm>>) target(%arg9 : memref<40x128xi32, #tpu.memory_space<vmem>>) target_semaphore(%run_scoped3A : memref<!tpu.dma_semaphore, #tpu.memory_space<semaphore_mem>>)
        %dma_wait3A = arith.constant 0 : i32
        %dma_wait3A_58 = tpu.memref_slice %arg4[%add3A, %dma_wait3A] : memref<6400x128xi32, #tpu.memory_space<hbm>> -> memref<40x128xi32, #tpu.memory_space<hbm>>
        %dma_wait3A_59 = arith.constant 0 : i32
        %dma_wait3A_60 = tpu.memref_slice %arg4[%add3A, %dma_wait3A_59] : memref<6400x128xi32, #tpu.memory_space<hbm>> -> memref<40x128xi32, #tpu.memory_space<hbm>>
        tpu.wait_dma2 semaphore(%run_scoped3A : memref<!tpu.dma_semaphore, #tpu.memory_space<semaphore_mem>>) src(%dma_wait3A_60 : memref<40x128xi32, #tpu.memory_space<hbm>>) dst(%arg9 : memref<40x128xi32, #tpu.memory_space<vmem>>)
        tpu.yield
      }) : () -> ()
      "tpu.region"() ({
        %run_scoped3A = tpu.sem_alloc : memref<!tpu.dma_semaphore, #tpu.memory_space<semaphore_mem>>
        %dma_start3A = arith.constant 0 : i32
        %dma_start3A_55 = tpu.memref_slice %arg5[%add3A, %dma_start3A] : memref<6400x128xi32, #tpu.memory_space<hbm>> -> memref<40x128xi32, #tpu.memory_space<hbm>>
        %dma_start3A_56 = arith.constant 0 : i32
        %dma_start3A_57 = tpu.memref_slice %arg5[%add3A, %dma_start3A_56] : memref<6400x128xi32, #tpu.memory_space<hbm>> -> memref<40x128xi32, #tpu.memory_space<hbm>>
        tpu.enqueue_dma source(%dma_start3A_57 : memref<40x128xi32, #tpu.memory_space<hbm>>) target(%arg10 : memref<40x128xi32, #tpu.memory_space<vmem>>) target_semaphore(%run_scoped3A : memref<!tpu.dma_semaphore, #tpu.memory_space<semaphore_mem>>)
        %dma_wait3A = arith.constant 0 : i32
        %dma_wait3A_58 = tpu.memref_slice %arg5[%add3A, %dma_wait3A] : memref<6400x128xi32, #tpu.memory_space<hbm>> -> memref<40x128xi32, #tpu.memory_space<hbm>>
        %dma_wait3A_59 = arith.constant 0 : i32
        %dma_wait3A_60 = tpu.memref_slice %arg5[%add3A, %dma_wait3A_59] : memref<6400x128xi32, #tpu.memory_space<hbm>> -> memref<40x128xi32, #tpu.memory_space<hbm>>
        tpu.wait_dma2 semaphore(%run_scoped3A : memref<!tpu.dma_semaphore, #tpu.memory_space<semaphore_mem>>) src(%dma_wait3A_60 : memref<40x128xi32, #tpu.memory_space<hbm>>) dst(%arg10 : memref<40x128xi32, #tpu.memory_space<vmem>>)
        tpu.yield
      }) : () -> ()
      %eq3A_19 = arith.constant 0 : i32
      %eq3A_20 = arith.cmpi eq, %arg0, %eq3A_19 : i32
      %convert_element_type3A_21 = arith.extui %eq3A_20 : i1 to i32
      %cond3A_22 = arith.constant 0 : i32
      %cond3A_23 = arith.cmpi ne, %convert_element_type3A_21, %cond3A_22 : i32
      scf.if %cond3A_23 {
        %dma_start3A = arith.constant 0 : i32
        %dma_start3A_55 = arith.constant 0 : i32
        %dma_start3A_56 = tpu.memref_slice %arg9[%dma_start3A, %dma_start3A_55] : memref<40x128xi32, #tpu.memory_space<vmem>> -> memref<1x128xi32, #tpu.memory_space<vmem>>
        %dma_start3A_57 = tpu.memref_squeeze %dma_start3A_56 : memref<1x128xi32, #tpu.memory_space<vmem>> -> memref<128xi32, #tpu.memory_space<vmem>>
        %dma_start3A_58 = arith.constant 0 : i32
        %dma_start3A_59 = arith.constant 0 : i32
        %dma_start3A_60 = tpu.memref_slice %arg2[%dma_start3A_58, %dma_start3A_59] : memref<50048x32xf32, #tpu.memory_space<hbm>> -> memref<50048x32xf32, #tpu.memory_space<hbm>>
        tpu.enqueue_indirect_dma source(%dma_start3A_60 : memref<50048x32xf32, #tpu.memory_space<hbm>>) target(%arg11 : memref<128x32xf32, #tpu.memory_space<vmem>>) offsets(%dma_start3A_57 : memref<128xi32, #tpu.memory_space<vmem>>) semaphore(%arg15 : memref<!tpu.dma_semaphore, #tpu.memory_space<semaphore_mem>>)
      } else {
      }
      %eq3A_24 = arith.constant 1 : i32
      %eq3A_25 = arith.cmpi eq, %arg0, %eq3A_24 : i32
      %convert_element_type3A_26 = arith.extui %eq3A_25 : i1 to i32
      %cond3A_27 = arith.constant 0 : i32
      %cond3A_28 = arith.cmpi ne, %convert_element_type3A_26, %cond3A_27 : i32
      scf.if %cond3A_28 {
        %dma_start3A = arith.constant 0 : i32
        %dma_start3A_55 = arith.constant 0 : i32
        %dma_start3A_56 = tpu.memref_slice %arg9[%dma_start3A, %dma_start3A_55] : memref<40x128xi32, #tpu.memory_space<vmem>> -> memref<1x128xi32, #tpu.memory_space<vmem>>
        %dma_start3A_57 = tpu.memref_squeeze %dma_start3A_56 : memref<1x128xi32, #tpu.memory_space<vmem>> -> memref<128xi32, #tpu.memory_space<vmem>>
        %dma_start3A_58 = arith.constant 0 : i32
        %dma_start3A_59 = arith.constant 0 : i32
        %dma_start3A_60 = tpu.memref_slice %arg3[%dma_start3A_58, %dma_start3A_59] : memref<50048x32xf32, #tpu.memory_space<hbm>> -> memref<50048x32xf32, #tpu.memory_space<hbm>>
        tpu.enqueue_indirect_dma source(%dma_start3A_60 : memref<50048x32xf32, #tpu.memory_space<hbm>>) target(%arg11 : memref<128x32xf32, #tpu.memory_space<vmem>>) offsets(%dma_start3A_57 : memref<128xi32, #tpu.memory_space<vmem>>) semaphore(%arg15 : memref<!tpu.dma_semaphore, #tpu.memory_space<semaphore_mem>>)
      } else {
      }
      %eq3A_29 = arith.constant 0 : i32
      %eq3A_30 = arith.cmpi eq, %arg0, %eq3A_29 : i32
      %convert_element_type3A_31 = arith.extui %eq3A_30 : i1 to i32
      %cond3A_32 = arith.constant 0 : i32
      %cond3A_33 = arith.cmpi ne, %convert_element_type3A_31, %cond3A_32 : i32
      scf.if %cond3A_33 {
        %dma_start3A = arith.constant 1 : i32
        %dma_start3A_55 = arith.constant 0 : i32
        %dma_start3A_56 = tpu.memref_slice %arg9[%dma_start3A, %dma_start3A_55] : memref<40x128xi32, #tpu.memory_space<vmem>> -> memref<1x128xi32, #tpu.memory_space<vmem>>
        %dma_start3A_57 = tpu.memref_squeeze %dma_start3A_56 : memref<1x128xi32, #tpu.memory_space<vmem>> -> memref<128xi32, #tpu.memory_space<vmem>>
        %dma_start3A_58 = arith.constant 0 : i32
        %dma_start3A_59 = arith.constant 0 : i32
        %dma_start3A_60 = tpu.memref_slice %arg2[%dma_start3A_58, %dma_start3A_59] : memref<50048x32xf32, #tpu.memory_space<hbm>> -> memref<50048x32xf32, #tpu.memory_space<hbm>>
        tpu.enqueue_indirect_dma source(%dma_start3A_60 : memref<50048x32xf32, #tpu.memory_space<hbm>>) target(%arg12 : memref<128x32xf32, #tpu.memory_space<vmem>>) offsets(%dma_start3A_57 : memref<128xi32, #tpu.memory_space<vmem>>) semaphore(%arg16 : memref<!tpu.dma_semaphore, #tpu.memory_space<semaphore_mem>>)
      } else {
      }
      %eq3A_34 = arith.constant 1 : i32
      %eq3A_35 = arith.cmpi eq, %arg0, %eq3A_34 : i32
      %convert_element_type3A_36 = arith.extui %eq3A_35 : i1 to i32
      %cond3A_37 = arith.constant 0 : i32
      %cond3A_38 = arith.cmpi ne, %convert_element_type3A_36, %cond3A_37 : i32
      scf.if %cond3A_38 {
        %dma_start3A = arith.constant 1 : i32
        %dma_start3A_55 = arith.constant 0 : i32
        %dma_start3A_56 = tpu.memref_slice %arg9[%dma_start3A, %dma_start3A_55] : memref<40x128xi32, #tpu.memory_space<vmem>> -> memref<1x128xi32, #tpu.memory_space<vmem>>
        %dma_start3A_57 = tpu.memref_squeeze %dma_start3A_56 : memref<1x128xi32, #tpu.memory_space<vmem>> -> memref<128xi32, #tpu.memory_space<vmem>>
        %dma_start3A_58 = arith.constant 0 : i32
        %dma_start3A_59 = arith.constant 0 : i32
        %dma_start3A_60 = tpu.memref_slice %arg3[%dma_start3A_58, %dma_start3A_59] : memref<50048x32xf32, #tpu.memory_space<hbm>> -> memref<50048x32xf32, #tpu.memory_space<hbm>>
        tpu.enqueue_indirect_dma source(%dma_start3A_60 : memref<50048x32xf32, #tpu.memory_space<hbm>>) target(%arg12 : memref<128x32xf32, #tpu.memory_space<vmem>>) offsets(%dma_start3A_57 : memref<128xi32, #tpu.memory_space<vmem>>) semaphore(%arg16 : memref<!tpu.dma_semaphore, #tpu.memory_space<semaphore_mem>>)
      } else {
      }
      %eq3A_39 = arith.constant 0 : i32
      %eq3A_40 = arith.cmpi eq, %arg0, %eq3A_39 : i32
      %convert_element_type3A_41 = arith.extui %eq3A_40 : i1 to i32
      %cond3A_42 = arith.constant 0 : i32
      %cond3A_43 = arith.cmpi ne, %convert_element_type3A_41, %cond3A_42 : i32
      scf.if %cond3A_43 {
        %dma_start3A = arith.constant 2 : i32
        %dma_start3A_55 = arith.constant 0 : i32
        %dma_start3A_56 = tpu.memref_slice %arg9[%dma_start3A, %dma_start3A_55] : memref<40x128xi32, #tpu.memory_space<vmem>> -> memref<1x128xi32, #tpu.memory_space<vmem>>
        %dma_start3A_57 = tpu.memref_squeeze %dma_start3A_56 : memref<1x128xi32, #tpu.memory_space<vmem>> -> memref<128xi32, #tpu.memory_space<vmem>>
        %dma_start3A_58 = arith.constant 0 : i32
        %dma_start3A_59 = arith.constant 0 : i32
        %dma_start3A_60 = tpu.memref_slice %arg2[%dma_start3A_58, %dma_start3A_59] : memref<50048x32xf32, #tpu.memory_space<hbm>> -> memref<50048x32xf32, #tpu.memory_space<hbm>>
        tpu.enqueue_indirect_dma source(%dma_start3A_60 : memref<50048x32xf32, #tpu.memory_space<hbm>>) target(%arg13 : memref<128x32xf32, #tpu.memory_space<vmem>>) offsets(%dma_start3A_57 : memref<128xi32, #tpu.memory_space<vmem>>) semaphore(%arg17 : memref<!tpu.dma_semaphore, #tpu.memory_space<semaphore_mem>>)
      } else {
      }
      %eq3A_44 = arith.constant 1 : i32
      %eq3A_45 = arith.cmpi eq, %arg0, %eq3A_44 : i32
      %convert_element_type3A_46 = arith.extui %eq3A_45 : i1 to i32
      %cond3A_47 = arith.constant 0 : i32
      %cond3A_48 = arith.cmpi ne, %convert_element_type3A_46, %cond3A_47 : i32
      scf.if %cond3A_48 {
        %dma_start3A = arith.constant 2 : i32
        %dma_start3A_55 = arith.constant 0 : i32
        %dma_start3A_56 = tpu.memref_slice %arg9[%dma_start3A, %dma_start3A_55] : memref<40x128xi32, #tpu.memory_space<vmem>> -> memref<1x128xi32, #tpu.memory_space<vmem>>
        %dma_start3A_57 = tpu.memref_squeeze %dma_start3A_56 : memref<1x128xi32, #tpu.memory_space<vmem>> -> memref<128xi32, #tpu.memory_space<vmem>>
        %dma_start3A_58 = arith.constant 0 : i32
        %dma_start3A_59 = arith.constant 0 : i32
        %dma_start3A_60 = tpu.memref_slice %arg3[%dma_start3A_58, %dma_start3A_59] : memref<50048x32xf32, #tpu.memory_space<hbm>> -> memref<50048x32xf32, #tpu.memory_space<hbm>>
        tpu.enqueue_indirect_dma source(%dma_start3A_60 : memref<50048x32xf32, #tpu.memory_space<hbm>>) target(%arg13 : memref<128x32xf32, #tpu.memory_space<vmem>>) offsets(%dma_start3A_57 : memref<128xi32, #tpu.memory_space<vmem>>) semaphore(%arg17 : memref<!tpu.dma_semaphore, #tpu.memory_space<semaphore_mem>>)
      } else {
      }
      %scan3A_49 = arith.constant 0 : i32
      %scan3A_50 = arith.constant 0 : i32
      %scan3A_51 = arith.constant 10 : i32
      %scan3A_52 = arith.addi %scan3A_50, %scan3A_51 : i32
      %scan3A_53 = arith.constant 1 : i32
      scf.for %scan3A_55 = %scan3A_50 to %scan3A_52 step %scan3A_53  : i32 {
        %mul3A_56 = arith.constant 4 : i32
        %mul3A_57 = arith.muli %mul3A_56, %scan3A_55 : i32
        %add3A_58 = arith.constant 0 : i32
        %add3A_59 = arith.addi %mul3A_57, %add3A_58 : i32
        %add3A_60 = arith.constant 3 : i32
        %add3A_61 = arith.addi %add3A_59, %add3A_60 : i32
        %lt3A = arith.constant 40 : i32
        %lt3A_62 = arith.cmpi slt, %add3A_61, %lt3A : i32
        %convert_element_type3A_63 = arith.extui %lt3A_62 : i1 to i32
        %cond3A_64 = arith.constant 0 : i32
        %cond3A_65 = arith.cmpi ne, %convert_element_type3A_63, %cond3A_64 : i32
        scf.if %cond3A_65 {
          %eq3A_132 = arith.constant 0 : i32
          %eq3A_133 = arith.cmpi eq, %arg0, %eq3A_132 : i32
          %convert_element_type3A_134 = arith.extui %eq3A_133 : i1 to i32
          %cond3A_135 = arith.constant 0 : i32
          %cond3A_136 = arith.cmpi ne, %convert_element_type3A_134, %cond3A_135 : i32
          scf.if %cond3A_136 {
            %dma_start3A = arith.constant 0 : i32
            %dma_start3A_142 = tpu.memref_slice %arg9[%add3A_61, %dma_start3A] : memref<40x128xi32, #tpu.memory_space<vmem>> -> memref<1x128xi32, #tpu.memory_space<vmem>>
            %dma_start3A_143 = tpu.memref_squeeze %dma_start3A_142 : memref<1x128xi32, #tpu.memory_space<vmem>> -> memref<128xi32, #tpu.memory_space<vmem>>
            %dma_start3A_144 = arith.constant 0 : i32
            %dma_start3A_145 = arith.constant 0 : i32
            %dma_start3A_146 = tpu.memref_slice %arg2[%dma_start3A_144, %dma_start3A_145] : memref<50048x32xf32, #tpu.memory_space<hbm>> -> memref<50048x32xf32, #tpu.memory_space<hbm>>
            tpu.enqueue_indirect_dma source(%dma_start3A_146 : memref<50048x32xf32, #tpu.memory_space<hbm>>) target(%arg14 : memref<128x32xf32, #tpu.memory_space<vmem>>) offsets(%dma_start3A_143 : memref<128xi32, #tpu.memory_space<vmem>>) semaphore(%arg18 : memref<!tpu.dma_semaphore, #tpu.memory_space<semaphore_mem>>)
          } else {
          }
          %eq3A_137 = arith.constant 1 : i32
          %eq3A_138 = arith.cmpi eq, %arg0, %eq3A_137 : i32
          %convert_element_type3A_139 = arith.extui %eq3A_138 : i1 to i32
          %cond3A_140 = arith.constant 0 : i32
          %cond3A_141 = arith.cmpi ne, %convert_element_type3A_139, %cond3A_140 : i32
          scf.if %cond3A_141 {
            %dma_start3A = arith.constant 0 : i32
            %dma_start3A_142 = tpu.memref_slice %arg9[%add3A_61, %dma_start3A] : memref<40x128xi32, #tpu.memory_space<vmem>> -> memref<1x128xi32, #tpu.memory_space<vmem>>
            %dma_start3A_143 = tpu.memref_squeeze %dma_start3A_142 : memref<1x128xi32, #tpu.memory_space<vmem>> -> memref<128xi32, #tpu.memory_space<vmem>>
            %dma_start3A_144 = arith.constant 0 : i32
            %dma_start3A_145 = arith.constant 0 : i32
            %dma_start3A_146 = tpu.memref_slice %arg3[%dma_start3A_144, %dma_start3A_145] : memref<50048x32xf32, #tpu.memory_space<hbm>> -> memref<50048x32xf32, #tpu.memory_space<hbm>>
            tpu.enqueue_indirect_dma source(%dma_start3A_146 : memref<50048x32xf32, #tpu.memory_space<hbm>>) target(%arg14 : memref<128x32xf32, #tpu.memory_space<vmem>>) offsets(%dma_start3A_143 : memref<128xi32, #tpu.memory_space<vmem>>) semaphore(%arg18 : memref<!tpu.dma_semaphore, #tpu.memory_space<semaphore_mem>>)
          } else {
          }
        } else {
        }
        %add3A_66 = arith.constant 0 : i32
        %add3A_67 = arith.addi %mul3A_57, %add3A_66 : i32
        %dma_wait3A = arith.constant 0 : i32
        %dma_wait3A_68 = tpu.memref_slice %arg9[%add3A_67, %dma_wait3A] : memref<40x128xi32, #tpu.memory_space<vmem>> -> memref<1x128xi32, #tpu.memory_space<vmem>>
        %dma_wait3A_69 = tpu.memref_squeeze %dma_wait3A_68 : memref<1x128xi32, #tpu.memory_space<vmem>> -> memref<128xi32, #tpu.memory_space<vmem>>
        %dma_wait3A_70 = arith.constant 0 : i32
        %dma_wait3A_71 = arith.constant 0 : i32
        %dma_wait3A_72 = tpu.memref_slice %arg2[%dma_wait3A_70, %dma_wait3A_71] : memref<50048x32xf32, #tpu.memory_space<hbm>> -> memref<50048x32xf32, #tpu.memory_space<hbm>>
        tpu.wait_indirect_dma semaphore(%arg15 : memref<!tpu.dma_semaphore, #tpu.memory_space<semaphore_mem>>) src(%dma_wait3A_72 : memref<50048x32xf32, #tpu.memory_space<hbm>>) dst(%arg11 : memref<128x32xf32, #tpu.memory_space<vmem>>)
        %add3A_73 = arith.constant 0 : i32
        %add3A_74 = arith.addi %mul3A_57, %add3A_73 : i32
        "tpu.region"() ({
          %run_scoped3A = tpu.sem_alloc : memref<!tpu.dma_semaphore, #tpu.memory_space<semaphore_mem>>
          %dma_start3A = arith.constant 0 : i32
          %dma_start3A_132 = tpu.memref_slice %arg10[%add3A_74, %dma_start3A] : memref<40x128xi32, #tpu.memory_space<vmem>> -> memref<1x128xi32, #tpu.memory_space<vmem>>
          %dma_start3A_133 = tpu.memref_squeeze %dma_start3A_132 : memref<1x128xi32, #tpu.memory_space<vmem>> -> memref<128xi32, #tpu.memory_space<vmem>>
          %dma_start3A_134 = arith.constant 0 : i32
          %dma_start3A_135 = arith.constant 0 : i32
          %dma_start3A_136 = tpu.memref_slice %arg19[%dma_start3A_134, %dma_start3A_135] : memref<50048x32xf32, #tpu.memory_space<vmem_shared>> -> memref<50048x32xf32, #tpu.memory_space<vmem_shared>>
          tpu.enqueue_indirect_dma source(%arg11 : memref<128x32xf32, #tpu.memory_space<vmem>>) target(%dma_start3A_136 : memref<50048x32xf32, #tpu.memory_space<vmem_shared>>) offsets(%dma_start3A_133 : memref<128xi32, #tpu.memory_space<vmem>>) semaphore(%run_scoped3A : memref<!tpu.dma_semaphore, #tpu.memory_space<semaphore_mem>>) {add = true}
          %dma_wait3A_137 = arith.constant 0 : i32
          %dma_wait3A_138 = tpu.memref_slice %arg10[%add3A_74, %dma_wait3A_137] : memref<40x128xi32, #tpu.memory_space<vmem>> -> memref<1x128xi32, #tpu.memory_space<vmem>>
          %dma_wait3A_139 = tpu.memref_squeeze %dma_wait3A_138 : memref<1x128xi32, #tpu.memory_space<vmem>> -> memref<128xi32, #tpu.memory_space<vmem>>
          %dma_wait3A_140 = arith.constant 0 : i32
          %dma_wait3A_141 = arith.constant 0 : i32
          %dma_wait3A_142 = tpu.memref_slice %arg19[%dma_wait3A_140, %dma_wait3A_141] : memref<50048x32xf32, #tpu.memory_space<vmem_shared>> -> memref<50048x32xf32, #tpu.memory_space<vmem_shared>>
          tpu.wait_indirect_dma semaphore(%run_scoped3A : memref<!tpu.dma_semaphore, #tpu.memory_space<semaphore_mem>>) src(%arg11 : memref<128x32xf32, #tpu.memory_space<vmem>>) dst(%dma_wait3A_142 : memref<50048x32xf32, #tpu.memory_space<vmem_shared>>)
          tpu.yield
        }) : () -> ()
        %add3A_75 = arith.constant 1 : i32
        %add3A_76 = arith.addi %mul3A_57, %add3A_75 : i32
        %add3A_77 = arith.constant 3 : i32
        %add3A_78 = arith.addi %add3A_76, %add3A_77 : i32
        %lt3A_79 = arith.constant 40 : i32
        %lt3A_80 = arith.cmpi slt, %add3A_78, %lt3A_79 : i32
        %convert_element_type3A_81 = arith.extui %lt3A_80 : i1 to i32
        %cond3A_82 = arith.constant 0 : i32
        %cond3A_83 = arith.cmpi ne, %convert_element_type3A_81, %cond3A_82 : i32
        scf.if %cond3A_83 {
          %eq3A_132 = arith.constant 0 : i32
          %eq3A_133 = arith.cmpi eq, %arg0, %eq3A_132 : i32
          %convert_element_type3A_134 = arith.extui %eq3A_133 : i1 to i32
          %cond3A_135 = arith.constant 0 : i32
          %cond3A_136 = arith.cmpi ne, %convert_element_type3A_134, %cond3A_135 : i32
          scf.if %cond3A_136 {
            %dma_start3A = arith.constant 0 : i32
            %dma_start3A_142 = tpu.memref_slice %arg9[%add3A_78, %dma_start3A] : memref<40x128xi32, #tpu.memory_space<vmem>> -> memref<1x128xi32, #tpu.memory_space<vmem>>
            %dma_start3A_143 = tpu.memref_squeeze %dma_start3A_142 : memref<1x128xi32, #tpu.memory_space<vmem>> -> memref<128xi32, #tpu.memory_space<vmem>>
            %dma_start3A_144 = arith.constant 0 : i32
            %dma_start3A_145 = arith.constant 0 : i32
            %dma_start3A_146 = tpu.memref_slice %arg2[%dma_start3A_144, %dma_start3A_145] : memref<50048x32xf32, #tpu.memory_space<hbm>> -> memref<50048x32xf32, #tpu.memory_space<hbm>>
            tpu.enqueue_indirect_dma source(%dma_start3A_146 : memref<50048x32xf32, #tpu.memory_space<hbm>>) target(%arg11 : memref<128x32xf32, #tpu.memory_space<vmem>>) offsets(%dma_start3A_143 : memref<128xi32, #tpu.memory_space<vmem>>) semaphore(%arg15 : memref<!tpu.dma_semaphore, #tpu.memory_space<semaphore_mem>>)
          } else {
          }
          %eq3A_137 = arith.constant 1 : i32
          %eq3A_138 = arith.cmpi eq, %arg0, %eq3A_137 : i32
          %convert_element_type3A_139 = arith.extui %eq3A_138 : i1 to i32
          %cond3A_140 = arith.constant 0 : i32
          %cond3A_141 = arith.cmpi ne, %convert_element_type3A_139, %cond3A_140 : i32
          scf.if %cond3A_141 {
            %dma_start3A = arith.constant 0 : i32
            %dma_start3A_142 = tpu.memref_slice %arg9[%add3A_78, %dma_start3A] : memref<40x128xi32, #tpu.memory_space<vmem>> -> memref<1x128xi32, #tpu.memory_space<vmem>>
            %dma_start3A_143 = tpu.memref_squeeze %dma_start3A_142 : memref<1x128xi32, #tpu.memory_space<vmem>> -> memref<128xi32, #tpu.memory_space<vmem>>
            %dma_start3A_144 = arith.constant 0 : i32
            %dma_start3A_145 = arith.constant 0 : i32
            %dma_start3A_146 = tpu.memref_slice %arg3[%dma_start3A_144, %dma_start3A_145] : memref<50048x32xf32, #tpu.memory_space<hbm>> -> memref<50048x32xf32, #tpu.memory_space<hbm>>
            tpu.enqueue_indirect_dma source(%dma_start3A_146 : memref<50048x32xf32, #tpu.memory_space<hbm>>) target(%arg11 : memref<128x32xf32, #tpu.memory_space<vmem>>) offsets(%dma_start3A_143 : memref<128xi32, #tpu.memory_space<vmem>>) semaphore(%arg15 : memref<!tpu.dma_semaphore, #tpu.memory_space<semaphore_mem>>)
          } else {
          }
        } else {
        }
        %add3A_84 = arith.constant 1 : i32
        %add3A_85 = arith.addi %mul3A_57, %add3A_84 : i32
        %dma_wait3A_86 = arith.constant 0 : i32
        %dma_wait3A_87 = tpu.memref_slice %arg9[%add3A_85, %dma_wait3A_86] : memref<40x128xi32, #tpu.memory_space<vmem>> -> memref<1x128xi32, #tpu.memory_space<vmem>>
        %dma_wait3A_88 = tpu.memref_squeeze %dma_wait3A_87 : memref<1x128xi32, #tpu.memory_space<vmem>> -> memref<128xi32, #tpu.memory_space<vmem>>
        %dma_wait3A_89 = arith.constant 0 : i32
        %dma_wait3A_90 = arith.constant 0 : i32
        %dma_wait3A_91 = tpu.memref_slice %arg2[%dma_wait3A_89, %dma_wait3A_90] : memref<50048x32xf32, #tpu.memory_space<hbm>> -> memref<50048x32xf32, #tpu.memory_space<hbm>>
        tpu.wait_indirect_dma semaphore(%arg16 : memref<!tpu.dma_semaphore, #tpu.memory_space<semaphore_mem>>) src(%dma_wait3A_91 : memref<50048x32xf32, #tpu.memory_space<hbm>>) dst(%arg12 : memref<128x32xf32, #tpu.memory_space<vmem>>)
        %add3A_92 = arith.constant 1 : i32
        %add3A_93 = arith.addi %mul3A_57, %add3A_92 : i32
        "tpu.region"() ({
          %run_scoped3A = tpu.sem_alloc : memref<!tpu.dma_semaphore, #tpu.memory_space<semaphore_mem>>
          %dma_start3A = arith.constant 0 : i32
          %dma_start3A_132 = tpu.memref_slice %arg10[%add3A_93, %dma_start3A] : memref<40x128xi32, #tpu.memory_space<vmem>> -> memref<1x128xi32, #tpu.memory_space<vmem>>
          %dma_start3A_133 = tpu.memref_squeeze %dma_start3A_132 : memref<1x128xi32, #tpu.memory_space<vmem>> -> memref<128xi32, #tpu.memory_space<vmem>>
          %dma_start3A_134 = arith.constant 0 : i32
          %dma_start3A_135 = arith.constant 0 : i32
          %dma_start3A_136 = tpu.memref_slice %arg19[%dma_start3A_134, %dma_start3A_135] : memref<50048x32xf32, #tpu.memory_space<vmem_shared>> -> memref<50048x32xf32, #tpu.memory_space<vmem_shared>>
          tpu.enqueue_indirect_dma source(%arg12 : memref<128x32xf32, #tpu.memory_space<vmem>>) target(%dma_start3A_136 : memref<50048x32xf32, #tpu.memory_space<vmem_shared>>) offsets(%dma_start3A_133 : memref<128xi32, #tpu.memory_space<vmem>>) semaphore(%run_scoped3A : memref<!tpu.dma_semaphore, #tpu.memory_space<semaphore_mem>>) {add = true}
          %dma_wait3A_137 = arith.constant 0 : i32
          %dma_wait3A_138 = tpu.memref_slice %arg10[%add3A_93, %dma_wait3A_137] : memref<40x128xi32, #tpu.memory_space<vmem>> -> memref<1x128xi32, #tpu.memory_space<vmem>>
          %dma_wait3A_139 = tpu.memref_squeeze %dma_wait3A_138 : memref<1x128xi32, #tpu.memory_space<vmem>> -> memref<128xi32, #tpu.memory_space<vmem>>
          %dma_wait3A_140 = arith.constant 0 : i32
          %dma_wait3A_141 = arith.constant 0 : i32
          %dma_wait3A_142 = tpu.memref_slice %arg19[%dma_wait3A_140, %dma_wait3A_141] : memref<50048x32xf32, #tpu.memory_space<vmem_shared>> -> memref<50048x32xf32, #tpu.memory_space<vmem_shared>>
          tpu.wait_indirect_dma semaphore(%run_scoped3A : memref<!tpu.dma_semaphore, #tpu.memory_space<semaphore_mem>>) src(%arg12 : memref<128x32xf32, #tpu.memory_space<vmem>>) dst(%dma_wait3A_142 : memref<50048x32xf32, #tpu.memory_space<vmem_shared>>)
          tpu.yield
        }) : () -> ()
        %add3A_94 = arith.constant 2 : i32
        %add3A_95 = arith.addi %mul3A_57, %add3A_94 : i32
        %add3A_96 = arith.constant 3 : i32
        %add3A_97 = arith.addi %add3A_95, %add3A_96 : i32
        %lt3A_98 = arith.constant 40 : i32
        %lt3A_99 = arith.cmpi slt, %add3A_97, %lt3A_98 : i32
        %convert_element_type3A_100 = arith.extui %lt3A_99 : i1 to i32
        %cond3A_101 = arith.constant 0 : i32
        %cond3A_102 = arith.cmpi ne, %convert_element_type3A_100, %cond3A_101 : i32
        scf.if %cond3A_102 {
          %eq3A_132 = arith.constant 0 : i32
          %eq3A_133 = arith.cmpi eq, %arg0, %eq3A_132 : i32
          %convert_element_type3A_134 = arith.extui %eq3A_133 : i1 to i32
          %cond3A_135 = arith.constant 0 : i32
          %cond3A_136 = arith.cmpi ne, %convert_element_type3A_134, %cond3A_135 : i32
          scf.if %cond3A_136 {
            %dma_start3A = arith.constant 0 : i32
            %dma_start3A_142 = tpu.memref_slice %arg9[%add3A_97, %dma_start3A] : memref<40x128xi32, #tpu.memory_space<vmem>> -> memref<1x128xi32, #tpu.memory_space<vmem>>
            %dma_start3A_143 = tpu.memref_squeeze %dma_start3A_142 : memref<1x128xi32, #tpu.memory_space<vmem>> -> memref<128xi32, #tpu.memory_space<vmem>>
            %dma_start3A_144 = arith.constant 0 : i32
            %dma_start3A_145 = arith.constant 0 : i32
            %dma_start3A_146 = tpu.memref_slice %arg2[%dma_start3A_144, %dma_start3A_145] : memref<50048x32xf32, #tpu.memory_space<hbm>> -> memref<50048x32xf32, #tpu.memory_space<hbm>>
            tpu.enqueue_indirect_dma source(%dma_start3A_146 : memref<50048x32xf32, #tpu.memory_space<hbm>>) target(%arg12 : memref<128x32xf32, #tpu.memory_space<vmem>>) offsets(%dma_start3A_143 : memref<128xi32, #tpu.memory_space<vmem>>) semaphore(%arg16 : memref<!tpu.dma_semaphore, #tpu.memory_space<semaphore_mem>>)
          } else {
          }
          %eq3A_137 = arith.constant 1 : i32
          %eq3A_138 = arith.cmpi eq, %arg0, %eq3A_137 : i32
          %convert_element_type3A_139 = arith.extui %eq3A_138 : i1 to i32
          %cond3A_140 = arith.constant 0 : i32
          %cond3A_141 = arith.cmpi ne, %convert_element_type3A_139, %cond3A_140 : i32
          scf.if %cond3A_141 {
            %dma_start3A = arith.constant 0 : i32
            %dma_start3A_142 = tpu.memref_slice %arg9[%add3A_97, %dma_start3A] : memref<40x128xi32, #tpu.memory_space<vmem>> -> memref<1x128xi32, #tpu.memory_space<vmem>>
            %dma_start3A_143 = tpu.memref_squeeze %dma_start3A_142 : memref<1x128xi32, #tpu.memory_space<vmem>> -> memref<128xi32, #tpu.memory_space<vmem>>
            %dma_start3A_144 = arith.constant 0 : i32
            %dma_start3A_145 = arith.constant 0 : i32
            %dma_start3A_146 = tpu.memref_slice %arg3[%dma_start3A_144, %dma_start3A_145] : memref<50048x32xf32, #tpu.memory_space<hbm>> -> memref<50048x32xf32, #tpu.memory_space<hbm>>
            tpu.enqueue_indirect_dma source(%dma_start3A_146 : memref<50048x32xf32, #tpu.memory_space<hbm>>) target(%arg12 : memref<128x32xf32, #tpu.memory_space<vmem>>) offsets(%dma_start3A_143 : memref<128xi32, #tpu.memory_space<vmem>>) semaphore(%arg16 : memref<!tpu.dma_semaphore, #tpu.memory_space<semaphore_mem>>)
          } else {
          }
        } else {
        }
        %add3A_103 = arith.constant 2 : i32
        %add3A_104 = arith.addi %mul3A_57, %add3A_103 : i32
        %dma_wait3A_105 = arith.constant 0 : i32
        %dma_wait3A_106 = tpu.memref_slice %arg9[%add3A_104, %dma_wait3A_105] : memref<40x128xi32, #tpu.memory_space<vmem>> -> memref<1x128xi32, #tpu.memory_space<vmem>>
        %dma_wait3A_107 = tpu.memref_squeeze %dma_wait3A_106 : memref<1x128xi32, #tpu.memory_space<vmem>> -> memref<128xi32, #tpu.memory_space<vmem>>
        %dma_wait3A_108 = arith.constant 0 : i32
        %dma_wait3A_109 = arith.constant 0 : i32
        %dma_wait3A_110 = tpu.memref_slice %arg2[%dma_wait3A_108, %dma_wait3A_109] : memref<50048x32xf32, #tpu.memory_space<hbm>> -> memref<50048x32xf32, #tpu.memory_space<hbm>>
        tpu.wait_indirect_dma semaphore(%arg17 : memref<!tpu.dma_semaphore, #tpu.memory_space<semaphore_mem>>) src(%dma_wait3A_110 : memref<50048x32xf32, #tpu.memory_space<hbm>>) dst(%arg13 : memref<128x32xf32, #tpu.memory_space<vmem>>)
        %add3A_111 = arith.constant 2 : i32
        %add3A_112 = arith.addi %mul3A_57, %add3A_111 : i32
        "tpu.region"() ({
          %run_scoped3A = tpu.sem_alloc : memref<!tpu.dma_semaphore, #tpu.memory_space<semaphore_mem>>
          %dma_start3A = arith.constant 0 : i32
          %dma_start3A_132 = tpu.memref_slice %arg10[%add3A_112, %dma_start3A] : memref<40x128xi32, #tpu.memory_space<vmem>> -> memref<1x128xi32, #tpu.memory_space<vmem>>
          %dma_start3A_133 = tpu.memref_squeeze %dma_start3A_132 : memref<1x128xi32, #tpu.memory_space<vmem>> -> memref<128xi32, #tpu.memory_space<vmem>>
          %dma_start3A_134 = arith.constant 0 : i32
          %dma_start3A_135 = arith.constant 0 : i32
          %dma_start3A_136 = tpu.memref_slice %arg19[%dma_start3A_134, %dma_start3A_135] : memref<50048x32xf32, #tpu.memory_space<vmem_shared>> -> memref<50048x32xf32, #tpu.memory_space<vmem_shared>>
          tpu.enqueue_indirect_dma source(%arg13 : memref<128x32xf32, #tpu.memory_space<vmem>>) target(%dma_start3A_136 : memref<50048x32xf32, #tpu.memory_space<vmem_shared>>) offsets(%dma_start3A_133 : memref<128xi32, #tpu.memory_space<vmem>>) semaphore(%run_scoped3A : memref<!tpu.dma_semaphore, #tpu.memory_space<semaphore_mem>>) {add = true}
          %dma_wait3A_137 = arith.constant 0 : i32
          %dma_wait3A_138 = tpu.memref_slice %arg10[%add3A_112, %dma_wait3A_137] : memref<40x128xi32, #tpu.memory_space<vmem>> -> memref<1x128xi32, #tpu.memory_space<vmem>>
          %dma_wait3A_139 = tpu.memref_squeeze %dma_wait3A_138 : memref<1x128xi32, #tpu.memory_space<vmem>> -> memref<128xi32, #tpu.memory_space<vmem>>
          %dma_wait3A_140 = arith.constant 0 : i32
          %dma_wait3A_141 = arith.constant 0 : i32
          %dma_wait3A_142 = tpu.memref_slice %arg19[%dma_wait3A_140, %dma_wait3A_141] : memref<50048x32xf32, #tpu.memory_space<vmem_shared>> -> memref<50048x32xf32, #tpu.memory_space<vmem_shared>>
          tpu.wait_indirect_dma semaphore(%run_scoped3A : memref<!tpu.dma_semaphore, #tpu.memory_space<semaphore_mem>>) src(%arg13 : memref<128x32xf32, #tpu.memory_space<vmem>>) dst(%dma_wait3A_142 : memref<50048x32xf32, #tpu.memory_space<vmem_shared>>)
          tpu.yield
        }) : () -> ()
        %add3A_113 = arith.constant 3 : i32
        %add3A_114 = arith.addi %mul3A_57, %add3A_113 : i32
        %add3A_115 = arith.constant 3 : i32
        %add3A_116 = arith.addi %add3A_114, %add3A_115 : i32
        %lt3A_117 = arith.constant 40 : i32
        %lt3A_118 = arith.cmpi slt, %add3A_116, %lt3A_117 : i32
        %convert_element_type3A_119 = arith.extui %lt3A_118 : i1 to i32
        %cond3A_120 = arith.constant 0 : i32
        %cond3A_121 = arith.cmpi ne, %convert_element_type3A_119, %cond3A_120 : i32
        scf.if %cond3A_121 {
          %eq3A_132 = arith.constant 0 : i32
          %eq3A_133 = arith.cmpi eq, %arg0, %eq3A_132 : i32
          %convert_element_type3A_134 = arith.extui %eq3A_133 : i1 to i32
          %cond3A_135 = arith.constant 0 : i32
          %cond3A_136 = arith.cmpi ne, %convert_element_type3A_134, %cond3A_135 : i32
          scf.if %cond3A_136 {
            %dma_start3A = arith.constant 0 : i32
            %dma_start3A_142 = tpu.memref_slice %arg9[%add3A_116, %dma_start3A] : memref<40x128xi32, #tpu.memory_space<vmem>> -> memref<1x128xi32, #tpu.memory_space<vmem>>
            %dma_start3A_143 = tpu.memref_squeeze %dma_start3A_142 : memref<1x128xi32, #tpu.memory_space<vmem>> -> memref<128xi32, #tpu.memory_space<vmem>>
            %dma_start3A_144 = arith.constant 0 : i32
            %dma_start3A_145 = arith.constant 0 : i32
            %dma_start3A_146 = tpu.memref_slice %arg2[%dma_start3A_144, %dma_start3A_145] : memref<50048x32xf32, #tpu.memory_space<hbm>> -> memref<50048x32xf32, #tpu.memory_space<hbm>>
            tpu.enqueue_indirect_dma source(%dma_start3A_146 : memref<50048x32xf32, #tpu.memory_space<hbm>>) target(%arg13 : memref<128x32xf32, #tpu.memory_space<vmem>>) offsets(%dma_start3A_143 : memref<128xi32, #tpu.memory_space<vmem>>) semaphore(%arg17 : memref<!tpu.dma_semaphore, #tpu.memory_space<semaphore_mem>>)
          } else {
          }
          %eq3A_137 = arith.constant 1 : i32
          %eq3A_138 = arith.cmpi eq, %arg0, %eq3A_137 : i32
          %convert_element_type3A_139 = arith.extui %eq3A_138 : i1 to i32
          %cond3A_140 = arith.constant 0 : i32
          %cond3A_141 = arith.cmpi ne, %convert_element_type3A_139, %cond3A_140 : i32
          scf.if %cond3A_141 {
            %dma_start3A = arith.constant 0 : i32
            %dma_start3A_142 = tpu.memref_slice %arg9[%add3A_116, %dma_start3A] : memref<40x128xi32, #tpu.memory_space<vmem>> -> memref<1x128xi32, #tpu.memory_space<vmem>>
            %dma_start3A_143 = tpu.memref_squeeze %dma_start3A_142 : memref<1x128xi32, #tpu.memory_space<vmem>> -> memref<128xi32, #tpu.memory_space<vmem>>
            %dma_start3A_144 = arith.constant 0 : i32
            %dma_start3A_145 = arith.constant 0 : i32
            %dma_start3A_146 = tpu.memref_slice %arg3[%dma_start3A_144, %dma_start3A_145] : memref<50048x32xf32, #tpu.memory_space<hbm>> -> memref<50048x32xf32, #tpu.memory_space<hbm>>
            tpu.enqueue_indirect_dma source(%dma_start3A_146 : memref<50048x32xf32, #tpu.memory_space<hbm>>) target(%arg13 : memref<128x32xf32, #tpu.memory_space<vmem>>) offsets(%dma_start3A_143 : memref<128xi32, #tpu.memory_space<vmem>>) semaphore(%arg17 : memref<!tpu.dma_semaphore, #tpu.memory_space<semaphore_mem>>)
          } else {
          }
        } else {
        }
        %add3A_122 = arith.constant 3 : i32
        %add3A_123 = arith.addi %mul3A_57, %add3A_122 : i32
        %dma_wait3A_124 = arith.constant 0 : i32
        %dma_wait3A_125 = tpu.memref_slice %arg9[%add3A_123, %dma_wait3A_124] : memref<40x128xi32, #tpu.memory_space<vmem>> -> memref<1x128xi32, #tpu.memory_space<vmem>>
        %dma_wait3A_126 = tpu.memref_squeeze %dma_wait3A_125 : memref<1x128xi32, #tpu.memory_space<vmem>> -> memref<128xi32, #tpu.memory_space<vmem>>
        %dma_wait3A_127 = arith.constant 0 : i32
        %dma_wait3A_128 = arith.constant 0 : i32
        %dma_wait3A_129 = tpu.memref_slice %arg2[%dma_wait3A_127, %dma_wait3A_128] : memref<50048x32xf32, #tpu.memory_space<hbm>> -> memref<50048x32xf32, #tpu.memory_space<hbm>>
        tpu.wait_indirect_dma semaphore(%arg18 : memref<!tpu.dma_semaphore, #tpu.memory_space<semaphore_mem>>) src(%dma_wait3A_129 : memref<50048x32xf32, #tpu.memory_space<hbm>>) dst(%arg14 : memref<128x32xf32, #tpu.memory_space<vmem>>)
        %add3A_130 = arith.constant 3 : i32
        %add3A_131 = arith.addi %mul3A_57, %add3A_130 : i32
        "tpu.region"() ({
          %run_scoped3A = tpu.sem_alloc : memref<!tpu.dma_semaphore, #tpu.memory_space<semaphore_mem>>
          %dma_start3A = arith.constant 0 : i32
          %dma_start3A_132 = tpu.memref_slice %arg10[%add3A_131, %dma_start3A] : memref<40x128xi32, #tpu.memory_space<vmem>> -> memref<1x128xi32, #tpu.memory_space<vmem>>
          %dma_start3A_133 = tpu.memref_squeeze %dma_start3A_132 : memref<1x128xi32, #tpu.memory_space<vmem>> -> memref<128xi32, #tpu.memory_space<vmem>>
          %dma_start3A_134 = arith.constant 0 : i32
          %dma_start3A_135 = arith.constant 0 : i32
          %dma_start3A_136 = tpu.memref_slice %arg19[%dma_start3A_134, %dma_start3A_135] : memref<50048x32xf32, #tpu.memory_space<vmem_shared>> -> memref<50048x32xf32, #tpu.memory_space<vmem_shared>>
          tpu.enqueue_indirect_dma source(%arg14 : memref<128x32xf32, #tpu.memory_space<vmem>>) target(%dma_start3A_136 : memref<50048x32xf32, #tpu.memory_space<vmem_shared>>) offsets(%dma_start3A_133 : memref<128xi32, #tpu.memory_space<vmem>>) semaphore(%run_scoped3A : memref<!tpu.dma_semaphore, #tpu.memory_space<semaphore_mem>>) {add = true}
          %dma_wait3A_137 = arith.constant 0 : i32
          %dma_wait3A_138 = tpu.memref_slice %arg10[%add3A_131, %dma_wait3A_137] : memref<40x128xi32, #tpu.memory_space<vmem>> -> memref<1x128xi32, #tpu.memory_space<vmem>>
          %dma_wait3A_139 = tpu.memref_squeeze %dma_wait3A_138 : memref<1x128xi32, #tpu.memory_space<vmem>> -> memref<128xi32, #tpu.memory_space<vmem>>
          %dma_wait3A_140 = arith.constant 0 : i32
          %dma_wait3A_141 = arith.constant 0 : i32
          %dma_wait3A_142 = tpu.memref_slice %arg19[%dma_wait3A_140, %dma_wait3A_141] : memref<50048x32xf32, #tpu.memory_space<vmem_shared>> -> memref<50048x32xf32, #tpu.memory_space<vmem_shared>>
          tpu.wait_indirect_dma semaphore(%run_scoped3A : memref<!tpu.dma_semaphore, #tpu.memory_space<semaphore_mem>>) src(%arg14 : memref<128x32xf32, #tpu.memory_space<vmem>>) dst(%dma_wait3A_142 : memref<50048x32xf32, #tpu.memory_space<vmem_shared>>)
          tpu.yield
        }) : () -> ()
      }
      %scan3A_54 = arith.constant 10 : i32
    }
    %scan3A_5 = arith.constant 10 : i32
    %barrier3A_6 = arith.constant 0 : index
    tpu.barrier barrier_id(%barrier3A_6)
    %eq3A = arith.constant 0 : i32
    %eq3A_7 = arith.cmpi eq, %arg0, %eq3A : i32
    %convert_element_type3A = arith.extui %eq3A_7 : i1 to i32
    %cond3A = arith.constant 0 : i32
    %cond3A_8 = arith.cmpi ne, %convert_element_type3A, %cond3A : i32
    scf.if %cond3A_8 {
      %mul3A_14 = arith.constant 3128 : i32
      %mul3A_15 = arith.muli %arg1, %mul3A_14 : i32
      %mul3A_16 = arith.constant 3128 : i32
      %mul3A_17 = arith.muli %arg1, %mul3A_16 : i32
      "tpu.region"() ({
        %run_scoped3A = tpu.sem_alloc : memref<!tpu.dma_semaphore, #tpu.memory_space<semaphore_mem>>
        %dma_start3A = arith.constant 0 : i32
        %dma_start3A_18 = tpu.memref_slice %arg7[%mul3A_17, %dma_start3A] : memref<50048x32xf32, #tpu.memory_space<hbm>> -> memref<3128x32xf32, #tpu.memory_space<hbm>>
        %dma_start3A_19 = arith.constant 0 : i32
        %dma_start3A_20 = tpu.memref_slice %arg19[%mul3A_15, %dma_start3A_19] : memref<50048x32xf32, #tpu.memory_space<vmem_shared>> -> memref<3128x32xf32, #tpu.memory_space<vmem_shared>>
        tpu.enqueue_dma source(%dma_start3A_20 : memref<3128x32xf32, #tpu.memory_space<vmem_shared>>) target(%dma_start3A_18 : memref<3128x32xf32, #tpu.memory_space<hbm>>) target_semaphore(%run_scoped3A : memref<!tpu.dma_semaphore, #tpu.memory_space<semaphore_mem>>)
        %dma_wait3A = arith.constant 0 : i32
        %dma_wait3A_21 = tpu.memref_slice %arg7[%mul3A_17, %dma_wait3A] : memref<50048x32xf32, #tpu.memory_space<hbm>> -> memref<3128x32xf32, #tpu.memory_space<hbm>>
        %dma_wait3A_22 = arith.constant 0 : i32
        %dma_wait3A_23 = tpu.memref_slice %arg19[%mul3A_15, %dma_wait3A_22] : memref<50048x32xf32, #tpu.memory_space<vmem_shared>> -> memref<3128x32xf32, #tpu.memory_space<vmem_shared>>
        tpu.wait_dma2 semaphore(%run_scoped3A : memref<!tpu.dma_semaphore, #tpu.memory_space<semaphore_mem>>) src(%dma_wait3A_23 : memref<3128x32xf32, #tpu.memory_space<vmem_shared>>) dst(%dma_wait3A_21 : memref<3128x32xf32, #tpu.memory_space<hbm>>)
        tpu.yield
      }) : () -> ()
    } else {
    }
    %eq3A_9 = arith.constant 1 : i32
    %eq3A_10 = arith.cmpi eq, %arg0, %eq3A_9 : i32
    %convert_element_type3A_11 = arith.extui %eq3A_10 : i1 to i32
    %cond3A_12 = arith.constant 0 : i32
    %cond3A_13 = arith.cmpi ne, %convert_element_type3A_11, %cond3A_12 : i32
    scf.if %cond3A_13 {
      %mul3A_14 = arith.constant 3128 : i32
      %mul3A_15 = arith.muli %arg1, %mul3A_14 : i32
      %mul3A_16 = arith.constant 3128 : i32
      %mul3A_17 = arith.muli %arg1, %mul3A_16 : i32
      "tpu.region"() ({
        %run_scoped3A = tpu.sem_alloc : memref<!tpu.dma_semaphore, #tpu.memory_space<semaphore_mem>>
        %dma_start3A = arith.constant 0 : i32
        %dma_start3A_18 = tpu.memref_slice %arg8[%mul3A_17, %dma_start3A] : memref<50048x32xf32, #tpu.memory_space<hbm>> -> memref<3128x32xf32, #tpu.memory_space<hbm>>
        %dma_start3A_19 = arith.constant 0 : i32
        %dma_start3A_20 = tpu.memref_slice %arg19[%mul3A_15, %dma_start3A_19] : memref<50048x32xf32, #tpu.memory_space<vmem_shared>> -> memref<3128x32xf32, #tpu.memory_space<vmem_shared>>
        tpu.enqueue_dma source(%dma_start3A_20 : memref<3128x32xf32, #tpu.memory_space<vmem_shared>>) target(%dma_start3A_18 : memref<3128x32xf32, #tpu.memory_space<hbm>>) target_semaphore(%run_scoped3A : memref<!tpu.dma_semaphore, #tpu.memory_space<semaphore_mem>>)
        %dma_wait3A = arith.constant 0 : i32
        %dma_wait3A_21 = tpu.memref_slice %arg8[%mul3A_17, %dma_wait3A] : memref<50048x32xf32, #tpu.memory_space<hbm>> -> memref<3128x32xf32, #tpu.memory_space<hbm>>
        %dma_wait3A_22 = arith.constant 0 : i32
        %dma_wait3A_23 = tpu.memref_slice %arg19[%mul3A_15, %dma_wait3A_22] : memref<50048x32xf32, #tpu.memory_space<vmem_shared>> -> memref<3128x32xf32, #tpu.memory_space<vmem_shared>>
        tpu.wait_dma2 semaphore(%run_scoped3A : memref<!tpu.dma_semaphore, #tpu.memory_space<semaphore_mem>>) src(%dma_wait3A_23 : memref<3128x32xf32, #tpu.memory_space<vmem_shared>>) dst(%dma_wait3A_21 : memref<3128x32xf32, #tpu.memory_space<hbm>>)
        tpu.yield
      }) : () -> ()
    } else {
    }
    return
  }
}

module attributes {stable_mosaic.version = 14 : i64} {
  func.func @body(%arg0: i32, %arg1: memref<2176x128xf32, #tpu.memory_space<vmem>>, %arg2: memref<64x128xf32, #tpu.memory_space<vmem>>, %arg3: memref<1x64xf32, #tpu.memory_space<vmem>>, %arg4: memref<2176x64xf32, #tpu.memory_space<vmem>>, %arg5: memref<2x64xf32, #tpu.memory_space<vmem>>, %arg6: memref<2x64xf32, #tpu.memory_space<vmem>>) attributes {dimension_semantics = [#tpu.dimension_semantics<arbitrary>], iteration_bounds = array<i64: 23>, scalar_prefetch = 0 : i64, scratch_operands = 1 : i64, tpu.core_type = #tpu.core_type<tc>, window_params = [{transform_indices = @transform_0, window_bounds = array<i64: 2176, 128>}, {pipeline_mode = #tpu.pipeline_mode<synchronous>, transform_indices = @transform_1, window_bounds = array<i64: 64, 128>}, {pipeline_mode = #tpu.pipeline_mode<synchronous>, transform_indices = @transform_2, window_bounds = array<i64: 1, 64>}, {transform_indices = @transform_3, window_bounds = array<i64: 2176, 64>}, {pipeline_mode = #tpu.pipeline_mode<synchronous>, transform_indices = @transform_4, window_bounds = array<i64: 2, 64>}]} {
    %get3A = arith.constant 0 : index
    %get3A_0 = arith.constant 0 : index
    %get3A_1 = vector.load %arg1[%get3A, %get3A_0] : memref<2176x128xf32, #tpu.memory_space<vmem>>, vector<2176x128xf32>
    %get3A_2 = arith.constant 0 : index
    %get3A_3 = arith.constant 0 : index
    %get3A_4 = vector.load %arg2[%get3A_2, %get3A_3] : memref<64x128xf32, #tpu.memory_space<vmem>>, vector<64x128xf32>
    %dot_general3A = arith.constant dense<0.000000e+00> : vector<2176x64xf32>
    %dot_general3A_5 = tpu.matmul %get3A_1, %get3A_4, %dot_general3A {dimension_numbers = #tpu.dot_dimension_numbers<[1], [1], [0], [0], [0, 0, 1, 0], [], []>, transpose_lhs_hint = false} : vector<2176x128xf32>, vector<64x128xf32>, vector<2176x64xf32> -> vector<2176x64xf32>
    %get3A_6 = arith.constant 0 : index
    %get3A_7 = arith.constant 0 : index
    %get3A_8 = vector.load %arg3[%get3A_6, %get3A_7] : memref<1x64xf32, #tpu.memory_space<vmem>>, vector<1x64xf32>
    %add3A = vector.broadcast %get3A_8 : vector<1x64xf32> to vector<2176x64xf32>
    %add3A_9 = arith.addf %dot_general3A_5, %add3A : vector<2176x64xf32>
    %swap3A = arith.constant 0 : index
    %swap3A_10 = arith.constant 0 : index
    %swap3A_11 = vector.load %arg4[%swap3A, %swap3A_10] : memref<2176x64xf32, #tpu.memory_space<vmem>>, vector<2176x64xf32>
    tpu.vector_store %arg4[%swap3A, %swap3A_10], %add3A_9 {strides = array<i32>} : memref<2176x64xf32, #tpu.memory_space<vmem>>, vector<2176x64xf32>,
    %iota3A = tpu.iota {dimensions = array<i32: 0>} : vector<2176x1xi32>
    %mul3A = arith.constant 2176 : i32
    %mul3A_12 = arith.muli %arg0, %mul3A : i32
    %add3A_13 = vector.broadcast %mul3A_12 : i32 to vector<2176x1xi32>
    %add3A_14 = arith.addi %iota3A, %add3A_13 : vector<2176x1xi32>
    %lt3A = arith.constant 50000 : i32
    %lt3A_15 = vector.broadcast %lt3A : i32 to vector<2176x1xi32>
    %lt3A_16 = arith.cmpi slt, %add3A_14, %lt3A_15 : vector<2176x1xi32>
    %convert_element_type3A = arith.extui %lt3A_16 : vector<2176x1xi1> to vector<2176x1xi32>
    %convert_element_type3A_17 = arith.sitofp %convert_element_type3A : vector<2176x1xi32> to vector<2176x1xf32>
    %mul3A_18 = vector.broadcast %convert_element_type3A_17 : vector<2176x1xf32> to vector<2176x64xf32>
    %mul3A_19 = arith.mulf %add3A_9, %mul3A_18 : vector<2176x64xf32>
    %reduce_sum3A = arith.constant dense<0.000000e+00> : vector<64xf32>
    %reduce_sum3A_20 = vector.multi_reduction <add>, %mul3A_19, %reduce_sum3A [0] : vector<2176x64xf32> to vector<64xf32>
    %broadcast_in_dim3A = vector.shape_cast %reduce_sum3A_20 : vector<64xf32> to vector<1x64xf32>
    %mul3A_21 = arith.mulf %mul3A_19, %add3A_9 : vector<2176x64xf32>
    %reduce_sum3A_22 = arith.constant dense<0.000000e+00> : vector<64xf32>
    %reduce_sum3A_23 = vector.multi_reduction <add>, %mul3A_21, %reduce_sum3A_22 [0] : vector<2176x64xf32> to vector<64xf32>
    %broadcast_in_dim3A_24 = vector.shape_cast %reduce_sum3A_23 : vector<64xf32> to vector<1x64xf32>
    %concatenate3A = tpu.concatenate %broadcast_in_dim3A, %broadcast_in_dim3A_24 in 0 : vector<1x64xf32>, vector<1x64xf32> -> vector<2x64xf32>
    %eq3A = arith.constant 0 : i32
    %eq3A_25 = arith.cmpi eq, %arg0, %eq3A : i32
    %convert_element_type3A_26 = arith.extui %eq3A_25 : i1 to i32
    %cond3A = arith.constant 0 : i32
    %cond3A_27 = arith.cmpi ne, %convert_element_type3A_26, %cond3A : i32
    scf.if %cond3A_27 {
      %broadcast_in_dim3A_41 = arith.constant 0.000000e+00 : f32
      %broadcast_in_dim3A_42 = vector.broadcast %broadcast_in_dim3A_41 : f32 to vector<2x64xf32>
      %swap3A_43 = arith.constant 0 : index
      %swap3A_44 = arith.constant 0 : index
      %swap3A_45 = vector.load %arg6[%swap3A_43, %swap3A_44] : memref<2x64xf32, #tpu.memory_space<vmem>>, vector<2x64xf32>
      tpu.vector_store %arg6[%swap3A_43, %swap3A_44], %broadcast_in_dim3A_42 {strides = array<i32>} : memref<2x64xf32, #tpu.memory_space<vmem>>, vector<2x64xf32>,
    } else {
    }
    %get3A_28 = arith.constant 0 : index
    %get3A_29 = arith.constant 0 : index
    %get3A_30 = vector.load %arg6[%get3A_28, %get3A_29] : memref<2x64xf32, #tpu.memory_space<vmem>>, vector<2x64xf32>
    %add3A_31 = arith.addf %get3A_30, %concatenate3A : vector<2x64xf32>
    %swap3A_32 = arith.constant 0 : index
    %swap3A_33 = arith.constant 0 : index
    %swap3A_34 = vector.load %arg6[%swap3A_32, %swap3A_33] : memref<2x64xf32, #tpu.memory_space<vmem>>, vector<2x64xf32>
    tpu.vector_store %arg6[%swap3A_32, %swap3A_33], %add3A_31 {strides = array<i32>} : memref<2x64xf32, #tpu.memory_space<vmem>>, vector<2x64xf32>,
    %get3A_35 = arith.constant 0 : index
    %get3A_36 = arith.constant 0 : index
    %get3A_37 = vector.load %arg6[%get3A_35, %get3A_36] : memref<2x64xf32, #tpu.memory_space<vmem>>, vector<2x64xf32>
    %swap3A_38 = arith.constant 0 : index
    %swap3A_39 = arith.constant 0 : index
    %swap3A_40 = vector.load %arg5[%swap3A_38, %swap3A_39] : memref<2x64xf32, #tpu.memory_space<vmem>>, vector<2x64xf32>
    tpu.vector_store %arg5[%swap3A_38, %swap3A_39], %get3A_37 {strides = array<i32>} : memref<2x64xf32, #tpu.memory_space<vmem>>, vector<2x64xf32>,
    return
  }
  func.func @transform_0(%arg0: i32) -> (i32, i32) {
    %c0_i32 = arith.constant 0 : i32
    %c0_i32_0 = arith.constant 0 : i32
    return %arg0, %c0_i32 : i32, i32
  }
  func.func @transform_1(%arg0: i32) -> (i32, i32) {
    %c0_i32 = arith.constant 0 : i32
    %c0_i32_0 = arith.constant 0 : i32
    %c0_i32_1 = arith.constant 0 : i32
    return %c0_i32, %c0_i32_0 : i32, i32
  }
  func.func @transform_2(%arg0: i32) -> (i32, i32) {
    %c0_i32 = arith.constant 0 : i32
    %c0_i32_0 = arith.constant 0 : i32
    %c0_i32_1 = arith.constant 0 : i32
    return %c0_i32, %c0_i32_0 : i32, i32
  }
  func.func @transform_3(%arg0: i32) -> (i32, i32) {
    %c0_i32 = arith.constant 0 : i32
    %c0_i32_0 = arith.constant 0 : i32
    return %arg0, %c0_i32 : i32, i32
  }
  func.func @transform_4(%arg0: i32) -> (i32, i32) {
    %c0_i32 = arith.constant 0 : i32
    %c0_i32_0 = arith.constant 0 : i32
    %c0_i32_1 = arith.constant 0 : i32
    return %c0_i32, %c0_i32_0 : i32, i32
  }
}

module attributes {stable_mosaic.version = 14 : i64} {
  func.func @body(%arg0: i32, %arg1: memref<2176x64xf32, #tpu.memory_space<vmem>>, %arg2: memref<2x64xf32, #tpu.memory_space<vmem>>, %arg3: memref<1x64xf32, #tpu.memory_space<vmem>>, %arg4: memref<1x64xf32, #tpu.memory_space<vmem>>, %arg5: memref<64x64xf32, #tpu.memory_space<vmem>>, %arg6: memref<1x64xf32, #tpu.memory_space<vmem>>, %arg7: memref<2176x8xf32, #tpu.memory_space<vmem>>, %arg8: memref<2176x64xf32, #tpu.memory_space<vmem>>, %arg9: memref<2176x32xf32, #tpu.memory_space<vmem>>, %arg10: memref<2176x32xf32, #tpu.memory_space<vmem>>) attributes {dimension_semantics = [#tpu.dimension_semantics<arbitrary>], iteration_bounds = array<i64: 23>, scalar_prefetch = 0 : i64, scratch_operands = 0 : i64, tpu.core_type = #tpu.core_type<tc>, window_params = [{transform_indices = @transform_0, window_bounds = array<i64: 2176, 64>}, {pipeline_mode = #tpu.pipeline_mode<synchronous>, transform_indices = @transform_1, window_bounds = array<i64: 2, 64>}, {pipeline_mode = #tpu.pipeline_mode<synchronous>, transform_indices = @transform_2, window_bounds = array<i64: 1, 64>}, {pipeline_mode = #tpu.pipeline_mode<synchronous>, transform_indices = @transform_3, window_bounds = array<i64: 1, 64>}, {pipeline_mode = #tpu.pipeline_mode<synchronous>, transform_indices = @transform_4, window_bounds = array<i64: 64, 64>}, {pipeline_mode = #tpu.pipeline_mode<synchronous>, transform_indices = @transform_5, window_bounds = array<i64: 1, 64>}, {transform_indices = @transform_6, window_bounds = array<i64: 2176, 8>}, {transform_indices = @transform_7, window_bounds = array<i64: 2176, 64>}, {transform_indices = @transform_8, window_bounds = array<i64: 2176, 32>}, {transform_indices = @transform_9, window_bounds = array<i64: 2176, 32>}]} {
    %get3A = arith.constant 0 : index
    %get3A_0 = arith.constant 0 : index
    %get3A_1 = vector.load %arg2[%get3A, %get3A_0] : memref<2x64xf32, #tpu.memory_space<vmem>>, vector<2x64xf32>
    %slice3A = vector.extract_strided_slice %get3A_1 {offsets = [0, 0], sizes = [1, 64], strides = [1, 1]} : vector<2x64xf32> to vector<1x64xf32>
    %mul3A = arith.constant 2.000000e-05 : f32
    %mul3A_2 = vector.broadcast %mul3A : f32 to vector<1x64xf32>
    %mul3A_3 = arith.mulf %slice3A, %mul3A_2 : vector<1x64xf32>
    %slice3A_4 = vector.extract_strided_slice %get3A_1 {offsets = [1, 0], sizes = [1, 64], strides = [1, 1]} : vector<2x64xf32> to vector<1x64xf32>
    %mul3A_5 = arith.constant 2.000000e-05 : f32
    %mul3A_6 = vector.broadcast %mul3A_5 : f32 to vector<1x64xf32>
    %mul3A_7 = arith.mulf %slice3A_4, %mul3A_6 : vector<1x64xf32>
    %mul3A_8 = arith.mulf %mul3A_3, %mul3A_3 : vector<1x64xf32>
    %sub3A = arith.subf %mul3A_7, %mul3A_8 : vector<1x64xf32>
    %add3A = arith.constant 9.99999974E-6 : f32
    %add3A_9 = vector.broadcast %add3A : f32 to vector<1x64xf32>
    %add3A_10 = arith.addf %sub3A, %add3A_9 : vector<1x64xf32>
    %rsqrt3A = math.rsqrt %add3A_10 : vector<1x64xf32>
    %get3A_11 = arith.constant 0 : index
    %get3A_12 = arith.constant 0 : index
    %get3A_13 = vector.load %arg1[%get3A_11, %get3A_12] : memref<2176x64xf32, #tpu.memory_space<vmem>>, vector<2176x64xf32>
    %sub3A_14 = vector.broadcast %mul3A_3 : vector<1x64xf32> to vector<2176x64xf32>
    %sub3A_15 = arith.subf %get3A_13, %sub3A_14 : vector<2176x64xf32>
    %get3A_16 = arith.constant 0 : index
    %get3A_17 = arith.constant 0 : index
    %get3A_18 = vector.load %arg3[%get3A_16, %get3A_17] : memref<1x64xf32, #tpu.memory_space<vmem>>, vector<1x64xf32>
    %mul3A_19 = arith.mulf %rsqrt3A, %get3A_18 : vector<1x64xf32>
    %mul3A_20 = vector.broadcast %mul3A_19 : vector<1x64xf32> to vector<2176x64xf32>
    %mul3A_21 = arith.mulf %sub3A_15, %mul3A_20 : vector<2176x64xf32>
    %get3A_22 = arith.constant 0 : index
    %get3A_23 = arith.constant 0 : index
    %get3A_24 = vector.load %arg4[%get3A_22, %get3A_23] : memref<1x64xf32, #tpu.memory_space<vmem>>, vector<1x64xf32>
    %add3A_25 = vector.broadcast %get3A_24 : vector<1x64xf32> to vector<2176x64xf32>
    %add3A_26 = arith.addf %mul3A_21, %add3A_25 : vector<2176x64xf32>
    %max3A = arith.constant 0.000000e+00 : f32
    %max3A_27 = vector.broadcast %max3A : f32 to vector<2176x64xf32>
    %max3A_28 = arith.maximumf %add3A_26, %max3A_27 : vector<2176x64xf32>
    %get3A_29 = arith.constant 0 : index
    %get3A_30 = arith.constant 0 : index
    %get3A_31 = vector.load %arg5[%get3A_29, %get3A_30] : memref<64x64xf32, #tpu.memory_space<vmem>>, vector<64x64xf32>
    %dot_general3A = arith.constant dense<0.000000e+00> : vector<2176x64xf32>
    %dot_general3A_32 = tpu.matmul %max3A_28, %get3A_31, %dot_general3A {dimension_numbers = #tpu.dot_dimension_numbers<[1], [1], [0], [0], [0, 0, 1, 0], [], []>, transpose_lhs_hint = false} : vector<2176x64xf32>, vector<64x64xf32>, vector<2176x64xf32> -> vector<2176x64xf32>
    %get3A_33 = arith.constant 0 : index
    %get3A_34 = arith.constant 0 : index
    %get3A_35 = vector.load %arg6[%get3A_33, %get3A_34] : memref<1x64xf32, #tpu.memory_space<vmem>>, vector<1x64xf32>
    %add3A_36 = vector.broadcast %get3A_35 : vector<1x64xf32> to vector<2176x64xf32>
    %add3A_37 = arith.addf %dot_general3A_32, %add3A_36 : vector<2176x64xf32>
    %swap3A = arith.constant 0 : index
    %swap3A_38 = arith.constant 0 : index
    %swap3A_39 = vector.load %arg8[%swap3A, %swap3A_38] : memref<2176x64xf32, #tpu.memory_space<vmem>>, vector<2176x64xf32>
    tpu.vector_store %arg8[%swap3A, %swap3A_38], %add3A_37 {strides = array<i32>} : memref<2176x64xf32, #tpu.memory_space<vmem>>, vector<2176x64xf32>,
    %get3A_40 = arith.constant 0 : index
    %get3A_41 = arith.constant 0 : index
    %get3A_42 = vector.load %arg7[%get3A_40, %get3A_41] : memref<2176x8xf32, #tpu.memory_space<vmem>>, vector<2176x8xf32>
    %slice3A_43 = vector.extract_strided_slice %get3A_42 {offsets = [0, 0], sizes = [2176, 1], strides = [1, 1]} : vector<2176x8xf32> to vector<2176x1xf32>
    %max3A_44 = arith.constant 1.000000e+00 : f32
    %max3A_45 = vector.broadcast %max3A_44 : f32 to vector<2176x1xf32>
    %max3A_46 = arith.maximumf %slice3A_43, %max3A_45 : vector<2176x1xf32>
    %rsqrt3A_47 = math.rsqrt %max3A_46 : vector<2176x1xf32>
    %mul3A_48 = vector.broadcast %rsqrt3A_47 : vector<2176x1xf32> to vector<2176x64xf32>
    %mul3A_49 = arith.mulf %add3A_37, %mul3A_48 : vector<2176x64xf32>
    %slice3A_50 = vector.extract_strided_slice %mul3A_49 {offsets = [0, 0], sizes = [2176, 32], strides = [1, 1]} : vector<2176x64xf32> to vector<2176x32xf32>
    %swap3A_51 = arith.constant 0 : index
    %swap3A_52 = arith.constant 0 : index
    %swap3A_53 = vector.load %arg9[%swap3A_51, %swap3A_52] : memref<2176x32xf32, #tpu.memory_space<vmem>>, vector<2176x32xf32>
    tpu.vector_store %arg9[%swap3A_51, %swap3A_52], %slice3A_50 {strides = array<i32>} : memref<2176x32xf32, #tpu.memory_space<vmem>>, vector<2176x32xf32>,
    %slice3A_54 = vector.extract_strided_slice %mul3A_49 {offsets = [0, 32], sizes = [2176, 32], strides = [1, 1]} : vector<2176x64xf32> to vector<2176x32xf32>
    %swap3A_55 = arith.constant 0 : index
    %swap3A_56 = arith.constant 0 : index
    %swap3A_57 = vector.load %arg10[%swap3A_55, %swap3A_56] : memref<2176x32xf32, #tpu.memory_space<vmem>>, vector<2176x32xf32>
    tpu.vector_store %arg10[%swap3A_55, %swap3A_56], %slice3A_54 {strides = array<i32>} : memref<2176x32xf32, #tpu.memory_space<vmem>>, vector<2176x32xf32>,
    return
  }
  func.func @transform_0(%arg0: i32) -> (i32, i32) {
    %c0_i32 = arith.constant 0 : i32
    %c0_i32_0 = arith.constant 0 : i32
    return %arg0, %c0_i32 : i32, i32
  }
  func.func @transform_1(%arg0: i32) -> (i32, i32) {
    %c0_i32 = arith.constant 0 : i32
    %c0_i32_0 = arith.constant 0 : i32
    %c0_i32_1 = arith.constant 0 : i32
    return %c0_i32, %c0_i32_0 : i32, i32
  }
  func.func @transform_2(%arg0: i32) -> (i32, i32) {
    %c0_i32 = arith.constant 0 : i32
    %c0_i32_0 = arith.constant 0 : i32
    %c0_i32_1 = arith.constant 0 : i32
    return %c0_i32, %c0_i32_0 : i32, i32
  }
  func.func @transform_3(%arg0: i32) -> (i32, i32) {
    %c0_i32 = arith.constant 0 : i32
    %c0_i32_0 = arith.constant 0 : i32
    %c0_i32_1 = arith.constant 0 : i32
    return %c0_i32, %c0_i32_0 : i32, i32
  }
  func.func @transform_4(%arg0: i32) -> (i32, i32) {
    %c0_i32 = arith.constant 0 : i32
    %c0_i32_0 = arith.constant 0 : i32
    %c0_i32_1 = arith.constant 0 : i32
    return %c0_i32, %c0_i32_0 : i32, i32
  }
  func.func @transform_5(%arg0: i32) -> (i32, i32) {
    %c0_i32 = arith.constant 0 : i32
    %c0_i32_0 = arith.constant 0 : i32
    %c0_i32_1 = arith.constant 0 : i32
    return %c0_i32, %c0_i32_0 : i32, i32
  }
  func.func @transform_6(%arg0: i32) -> (i32, i32) {
    %c0_i32 = arith.constant 0 : i32
    %c0_i32_0 = arith.constant 0 : i32
    return %arg0, %c0_i32 : i32, i32
  }
  func.func @transform_7(%arg0: i32) -> (i32, i32) {
    %c0_i32 = arith.constant 0 : i32
    %c0_i32_0 = arith.constant 0 : i32
    return %arg0, %c0_i32 : i32, i32
  }
  func.func @transform_8(%arg0: i32) -> (i32, i32) {
    %c0_i32 = arith.constant 0 : i32
    %c0_i32_0 = arith.constant 0 : i32
    return %arg0, %c0_i32 : i32, i32
  }
  func.func @transform_9(%arg0: i32) -> (i32, i32) {
    %c0_i32 = arith.constant 0 : i32
    %c0_i32_0 = arith.constant 0 : i32
    return %arg0, %c0_i32 : i32, i32
  }
}

module attributes {stable_mosaic.version = 14 : i64} {
  func.func @body(%arg0: i32, %arg1: memref<2176x32xf32, #tpu.memory_space<vmem>>, %arg2: memref<2176x32xf32, #tpu.memory_space<vmem>>, %arg3: memref<2176x8xf32, #tpu.memory_space<vmem>>, %arg4: memref<2176x8xf32, #tpu.memory_space<vmem>>, %arg5: memref<64x64xf32, #tpu.memory_space<vmem>>, %arg6: memref<2176x64xf32, #tpu.memory_space<vmem>>, %arg7: memref<2176x64xf32, #tpu.memory_space<vmem>>, %arg8: memref<2176x32xf32, #tpu.memory_space<vmem>>, %arg9: memref<2176x32xf32, #tpu.memory_space<vmem>>) attributes {dimension_semantics = [#tpu.dimension_semantics<arbitrary>], iteration_bounds = array<i64: 23>, scalar_prefetch = 0 : i64, scratch_operands = 0 : i64, tpu.core_type = #tpu.core_type<tc>, window_params = [{transform_indices = @transform_0, window_bounds = array<i64: 2176, 32>}, {transform_indices = @transform_1, window_bounds = array<i64: 2176, 32>}, {transform_indices = @transform_2, window_bounds = array<i64: 2176, 8>}, {transform_indices = @transform_3, window_bounds = array<i64: 2176, 8>}, {pipeline_mode = #tpu.pipeline_mode<synchronous>, transform_indices = @transform_4, window_bounds = array<i64: 64, 64>}, {transform_indices = @transform_5, window_bounds = array<i64: 2176, 64>}, {transform_indices = @transform_6, window_bounds = array<i64: 2176, 64>}, {transform_indices = @transform_7, window_bounds = array<i64: 2176, 32>}, {transform_indices = @transform_8, window_bounds = array<i64: 2176, 32>}]} {
    %get3A = arith.constant 0 : index
    %get3A_0 = arith.constant 0 : index
    %get3A_1 = vector.load %arg1[%get3A, %get3A_0] : memref<2176x32xf32, #tpu.memory_space<vmem>>, vector<2176x32xf32>
    %get3A_2 = arith.constant 0 : index
    %get3A_3 = arith.constant 0 : index
    %get3A_4 = vector.load %arg2[%get3A_2, %get3A_3] : memref<2176x32xf32, #tpu.memory_space<vmem>>, vector<2176x32xf32>
    %concatenate3A = tpu.concatenate %get3A_1, %get3A_4 in 1 : vector<2176x32xf32>, vector<2176x32xf32> -> vector<2176x64xf32>
    %get3A_5 = arith.constant 0 : index
    %get3A_6 = arith.constant 0 : index
    %get3A_7 = vector.load %arg3[%get3A_5, %get3A_6] : memref<2176x8xf32, #tpu.memory_space<vmem>>, vector<2176x8xf32>
    %slice3A = vector.extract_strided_slice %get3A_7 {offsets = [0, 0], sizes = [2176, 1], strides = [1, 1]} : vector<2176x8xf32> to vector<2176x1xf32>
    %max3A = arith.constant 1.000000e+00 : f32
    %max3A_8 = vector.broadcast %max3A : f32 to vector<2176x1xf32>
    %max3A_9 = arith.maximumf %slice3A, %max3A_8 : vector<2176x1xf32>
    %rsqrt3A = math.rsqrt %max3A_9 : vector<2176x1xf32>
    %mul3A = vector.broadcast %rsqrt3A : vector<2176x1xf32> to vector<2176x64xf32>
    %mul3A_10 = arith.mulf %concatenate3A, %mul3A : vector<2176x64xf32>
    %get3A_11 = arith.constant 0 : index
    %get3A_12 = arith.constant 0 : index
    %get3A_13 = vector.load %arg5[%get3A_11, %get3A_12] : memref<64x64xf32, #tpu.memory_space<vmem>>, vector<64x64xf32>
    %dot_general3A = arith.constant dense<0.000000e+00> : vector<2176x64xf32>
    %dot_general3A_14 = tpu.matmul %mul3A_10, %get3A_13, %dot_general3A {dimension_numbers = #tpu.dot_dimension_numbers<[1], [0], [0], [1], [0, 0, 1, 1], [], []>, transpose_lhs_hint = false} : vector<2176x64xf32>, vector<64x64xf32>, vector<2176x64xf32> -> vector<2176x64xf32>
    %max3A_15 = arith.constant 0.000000e+00 : f32
    %max3A_16 = vector.broadcast %max3A_15 : f32 to vector<2176x64xf32>
    %max3A_17 = arith.maximumf %dot_general3A_14, %max3A_16 : vector<2176x64xf32>
    %get3A_18 = arith.constant 0 : index
    %get3A_19 = arith.constant 0 : index
    %get3A_20 = vector.load %arg6[%get3A_18, %get3A_19] : memref<2176x64xf32, #tpu.memory_space<vmem>>, vector<2176x64xf32>
    %add3A = arith.addf %get3A_20, %max3A_17 : vector<2176x64xf32>
    %swap3A = arith.constant 0 : index
    %swap3A_21 = arith.constant 0 : index
    %swap3A_22 = vector.load %arg7[%swap3A, %swap3A_21] : memref<2176x64xf32, #tpu.memory_space<vmem>>, vector<2176x64xf32>
    tpu.vector_store %arg7[%swap3A, %swap3A_21], %add3A {strides = array<i32>} : memref<2176x64xf32, #tpu.memory_space<vmem>>, vector<2176x64xf32>,
    %get3A_23 = arith.constant 0 : index
    %get3A_24 = arith.constant 0 : index
    %get3A_25 = vector.load %arg4[%get3A_23, %get3A_24] : memref<2176x8xf32, #tpu.memory_space<vmem>>, vector<2176x8xf32>
    %slice3A_26 = vector.extract_strided_slice %get3A_25 {offsets = [0, 0], sizes = [2176, 1], strides = [1, 1]} : vector<2176x8xf32> to vector<2176x1xf32>
    %max3A_27 = arith.constant 1.000000e+00 : f32
    %max3A_28 = vector.broadcast %max3A_27 : f32 to vector<2176x1xf32>
    %max3A_29 = arith.maximumf %slice3A_26, %max3A_28 : vector<2176x1xf32>
    %rsqrt3A_30 = math.rsqrt %max3A_29 : vector<2176x1xf32>
    %mul3A_31 = vector.broadcast %rsqrt3A_30 : vector<2176x1xf32> to vector<2176x64xf32>
    %mul3A_32 = arith.mulf %max3A_17, %mul3A_31 : vector<2176x64xf32>
    %slice3A_33 = vector.extract_strided_slice %mul3A_32 {offsets = [0, 0], sizes = [2176, 32], strides = [1, 1]} : vector<2176x64xf32> to vector<2176x32xf32>
    %swap3A_34 = arith.constant 0 : index
    %swap3A_35 = arith.constant 0 : index
    %swap3A_36 = vector.load %arg8[%swap3A_34, %swap3A_35] : memref<2176x32xf32, #tpu.memory_space<vmem>>, vector<2176x32xf32>
    tpu.vector_store %arg8[%swap3A_34, %swap3A_35], %slice3A_33 {strides = array<i32>} : memref<2176x32xf32, #tpu.memory_space<vmem>>, vector<2176x32xf32>,
    %slice3A_37 = vector.extract_strided_slice %mul3A_32 {offsets = [0, 32], sizes = [2176, 32], strides = [1, 1]} : vector<2176x64xf32> to vector<2176x32xf32>
    %swap3A_38 = arith.constant 0 : index
    %swap3A_39 = arith.constant 0 : index
    %swap3A_40 = vector.load %arg9[%swap3A_38, %swap3A_39] : memref<2176x32xf32, #tpu.memory_space<vmem>>, vector<2176x32xf32>
    tpu.vector_store %arg9[%swap3A_38, %swap3A_39], %slice3A_37 {strides = array<i32>} : memref<2176x32xf32, #tpu.memory_space<vmem>>, vector<2176x32xf32>,
    return
  }
  func.func @transform_0(%arg0: i32) -> (i32, i32) {
    %c0_i32 = arith.constant 0 : i32
    %c0_i32_0 = arith.constant 0 : i32
    return %arg0, %c0_i32 : i32, i32
  }
  func.func @transform_1(%arg0: i32) -> (i32, i32) {
    %c0_i32 = arith.constant 0 : i32
    %c0_i32_0 = arith.constant 0 : i32
    return %arg0, %c0_i32 : i32, i32
  }
  func.func @transform_2(%arg0: i32) -> (i32, i32) {
    %c0_i32 = arith.constant 0 : i32
    %c0_i32_0 = arith.constant 0 : i32
    return %arg0, %c0_i32 : i32, i32
  }
  func.func @transform_3(%arg0: i32) -> (i32, i32) {
    %c0_i32 = arith.constant 0 : i32
    %c0_i32_0 = arith.constant 0 : i32
    return %arg0, %c0_i32 : i32, i32
  }
  func.func @transform_4(%arg0: i32) -> (i32, i32) {
    %c0_i32 = arith.constant 0 : i32
    %c0_i32_0 = arith.constant 0 : i32
    %c0_i32_1 = arith.constant 0 : i32
    return %c0_i32, %c0_i32_0 : i32, i32
  }
  func.func @transform_5(%arg0: i32) -> (i32, i32) {
    %c0_i32 = arith.constant 0 : i32
    %c0_i32_0 = arith.constant 0 : i32
    return %arg0, %c0_i32 : i32, i32
  }
  func.func @transform_6(%arg0: i32) -> (i32, i32) {
    %c0_i32 = arith.constant 0 : i32
    %c0_i32_0 = arith.constant 0 : i32
    return %arg0, %c0_i32 : i32, i32
  }
  func.func @transform_7(%arg0: i32) -> (i32, i32) {
    %c0_i32 = arith.constant 0 : i32
    %c0_i32_0 = arith.constant 0 : i32
    return %arg0, %c0_i32 : i32, i32
  }
  func.func @transform_8(%arg0: i32) -> (i32, i32) {
    %c0_i32 = arith.constant 0 : i32
    %c0_i32_0 = arith.constant 0 : i32
    return %arg0, %c0_i32 : i32, i32
  }
}

module attributes {stable_mosaic.version = 14 : i64} {
  func.func @body(%arg0: i32, %arg1: memref<2176x32xf32, #tpu.memory_space<vmem>>, %arg2: memref<2176x32xf32, #tpu.memory_space<vmem>>, %arg3: memref<2176x8xf32, #tpu.memory_space<vmem>>, %arg4: memref<2176x8xf32, #tpu.memory_space<vmem>>, %arg5: memref<64x64xf32, #tpu.memory_space<vmem>>, %arg6: memref<2176x64xf32, #tpu.memory_space<vmem>>, %arg7: memref<2176x64xf32, #tpu.memory_space<vmem>>) attributes {dimension_semantics = [#tpu.dimension_semantics<arbitrary>], iteration_bounds = array<i64: 23>, scalar_prefetch = 0 : i64, scratch_operands = 0 : i64, tpu.core_type = #tpu.core_type<tc>, window_params = [{transform_indices = @transform_0, window_bounds = array<i64: 2176, 32>}, {transform_indices = @transform_1, window_bounds = array<i64: 2176, 32>}, {transform_indices = @transform_2, window_bounds = array<i64: 2176, 8>}, {transform_indices = @transform_3, window_bounds = array<i64: 2176, 8>}, {pipeline_mode = #tpu.pipeline_mode<synchronous>, transform_indices = @transform_4, window_bounds = array<i64: 64, 64>}, {transform_indices = @transform_5, window_bounds = array<i64: 2176, 64>}, {transform_indices = @transform_6, window_bounds = array<i64: 2176, 64>}]} {
    %get3A = arith.constant 0 : index
    %get3A_0 = arith.constant 0 : index
    %get3A_1 = vector.load %arg1[%get3A, %get3A_0] : memref<2176x32xf32, #tpu.memory_space<vmem>>, vector<2176x32xf32>
    %get3A_2 = arith.constant 0 : index
    %get3A_3 = arith.constant 0 : index
    %get3A_4 = vector.load %arg2[%get3A_2, %get3A_3] : memref<2176x32xf32, #tpu.memory_space<vmem>>, vector<2176x32xf32>
    %concatenate3A = tpu.concatenate %get3A_1, %get3A_4 in 1 : vector<2176x32xf32>, vector<2176x32xf32> -> vector<2176x64xf32>
    %get3A_5 = arith.constant 0 : index
    %get3A_6 = arith.constant 0 : index
    %get3A_7 = vector.load %arg3[%get3A_5, %get3A_6] : memref<2176x8xf32, #tpu.memory_space<vmem>>, vector<2176x8xf32>
    %slice3A = vector.extract_strided_slice %get3A_7 {offsets = [0, 0], sizes = [2176, 1], strides = [1, 1]} : vector<2176x8xf32> to vector<2176x1xf32>
    %max3A = arith.constant 1.000000e+00 : f32
    %max3A_8 = vector.broadcast %max3A : f32 to vector<2176x1xf32>
    %max3A_9 = arith.maximumf %slice3A, %max3A_8 : vector<2176x1xf32>
    %rsqrt3A = math.rsqrt %max3A_9 : vector<2176x1xf32>
    %mul3A = vector.broadcast %rsqrt3A : vector<2176x1xf32> to vector<2176x64xf32>
    %mul3A_10 = arith.mulf %concatenate3A, %mul3A : vector<2176x64xf32>
    %get3A_11 = arith.constant 0 : index
    %get3A_12 = arith.constant 0 : index
    %get3A_13 = vector.load %arg5[%get3A_11, %get3A_12] : memref<64x64xf32, #tpu.memory_space<vmem>>, vector<64x64xf32>
    %dot_general3A = arith.constant dense<0.000000e+00> : vector<2176x64xf32>
    %dot_general3A_14 = tpu.matmul %mul3A_10, %get3A_13, %dot_general3A {dimension_numbers = #tpu.dot_dimension_numbers<[1], [0], [0], [1], [0, 0, 1, 1], [], []>, transpose_lhs_hint = false} : vector<2176x64xf32>, vector<64x64xf32>, vector<2176x64xf32> -> vector<2176x64xf32>
    %get3A_15 = arith.constant 0 : index
    %get3A_16 = arith.constant 0 : index
    %get3A_17 = vector.load %arg6[%get3A_15, %get3A_16] : memref<2176x64xf32, #tpu.memory_space<vmem>>, vector<2176x64xf32>
    %add3A = arith.addf %get3A_17, %dot_general3A_14 : vector<2176x64xf32>
    %mul3A_18 = arith.constant 0.166666672 : f32
    %mul3A_19 = vector.broadcast %mul3A_18 : f32 to vector<2176x64xf32>
    %mul3A_20 = arith.mulf %add3A, %mul3A_19 : vector<2176x64xf32>
    %swap3A = arith.constant 0 : index
    %swap3A_21 = arith.constant 0 : index
    %swap3A_22 = vector.load %arg7[%swap3A, %swap3A_21] : memref<2176x64xf32, #tpu.memory_space<vmem>>, vector<2176x64xf32>
    tpu.vector_store %arg7[%swap3A, %swap3A_21], %mul3A_20 {strides = array<i32>} : memref<2176x64xf32, #tpu.memory_space<vmem>>, vector<2176x64xf32>,
    return
  }
  func.func @transform_0(%arg0: i32) -> (i32, i32) {
    %c0_i32 = arith.constant 0 : i32
    %c0_i32_0 = arith.constant 0 : i32
    return %arg0, %c0_i32 : i32, i32
  }
  func.func @transform_1(%arg0: i32) -> (i32, i32) {
    %c0_i32 = arith.constant 0 : i32
    %c0_i32_0 = arith.constant 0 : i32
    return %arg0, %c0_i32 : i32, i32
  }
  func.func @transform_2(%arg0: i32) -> (i32, i32) {
    %c0_i32 = arith.constant 0 : i32
    %c0_i32_0 = arith.constant 0 : i32
    return %arg0, %c0_i32 : i32, i32
  }
  func.func @transform_3(%arg0: i32) -> (i32, i32) {
    %c0_i32 = arith.constant 0 : i32
    %c0_i32_0 = arith.constant 0 : i32
    return %arg0, %c0_i32 : i32, i32
  }
  func.func @transform_4(%arg0: i32) -> (i32, i32) {
    %c0_i32 = arith.constant 0 : i32
    %c0_i32_0 = arith.constant 0 : i32
    %c0_i32_1 = arith.constant 0 : i32
    return %c0_i32, %c0_i32_0 : i32, i32
  }
  func.func @transform_5(%arg0: i32) -> (i32, i32) {
    %c0_i32 = arith.constant 0 : i32
    %c0_i32_0 = arith.constant 0 : i32
    return %arg0, %c0_i32 : i32, i32
  }
  func.func @transform_6(%arg0: i32) -> (i32, i32) {
    %c0_i32 = arith.constant 0 : i32
    %c0_i32_0 = arith.constant 0 : i32
    return %arg0, %c0_i32 : i32, i32
  }
}

</mosaic_0001>

<sc_bundles>
// kernel: kernel.15.cloned.1.call-start
scs
__scs_entry_jumppad:
0x0: {  	(pc) =	sbr.rel $0x88, $3  }
0x1: {  	(tag) =	ssettag $0x0;
	lr =	simm.s32 $0x1  }
0x2: {  	[smem:$0x3F98] =	sst lr;
	_ =	strace $0xD0000000  }
0x3: {  	_ = 	snop  }
0x4: {  	_ = 	snop  }
0x5: {  	_ = 	snop  }
0x6: {  	_ = 	snop  }
0x7: {  	_ = 	snop  }
__scs_overlays_trampoline_lowered:
0x8: {  	[smem:$0x3FA7] =	sst s0  }
0x9: {  	[smem:$0x3FA8] =	sst s1  }
0xa: {  	[smem:$0x3FA9] =	sst s2  }
0xb: {  	[smem:$0x3FAA] =	sst s3  }
0xc: {  	[smem:$0x3FAB] =	sst s4  }
0xd: {  	[smem:$0x3FAC] =	sst s5  }
0xe: {  	[smem:$0x3FAD] =	sst s6  }
0xf: {  	[smem:$0x3FAE] =	sst s7  }
0x10: {  	[smem:$0x3FAF] =	sst s8  }
0x11: {  	[smem:$0x3FB0] =	sst s9;
	s0 =	simm.s32 @!p0 $0x0  }
0x12: {  	s1 =	sld [smem:$0x3F96];
	s0 =	simm.s32 @p0 $0x1  }
0x13: {  	[smem:$0x3FB1] =	sst s0;
	s0 =	simm.s32 @!p1 $0x0  }
0x14: {  	s2 =	sld [smem:$0x3F95];
	s0 =	simm.s32 @p1 $0x1  }
0x15: {  	[smem:$0x3FB2] =	sst s0;
	s0 =	simm.s32 @!p2 $0x0  }
0x16: {  	s3 =	sld [smem:$0x3FDB];
	s0 =	simm.s32 @p2 $0x1  }
0x17: {  	s4 =	simm.s32 $0x1BF5;
	[smem:$0x3FB4] =	sst s0  }
0x18: {  	s0 =	sld [smem:$0x3F97];
	_ =	swait.ge [sflag:s4], $0x0  }
0x19: {  	s7 =	sld [smem:$0x3F98]  }
0x1a: {  	s8 =	sadd.s32 $0xFFFFE003, lr  }
0x1b: {  	s9 =	sadd.s32 $0xFFFFFEF7, lr;
	s5 =	simm.s32 $0xFFFFFFFF;
	p2 =	slt.u32 s8, $0xFFFFF086  }
0x1c: {  	p1 =	slt.u32 s9, $0xF7A;
	s5 =	simm.s32 @!p2 $0x0  }
0x1d: {  	s5 =	simm.s32 @p1 $0x1;
	p0 =	seq.s32 s7, s2  }
0x1e: {  	s7 =	smul.u32 @!p0 $0xF7A, s2;
	p2 =	seq.s32 @!p0 s5, $0x0  }
0x1f: {  	s9 =	smul.u32 $0xF7A, s1;
	s8 =	simm.s32 @!p0 $0x1BF5;
	p2 =	por !p2, p0  }
0x20: {  	[sflag:s8] =	ssyncset.s32 @!p0 $0xFFFFF086;
	s6 =	sadd.s32 @!p0 s3, s7;
	s7 =	simm.s32 @!p0 $0x108  }
0x21: {  	s3 =	sadd.s32 s3, s9;
	s6 =	sadd.s32 @!p0 $0x88, s6;
	s7 =	simm.s32 @p2 $0x1082  }
0x22: {  	[simem:s7], [sflag:s8] =	dma.local @!p0 [hbm:s6], $0xF7A  }
0x23: {  	s9 =	sor.u32 $0xD0000000, s2;
	s6 =	simm.s32 $0x108;
	_ =	swait.ge @!p0 [sflag:s8], $0x0  }
0x24: {  	s3 =	sadd.s32 $0x88, s3;
	s6 =	simm.s32 @!p1 $0x1082;
	[sflag:s4] =	ssyncset.s32 $0xFFFFF086  }
0x25: {  	[simem:s6], [sflag:s4] =	dma.local [hbm:s3], $0xF7A  }
0x26: {  	[smem:$0x3F98] =	sst s1;
	(tag) =	ssettag s2;
	_ =	strace s9  }
0x27: {  	s1 =	sld [smem:$0x3FA8]  }
0x28: {  	s2 =	sld [smem:$0x3FA9]  }
0x29: {  	s4 =	sld [smem:$0x3FAB]  }
0x2a: {  	p0 =	seq.s32 s5, $0x0;
	s5 =	sld [smem:$0x3FAC]  }
0x2b: {  	s6 =	sld [smem:$0x3FAD]  }
0x2c: {  	s7 =	sld [smem:$0x3FAE]  }
0x2d: {  	s3 =	simm.s32 $0x108;
	s8 =	sld [smem:$0x3FAF]  }
0x2e: {  	s3 =	simm.s32 @!p0 $0x1082;
	s9 =	sld [smem:$0x3FB0]  }
0x2f: {  	lr =	sadd.s32 s0, s3;
	s0 =	sld [smem:$0x3FA7]  }
0x30: {  	s3 =	sld [smem:$0x3FAA]  }
0x31: {  	[smem:$0x3FB3] =	sst s10  }
0x32: {  	s10 =	sld [smem:$0x3FB1];
	_ =	sdelay $0x3  }
0x33: {  	p0 =	seq.s32 s10, $0x1;
	s10 =	sld [smem:$0x3FB3];
	_ =	sdelay $0x3  }
0x34: {  	[smem:$0x3FB3] =	sst s10  }
0x35: {  	s10 =	sld [smem:$0x3FB2];
	_ =	sdelay $0x3  }
0x36: {  	p1 =	seq.s32 s10, $0x1;
	s10 =	sld [smem:$0x3FB3];
	_ =	sdelay $0x3  }
0x37: {  	[smem:$0x3FB3] =	sst s10  }
0x38: {  	s10 =	sld [smem:$0x3FB4]  }
0x39: {  	_ = 	snop;
	(pc) =	sbr.ind lr, $3  }
0x3a: {  	_ = 	snop  }
0x3b: {  	_ = 	snop  }
0x3c: {  	p2 =	seq.s32 s10, $0x1;
	s10 =	sld [smem:$0x3FB3]  }
0x3d: {  	_ =	shalt  }
0x3e: {  	_ =	shalt  }
0x3f: {  	_ =	shalt  }
0x40: {  	_ =	shalt  }
0x41: {  	_ =	shalt  }
0x42: {  	_ =	shalt  }
0x43: {  	_ =	shalt  }
0x44: {  	_ =	shalt  }
0x45: {  	_ =	shalt  }
0x46: {  	_ =	shalt  }
0x47: {  	_ =	shalt  }
0x48: {  	_ =	shalt  }
0x49: {  	_ =	shalt  }
0x4a: {  	_ =	shalt  }
0x4b: {  	_ =	shalt  }
0x4c: {  	_ =	shalt  }
0x4d: {  	_ =	shalt  }
0x4e: {  	_ =	shalt  }
0x4f: {  	_ =	shalt  }
0x50: {  	_ =	shalt  }
0x51: {  	_ =	shalt  }
0x52: {  	_ =	shalt  }
0x53: {  	_ =	shalt  }
0x54: {  	_ =	shalt  }
0x55: {  	_ =	shalt  }
0x56: {  	_ =	shalt  }
0x57: {  	_ =	shalt  }
0x58: {  	_ =	shalt  }
0x59: {  	_ =	shalt  }
0x5a: {  	_ =	shalt  }
0x5b: {  	_ =	shalt  }
0x5c: {  	_ =	shalt  }
0x5d: {  	_ =	shalt  }
0x5e: {  	_ =	shalt  }
0x5f: {  	_ =	shalt  }
0x60: {  	_ =	shalt  }
0x61: {  	_ =	shalt  }
0x62: {  	_ =	shalt  }
0x63: {  	_ =	shalt  }
0x64: {  	_ =	shalt  }
0x65: {  	_ =	shalt  }
0x66: {  	_ =	shalt  }
0x67: {  	_ =	shalt  }
0x68: {  	_ =	shalt  }
0x69: {  	_ =	shalt  }
0x6a: {  	_ =	shalt  }
0x6b: {  	_ =	shalt  }
0x6c: {  	_ =	shalt  }
0x6d: {  	_ =	shalt  }
0x6e: {  	_ =	shalt  }
0x6f: {  	_ =	shalt  }
0x70: {  	_ =	shalt  }
0x71: {  	_ =	shalt  }
0x72: {  	_ =	shalt  }
0x73: {  	_ =	shalt  }
0x74: {  	_ =	shalt  }
0x75: {  	_ =	shalt  }
0x76: {  	_ =	shalt  }
0x77: {  	_ =	shalt  }
0x78: {  	_ =	shalt  }
0x79: {  	_ =	shalt  }
0x7a: {  	_ =	shalt  }
0x7b: {  	_ =	shalt  }
0x7c: {  	_ =	shalt  }
0x7d: {  	_ =	shalt  }
0x7e: {  	_ =	shalt  }
0x7f: {  	_ =	shalt  }
0x80: {  	_ =	shalt  }
0x81: {  	_ =	shalt  }
0x82: {  	_ =	shalt  }
0x83: {  	_ =	shalt  }
0x84: {  	_ =	shalt  }
0x85: {  	_ =	shalt  }
0x86: {  	_ =	shalt  }
0x87: {  	_ =	shalt  }
.Lfunc_end0:
.L_simem_size_0:
called_computation_lowered:
.L_overlay_start_0:
0x88: {  	s2 =	sld [smem:$0x3FD9]  }
0x89: {  	s3 =	sld [smem:$0x3FFE];
	_ =	sdelay $0x1  }
0x8a: {  	s1 =	srdreg.scid  }
0x8b: {  	s0 =	sand.u32 $0x1, s1  }
0x8c: {  	s17 =	sshll.u32 s0, $0xA;
	s2 =	sadd.s32 s3, s2  }
0x8d: {  	s2 =	sadd.s32 s2, s17  }
0x8e: {  	[smem:$0x3FBF] =	sst s2  }
0x8f: {  	_ = 	snop  }
0x90: {  	s2 =	sld [smem:$0x3FD0];
	(tm) =	ssettm $0x1  }
0x91: {  	s18 =	sld [smem:$0x3FFB];
	_ =	sdelay $0x3  }
0x92: {  	_ =	strace s18  }
0x93: {  	s3 =	sld [smem:$0x3FFC];
	_ =	sdelay $0x3  }
0x94: {  	_ =	strace s3  }
0x95: {  	s3 =	sld [smem:$0x3FFD];
	_ =	sdelay $0x3  }
0x96: {  	_ =	strace s3  }
0x97: {  	_ =	strace $0x8FFFFFFF  }
0x98: {  	s19 =	sld [smem:$0x3FDB];
	_ =	sdelay $0x1  }
0x99: {  	s4 =	simm.s32 $_scs_section_size  }
0x9a: {  	s5 =	simm.s32 $_size__tile_overlayer_lowered;
	s6 =	simm.s32 $_tile_overlayer_lowered  }
0x9b: {  	s22 =	simm.s32 $0x1BFF;
	s21 =	sshll.u32 s6, $0x1;
	s3 =	sadd.s32 s4, s19  }
0x9c: {  	s7 =	simm.s32 $0x0;
	s20 =	sshll.u32 s5, $0x1;
	s5 =	sadd.s32 s21, s3  }
0x9d: {  	[timem:s7], [sflag:s22] =	dma.local [hbm:s5], s20  }
0x9e: {  	_ =	swait.ge [sflag:s22], s20  }
0x9f: {  	s4 =	ssub.s32 $0x0, s20;
	[sflag:s22] =	ssyncset.done $0x0  }
0xa0: {  	[sflag:s22] =	ssyncadd.s32 s4;
	_ =	sdelay $0x1  }
0xa1: {  	s23 =	simm.s32 $0x1B8B  }
0xa2: {  	_ =	swait.ge [sflag:s23], $0x1  }
0xa3: {  	[sflag:s23] =	ssyncset.done $0x0  }
0xa4: {  	s25 =	simm.s32 $0x1B8E;
	s24 =	sld [smem:$0x3FFE];
	[sflag:s23] =	ssyncadd.s32 $0xFFFFFFFF  }
0xa5: {  	s26 =	simm.s32 $execute0_lowered;
	[smem:$0x3FD2] =	sst s25  }
0xa6: {  	s5 =	sshll.u32 s26, $0x1;
	_ =	strace $0x80000046;
	[dreg:$0x1] =	wrdreg $0xFFFFFFFF  }
0xa7: {  	s28 =	simm.s32 $_size_execute0_lowered;
	s3 =	sadd.s32 s3, s5;
	[dreg:$0x0] =	wrdreg $0x0  }
0xa8: {  	s5 =	sshll.u32 s28, $0x1;
	[dreg:$0x2] =	wrdreg s3  }
0xa9: {  	[dreg:$0x3] =	wrdreg s5  }
0xaa: {  	[dreg:$0x4] =	wrdreg $0xC0  }
0xab: {  	_ =	task [dreg:s7], $0x5FFFF  }
0xac: {  	[dreg:$0x1] =	wrdreg $0xFFFFFFFF  }
0xad: {  	[dreg:$0x0] =	wrdreg $0x60  }
0xae: {  	[dreg:$0x2] =	wrdreg s2  }
0xaf: {  	[dreg:$0x3] =	wrdreg s24  }
0xb0: {  	[dreg:$0x4] =	wrdreg $0x18000  }
0xb1: {  	[dreg:$0x5] =	wrdreg $0x9  }
0xb2: {  	_ =	task.clear_ibuf [dreg:s7], $0x6FFFF;
	_ =	strace $0x90000046  }
0xb3: {  	s29 =	simm.s32 $0x9;
	_ =	strace $0x80000048  }
0xb4: {  	_ =	swait.ge [sflag:s29], $0x1  }
0xb5: {  	[sflag:s29] =	ssyncadd.s32 $0xFFFFFFFF  }
0xb6: {  	_ =	strace $0x90000048  }
0xb7: {  	_ =	sfence  }
0xb8: {  	s30 =	sld [smem:$0x0];
	_ =	sdelay $0x2  }
0xb9: {  	s31 =	sshll.u32 s1, $0xD;
	s1 =	sshrl.u32 s1, $0x2  }
0xba: {  	s3 =	sand.u32 $0x4000, s31;
	s1 =	sadd.s32 s1, s30  }
0xbb: {  	s0 =	sor.u32 s3, s0;
	s1 =	sshll.u32 s1, $0x11  }
0xbc: {  	s0 =	sor.u32 s1, s0  }
0xbd: {  	s0 =	sadd.s32 $0x8F2B, s0  }
0xbe: {  	[sflag:s0] =	ssyncadd.remote.s32 $0x1  }
0xbf: {  	_ =	sfence.sel $0xFFFF  }
0xc0: {  	[dreg:$0x0] =	wrdreg $0xFFFFFFFF;
	(pc) =	sbr.abs _section_cstart, $3  }
0xc1: {  	[dreg:$0x1] =	wrdreg $0xFFFFFFFF  }
0xc2: {  	_ =	task.clear_ibuf [dreg:s7], $0x2FFFF;
	_ =	strace $0x9FFFFFFF  }
0xc3: {  	(tm) =	ssettm $0x7FFFFFFF  }
tec
execute0_lowered:
.L_overlay_start_1:
0x0: {  	(tag) =	ssettag $0x1  }
0x1: {  	s1 =	rddreg [dreg:$0x0]  }
0x2: {  	s7 =	rddreg [dreg:$0x1]  }
0x3: {  	s2 =	rddreg [dreg:$0x2]  }
0x4: {  	s0 =	rddreg [dreg:$0x3]  }
0x5: {  	s3 =	simm.s32 $0x0;
	s8 =	srdreg.scid;
	s4 =	stileid.u32  }
0x6: {  	s17 =	simm.s32 $0x1;
	s18 =	simm.s32 $0x0;
	[smem:$0x7FF] =	sst s3  }
0x7: {  	s10 =	sadd.s32 $0x1F800, s7;
	s5 =	sadd.s32 $0x38A00, s7;
	s6 =	sadd.s32 $0x38800, s7  }
0x8: {  	s9 =	sand.u32 $0x1, s8;
	s11 =	sadd.s32 $0x39800, s7;
	s12 =	smul.u32 $0x61C0, s4  }
0x9: {  	s13 =	sadd.s32 $0x45C00, s7;
	s14 =	sshll.u32 s4, $0x6;
	_ =	strace $0x80000047  }
0xa: {  	s8 =	ssub.s32 $0x2, s9;
	s7 =	sor.u32 $0x1C02, s14;
	p0 =	seq.s32 s9, $0x1  }
0xb: {  	s14 =	simm.s32 $0x80;
	s31 =	sshrl.u32 s8, $0x1;
	s16 =	sadd.s32 s12, s2  }
0xc: {  	s12 =	sshrl.u32 s12, $0x3;
	s1 =	smov.u32 @p0 s10;
	s11 =	smov.u32 @p0 s13  }
0xd: {  	s13 =	simm.s32 $0x1400;
	s15 =	ssub.s32 s8, s31;
	s8 =	smul.u32 $0x190, s4  }
0xe: {  	s10 =	sadd.s32 s11, s12;
	s11 =	sshrl.u32 s16, $0x3;
	s12 =	simm.s32 $0x2  }
0xf: {  	s16 =	simm.s32 $0x180;
	s9 =	smax.u32 s15, $0x1;
	s15 =	simm.s32 $0x100  }
.LBB2_1:
0x10: {  	[spmem:s11], [sflag:s7] =	dma.local [hbm:s5], $0xC38  }
0x11: {  	_ =	swait.ge [sflag:s12], $0xC38  }
0x12: {  	[sflag:s12] =	ssyncset.done $0x0  }
0x13: {  	[sflag:s12] =	ssyncadd.s32 $0xFFFFF3C8  }
0x14: {  	[tilespmem:s13], [sflag:$0x2] =	stream.linear.gather [hbm4b:s6+s3], $0x400, $0x38;
	[tilespmem:$0x79C0] =	vst v63  }
0x15: {  	_ =	swait.ge [sflag:s12], $0x400  }
0x16: {  	[sflag:s12] =	ssyncset.done $0x0  }
0x17: {  	[sflag:s12] =	ssyncadd.s32 $0xFFFFFC00  }
0x18: {  	s19 =	simm.s32 $0x0;
	[bflag:$0x0] =	sbarrier.arrive $0xFFFF  }
.LBB2_2:
0x19: {  	s20 =	smul.u32 $0x28, s19;
	_ =	sdelay $0x1  }
0x1a: {  	s20 =	sadd.s32 s8, s20  }
0x1b: {  	s20 =	sshll.u32 s20, $0x4  }
0x1c: {  	s20 =	sadd.s32 s1, s20  }
0x1d: {  	[tilespmem:s3], [sflag:$0x2] =	stream.linear.gather [hbm4b:s20+s3], $0x1400, $0x38;
	[tilespmem:$0x79C0] =	vst v63  }
0x1e: {  	_ =	swait.ge [sflag:s12], $0x1400  }
0x1f: {  	[sflag:s12] =	ssyncset.done $0x0  }
0x20: {  	[sflag:s12] =	ssyncadd.s32 $0xFFFFEC00  }
0x21: {  	[spmem:s2] =	stream.indirect.scatter.add.f32 [tilespmem:s13], [sflag:$0x1], $0x8, s3, s14, $0xb8;
	[tilespmem:$0x79C0] =	vst v63  }
0x22: {  	_ = 	snop  }
0x23: {  	[spmem:s2] =	stream.indirect.scatter.add.f32 [tilespmem:s13], [sflag:$0x1], $0x8, s14, s14, $0xb8;
	[tilespmem:$0x79C0] =	vst v63  }
0x24: {  	_ = 	snop  }
0x25: {  	[spmem:s2] =	stream.indirect.scatter.add.f32 [tilespmem:s13], [sflag:$0x1], $0x8, s15, s14, $0xb8;
	[tilespmem:$0x79C0] =	vst v63  }
0x26: {  	_ = 	snop  }
0x27: {  	[spmem:s2] =	stream.indirect.scatter.add.f32 [tilespmem:s13], [sflag:$0x1], $0x8, s16, s14, $0xb8;
	[tilespmem:$0x79C0] =	vst v63  }
0x28: {  	s31 =	simm.s32 $0x200  }
0x29: {  	[spmem:s2] =	stream.indirect.scatter.add.f32 [tilespmem:s13], [sflag:$0x1], $0x8, s31, s14, $0xb8;
	[tilespmem:$0x79C0] =	vst v63  }
0x2a: {  	_ =	swait.ge [sflag:s17], $0x400  }
0x2b: {  	s20 =	simm.s32 $0xA00;
	[sflag:s17] =	ssyncset.done $0x0  }
.LBB2_3:
0x2c: {  	s21 =	sshra.s32 s20, $0x2;
	[sflag:s17] =	ssyncadd.s32 $0xFFFFFC00;
	p0 =	sne.s32 s20, $0x4E00  }
0x2d: {  	[spmem:s2] =	stream.indirect.scatter.add.f32 [tilespmem:s13], [sflag:$0x1], $0x8, s21, s14, $0xb8;
	[tilespmem:$0x79C0] =	vst v63  }
.Ltmp0:
0x2e: {  	_ = 	snop;
	(pc) =	sbr.rel @p0 .LBB2_3-.Ltmp0, $4  }
0x2f: {  	_ = 	snop  }
0x30: {  	s20 =	sadd.s32 $0x200, s20  }
0x31: {  	_ =	swait.ge [sflag:s17], $0x400  }
0x32: {  	[sflag:s17] =	ssyncset.done $0x0  }
0x33: {  	[sflag:s17] =	ssyncadd.s32 $0xFFFFFC00  }
0x34: {  	_ =	swait.ge [sflag:s17], $0x400  }
0x35: {  	[sflag:s17] =	ssyncset.done $0x0  }
0x36: {  	[sflag:s17] =	ssyncadd.s32 $0xFFFFFC00  }
0x37: {  	_ =	swait.ge [sflag:s17], $0x400  }
0x38: {  	[sflag:s17] =	ssyncset.done $0x0  }
0x39: {  	s19 =	sadd.s32 $0x1, s19;
	[sflag:s17] =	ssyncadd.s32 $0xFFFFFC00  }
0x3a: {  	p0 =	sne.s32 s19, $0xA;
	_ =	swait.ge [sflag:s17], $0x400  }
.Ltmp1:
0x3b: {  	[sflag:s17] =	ssyncset.done $0x0;
	(pc) =	sbr.rel @p0 .LBB2_2-.Ltmp1, $4  }
0x3c: {  	[sflag:s17] =	ssyncadd.s32 $0xFFFFFC00  }
0x3d: {  	_ =	swait.ge [sflag:s17], $0x400  }
0x3e: {  	[sflag:s17] =	ssyncset.done $0x0  }
0x3f: {  	[sflag:s17] =	ssyncadd.s32 $0xFFFFFC00  }
0x40: {  	s18 =	sadd.s32 $0x1, s18  }
0x41: {  	p0 =	sne.s32 s18, s9  }
.Ltmp2:
0x42: {  	[bflag:$0x0] =	sbarrier.arrive $0xFFFF;
	(pc) =	sbr.rel @p0 .LBB2_1-.Ltmp2, $4  }
0x43: {  	[hbm:s10], [sflag:s7] =	dma.local [spmem:s11], $0xC38  }
0x44: {  	_ =	swait.ge [sflag:s12], $0xC38  }
0x45: {  	[sflag:s12] =	ssyncset.done $0x0  }
0x46: {  	[sflag:s12] =	ssyncadd.s32 $0xFFFFF3C8  }
0x47: {  	_ =	sfence.sel $0x180000  }
0x48: {  	[bflag:$0x0] =	sbarrier.arrive $0xFFFF  }
0x49: {  	p0 =	sne.s32 s4, $0x0;
	_ =	strace $0x90000047  }
0x4a: {  	s0 =	sadd.s32 @!p0 $0x100000, s0;
	[bflag:$0x2] =	sbarrier.arrive $0xFFFF  }
0x4b: {  	[sflag:s0] =	ssyncadd.tile.s32 @!p0 $0x1;
	_ =	shalt  }
.Lfunc_end2:
_tile_overlayer_lowered:
.L_overlay_start_2:
0x4c: {  	(tag) =	ssettag $0x2  }
0x4d: {  	s0 =	rddreg [dreg:$0x0];
	s2 =	stileid.u32  }
0x4e: {  	s1 =	rddreg [dreg:$0x1];
	p0 =	sne.s32 s2, $0x0  }
0x4f: {  	s3 =	rddreg [dreg:$0x2];
	[bflag:$0x3] =	sbarrier.arrive $0xFFFF;
	s2 =	simm.s32 @!p0 $0x1C02  }
0x50: {  	[timem:s3], [sflag:s2] =	dma.local @!p0 [hbm:s0], s1  }
0x51: {  	s0 =	simm.s32 @!p0 $0x2  }
0x52: {  	_ =	swait.ge @!p0 [sflag:s0], s1  }
0x53: {  	s1 =	ssub.s32 @!p0 $0x0, s1;
	[sflag:s0] =	ssyncset.done @!p0 $0x0  }
0x54: {  	[sflag:s0] =	ssyncadd.s32 @!p0 s1  }
0x55: {  	[bflag:$0x3] =	sbarrier.arrive $0xFFFF  }
0x56: {  	_ =	shalt  }

// kernel: kernel.18.cloned.1.call-start
scs
__scs_entry_jumppad:
0x0: {  	(pc) =	sbr.rel $0x88, $3  }
0x1: {  	(tag) =	ssettag $0x0;
	lr =	simm.s32 $0x1  }
0x2: {  	[smem:$0x3F98] =	sst lr;
	_ =	strace $0xD0000000  }
0x3: {  	_ = 	snop  }
0x4: {  	_ = 	snop  }
0x5: {  	_ = 	snop  }
0x6: {  	_ = 	snop  }
0x7: {  	_ = 	snop  }
__scs_overlays_trampoline_lowered:
0x8: {  	[smem:$0x3FA7] =	sst s0  }
0x9: {  	[smem:$0x3FA8] =	sst s1  }
0xa: {  	[smem:$0x3FA9] =	sst s2  }
0xb: {  	[smem:$0x3FAA] =	sst s3  }
0xc: {  	[smem:$0x3FAB] =	sst s4  }
0xd: {  	[smem:$0x3FAC] =	sst s5  }
0xe: {  	[smem:$0x3FAD] =	sst s6  }
0xf: {  	[smem:$0x3FAE] =	sst s7  }
0x10: {  	[smem:$0x3FAF] =	sst s8  }
0x11: {  	[smem:$0x3FB0] =	sst s9;
	s0 =	simm.s32 @!p0 $0x0  }
0x12: {  	s1 =	sld [smem:$0x3F96];
	s0 =	simm.s32 @p0 $0x1  }
0x13: {  	[smem:$0x3FB1] =	sst s0;
	s0 =	simm.s32 @!p1 $0x0  }
0x14: {  	s2 =	sld [smem:$0x3F95];
	s0 =	simm.s32 @p1 $0x1  }
0x15: {  	[smem:$0x3FB2] =	sst s0;
	s0 =	simm.s32 @!p2 $0x0  }
0x16: {  	s3 =	sld [smem:$0x3FDB];
	s0 =	simm.s32 @p2 $0x1  }
0x17: {  	s4 =	simm.s32 $0x1BF5;
	[smem:$0x3FB4] =	sst s0  }
0x18: {  	s0 =	sld [smem:$0x3F97];
	_ =	swait.ge [sflag:s4], $0x0  }
0x19: {  	s7 =	sld [smem:$0x3F98]  }
0x1a: {  	s8 =	sadd.s32 $0xFFFFE003, lr  }
0x1b: {  	s9 =	sadd.s32 $0xFFFFFEF7, lr;
	s5 =	simm.s32 $0xFFFFFFFF;
	p2 =	slt.u32 s8, $0xFFFFF086  }
0x1c: {  	p1 =	slt.u32 s9, $0xF7A;
	s5 =	simm.s32 @!p2 $0x0  }
0x1d: {  	s5 =	simm.s32 @p1 $0x1;
	p0 =	seq.s32 s7, s2  }
0x1e: {  	s7 =	smul.u32 @!p0 $0xF7A, s2;
	p2 =	seq.s32 @!p0 s5, $0x0  }
0x1f: {  	s9 =	smul.u32 $0xF7A, s1;
	s8 =	simm.s32 @!p0 $0x1BF5;
	p2 =	por !p2, p0  }
0x20: {  	[sflag:s8] =	ssyncset.s32 @!p0 $0xFFFFF086;
	s6 =	sadd.s32 @!p0 s3, s7;
	s7 =	simm.s32 @!p0 $0x108  }
0x21: {  	s3 =	sadd.s32 s3, s9;
	s6 =	sadd.s32 @!p0 $0x88, s6;
	s7 =	simm.s32 @p2 $0x1082  }
0x22: {  	[simem:s7], [sflag:s8] =	dma.local @!p0 [hbm:s6], $0xF7A  }
0x23: {  	s9 =	sor.u32 $0xD0000000, s2;
	s6 =	simm.s32 $0x108;
	_ =	swait.ge @!p0 [sflag:s8], $0x0  }
0x24: {  	s3 =	sadd.s32 $0x88, s3;
	s6 =	simm.s32 @!p1 $0x1082;
	[sflag:s4] =	ssyncset.s32 $0xFFFFF086  }
0x25: {  	[simem:s6], [sflag:s4] =	dma.local [hbm:s3], $0xF7A  }
0x26: {  	[smem:$0x3F98] =	sst s1;
	(tag) =	ssettag s2;
	_ =	strace s9  }
0x27: {  	s1 =	sld [smem:$0x3FA8]  }
0x28: {  	s2 =	sld [smem:$0x3FA9]  }
0x29: {  	s4 =	sld [smem:$0x3FAB]  }
0x2a: {  	p0 =	seq.s32 s5, $0x0;
	s5 =	sld [smem:$0x3FAC]  }
0x2b: {  	s6 =	sld [smem:$0x3FAD]  }
0x2c: {  	s7 =	sld [smem:$0x3FAE]  }
0x2d: {  	s3 =	simm.s32 $0x108;
	s8 =	sld [smem:$0x3FAF]  }
0x2e: {  	s3 =	simm.s32 @!p0 $0x1082;
	s9 =	sld [smem:$0x3FB0]  }
0x2f: {  	lr =	sadd.s32 s0, s3;
	s0 =	sld [smem:$0x3FA7]  }
0x30: {  	s3 =	sld [smem:$0x3FAA]  }
0x31: {  	[smem:$0x3FB3] =	sst s10  }
0x32: {  	s10 =	sld [smem:$0x3FB1];
	_ =	sdelay $0x3  }
0x33: {  	p0 =	seq.s32 s10, $0x1;
	s10 =	sld [smem:$0x3FB3];
	_ =	sdelay $0x3  }
0x34: {  	[smem:$0x3FB3] =	sst s10  }
0x35: {  	s10 =	sld [smem:$0x3FB2];
	_ =	sdelay $0x3  }
0x36: {  	p1 =	seq.s32 s10, $0x1;
	s10 =	sld [smem:$0x3FB3];
	_ =	sdelay $0x3  }
0x37: {  	[smem:$0x3FB3] =	sst s10  }
0x38: {  	s10 =	sld [smem:$0x3FB4]  }
0x39: {  	_ = 	snop;
	(pc) =	sbr.ind lr, $3  }
0x3a: {  	_ = 	snop  }
0x3b: {  	_ = 	snop  }
0x3c: {  	p2 =	seq.s32 s10, $0x1;
	s10 =	sld [smem:$0x3FB3]  }
0x3d: {  	_ =	shalt  }
0x3e: {  	_ =	shalt  }
0x3f: {  	_ =	shalt  }
0x40: {  	_ =	shalt  }
0x41: {  	_ =	shalt  }
0x42: {  	_ =	shalt  }
0x43: {  	_ =	shalt  }
0x44: {  	_ =	shalt  }
0x45: {  	_ =	shalt  }
0x46: {  	_ =	shalt  }
0x47: {  	_ =	shalt  }
0x48: {  	_ =	shalt  }
0x49: {  	_ =	shalt  }
0x4a: {  	_ =	shalt  }
0x4b: {  	_ =	shalt  }
0x4c: {  	_ =	shalt  }
0x4d: {  	_ =	shalt  }
0x4e: {  	_ =	shalt  }
0x4f: {  	_ =	shalt  }
0x50: {  	_ =	shalt  }
0x51: {  	_ =	shalt  }
0x52: {  	_ =	shalt  }
0x53: {  	_ =	shalt  }
0x54: {  	_ =	shalt  }
0x55: {  	_ =	shalt  }
0x56: {  	_ =	shalt  }
0x57: {  	_ =	shalt  }
0x58: {  	_ =	shalt  }
0x59: {  	_ =	shalt  }
0x5a: {  	_ =	shalt  }
0x5b: {  	_ =	shalt  }
0x5c: {  	_ =	shalt  }
0x5d: {  	_ =	shalt  }
0x5e: {  	_ =	shalt  }
0x5f: {  	_ =	shalt  }
0x60: {  	_ =	shalt  }
0x61: {  	_ =	shalt  }
0x62: {  	_ =	shalt  }
0x63: {  	_ =	shalt  }
0x64: {  	_ =	shalt  }
0x65: {  	_ =	shalt  }
0x66: {  	_ =	shalt  }
0x67: {  	_ =	shalt  }
0x68: {  	_ =	shalt  }
0x69: {  	_ =	shalt  }
0x6a: {  	_ =	shalt  }
0x6b: {  	_ =	shalt  }
0x6c: {  	_ =	shalt  }
0x6d: {  	_ =	shalt  }
0x6e: {  	_ =	shalt  }
0x6f: {  	_ =	shalt  }
0x70: {  	_ =	shalt  }
0x71: {  	_ =	shalt  }
0x72: {  	_ =	shalt  }
0x73: {  	_ =	shalt  }
0x74: {  	_ =	shalt  }
0x75: {  	_ =	shalt  }
0x76: {  	_ =	shalt  }
0x77: {  	_ =	shalt  }
0x78: {  	_ =	shalt  }
0x79: {  	_ =	shalt  }
0x7a: {  	_ =	shalt  }
0x7b: {  	_ =	shalt  }
0x7c: {  	_ =	shalt  }
0x7d: {  	_ =	shalt  }
0x7e: {  	_ =	shalt  }
0x7f: {  	_ =	shalt  }
0x80: {  	_ =	shalt  }
0x81: {  	_ =	shalt  }
0x82: {  	_ =	shalt  }
0x83: {  	_ =	shalt  }
0x84: {  	_ =	shalt  }
0x85: {  	_ =	shalt  }
0x86: {  	_ =	shalt  }
0x87: {  	_ =	shalt  }
.Lfunc_end0:
.L_simem_size_0:
called_computation.1_lowered:
.L_overlay_start_0:
0x88: {  	s2 =	sld [smem:$0x3FD9]  }
0x89: {  	s3 =	sld [smem:$0x3FFE];
	_ =	sdelay $0x1  }
0x8a: {  	s1 =	srdreg.scid  }
0x8b: {  	s0 =	sand.u32 $0x1, s1  }
0x8c: {  	s17 =	sshll.u32 s0, $0xA;
	s2 =	sadd.s32 s3, s2  }
0x8d: {  	s2 =	sadd.s32 s2, s17  }
0x8e: {  	[smem:$0x3FBF] =	sst s2  }
0x8f: {  	_ = 	snop  }
0x90: {  	s2 =	sld [smem:$0x3FD0];
	(tm) =	ssettm $0x1  }
0x91: {  	s18 =	sld [smem:$0x3FFB];
	_ =	sdelay $0x3  }
0x92: {  	_ =	strace s18  }
0x93: {  	s3 =	sld [smem:$0x3FFC];
	_ =	sdelay $0x3  }
0x94: {  	_ =	strace s3  }
0x95: {  	s3 =	sld [smem:$0x3FFD];
	_ =	sdelay $0x3  }
0x96: {  	_ =	strace s3  }
0x97: {  	_ =	strace $0x8FFFFFFF  }
0x98: {  	s19 =	sld [smem:$0x3FDB];
	_ =	sdelay $0x1  }
0x99: {  	s4 =	simm.s32 $_scs_section_size  }
0x9a: {  	s5 =	simm.s32 $_size__tile_overlayer_lowered;
	s6 =	simm.s32 $_tile_overlayer_lowered  }
0x9b: {  	s22 =	simm.s32 $0x1BFF;
	s21 =	sshll.u32 s6, $0x1;
	s3 =	sadd.s32 s4, s19  }
0x9c: {  	s7 =	simm.s32 $0x0;
	s20 =	sshll.u32 s5, $0x1;
	s5 =	sadd.s32 s21, s3  }
0x9d: {  	[timem:s7], [sflag:s22] =	dma.local [hbm:s5], s20  }
0x9e: {  	_ =	swait.ge [sflag:s22], s20  }
0x9f: {  	s4 =	ssub.s32 $0x0, s20;
	[sflag:s22] =	ssyncset.done $0x0  }
0xa0: {  	[sflag:s22] =	ssyncadd.s32 s4;
	_ =	sdelay $0x1  }
0xa1: {  	s23 =	simm.s32 $0x1B8B  }
0xa2: {  	_ =	swait.ge [sflag:s23], $0x1  }
0xa3: {  	[sflag:s23] =	ssyncset.done $0x0  }
0xa4: {  	s25 =	simm.s32 $0x1B8E;
	s24 =	sld [smem:$0x3FFE];
	[sflag:s23] =	ssyncadd.s32 $0xFFFFFFFF  }
0xa5: {  	s26 =	simm.s32 $execute0_lowered;
	[smem:$0x3FD2] =	sst s25  }
0xa6: {  	s5 =	sshll.u32 s26, $0x1;
	_ =	strace $0x80000049;
	[dreg:$0x1] =	wrdreg $0xFFFFFFFF  }
0xa7: {  	s28 =	simm.s32 $_size_execute0_lowered;
	s3 =	sadd.s32 s3, s5;
	[dreg:$0x0] =	wrdreg $0x0  }
0xa8: {  	s5 =	sshll.u32 s28, $0x1;
	[dreg:$0x2] =	wrdreg s3  }
0xa9: {  	[dreg:$0x3] =	wrdreg s5  }
0xaa: {  	[dreg:$0x4] =	wrdreg $0xC0  }
0xab: {  	_ =	task [dreg:s7], $0x5FFFF  }
0xac: {  	[dreg:$0x1] =	wrdreg $0xFFFFFFFF  }
0xad: {  	[dreg:$0x0] =	wrdreg $0x60  }
0xae: {  	[dreg:$0x2] =	wrdreg s2  }
0xaf: {  	[dreg:$0x3] =	wrdreg s24  }
0xb0: {  	[dreg:$0x4] =	wrdreg $0x68000  }
0xb1: {  	[dreg:$0x5] =	wrdreg $0x9  }
0xb2: {  	_ =	task.clear_ibuf [dreg:s7], $0x6FFFF;
	_ =	strace $0x90000049  }
0xb3: {  	s29 =	simm.s32 $0x9;
	_ =	strace $0x8000004B  }
0xb4: {  	_ =	swait.ge [sflag:s29], $0x1  }
0xb5: {  	[sflag:s29] =	ssyncadd.s32 $0xFFFFFFFF  }
0xb6: {  	_ =	strace $0x9000004B  }
0xb7: {  	_ =	sfence  }
0xb8: {  	s30 =	sld [smem:$0x0];
	_ =	sdelay $0x2  }
0xb9: {  	s31 =	sshll.u32 s1, $0xD;
	s1 =	sshrl.u32 s1, $0x2  }
0xba: {  	s3 =	sand.u32 $0x4000, s31;
	s1 =	sadd.s32 s1, s30  }
0xbb: {  	s0 =	sor.u32 s3, s0;
	s1 =	sshll.u32 s1, $0x11  }
0xbc: {  	s0 =	sor.u32 s1, s0  }
0xbd: {  	s0 =	sadd.s32 $0x8F2B, s0  }
0xbe: {  	[sflag:s0] =	ssyncadd.remote.s32 $0x1  }
0xbf: {  	_ =	sfence.sel $0xFFFF  }
0xc0: {  	[dreg:$0x0] =	wrdreg $0xFFFFFFFF;
	(pc) =	sbr.abs _section_cstart, $3  }
0xc1: {  	[dreg:$0x1] =	wrdreg $0xFFFFFFFF  }
0xc2: {  	_ =	task.clear_ibuf [dreg:s7], $0x2FFFF;
	_ =	strace $0x9FFFFFFF  }
0xc3: {  	(tm) =	ssettm $0x7FFFFFFF  }
tec
execute0_lowered:
.L_overlay_start_1:
0x0: {  	(tag) =	ssettag $0x1  }
0x1: {  	s1 =	rddreg [dreg:$0x0]  }
0x2: {  	s0 =	rddreg [dreg:$0x1]  }
0x3: {  	s2 =	rddreg [dreg:$0x2];
	s13 =	simm.s32 $0x0;
	s3 =	srdreg.scid  }
0x4: {  	s12 =	stileid.u32;
	s11 =	simm.s32 $0x146600;
	s15 =	simm.s32 $0x5  }
0x5: {  	s17 =	simm.s32 $0x80;
	s18 =	simm.s32 $0x2800;
	s19 =	simm.s32 $0x3800  }
0x6: {  	s21 =	simm.s32 $0x4800;
	s22 =	simm.s32 $0x5800;
	s23 =	simm.s32 $0x1  }
0x7: {  	s24 =	simm.s32 $0x2;
	s28 =	simm.s32 $0x1380;
	s29 =	simm.s32 $0x2600  }
0x8: {  	s30 =	simm.s32 $0x2680;
	s31 =	simm.s32 $0x2700;
	[smem:$0x7FF] =	sst s13  }
0x9: {  	s5 =	sadd.s32 $0x115800, s0;
	s3 =	sand.u32 $0x1, s3;
	s6 =	sadd.s32 $0x6800, s0  }
0xa: {  	s8 =	smul.u32 $0x18700, s12;
	s7 =	sadd.s32 $0x1F800, s0;
	s9 =	sadd.s32 $0x38800, s0  }
0xb: {  	s10 =	sshll.u32 s12, $0x6;
	_ =	strace $0x8000004A;
	s4 =	ssub.s32 $0x2, s3  }
0xc: {  	[dreg:$0x5] =	wrdreg s9;
	s14 =	sor.u32 $0x1C05, s10;
	p0 =	seq.s32 s3, $0x1  }
0xd: {  	s10 =	smul.u32 $0x190, s12;
	p1 =	seq.s32 s3, $0x0;
	s12 =	smov.u32 s5  }
0xe: {  	s25 =	sshrl.u32 s4, $0x1;
	s26 =	sadd.s32 s8, s2;
	s11 =	simm.s32 @!p0 $0x177400  }
0xf: {  	s8 =	sshrl.u32 s8, $0x3;
	s12 =	smov.u32 @p1 s1;
	s4 =	ssub.s32 s4, s25  }
0x10: {  	[dreg:$0x6] =	wrdreg s14;
	s0 =	sadd.s32 s11, s0;
	s4 =	smax.u32 s4, $0x1  }
0x11: {  	p0 =	sne.s32 s3, $0x0;
	s0 =	sadd.s32 s0, s8;
	[dreg:$0x7] =	wrdreg s4  }
0x12: {  	s25 =	simm.s32 $0x3;
	[dreg:$0x8] =	wrdreg s0;
	s4 =	sshrl.u32 s26, $0x3  }
0x13: {  	s26 =	simm.s32 $0x4;
	s0 =	simm.s32 $0x2780;
	[dreg:$0x9] =	wrdreg s4  }
.LBB2_1:
0x14: {  	[dreg:$0x4] =	wrdreg s13  }
0x15: {  	s3 =	rddreg [dreg:$0x5]  }
0x16: {  	[spmem:s4], [sflag:s14] =	dma.local [hbm:s3], $0x30E0  }
0x17: {  	_ =	swait.ge [sflag:s15], $0x30E0  }
0x18: {  	[sflag:s15] =	ssyncset.done $0x0  }
0x19: {  	[sflag:s15] =	ssyncadd.s32 $0xFFFFCF20  }
0x1a: {  	s4 =	simm.s32 $0x0;
	[bflag:$0x0] =	sbarrier.arrive $0xFFFF  }
.LBB2_2:
0x1b: {  	s3 =	smul.u32 $0x28, s4;
	_ =	sdelay $0x1  }
0x1c: {  	s3 =	sadd.s32 s10, s3  }
0x1d: {  	s3 =	sshll.u32 s3, $0x4  }
0x1e: {  	s9 =	simm.s32 $0x0;
	s8 =	sadd.s32 s6, s3  }
0x1f: {  	[tilespmem:s9], [sflag:$0x5] =	stream.linear.gather [hbm4b:s8+s9], $0x1400, $0x38;
	[tilespmem:$0x1EF00] =	vst v63  }
0x20: {  	_ =	swait.ge [sflag:s15], $0x1400  }
0x21: {  	[sflag:s15] =	ssyncset.done $0x0  }
0x22: {  	s20 =	simm.s32 $0x1400;
	s3 =	sadd.s32 s7, s3;
	[sflag:s15] =	ssyncadd.s32 $0xFFFFEC00  }
0x23: {  	[tilespmem:s20], [sflag:$0x5] =	stream.linear.gather [hbm4b:s3+s9], $0x1400, $0x38;
	[tilespmem:$0x1EF00] =	vst v63  }
0x24: {  	_ =	swait.ge [sflag:s15], $0x1400  }
0x25: {  	[sflag:s15] =	ssyncset.done $0x0  }
0x26: {  	[sflag:s15] =	ssyncadd.s32 $0xFFFFEC00  }
0x27: {  	[tilespmem:s18], [sflag:$0x1] =	stream.indirect.gather [hbm4b:s12+s17], $0x20, s9, s17, $0xb8;
	[tilespmem:$0x1EF00] =	vst v63  }
0x28: {  	_ = 	snop  }
0x29: {  	[tilespmem:s19], [sflag:$0x2] =	stream.indirect.gather [hbm4b:s12+s17], $0x20, s17, s17, $0xb8;
	[tilespmem:$0x1EF00] =	vst v63  }
0x2a: {  	s11 =	simm.s32 $0x100  }
0x2b: {  	[tilespmem:s21], [sflag:$0x3] =	stream.indirect.gather [hbm4b:s12+s17], $0x20, s11, s17, $0xb8;
	[tilespmem:$0x1EF00] =	vst v63  }
0x2c: {  	s13 =	simm.s32 $0x180  }
0x2d: {  	[tilespmem:s22], [sflag:$0x4] =	stream.indirect.gather [hbm4b:s12+s17], $0x20, s13, s17, $0xb8;
	[tilespmem:$0x1EF00] =	vst v63  }
0x2e: {  	_ =	swait.ge [sflag:s23], $0x1000  }
0x2f: {  	[sflag:s23] =	ssyncset.done $0x0  }
0x30: {  	s14 =	simm.s32 $0x1400;
	[sflag:s23] =	ssyncadd.s32 $0xFFFFF000  }
0x31: {  	[spmem:s2] =	stream.indirect.scatter.add.f32 [tilespmem:s18], [sflag:$0x5], $0x20, s14, s17, $0xb8;
	[tilespmem:$0x1EF00] =	vst v63  }
0x32: {  	_ =	swait.ge [sflag:s15], $0x1000  }
0x33: {  	[sflag:s15] =	ssyncset.done $0x0  }
0x34: {  	s16 =	simm.s32 $0x200;
	[sflag:s15] =	ssyncadd.s32 $0xFFFFF000  }
0x35: {  	[tilespmem:s18], [sflag:$0x1] =	stream.indirect.gather [hbm4b:s12+s17], $0x20, s16, s17, $0xb8;
	[tilespmem:$0x1EF00] =	vst v63  }
0x36: {  	_ =	swait.ge [sflag:s24], $0x1000  }
0x37: {  	[sflag:s24] =	ssyncset.done $0x0  }
0x38: {  	s20 =	simm.s32 $0x1480;
	[sflag:s24] =	ssyncadd.s32 $0xFFFFF000  }
0x39: {  	[spmem:s2] =	stream.indirect.scatter.add.f32 [tilespmem:s19], [sflag:$0x5], $0x20, s20, s17, $0xb8;
	[tilespmem:$0x1EF00] =	vst v63  }
0x3a: {  	_ =	swait.ge [sflag:s15], $0x1000  }
0x3b: {  	s3 =	simm.s32 $0x280;
	[sflag:s15] =	ssyncset.done $0x0  }
0x3c: {  	s11 =	simm.s32 @p0 $0x3800;
	s13 =	simm.s32 @p0 $0x80;
	[sflag:s15] =	ssyncadd.s32 $0xFFFFF000  }
0x3d: {  	[tilespmem:s11], [sflag:$0x2] =	stream.indirect.gather @p0 [hbm4b:s5+s13], $0x20, s3, s13, $0xb8;
	[tilespmem:$0x1EF00] =	vst v63  }
0x3e: {  	s9 =	simm.s32 @!p0 $0x80;
	s14 =	simm.s32 @!p0 $0x3800  }
0x3f: {  	[tilespmem:s14], [sflag:$0x2] =	stream.indirect.gather @!p0 [hbm4b:s1+s9], $0x20, s3, s9, $0xb8;
	[tilespmem:$0x1EF00] =	vst v63  }
0x40: {  	_ =	swait.ge [sflag:s25], $0x1000  }
0x41: {  	[sflag:s25] =	ssyncset.done $0x0  }
0x42: {  	s8 =	simm.s32 $0x1500;
	[sflag:s25] =	ssyncadd.s32 $0xFFFFF000  }
0x43: {  	[spmem:s2] =	stream.indirect.scatter.add.f32 [tilespmem:s21], [sflag:$0x5], $0x20, s8, s17, $0xb8;
	[tilespmem:$0x1EF00] =	vst v63  }
0x44: {  	_ =	swait.ge [sflag:s15], $0x1000  }
0x45: {  	[sflag:s15] =	ssyncset.done $0x0  }
0x46: {  	s16 =	simm.s32 $0x300;
	[sflag:s15] =	ssyncadd.s32 $0xFFFFF000  }
0x47: {  	[tilespmem:s21], [sflag:$0x3] =	stream.indirect.gather [hbm4b:s12+s17], $0x20, s16, s17, $0xb8;
	[tilespmem:$0x1EF00] =	vst v63  }
0x48: {  	_ =	swait.ge [sflag:s26], $0x1000  }
0x49: {  	[sflag:s26] =	ssyncset.done $0x0  }
0x4a: {  	s20 =	simm.s32 $0x1580;
	[sflag:s26] =	ssyncadd.s32 $0xFFFFF000  }
0x4b: {  	[spmem:s2] =	stream.indirect.scatter.add.f32 [tilespmem:s22], [sflag:$0x5], $0x20, s20, s17, $0xb8;
	[tilespmem:$0x1EF00] =	vst v63  }
0x4c: {  	_ =	swait.ge [sflag:s15], $0x1000  }
0x4d: {  	s3 =	simm.s32 $0x1000;
	s8 =	simm.s32 $0x200;
	[sflag:s15] =	ssyncset.done $0x0  }
.LBB2_3:
0x4e: {  	s20 =	sadd.s32 $0x180, s8  }
0x4f: {  	[sflag:s15] =	ssyncadd.s32 $0xFFFFF000;
	s16 =	smov.u32 s3;
	s3 =	sadd.s32 $0x800, s3  }
0x50: {  	[tilespmem:s22], [sflag:$0x4] =	stream.indirect.gather [hbm4b:s12+s17], $0x20, s20, s17, $0xb8;
	[tilespmem:$0x1EF00] =	vst v63  }
0x51: {  	p1 =	sne.s32 s3, $0x4800;
	_ =	swait.ge [sflag:s23], $0x1000  }
0x52: {  	[sflag:s23] =	ssyncset.done $0x0  }
0x53: {  	s20 =	sadd.s32 $0x1400, s8;
	[sflag:s23] =	ssyncadd.s32 $0xFFFFF000  }
0x54: {  	[spmem:s2] =	stream.indirect.scatter.add.f32 [tilespmem:s18], [sflag:$0x5], $0x20, s20, s17, $0xb8;
	[tilespmem:$0x1EF00] =	vst v63  }
0x55: {  	_ =	swait.ge [sflag:s15], $0x1000  }
0x56: {  	[sflag:s15] =	ssyncset.done $0x0  }
0x57: {  	s20 =	sadd.s32 $0x200, s8;
	[sflag:s15] =	ssyncadd.s32 $0xFFFFF000  }
0x58: {  	[tilespmem:s18], [sflag:$0x1] =	stream.indirect.gather [hbm4b:s12+s17], $0x20, s20, s17, $0xb8;
	[tilespmem:$0x1EF00] =	vst v63  }
0x59: {  	_ =	swait.ge [sflag:s24], $0x1000  }
0x5a: {  	[sflag:s24] =	ssyncset.done $0x0  }
0x5b: {  	s20 =	sadd.s32 $0x1480, s8;
	[sflag:s24] =	ssyncadd.s32 $0xFFFFF000  }
0x5c: {  	[spmem:s2] =	stream.indirect.scatter.add.f32 [tilespmem:s19], [sflag:$0x5], $0x20, s20, s17, $0xb8;
	[tilespmem:$0x1EF00] =	vst v63  }
0x5d: {  	_ =	swait.ge [sflag:s15], $0x1000  }
0x5e: {  	[sflag:s15] =	ssyncset.done $0x0  }
0x5f: {  	s20 =	sadd.s32 $0x280, s8;
	[sflag:s15] =	ssyncadd.s32 $0xFFFFF000  }
0x60: {  	[tilespmem:s11], [sflag:$0x2] =	stream.indirect.gather @p0 [hbm4b:s5+s13], $0x20, s20, s13, $0xb8;
	[tilespmem:$0x1EF00] =	vst v63  }
0x61: {  	_ = 	snop  }
0x62: {  	[tilespmem:s14], [sflag:$0x2] =	stream.indirect.gather @!p0 [hbm4b:s1+s9], $0x20, s20, s9, $0xb8;
	[tilespmem:$0x1EF00] =	vst v63  }
0x63: {  	_ =	swait.ge [sflag:s25], $0x1000  }
0x64: {  	[sflag:s25] =	ssyncset.done $0x0  }
0x65: {  	s20 =	sadd.s32 $0x1500, s8;
	[sflag:s25] =	ssyncadd.s32 $0xFFFFF000  }
0x66: {  	[spmem:s2] =	stream.indirect.scatter.add.f32 [tilespmem:s21], [sflag:$0x5], $0x20, s20, s17, $0xb8;
	[tilespmem:$0x1EF00] =	vst v63  }
0x67: {  	_ =	swait.ge [sflag:s15], $0x1000  }
0x68: {  	[sflag:s15] =	ssyncset.done $0x0  }
0x69: {  	s20 =	sadd.s32 $0x300, s8;
	[sflag:s15] =	ssyncadd.s32 $0xFFFFF000  }
0x6a: {  	[tilespmem:s21], [sflag:$0x3] =	stream.indirect.gather [hbm4b:s12+s17], $0x20, s20, s17, $0xb8;
	[tilespmem:$0x1EF00] =	vst v63  }
0x6b: {  	_ =	swait.ge [sflag:s26], $0x1000  }
.Ltmp0:
0x6c: {  	[sflag:s26] =	ssyncset.done $0x0;
	(pc) =	sbr.rel @p1 .LBB2_3-.Ltmp0, $4  }
0x6d: {  	s8 =	sadd.s32 $0x1580, s8;
	[sflag:s26] =	ssyncadd.s32 $0xFFFFF000  }
0x6e: {  	[spmem:s2] =	stream.indirect.scatter.add.f32 [tilespmem:s22], [sflag:$0x5], $0x20, s8, s17, $0xb8;
	[tilespmem:$0x1EF00] =	vst v63  }
0x6f: {  	_ =	swait.ge [sflag:s15], $0x1000  }
0x70: {  	s8 =	sshra.s32 s16, $0x2;
	[sflag:s15] =	ssyncset.done $0x0  }
0x71: {  	s3 =	sadd.s32 $0x180, s8;
	[sflag:s15] =	ssyncadd.s32 $0xFFFFF000  }
0x72: {  	[tilespmem:s22], [sflag:$0x4] =	stream.indirect.gather [hbm4b:s12+s17], $0x20, s3, s17, $0xb8;
	[tilespmem:$0x1EF00] =	vst v63  }
0x73: {  	_ =	swait.ge [sflag:s23], $0x1000  }
0x74: {  	[sflag:s23] =	ssyncset.done $0x0  }
0x75: {  	s9 =	sadd.s32 $0x1400, s8;
	[sflag:s23] =	ssyncadd.s32 $0xFFFFF000  }
0x76: {  	[spmem:s2] =	stream.indirect.scatter.add.f32 [tilespmem:s18], [sflag:$0x5], $0x20, s9, s17, $0xb8;
	[tilespmem:$0x1EF00] =	vst v63  }
0x77: {  	_ =	swait.ge [sflag:s15], $0x1000  }
0x78: {  	[sflag:s15] =	ssyncset.done $0x0  }
0x79: {  	s11 =	sadd.s32 $0x200, s8;
	[sflag:s15] =	ssyncadd.s32 $0xFFFFF000  }
0x7a: {  	[tilespmem:s18], [sflag:$0x1] =	stream.indirect.gather [hbm4b:s12+s17], $0x20, s11, s17, $0xb8;
	[tilespmem:$0x1EF00] =	vst v63  }
0x7b: {  	_ =	swait.ge [sflag:s24], $0x1000  }
0x7c: {  	[sflag:s24] =	ssyncset.done $0x0  }
0x7d: {  	s13 =	sadd.s32 $0x1480, s8;
	[sflag:s24] =	ssyncadd.s32 $0xFFFFF000  }
0x7e: {  	[spmem:s2] =	stream.indirect.scatter.add.f32 [tilespmem:s19], [sflag:$0x5], $0x20, s13, s17, $0xb8;
	[tilespmem:$0x1EF00] =	vst v63  }
0x7f: {  	_ =	swait.ge [sflag:s15], $0x1000  }
0x80: {  	s3 =	simm.s32 @p0 $0x3800;
	[sflag:s15] =	ssyncset.done $0x0  }
0x81: {  	s9 =	sadd.s32 $0x280, s8;
	s11 =	simm.s32 @p0 $0x80;
	[sflag:s15] =	ssyncadd.s32 $0xFFFFF000  }
0x82: {  	[tilespmem:s3], [sflag:$0x2] =	stream.indirect.gather @p0 [hbm4b:s5+s11], $0x20, s9, s11, $0xb8;
	[tilespmem:$0x1EF00] =	vst v63  }
0x83: {  	s3 =	simm.s32 @!p0 $0x80;
	s11 =	simm.s32 @!p0 $0x3800  }
0x84: {  	[tilespmem:s11], [sflag:$0x2] =	stream.indirect.gather @!p0 [hbm4b:s1+s3], $0x20, s9, s3, $0xb8;
	[tilespmem:$0x1EF00] =	vst v63  }
0x85: {  	_ =	swait.ge [sflag:s25], $0x1000  }
0x86: {  	[sflag:s25] =	ssyncset.done $0x0  }
0x87: {  	s14 =	sadd.s32 $0x1500, s8;
	[sflag:s25] =	ssyncadd.s32 $0xFFFFF000  }
0x88: {  	[spmem:s2] =	stream.indirect.scatter.add.f32 [tilespmem:s21], [sflag:$0x5], $0x20, s14, s17, $0xb8;
	[tilespmem:$0x1EF00] =	vst v63  }
0x89: {  	_ =	swait.ge [sflag:s15], $0x1000  }
0x8a: {  	[sflag:s15] =	ssyncset.done $0x0  }
0x8b: {  	s16 =	sadd.s32 $0x300, s8;
	[sflag:s15] =	ssyncadd.s32 $0xFFFFF000  }
0x8c: {  	[tilespmem:s21], [sflag:$0x3] =	stream.indirect.gather [hbm4b:s12+s17], $0x20, s16, s17, $0xb8;
	[tilespmem:$0x1EF00] =	vst v63  }
0x8d: {  	_ =	swait.ge [sflag:s26], $0x1000  }
0x8e: {  	[sflag:s26] =	ssyncset.done $0x0  }
0x8f: {  	s20 =	sadd.s32 $0x1580, s8;
	[sflag:s26] =	ssyncadd.s32 $0xFFFFF000  }
0x90: {  	[spmem:s2] =	stream.indirect.scatter.add.f32 [tilespmem:s22], [sflag:$0x5], $0x20, s20, s17, $0xb8;
	[tilespmem:$0x1EF00] =	vst v63  }
0x91: {  	_ =	swait.ge [sflag:s15], $0x1000  }
0x92: {  	[sflag:s15] =	ssyncset.done $0x0  }
0x93: {  	[sflag:s15] =	ssyncadd.s32 $0xFFFFF000  }
0x94: {  	[tilespmem:s22], [sflag:$0x4] =	stream.indirect.gather [hbm4b:s12+s17], $0x20, s28, s17, $0xb8;
	[tilespmem:$0x1EF00] =	vst v63  }
0x95: {  	_ =	swait.ge [sflag:s23], $0x1000  }
0x96: {  	[sflag:s23] =	ssyncset.done $0x0  }
0x97: {  	[sflag:s23] =	ssyncadd.s32 $0xFFFFF000  }
0x98: {  	[spmem:s2] =	stream.indirect.scatter.add.f32 [tilespmem:s18], [sflag:$0x5], $0x20, s29, s17, $0xb8;
	[tilespmem:$0x1EF00] =	vst v63  }
0x99: {  	_ =	swait.ge [sflag:s15], $0x1000  }
0x9a: {  	[sflag:s15] =	ssyncset.done $0x0  }
0x9b: {  	[sflag:s15] =	ssyncadd.s32 $0xFFFFF000  }
0x9c: {  	_ =	swait.ge [sflag:s24], $0x1000  }
0x9d: {  	[sflag:s24] =	ssyncset.done $0x0  }
0x9e: {  	[sflag:s24] =	ssyncadd.s32 $0xFFFFF000  }
0x9f: {  	[spmem:s2] =	stream.indirect.scatter.add.f32 [tilespmem:s19], [sflag:$0x5], $0x20, s30, s17, $0xb8;
	[tilespmem:$0x1EF00] =	vst v63  }
0xa0: {  	_ =	swait.ge [sflag:s15], $0x1000  }
0xa1: {  	[sflag:s15] =	ssyncset.done $0x0  }
0xa2: {  	[sflag:s15] =	ssyncadd.s32 $0xFFFFF000  }
0xa3: {  	_ =	swait.ge [sflag:s25], $0x1000  }
0xa4: {  	[sflag:s25] =	ssyncset.done $0x0  }
0xa5: {  	[sflag:s25] =	ssyncadd.s32 $0xFFFFF000  }
0xa6: {  	[spmem:s2] =	stream.indirect.scatter.add.f32 [tilespmem:s21], [sflag:$0x5], $0x20, s31, s17, $0xb8;
	[tilespmem:$0x1EF00] =	vst v63  }
0xa7: {  	_ =	swait.ge [sflag:s15], $0x1000  }
0xa8: {  	[sflag:s15] =	ssyncset.done $0x0  }
0xa9: {  	[sflag:s15] =	ssyncadd.s32 $0xFFFFF000  }
0xaa: {  	s4 =	sadd.s32 $0x1, s4;
	_ =	swait.ge [sflag:s26], $0x1000  }
0xab: {  	p1 =	sne.s32 s4, $0xA;
	[sflag:s26] =	ssyncset.done $0x0  }
.Ltmp1:
0xac: {  	[sflag:s26] =	ssyncadd.s32 $0xFFFFF000;
	(pc) =	sbr.rel @p1 .LBB2_2-.Ltmp1, $4  }
0xad: {  	[spmem:s2] =	stream.indirect.scatter.add.f32 [tilespmem:s22], [sflag:$0x5], $0x20, s0, s17, $0xb8;
	[tilespmem:$0x1EF00] =	vst v63  }
0xae: {  	_ =	swait.ge [sflag:s15], $0x1000  }
0xaf: {  	[sflag:s15] =	ssyncset.done $0x0  }
0xb0: {  	[sflag:s15] =	ssyncadd.s32 $0xFFFFF000  }
0xb1: {  	[bflag:$0x0] =	sbarrier.arrive $0xFFFF  }
0xb2: {  	s14 =	rddreg [dreg:$0x6]  }
0xb3: {  	s3 =	rddreg [dreg:$0x8]  }
0xb4: {  	s4 =	rddreg [dreg:$0x9]  }
0xb5: {  	[hbm:s3], [sflag:s14] =	dma.local [spmem:s4], $0x30E0  }
0xb6: {  	_ =	swait.ge [sflag:s15], $0x30E0  }
0xb7: {  	s13 =	rddreg [dreg:$0x4]  }
0xb8: {  	s20 =	rddreg [dreg:$0x7];
	s13 =	sadd.s32 $0x1, s13  }
0xb9: {  	p1 =	sne.s32 s13, s20  }
.Ltmp2:
0xba: {  	_ = 	snop;
	(pc) =	sbr.rel @p1 .LBB2_1-.Ltmp2, $3  }
0xbb: {  	_ =	sdelay $0x1  }
0xbc: {  	[sflag:s15] =	ssyncset.done $0x0  }
0xbd: {  	[sflag:s15] =	ssyncadd.s32 $0xFFFFCF20  }
0xbe: {  	_ =	sfence.sel $0x180000  }
0xbf: {  	[bflag:$0x0] =	sbarrier.arrive $0xFFFF  }
0xc0: {  	_ =	strace $0x9000004A  }
0xc1: {  	s0 =	stileid.u32;
	[bflag:$0x2] =	sbarrier.arrive $0xFFFF  }
0xc2: {  	p0 =	sne.s32 s0, $0x0;
	s0 =	rddreg [dreg:$0x3]  }
0xc3: {  	s0 =	sadd.s32 @!p0 $0x100000, s0  }
0xc4: {  	[sflag:s0] =	ssyncadd.tile.s32 @!p0 $0x1;
	_ =	shalt  }
.Lfunc_end2:
_tile_overlayer_lowered:
.L_overlay_start_2:
0xc5: {  	(tag) =	ssettag $0x2  }
0xc6: {  	s0 =	rddreg [dreg:$0x0];
	s2 =	stileid.u32  }
0xc7: {  	s1 =	rddreg [dreg:$0x1];
	p0 =	sne.s32 s2, $0x0  }
0xc8: {  	s3 =	rddreg [dreg:$0x2];
	[bflag:$0x3] =	sbarrier.arrive $0xFFFF;
	s2 =	simm.s32 @!p0 $0x1C05  }
0xc9: {  	[timem:s3], [sflag:s2] =	dma.local @!p0 [hbm:s0], s1  }
0xca: {  	s0 =	simm.s32 @!p0 $0x5  }
0xcb: {  	_ =	swait.ge @!p0 [sflag:s0], s1  }
0xcc: {  	s1 =	ssub.s32 @!p0 $0x0, s1;
	[sflag:s0] =	ssyncset.done @!p0 $0x0  }
0xcd: {  	[sflag:s0] =	ssyncadd.s32 @!p0 s1  }
0xce: {  	[bflag:$0x3] =	sbarrier.arrive $0xFFFF  }
0xcf: {  	_ =	shalt  }

// kernel: kernel.21.cloned.1.call-start
scs
__scs_entry_jumppad:
0x0: {  	(pc) =	sbr.rel $0x88, $3  }
0x1: {  	(tag) =	ssettag $0x0;
	lr =	simm.s32 $0x1  }
0x2: {  	[smem:$0x3F98] =	sst lr;
	_ =	strace $0xD0000000  }
0x3: {  	_ = 	snop  }
0x4: {  	_ = 	snop  }
0x5: {  	_ = 	snop  }
0x6: {  	_ = 	snop  }
0x7: {  	_ = 	snop  }
__scs_overlays_trampoline_lowered:
0x8: {  	[smem:$0x3FA7] =	sst s0  }
0x9: {  	[smem:$0x3FA8] =	sst s1  }
0xa: {  	[smem:$0x3FA9] =	sst s2  }
0xb: {  	[smem:$0x3FAA] =	sst s3  }
0xc: {  	[smem:$0x3FAB] =	sst s4  }
0xd: {  	[smem:$0x3FAC] =	sst s5  }
0xe: {  	[smem:$0x3FAD] =	sst s6  }
0xf: {  	[smem:$0x3FAE] =	sst s7  }
0x10: {  	[smem:$0x3FAF] =	sst s8  }
0x11: {  	[smem:$0x3FB0] =	sst s9;
	s0 =	simm.s32 @!p0 $0x0  }
0x12: {  	s1 =	sld [smem:$0x3F96];
	s0 =	simm.s32 @p0 $0x1  }
0x13: {  	[smem:$0x3FB1] =	sst s0;
	s0 =	simm.s32 @!p1 $0x0  }
0x14: {  	s2 =	sld [smem:$0x3F95];
	s0 =	simm.s32 @p1 $0x1  }
0x15: {  	[smem:$0x3FB2] =	sst s0;
	s0 =	simm.s32 @!p2 $0x0  }
0x16: {  	s3 =	sld [smem:$0x3FDB];
	s0 =	simm.s32 @p2 $0x1  }
0x17: {  	s4 =	simm.s32 $0x1BF5;
	[smem:$0x3FB4] =	sst s0  }
0x18: {  	s0 =	sld [smem:$0x3F97];
	_ =	swait.ge [sflag:s4], $0x0  }
0x19: {  	s7 =	sld [smem:$0x3F98]  }
0x1a: {  	s8 =	sadd.s32 $0xFFFFE003, lr  }
0x1b: {  	s9 =	sadd.s32 $0xFFFFFEF7, lr;
	s5 =	simm.s32 $0xFFFFFFFF;
	p2 =	slt.u32 s8, $0xFFFFF086  }
0x1c: {  	p1 =	slt.u32 s9, $0xF7A;
	s5 =	simm.s32 @!p2 $0x0  }
0x1d: {  	s5 =	simm.s32 @p1 $0x1;
	p0 =	seq.s32 s7, s2  }
0x1e: {  	s7 =	smul.u32 @!p0 $0xF7A, s2;
	p2 =	seq.s32 @!p0 s5, $0x0  }
0x1f: {  	s9 =	smul.u32 $0xF7A, s1;
	s8 =	simm.s32 @!p0 $0x1BF5;
	p2 =	por !p2, p0  }
0x20: {  	[sflag:s8] =	ssyncset.s32 @!p0 $0xFFFFF086;
	s6 =	sadd.s32 @!p0 s3, s7;
	s7 =	simm.s32 @!p0 $0x108  }
0x21: {  	s3 =	sadd.s32 s3, s9;
	s6 =	sadd.s32 @!p0 $0x88, s6;
	s7 =	simm.s32 @p2 $0x1082  }
0x22: {  	[simem:s7], [sflag:s8] =	dma.local @!p0 [hbm:s6], $0xF7A  }
0x23: {  	s9 =	sor.u32 $0xD0000000, s2;
	s6 =	simm.s32 $0x108;
	_ =	swait.ge @!p0 [sflag:s8], $0x0  }
0x24: {  	s3 =	sadd.s32 $0x88, s3;
	s6 =	simm.s32 @!p1 $0x1082;
	[sflag:s4] =	ssyncset.s32 $0xFFFFF086  }
0x25: {  	[simem:s6], [sflag:s4] =	dma.local [hbm:s3], $0xF7A  }
0x26: {  	[smem:$0x3F98] =	sst s1;
	(tag) =	ssettag s2;
	_ =	strace s9  }
0x27: {  	s1 =	sld [smem:$0x3FA8]  }
0x28: {  	s2 =	sld [smem:$0x3FA9]  }
0x29: {  	s4 =	sld [smem:$0x3FAB]  }
0x2a: {  	p0 =	seq.s32 s5, $0x0;
	s5 =	sld [smem:$0x3FAC]  }
0x2b: {  	s6 =	sld [smem:$0x3FAD]  }
0x2c: {  	s7 =	sld [smem:$0x3FAE]  }
0x2d: {  	s3 =	simm.s32 $0x108;
	s8 =	sld [smem:$0x3FAF]  }
0x2e: {  	s3 =	simm.s32 @!p0 $0x1082;
	s9 =	sld [smem:$0x3FB0]  }
0x2f: {  	lr =	sadd.s32 s0, s3;
	s0 =	sld [smem:$0x3FA7]  }
0x30: {  	s3 =	sld [smem:$0x3FAA]  }
0x31: {  	[smem:$0x3FB3] =	sst s10  }
0x32: {  	s10 =	sld [smem:$0x3FB1];
	_ =	sdelay $0x3  }
0x33: {  	p0 =	seq.s32 s10, $0x1;
	s10 =	sld [smem:$0x3FB3];
	_ =	sdelay $0x3  }
0x34: {  	[smem:$0x3FB3] =	sst s10  }
0x35: {  	s10 =	sld [smem:$0x3FB2];
	_ =	sdelay $0x3  }
0x36: {  	p1 =	seq.s32 s10, $0x1;
	s10 =	sld [smem:$0x3FB3];
	_ =	sdelay $0x3  }
0x37: {  	[smem:$0x3FB3] =	sst s10  }
0x38: {  	s10 =	sld [smem:$0x3FB4]  }
0x39: {  	_ = 	snop;
	(pc) =	sbr.ind lr, $3  }
0x3a: {  	_ = 	snop  }
0x3b: {  	_ = 	snop  }
0x3c: {  	p2 =	seq.s32 s10, $0x1;
	s10 =	sld [smem:$0x3FB3]  }
0x3d: {  	_ =	shalt  }
0x3e: {  	_ =	shalt  }
0x3f: {  	_ =	shalt  }
0x40: {  	_ =	shalt  }
0x41: {  	_ =	shalt  }
0x42: {  	_ =	shalt  }
0x43: {  	_ =	shalt  }
0x44: {  	_ =	shalt  }
0x45: {  	_ =	shalt  }
0x46: {  	_ =	shalt  }
0x47: {  	_ =	shalt  }
0x48: {  	_ =	shalt  }
0x49: {  	_ =	shalt  }
0x4a: {  	_ =	shalt  }
0x4b: {  	_ =	shalt  }
0x4c: {  	_ =	shalt  }
0x4d: {  	_ =	shalt  }
0x4e: {  	_ =	shalt  }
0x4f: {  	_ =	shalt  }
0x50: {  	_ =	shalt  }
0x51: {  	_ =	shalt  }
0x52: {  	_ =	shalt  }
0x53: {  	_ =	shalt  }
0x54: {  	_ =	shalt  }
0x55: {  	_ =	shalt  }
0x56: {  	_ =	shalt  }
0x57: {  	_ =	shalt  }
0x58: {  	_ =	shalt  }
0x59: {  	_ =	shalt  }
0x5a: {  	_ =	shalt  }
0x5b: {  	_ =	shalt  }
0x5c: {  	_ =	shalt  }
0x5d: {  	_ =	shalt  }
0x5e: {  	_ =	shalt  }
0x5f: {  	_ =	shalt  }
0x60: {  	_ =	shalt  }
0x61: {  	_ =	shalt  }
0x62: {  	_ =	shalt  }
0x63: {  	_ =	shalt  }
0x64: {  	_ =	shalt  }
0x65: {  	_ =	shalt  }
0x66: {  	_ =	shalt  }
0x67: {  	_ =	shalt  }
0x68: {  	_ =	shalt  }
0x69: {  	_ =	shalt  }
0x6a: {  	_ =	shalt  }
0x6b: {  	_ =	shalt  }
0x6c: {  	_ =	shalt  }
0x6d: {  	_ =	shalt  }
0x6e: {  	_ =	shalt  }
0x6f: {  	_ =	shalt  }
0x70: {  	_ =	shalt  }
0x71: {  	_ =	shalt  }
0x72: {  	_ =	shalt  }
0x73: {  	_ =	shalt  }
0x74: {  	_ =	shalt  }
0x75: {  	_ =	shalt  }
0x76: {  	_ =	shalt  }
0x77: {  	_ =	shalt  }
0x78: {  	_ =	shalt  }
0x79: {  	_ =	shalt  }
0x7a: {  	_ =	shalt  }
0x7b: {  	_ =	shalt  }
0x7c: {  	_ =	shalt  }
0x7d: {  	_ =	shalt  }
0x7e: {  	_ =	shalt  }
0x7f: {  	_ =	shalt  }
0x80: {  	_ =	shalt  }
0x81: {  	_ =	shalt  }
0x82: {  	_ =	shalt  }
0x83: {  	_ =	shalt  }
0x84: {  	_ =	shalt  }
0x85: {  	_ =	shalt  }
0x86: {  	_ =	shalt  }
0x87: {  	_ =	shalt  }
.Lfunc_end0:
.L_simem_size_0:
called_computation.2_lowered:
.L_overlay_start_0:
0x88: {  	s2 =	sld [smem:$0x3FD9]  }
0x89: {  	s3 =	sld [smem:$0x3FFE];
	_ =	sdelay $0x1  }
0x8a: {  	s1 =	srdreg.scid  }
0x8b: {  	s0 =	sand.u32 $0x1, s1  }
0x8c: {  	s17 =	sshll.u32 s0, $0xA;
	s2 =	sadd.s32 s3, s2  }
0x8d: {  	s2 =	sadd.s32 s2, s17  }
0x8e: {  	[smem:$0x3FBF] =	sst s2  }
0x8f: {  	_ = 	snop  }
0x90: {  	s2 =	sld [smem:$0x3FD0];
	(tm) =	ssettm $0x1  }
0x91: {  	s18 =	sld [smem:$0x3FFB];
	_ =	sdelay $0x3  }
0x92: {  	_ =	strace s18  }
0x93: {  	s3 =	sld [smem:$0x3FFC];
	_ =	sdelay $0x3  }
0x94: {  	_ =	strace s3  }
0x95: {  	s3 =	sld [smem:$0x3FFD];
	_ =	sdelay $0x3  }
0x96: {  	_ =	strace s3  }
0x97: {  	_ =	strace $0x8FFFFFFF  }
0x98: {  	s19 =	sld [smem:$0x3FDB];
	_ =	sdelay $0x1  }
0x99: {  	s4 =	simm.s32 $_scs_section_size  }
0x9a: {  	s5 =	simm.s32 $_size__tile_overlayer_lowered;
	s6 =	simm.s32 $_tile_overlayer_lowered  }
0x9b: {  	s22 =	simm.s32 $0x1BFF;
	s21 =	sshll.u32 s6, $0x1;
	s3 =	sadd.s32 s4, s19  }
0x9c: {  	s7 =	simm.s32 $0x0;
	s20 =	sshll.u32 s5, $0x1;
	s5 =	sadd.s32 s21, s3  }
0x9d: {  	[timem:s7], [sflag:s22] =	dma.local [hbm:s5], s20  }
0x9e: {  	_ =	swait.ge [sflag:s22], s20  }
0x9f: {  	s4 =	ssub.s32 $0x0, s20;
	[sflag:s22] =	ssyncset.done $0x0  }
0xa0: {  	[sflag:s22] =	ssyncadd.s32 s4;
	_ =	sdelay $0x1  }
0xa1: {  	s23 =	simm.s32 $0x1B8B  }
0xa2: {  	_ =	swait.ge [sflag:s23], $0x1  }
0xa3: {  	[sflag:s23] =	ssyncset.done $0x0  }
0xa4: {  	s25 =	simm.s32 $0x1B8E;
	s24 =	sld [smem:$0x3FFE];
	[sflag:s23] =	ssyncadd.s32 $0xFFFFFFFF  }
0xa5: {  	s26 =	simm.s32 $execute0_lowered;
	[smem:$0x3FD2] =	sst s25  }
0xa6: {  	s5 =	sshll.u32 s26, $0x1;
	_ =	strace $0x8000004C;
	[dreg:$0x1] =	wrdreg $0xFFFFFFFF  }
0xa7: {  	s28 =	simm.s32 $_size_execute0_lowered;
	s3 =	sadd.s32 s3, s5;
	[dreg:$0x0] =	wrdreg $0x0  }
0xa8: {  	s5 =	sshll.u32 s28, $0x1;
	[dreg:$0x2] =	wrdreg s3  }
0xa9: {  	[dreg:$0x3] =	wrdreg s5  }
0xaa: {  	[dreg:$0x4] =	wrdreg $0xC0  }
0xab: {  	_ =	task [dreg:s7], $0x5FFFF  }
0xac: {  	[dreg:$0x1] =	wrdreg $0xFFFFFFFF  }
0xad: {  	[dreg:$0x0] =	wrdreg $0x60  }
0xae: {  	[dreg:$0x2] =	wrdreg s2  }
0xaf: {  	[dreg:$0x3] =	wrdreg s24  }
0xb0: {  	[dreg:$0x4] =	wrdreg $0x68000  }
0xb1: {  	[dreg:$0x5] =	wrdreg $0x9  }
0xb2: {  	_ =	task.clear_ibuf [dreg:s7], $0x6FFFF;
	_ =	strace $0x9000004C  }
0xb3: {  	s29 =	simm.s32 $0x9;
	_ =	strace $0x8000004E  }
0xb4: {  	_ =	swait.ge [sflag:s29], $0x1  }
0xb5: {  	[sflag:s29] =	ssyncadd.s32 $0xFFFFFFFF  }
0xb6: {  	_ =	strace $0x9000004E  }
0xb7: {  	_ =	sfence  }
0xb8: {  	s30 =	sld [smem:$0x0];
	_ =	sdelay $0x2  }
0xb9: {  	s31 =	sshll.u32 s1, $0xD;
	s1 =	sshrl.u32 s1, $0x2  }
0xba: {  	s3 =	sand.u32 $0x4000, s31;
	s1 =	sadd.s32 s1, s30  }
0xbb: {  	s0 =	sor.u32 s3, s0;
	s1 =	sshll.u32 s1, $0x11  }
0xbc: {  	s0 =	sor.u32 s1, s0  }
0xbd: {  	s0 =	sadd.s32 $0x8F2B, s0  }
0xbe: {  	[sflag:s0] =	ssyncadd.remote.s32 $0x1  }
0xbf: {  	_ =	sfence.sel $0xFFFF  }
0xc0: {  	[dreg:$0x0] =	wrdreg $0xFFFFFFFF;
	(pc) =	sbr.abs _section_cstart, $3  }
0xc1: {  	[dreg:$0x1] =	wrdreg $0xFFFFFFFF  }
0xc2: {  	_ =	task.clear_ibuf [dreg:s7], $0x2FFFF;
	_ =	strace $0x9FFFFFFF  }
0xc3: {  	(tm) =	ssettm $0x7FFFFFFF  }
tec
execute0_lowered:
.L_overlay_start_1:
0x0: {  	(tag) =	ssettag $0x1  }
0x1: {  	s1 =	rddreg [dreg:$0x0]  }
0x2: {  	s0 =	rddreg [dreg:$0x1]  }
0x3: {  	s2 =	rddreg [dreg:$0x2];
	s13 =	simm.s32 $0x0;
	s3 =	srdreg.scid  }
0x4: {  	s12 =	stileid.u32;
	s11 =	simm.s32 $0x146600;
	s15 =	simm.s32 $0x5  }
0x5: {  	s17 =	simm.s32 $0x80;
	s18 =	simm.s32 $0x2800;
	s19 =	simm.s32 $0x3800  }
0x6: {  	s21 =	simm.s32 $0x4800;
	s22 =	simm.s32 $0x5800;
	s23 =	simm.s32 $0x1  }
0x7: {  	s24 =	simm.s32 $0x2;
	s28 =	simm.s32 $0x1380;
	s29 =	simm.s32 $0x2600  }
0x8: {  	s30 =	simm.s32 $0x2680;
	s31 =	simm.s32 $0x2700;
	[smem:$0x7FF] =	sst s13  }
0x9: {  	s5 =	sadd.s32 $0x115800, s0;
	s3 =	sand.u32 $0x1, s3;
	s6 =	sadd.s32 $0x6800, s0  }
0xa: {  	s8 =	smul.u32 $0x18700, s12;
	s7 =	sadd.s32 $0x1F800, s0;
	s9 =	sadd.s32 $0x38800, s0  }
0xb: {  	s10 =	sshll.u32 s12, $0x6;
	_ =	strace $0x8000004D;
	s4 =	ssub.s32 $0x2, s3  }
0xc: {  	[dreg:$0x5] =	wrdreg s9;
	s14 =	sor.u32 $0x1C05, s10;
	p0 =	seq.s32 s3, $0x1  }
0xd: {  	s10 =	smul.u32 $0x190, s12;
	p1 =	seq.s32 s3, $0x0;
	s12 =	smov.u32 s5  }
0xe: {  	s25 =	sshrl.u32 s4, $0x1;
	s26 =	sadd.s32 s8, s2;
	s11 =	simm.s32 @!p0 $0x177400  }
0xf: {  	s8 =	sshrl.u32 s8, $0x3;
	s12 =	smov.u32 @p1 s1;
	s4 =	ssub.s32 s4, s25  }
0x10: {  	[dreg:$0x6] =	wrdreg s14;
	s0 =	sadd.s32 s11, s0;
	s4 =	smax.u32 s4, $0x1  }
0x11: {  	p0 =	sne.s32 s3, $0x0;
	s0 =	sadd.s32 s0, s8;
	[dreg:$0x7] =	wrdreg s4  }
0x12: {  	s25 =	simm.s32 $0x3;
	[dreg:$0x8] =	wrdreg s0;
	s4 =	sshrl.u32 s26, $0x3  }
0x13: {  	s26 =	simm.s32 $0x4;
	s0 =	simm.s32 $0x2780;
	[dreg:$0x9] =	wrdreg s4  }
.LBB2_1:
0x14: {  	[dreg:$0x4] =	wrdreg s13  }
0x15: {  	s3 =	rddreg [dreg:$0x5]  }
0x16: {  	[spmem:s4], [sflag:s14] =	dma.local [hbm:s3], $0x30E0  }
0x17: {  	_ =	swait.ge [sflag:s15], $0x30E0  }
0x18: {  	[sflag:s15] =	ssyncset.done $0x0  }
0x19: {  	[sflag:s15] =	ssyncadd.s32 $0xFFFFCF20  }
0x1a: {  	s4 =	simm.s32 $0x0;
	[bflag:$0x0] =	sbarrier.arrive $0xFFFF  }
.LBB2_2:
0x1b: {  	s3 =	smul.u32 $0x28, s4;
	_ =	sdelay $0x1  }
0x1c: {  	s3 =	sadd.s32 s10, s3  }
0x1d: {  	s3 =	sshll.u32 s3, $0x4  }
0x1e: {  	s9 =	simm.s32 $0x0;
	s8 =	sadd.s32 s6, s3  }
0x1f: {  	[tilespmem:s9], [sflag:$0x5] =	stream.linear.gather [hbm4b:s8+s9], $0x1400, $0x38;
	[tilespmem:$0x1EF00] =	vst v63  }
0x20: {  	_ =	swait.ge [sflag:s15], $0x1400  }
0x21: {  	[sflag:s15] =	ssyncset.done $0x0  }
0x22: {  	s20 =	simm.s32 $0x1400;
	s3 =	sadd.s32 s7, s3;
	[sflag:s15] =	ssyncadd.s32 $0xFFFFEC00  }
0x23: {  	[tilespmem:s20], [sflag:$0x5] =	stream.linear.gather [hbm4b:s3+s9], $0x1400, $0x38;
	[tilespmem:$0x1EF00] =	vst v63  }
0x24: {  	_ =	swait.ge [sflag:s15], $0x1400  }
0x25: {  	[sflag:s15] =	ssyncset.done $0x0  }
0x26: {  	[sflag:s15] =	ssyncadd.s32 $0xFFFFEC00  }
0x27: {  	[tilespmem:s18], [sflag:$0x1] =	stream.indirect.gather [hbm4b:s12+s17], $0x20, s9, s17, $0xb8;
	[tilespmem:$0x1EF00] =	vst v63  }
0x28: {  	_ = 	snop  }
0x29: {  	[tilespmem:s19], [sflag:$0x2] =	stream.indirect.gather [hbm4b:s12+s17], $0x20, s17, s17, $0xb8;
	[tilespmem:$0x1EF00] =	vst v63  }
0x2a: {  	s11 =	simm.s32 $0x100  }
0x2b: {  	[tilespmem:s21], [sflag:$0x3] =	stream.indirect.gather [hbm4b:s12+s17], $0x20, s11, s17, $0xb8;
	[tilespmem:$0x1EF00] =	vst v63  }
0x2c: {  	s13 =	simm.s32 $0x180  }
0x2d: {  	[tilespmem:s22], [sflag:$0x4] =	stream.indirect.gather [hbm4b:s12+s17], $0x20, s13, s17, $0xb8;
	[tilespmem:$0x1EF00] =	vst v63  }
0x2e: {  	_ =	swait.ge [sflag:s23], $0x1000  }
0x2f: {  	[sflag:s23] =	ssyncset.done $0x0  }
0x30: {  	s14 =	simm.s32 $0x1400;
	[sflag:s23] =	ssyncadd.s32 $0xFFFFF000  }
0x31: {  	[spmem:s2] =	stream.indirect.scatter.add.f32 [tilespmem:s18], [sflag:$0x5], $0x20, s14, s17, $0xb8;
	[tilespmem:$0x1EF00] =	vst v63  }
0x32: {  	_ =	swait.ge [sflag:s15], $0x1000  }
0x33: {  	[sflag:s15] =	ssyncset.done $0x0  }
0x34: {  	s16 =	simm.s32 $0x200;
	[sflag:s15] =	ssyncadd.s32 $0xFFFFF000  }
0x35: {  	[tilespmem:s18], [sflag:$0x1] =	stream.indirect.gather [hbm4b:s12+s17], $0x20, s16, s17, $0xb8;
	[tilespmem:$0x1EF00] =	vst v63  }
0x36: {  	_ =	swait.ge [sflag:s24], $0x1000  }
0x37: {  	[sflag:s24] =	ssyncset.done $0x0  }
0x38: {  	s20 =	simm.s32 $0x1480;
	[sflag:s24] =	ssyncadd.s32 $0xFFFFF000  }
0x39: {  	[spmem:s2] =	stream.indirect.scatter.add.f32 [tilespmem:s19], [sflag:$0x5], $0x20, s20, s17, $0xb8;
	[tilespmem:$0x1EF00] =	vst v63  }
0x3a: {  	_ =	swait.ge [sflag:s15], $0x1000  }
0x3b: {  	s3 =	simm.s32 $0x280;
	[sflag:s15] =	ssyncset.done $0x0  }
0x3c: {  	s11 =	simm.s32 @p0 $0x3800;
	s13 =	simm.s32 @p0 $0x80;
	[sflag:s15] =	ssyncadd.s32 $0xFFFFF000  }
0x3d: {  	[tilespmem:s11], [sflag:$0x2] =	stream.indirect.gather @p0 [hbm4b:s5+s13], $0x20, s3, s13, $0xb8;
	[tilespmem:$0x1EF00] =	vst v63  }
0x3e: {  	s9 =	simm.s32 @!p0 $0x80;
	s14 =	simm.s32 @!p0 $0x3800  }
0x3f: {  	[tilespmem:s14], [sflag:$0x2] =	stream.indirect.gather @!p0 [hbm4b:s1+s9], $0x20, s3, s9, $0xb8;
	[tilespmem:$0x1EF00] =	vst v63  }
0x40: {  	_ =	swait.ge [sflag:s25], $0x1000  }
0x41: {  	[sflag:s25] =	ssyncset.done $0x0  }
0x42: {  	s8 =	simm.s32 $0x1500;
	[sflag:s25] =	ssyncadd.s32 $0xFFFFF000  }
0x43: {  	[spmem:s2] =	stream.indirect.scatter.add.f32 [tilespmem:s21], [sflag:$0x5], $0x20, s8, s17, $0xb8;
	[tilespmem:$0x1EF00] =	vst v63  }
0x44: {  	_ =	swait.ge [sflag:s15], $0x1000  }
0x45: {  	[sflag:s15] =	ssyncset.done $0x0  }
0x46: {  	s16 =	simm.s32 $0x300;
	[sflag:s15] =	ssyncadd.s32 $0xFFFFF000  }
0x47: {  	[tilespmem:s21], [sflag:$0x3] =	stream.indirect.gather [hbm4b:s12+s17], $0x20, s16, s17, $0xb8;
	[tilespmem:$0x1EF00] =	vst v63  }
0x48: {  	_ =	swait.ge [sflag:s26], $0x1000  }
0x49: {  	[sflag:s26] =	ssyncset.done $0x0  }
0x4a: {  	s20 =	simm.s32 $0x1580;
	[sflag:s26] =	ssyncadd.s32 $0xFFFFF000  }
0x4b: {  	[spmem:s2] =	stream.indirect.scatter.add.f32 [tilespmem:s22], [sflag:$0x5], $0x20, s20, s17, $0xb8;
	[tilespmem:$0x1EF00] =	vst v63  }
0x4c: {  	_ =	swait.ge [sflag:s15], $0x1000  }
0x4d: {  	s3 =	simm.s32 $0x1000;
	s8 =	simm.s32 $0x200;
	[sflag:s15] =	ssyncset.done $0x0  }
.LBB2_3:
0x4e: {  	s20 =	sadd.s32 $0x180, s8  }
0x4f: {  	[sflag:s15] =	ssyncadd.s32 $0xFFFFF000;
	s16 =	smov.u32 s3;
	s3 =	sadd.s32 $0x800, s3  }
0x50: {  	[tilespmem:s22], [sflag:$0x4] =	stream.indirect.gather [hbm4b:s12+s17], $0x20, s20, s17, $0xb8;
	[tilespmem:$0x1EF00] =	vst v63  }
0x51: {  	p1 =	sne.s32 s3, $0x4800;
	_ =	swait.ge [sflag:s23], $0x1000  }
0x52: {  	[sflag:s23] =	ssyncset.done $0x0  }
0x53: {  	s20 =	sadd.s32 $0x1400, s8;
	[sflag:s23] =	ssyncadd.s32 $0xFFFFF000  }
0x54: {  	[spmem:s2] =	stream.indirect.scatter.add.f32 [tilespmem:s18], [sflag:$0x5], $0x20, s20, s17, $0xb8;
	[tilespmem:$0x1EF00] =	vst v63  }
0x55: {  	_ =	swait.ge [sflag:s15], $0x1000  }
0x56: {  	[sflag:s15] =	ssyncset.done $0x0  }
0x57: {  	s20 =	sadd.s32 $0x200, s8;
	[sflag:s15] =	ssyncadd.s32 $0xFFFFF000  }
0x58: {  	[tilespmem:s18], [sflag:$0x1] =	stream.indirect.gather [hbm4b:s12+s17], $0x20, s20, s17, $0xb8;
	[tilespmem:$0x1EF00] =	vst v63  }
0x59: {  	_ =	swait.ge [sflag:s24], $0x1000  }
0x5a: {  	[sflag:s24] =	ssyncset.done $0x0  }
0x5b: {  	s20 =	sadd.s32 $0x1480, s8;
	[sflag:s24] =	ssyncadd.s32 $0xFFFFF000  }
0x5c: {  	[spmem:s2] =	stream.indirect.scatter.add.f32 [tilespmem:s19], [sflag:$0x5], $0x20, s20, s17, $0xb8;
	[tilespmem:$0x1EF00] =	vst v63  }
0x5d: {  	_ =	swait.ge [sflag:s15], $0x1000  }
0x5e: {  	[sflag:s15] =	ssyncset.done $0x0  }
0x5f: {  	s20 =	sadd.s32 $0x280, s8;
	[sflag:s15] =	ssyncadd.s32 $0xFFFFF000  }
0x60: {  	[tilespmem:s11], [sflag:$0x2] =	stream.indirect.gather @p0 [hbm4b:s5+s13], $0x20, s20, s13, $0xb8;
	[tilespmem:$0x1EF00] =	vst v63  }
0x61: {  	_ = 	snop  }
0x62: {  	[tilespmem:s14], [sflag:$0x2] =	stream.indirect.gather @!p0 [hbm4b:s1+s9], $0x20, s20, s9, $0xb8;
	[tilespmem:$0x1EF00] =	vst v63  }
0x63: {  	_ =	swait.ge [sflag:s25], $0x1000  }
0x64: {  	[sflag:s25] =	ssyncset.done $0x0  }
0x65: {  	s20 =	sadd.s32 $0x1500, s8;
	[sflag:s25] =	ssyncadd.s32 $0xFFFFF000  }
0x66: {  	[spmem:s2] =	stream.indirect.scatter.add.f32 [tilespmem:s21], [sflag:$0x5], $0x20, s20, s17, $0xb8;
	[tilespmem:$0x1EF00] =	vst v63  }
0x67: {  	_ =	swait.ge [sflag:s15], $0x1000  }
0x68: {  	[sflag:s15] =	ssyncset.done $0x0  }
0x69: {  	s20 =	sadd.s32 $0x300, s8;
	[sflag:s15] =	ssyncadd.s32 $0xFFFFF000  }
0x6a: {  	[tilespmem:s21], [sflag:$0x3] =	stream.indirect.gather [hbm4b:s12+s17], $0x20, s20, s17, $0xb8;
	[tilespmem:$0x1EF00] =	vst v63  }
0x6b: {  	_ =	swait.ge [sflag:s26], $0x1000  }
.Ltmp0:
0x6c: {  	[sflag:s26] =	ssyncset.done $0x0;
	(pc) =	sbr.rel @p1 .LBB2_3-.Ltmp0, $4  }
0x6d: {  	s8 =	sadd.s32 $0x1580, s8;
	[sflag:s26] =	ssyncadd.s32 $0xFFFFF000  }
0x6e: {  	[spmem:s2] =	stream.indirect.scatter.add.f32 [tilespmem:s22], [sflag:$0x5], $0x20, s8, s17, $0xb8;
	[tilespmem:$0x1EF00] =	vst v63  }
0x6f: {  	_ =	swait.ge [sflag:s15], $0x1000  }
0x70: {  	s8 =	sshra.s32 s16, $0x2;
	[sflag:s15] =	ssyncset.done $0x0  }
0x71: {  	s3 =	sadd.s32 $0x180, s8;
	[sflag:s15] =	ssyncadd.s32 $0xFFFFF000  }
0x72: {  	[tilespmem:s22], [sflag:$0x4] =	stream.indirect.gather [hbm4b:s12+s17], $0x20, s3, s17, $0xb8;
	[tilespmem:$0x1EF00] =	vst v63  }
0x73: {  	_ =	swait.ge [sflag:s23], $0x1000  }
0x74: {  	[sflag:s23] =	ssyncset.done $0x0  }
0x75: {  	s9 =	sadd.s32 $0x1400, s8;
	[sflag:s23] =	ssyncadd.s32 $0xFFFFF000  }
0x76: {  	[spmem:s2] =	stream.indirect.scatter.add.f32 [tilespmem:s18], [sflag:$0x5], $0x20, s9, s17, $0xb8;
	[tilespmem:$0x1EF00] =	vst v63  }
0x77: {  	_ =	swait.ge [sflag:s15], $0x1000  }
0x78: {  	[sflag:s15] =	ssyncset.done $0x0  }
0x79: {  	s11 =	sadd.s32 $0x200, s8;
	[sflag:s15] =	ssyncadd.s32 $0xFFFFF000  }
0x7a: {  	[tilespmem:s18], [sflag:$0x1] =	stream.indirect.gather [hbm4b:s12+s17], $0x20, s11, s17, $0xb8;
	[tilespmem:$0x1EF00] =	vst v63  }
0x7b: {  	_ =	swait.ge [sflag:s24], $0x1000  }
0x7c: {  	[sflag:s24] =	ssyncset.done $0x0  }
0x7d: {  	s13 =	sadd.s32 $0x1480, s8;
	[sflag:s24] =	ssyncadd.s32 $0xFFFFF000  }
0x7e: {  	[spmem:s2] =	stream.indirect.scatter.add.f32 [tilespmem:s19], [sflag:$0x5], $0x20, s13, s17, $0xb8;
	[tilespmem:$0x1EF00] =	vst v63  }
0x7f: {  	_ =	swait.ge [sflag:s15], $0x1000  }
0x80: {  	s3 =	simm.s32 @p0 $0x3800;
	[sflag:s15] =	ssyncset.done $0x0  }
0x81: {  	s9 =	sadd.s32 $0x280, s8;
	s11 =	simm.s32 @p0 $0x80;
	[sflag:s15] =	ssyncadd.s32 $0xFFFFF000  }
0x82: {  	[tilespmem:s3], [sflag:$0x2] =	stream.indirect.gather @p0 [hbm4b:s5+s11], $0x20, s9, s11, $0xb8;
	[tilespmem:$0x1EF00] =	vst v63  }
0x83: {  	s3 =	simm.s32 @!p0 $0x80;
	s11 =	simm.s32 @!p0 $0x3800  }
0x84: {  	[tilespmem:s11], [sflag:$0x2] =	stream.indirect.gather @!p0 [hbm4b:s1+s3], $0x20, s9, s3, $0xb8;
	[tilespmem:$0x1EF00] =	vst v63  }
0x85: {  	_ =	swait.ge [sflag:s25], $0x1000  }
0x86: {  	[sflag:s25] =	ssyncset.done $0x0  }
0x87: {  	s14 =	sadd.s32 $0x1500, s8;
	[sflag:s25] =	ssyncadd.s32 $0xFFFFF000  }
0x88: {  	[spmem:s2] =	stream.indirect.scatter.add.f32 [tilespmem:s21], [sflag:$0x5], $0x20, s14, s17, $0xb8;
	[tilespmem:$0x1EF00] =	vst v63  }
0x89: {  	_ =	swait.ge [sflag:s15], $0x1000  }
0x8a: {  	[sflag:s15] =	ssyncset.done $0x0  }
0x8b: {  	s16 =	sadd.s32 $0x300, s8;
	[sflag:s15] =	ssyncadd.s32 $0xFFFFF000  }
0x8c: {  	[tilespmem:s21], [sflag:$0x3] =	stream.indirect.gather [hbm4b:s12+s17], $0x20, s16, s17, $0xb8;
	[tilespmem:$0x1EF00] =	vst v63  }
0x8d: {  	_ =	swait.ge [sflag:s26], $0x1000  }
0x8e: {  	[sflag:s26] =	ssyncset.done $0x0  }
0x8f: {  	s20 =	sadd.s32 $0x1580, s8;
	[sflag:s26] =	ssyncadd.s32 $0xFFFFF000  }
0x90: {  	[spmem:s2] =	stream.indirect.scatter.add.f32 [tilespmem:s22], [sflag:$0x5], $0x20, s20, s17, $0xb8;
	[tilespmem:$0x1EF00] =	vst v63  }
0x91: {  	_ =	swait.ge [sflag:s15], $0x1000  }
0x92: {  	[sflag:s15] =	ssyncset.done $0x0  }
0x93: {  	[sflag:s15] =	ssyncadd.s32 $0xFFFFF000  }
0x94: {  	[tilespmem:s22], [sflag:$0x4] =	stream.indirect.gather [hbm4b:s12+s17], $0x20, s28, s17, $0xb8;
	[tilespmem:$0x1EF00] =	vst v63  }
0x95: {  	_ =	swait.ge [sflag:s23], $0x1000  }
0x96: {  	[sflag:s23] =	ssyncset.done $0x0  }
0x97: {  	[sflag:s23] =	ssyncadd.s32 $0xFFFFF000  }
0x98: {  	[spmem:s2] =	stream.indirect.scatter.add.f32 [tilespmem:s18], [sflag:$0x5], $0x20, s29, s17, $0xb8;
	[tilespmem:$0x1EF00] =	vst v63  }
0x99: {  	_ =	swait.ge [sflag:s15], $0x1000  }
0x9a: {  	[sflag:s15] =	ssyncset.done $0x0  }
0x9b: {  	[sflag:s15] =	ssyncadd.s32 $0xFFFFF000  }
0x9c: {  	_ =	swait.ge [sflag:s24], $0x1000  }
0x9d: {  	[sflag:s24] =	ssyncset.done $0x0  }
0x9e: {  	[sflag:s24] =	ssyncadd.s32 $0xFFFFF000  }
0x9f: {  	[spmem:s2] =	stream.indirect.scatter.add.f32 [tilespmem:s19], [sflag:$0x5], $0x20, s30, s17, $0xb8;
	[tilespmem:$0x1EF00] =	vst v63  }
0xa0: {  	_ =	swait.ge [sflag:s15], $0x1000  }
0xa1: {  	[sflag:s15] =	ssyncset.done $0x0  }
0xa2: {  	[sflag:s15] =	ssyncadd.s32 $0xFFFFF000  }
0xa3: {  	_ =	swait.ge [sflag:s25], $0x1000  }
0xa4: {  	[sflag:s25] =	ssyncset.done $0x0  }
0xa5: {  	[sflag:s25] =	ssyncadd.s32 $0xFFFFF000  }
0xa6: {  	[spmem:s2] =	stream.indirect.scatter.add.f32 [tilespmem:s21], [sflag:$0x5], $0x20, s31, s17, $0xb8;
	[tilespmem:$0x1EF00] =	vst v63  }
0xa7: {  	_ =	swait.ge [sflag:s15], $0x1000  }
0xa8: {  	[sflag:s15] =	ssyncset.done $0x0  }
0xa9: {  	[sflag:s15] =	ssyncadd.s32 $0xFFFFF000  }
0xaa: {  	s4 =	sadd.s32 $0x1, s4;
	_ =	swait.ge [sflag:s26], $0x1000  }
0xab: {  	p1 =	sne.s32 s4, $0xA;
	[sflag:s26] =	ssyncset.done $0x0  }
.Ltmp1:
0xac: {  	[sflag:s26] =	ssyncadd.s32 $0xFFFFF000;
	(pc) =	sbr.rel @p1 .LBB2_2-.Ltmp1, $4  }
0xad: {  	[spmem:s2] =	stream.indirect.scatter.add.f32 [tilespmem:s22], [sflag:$0x5], $0x20, s0, s17, $0xb8;
	[tilespmem:$0x1EF00] =	vst v63  }
0xae: {  	_ =	swait.ge [sflag:s15], $0x1000  }
0xaf: {  	[sflag:s15] =	ssyncset.done $0x0  }
0xb0: {  	[sflag:s15] =	ssyncadd.s32 $0xFFFFF000  }
0xb1: {  	[bflag:$0x0] =	sbarrier.arrive $0xFFFF  }
0xb2: {  	s14 =	rddreg [dreg:$0x6]  }
0xb3: {  	s3 =	rddreg [dreg:$0x8]  }
0xb4: {  	s4 =	rddreg [dreg:$0x9]  }
0xb5: {  	[hbm:s3], [sflag:s14] =	dma.local [spmem:s4], $0x30E0  }
0xb6: {  	_ =	swait.ge [sflag:s15], $0x30E0  }
0xb7: {  	s13 =	rddreg [dreg:$0x4]  }
0xb8: {  	s20 =	rddreg [dreg:$0x7];
	s13 =	sadd.s32 $0x1, s13  }
0xb9: {  	p1 =	sne.s32 s13, s20  }
.Ltmp2:
0xba: {  	_ = 	snop;
	(pc) =	sbr.rel @p1 .LBB2_1-.Ltmp2, $3  }
0xbb: {  	_ =	sdelay $0x1  }
0xbc: {  	[sflag:s15] =	ssyncset.done $0x0  }
0xbd: {  	[sflag:s15] =	ssyncadd.s32 $0xFFFFCF20  }
0xbe: {  	_ =	sfence.sel $0x180000  }
0xbf: {  	[bflag:$0x0] =	sbarrier.arrive $0xFFFF  }
0xc0: {  	_ =	strace $0x9000004D  }
0xc1: {  	s0 =	stileid.u32;
	[bflag:$0x2] =	sbarrier.arrive $0xFFFF  }
0xc2: {  	p0 =	sne.s32 s0, $0x0;
	s0 =	rddreg [dreg:$0x3]  }
0xc3: {  	s0 =	sadd.s32 @!p0 $0x100000, s0  }
0xc4: {  	[sflag:s0] =	ssyncadd.tile.s32 @!p0 $0x1;
	_ =	shalt  }
.Lfunc_end2:
_tile_overlayer_lowered:
.L_overlay_start_2:
0xc5: {  	(tag) =	ssettag $0x2  }
0xc6: {  	s0 =	rddreg [dreg:$0x0];
	s2 =	stileid.u32  }
0xc7: {  	s1 =	rddreg [dreg:$0x1];
	p0 =	sne.s32 s2, $0x0  }
0xc8: {  	s3 =	rddreg [dreg:$0x2];
	[bflag:$0x3] =	sbarrier.arrive $0xFFFF;
	s2 =	simm.s32 @!p0 $0x1C05  }
0xc9: {  	[timem:s3], [sflag:s2] =	dma.local @!p0 [hbm:s0], s1  }
0xca: {  	s0 =	simm.s32 @!p0 $0x5  }
0xcb: {  	_ =	swait.ge @!p0 [sflag:s0], s1  }
0xcc: {  	s1 =	ssub.s32 @!p0 $0x0, s1;
	[sflag:s0] =	ssyncset.done @!p0 $0x0  }
0xcd: {  	[sflag:s0] =	ssyncadd.s32 @!p0 s1  }
0xce: {  	[bflag:$0x3] =	sbarrier.arrive $0xFFFF  }
0xcf: {  	_ =	shalt  }

// kernel: kernel.24.cloned.1.call-start
scs
__scs_entry_jumppad:
0x0: {  	(pc) =	sbr.rel $0x88, $3  }
0x1: {  	(tag) =	ssettag $0x0;
	lr =	simm.s32 $0x1  }
0x2: {  	[smem:$0x3F98] =	sst lr;
	_ =	strace $0xD0000000  }
0x3: {  	_ = 	snop  }
0x4: {  	_ = 	snop  }
0x5: {  	_ = 	snop  }
0x6: {  	_ = 	snop  }
0x7: {  	_ = 	snop  }
__scs_overlays_trampoline_lowered:
0x8: {  	[smem:$0x3FA7] =	sst s0  }
0x9: {  	[smem:$0x3FA8] =	sst s1  }
0xa: {  	[smem:$0x3FA9] =	sst s2  }
0xb: {  	[smem:$0x3FAA] =	sst s3  }
0xc: {  	[smem:$0x3FAB] =	sst s4  }
0xd: {  	[smem:$0x3FAC] =	sst s5  }
0xe: {  	[smem:$0x3FAD] =	sst s6  }
0xf: {  	[smem:$0x3FAE] =	sst s7  }
0x10: {  	[smem:$0x3FAF] =	sst s8  }
0x11: {  	[smem:$0x3FB0] =	sst s9;
	s0 =	simm.s32 @!p0 $0x0  }
0x12: {  	s1 =	sld [smem:$0x3F96];
	s0 =	simm.s32 @p0 $0x1  }
0x13: {  	[smem:$0x3FB1] =	sst s0;
	s0 =	simm.s32 @!p1 $0x0  }
0x14: {  	s2 =	sld [smem:$0x3F95];
	s0 =	simm.s32 @p1 $0x1  }
0x15: {  	[smem:$0x3FB2] =	sst s0;
	s0 =	simm.s32 @!p2 $0x0  }
0x16: {  	s3 =	sld [smem:$0x3FDB];
	s0 =	simm.s32 @p2 $0x1  }
0x17: {  	s4 =	simm.s32 $0x1BF5;
	[smem:$0x3FB4] =	sst s0  }
0x18: {  	s0 =	sld [smem:$0x3F97];
	_ =	swait.ge [sflag:s4], $0x0  }
0x19: {  	s7 =	sld [smem:$0x3F98]  }
0x1a: {  	s8 =	sadd.s32 $0xFFFFE003, lr  }
0x1b: {  	s9 =	sadd.s32 $0xFFFFFEF7, lr;
	s5 =	simm.s32 $0xFFFFFFFF;
	p2 =	slt.u32 s8, $0xFFFFF086  }
0x1c: {  	p1 =	slt.u32 s9, $0xF7A;
	s5 =	simm.s32 @!p2 $0x0  }
0x1d: {  	s5 =	simm.s32 @p1 $0x1;
	p0 =	seq.s32 s7, s2  }
0x1e: {  	s7 =	smul.u32 @!p0 $0xF7A, s2;
	p2 =	seq.s32 @!p0 s5, $0x0  }
0x1f: {  	s9 =	smul.u32 $0xF7A, s1;
	s8 =	simm.s32 @!p0 $0x1BF5;
	p2 =	por !p2, p0  }
0x20: {  	[sflag:s8] =	ssyncset.s32 @!p0 $0xFFFFF086;
	s6 =	sadd.s32 @!p0 s3, s7;
	s7 =	simm.s32 @!p0 $0x108  }
0x21: {  	s3 =	sadd.s32 s3, s9;
	s6 =	sadd.s32 @!p0 $0x88, s6;
	s7 =	simm.s32 @p2 $0x1082  }
0x22: {  	[simem:s7], [sflag:s8] =	dma.local @!p0 [hbm:s6], $0xF7A  }
0x23: {  	s9 =	sor.u32 $0xD0000000, s2;
	s6 =	simm.s32 $0x108;
	_ =	swait.ge @!p0 [sflag:s8], $0x0  }
0x24: {  	s3 =	sadd.s32 $0x88, s3;
	s6 =	simm.s32 @!p1 $0x1082;
	[sflag:s4] =	ssyncset.s32 $0xFFFFF086  }
0x25: {  	[simem:s6], [sflag:s4] =	dma.local [hbm:s3], $0xF7A  }
0x26: {  	[smem:$0x3F98] =	sst s1;
	(tag) =	ssettag s2;
	_ =	strace s9  }
0x27: {  	s1 =	sld [smem:$0x3FA8]  }
0x28: {  	s2 =	sld [smem:$0x3FA9]  }
0x29: {  	s4 =	sld [smem:$0x3FAB]  }
0x2a: {  	p0 =	seq.s32 s5, $0x0;
	s5 =	sld [smem:$0x3FAC]  }
0x2b: {  	s6 =	sld [smem:$0x3FAD]  }
0x2c: {  	s7 =	sld [smem:$0x3FAE]  }
0x2d: {  	s3 =	simm.s32 $0x108;
	s8 =	sld [smem:$0x3FAF]  }
0x2e: {  	s3 =	simm.s32 @!p0 $0x1082;
	s9 =	sld [smem:$0x3FB0]  }
0x2f: {  	lr =	sadd.s32 s0, s3;
	s0 =	sld [smem:$0x3FA7]  }
0x30: {  	s3 =	sld [smem:$0x3FAA]  }
0x31: {  	[smem:$0x3FB3] =	sst s10  }
0x32: {  	s10 =	sld [smem:$0x3FB1];
	_ =	sdelay $0x3  }
0x33: {  	p0 =	seq.s32 s10, $0x1;
	s10 =	sld [smem:$0x3FB3];
	_ =	sdelay $0x3  }
0x34: {  	[smem:$0x3FB3] =	sst s10  }
0x35: {  	s10 =	sld [smem:$0x3FB2];
	_ =	sdelay $0x3  }
0x36: {  	p1 =	seq.s32 s10, $0x1;
	s10 =	sld [smem:$0x3FB3];
	_ =	sdelay $0x3  }
0x37: {  	[smem:$0x3FB3] =	sst s10  }
0x38: {  	s10 =	sld [smem:$0x3FB4]  }
0x39: {  	_ = 	snop;
	(pc) =	sbr.ind lr, $3  }
0x3a: {  	_ = 	snop  }
0x3b: {  	_ = 	snop  }
0x3c: {  	p2 =	seq.s32 s10, $0x1;
	s10 =	sld [smem:$0x3FB3]  }
0x3d: {  	_ =	shalt  }
0x3e: {  	_ =	shalt  }
0x3f: {  	_ =	shalt  }
0x40: {  	_ =	shalt  }
0x41: {  	_ =	shalt  }
0x42: {  	_ =	shalt  }
0x43: {  	_ =	shalt  }
0x44: {  	_ =	shalt  }
0x45: {  	_ =	shalt  }
0x46: {  	_ =	shalt  }
0x47: {  	_ =	shalt  }
0x48: {  	_ =	shalt  }
0x49: {  	_ =	shalt  }
0x4a: {  	_ =	shalt  }
0x4b: {  	_ =	shalt  }
0x4c: {  	_ =	shalt  }
0x4d: {  	_ =	shalt  }
0x4e: {  	_ =	shalt  }
0x4f: {  	_ =	shalt  }
0x50: {  	_ =	shalt  }
0x51: {  	_ =	shalt  }
0x52: {  	_ =	shalt  }
0x53: {  	_ =	shalt  }
0x54: {  	_ =	shalt  }
0x55: {  	_ =	shalt  }
0x56: {  	_ =	shalt  }
0x57: {  	_ =	shalt  }
0x58: {  	_ =	shalt  }
0x59: {  	_ =	shalt  }
0x5a: {  	_ =	shalt  }
0x5b: {  	_ =	shalt  }
0x5c: {  	_ =	shalt  }
0x5d: {  	_ =	shalt  }
0x5e: {  	_ =	shalt  }
0x5f: {  	_ =	shalt  }
0x60: {  	_ =	shalt  }
0x61: {  	_ =	shalt  }
0x62: {  	_ =	shalt  }
0x63: {  	_ =	shalt  }
0x64: {  	_ =	shalt  }
0x65: {  	_ =	shalt  }
0x66: {  	_ =	shalt  }
0x67: {  	_ =	shalt  }
0x68: {  	_ =	shalt  }
0x69: {  	_ =	shalt  }
0x6a: {  	_ =	shalt  }
0x6b: {  	_ =	shalt  }
0x6c: {  	_ =	shalt  }
0x6d: {  	_ =	shalt  }
0x6e: {  	_ =	shalt  }
0x6f: {  	_ =	shalt  }
0x70: {  	_ =	shalt  }
0x71: {  	_ =	shalt  }
0x72: {  	_ =	shalt  }
0x73: {  	_ =	shalt  }
0x74: {  	_ =	shalt  }
0x75: {  	_ =	shalt  }
0x76: {  	_ =	shalt  }
0x77: {  	_ =	shalt  }
0x78: {  	_ =	shalt  }
0x79: {  	_ =	shalt  }
0x7a: {  	_ =	shalt  }
0x7b: {  	_ =	shalt  }
0x7c: {  	_ =	shalt  }
0x7d: {  	_ =	shalt  }
0x7e: {  	_ =	shalt  }
0x7f: {  	_ =	shalt  }
0x80: {  	_ =	shalt  }
0x81: {  	_ =	shalt  }
0x82: {  	_ =	shalt  }
0x83: {  	_ =	shalt  }
0x84: {  	_ =	shalt  }
0x85: {  	_ =	shalt  }
0x86: {  	_ =	shalt  }
0x87: {  	_ =	shalt  }
.Lfunc_end0:
.L_simem_size_0:
called_computation.3_lowered:
.L_overlay_start_0:
0x88: {  	s2 =	sld [smem:$0x3FD9]  }
0x89: {  	s3 =	sld [smem:$0x3FFE];
	_ =	sdelay $0x1  }
0x8a: {  	s1 =	srdreg.scid  }
0x8b: {  	s0 =	sand.u32 $0x1, s1  }
0x8c: {  	s17 =	sshll.u32 s0, $0xA;
	s2 =	sadd.s32 s3, s2  }
0x8d: {  	s2 =	sadd.s32 s2, s17  }
0x8e: {  	[smem:$0x3FBF] =	sst s2  }
0x8f: {  	_ = 	snop  }
0x90: {  	s2 =	sld [smem:$0x3FD0];
	(tm) =	ssettm $0x1  }
0x91: {  	s18 =	sld [smem:$0x3FFB];
	_ =	sdelay $0x3  }
0x92: {  	_ =	strace s18  }
0x93: {  	s3 =	sld [smem:$0x3FFC];
	_ =	sdelay $0x3  }
0x94: {  	_ =	strace s3  }
0x95: {  	s3 =	sld [smem:$0x3FFD];
	_ =	sdelay $0x3  }
0x96: {  	_ =	strace s3  }
0x97: {  	_ =	strace $0x8FFFFFFF  }
0x98: {  	s19 =	sld [smem:$0x3FDB];
	_ =	sdelay $0x1  }
0x99: {  	s4 =	simm.s32 $_scs_section_size  }
0x9a: {  	s5 =	simm.s32 $_size__tile_overlayer_lowered;
	s6 =	simm.s32 $_tile_overlayer_lowered  }
0x9b: {  	s22 =	simm.s32 $0x1BFF;
	s21 =	sshll.u32 s6, $0x1;
	s3 =	sadd.s32 s4, s19  }
0x9c: {  	s7 =	simm.s32 $0x0;
	s20 =	sshll.u32 s5, $0x1;
	s5 =	sadd.s32 s21, s3  }
0x9d: {  	[timem:s7], [sflag:s22] =	dma.local [hbm:s5], s20  }
0x9e: {  	_ =	swait.ge [sflag:s22], s20  }
0x9f: {  	s4 =	ssub.s32 $0x0, s20;
	[sflag:s22] =	ssyncset.done $0x0  }
0xa0: {  	[sflag:s22] =	ssyncadd.s32 s4;
	_ =	sdelay $0x1  }
0xa1: {  	s23 =	simm.s32 $0x1B8B  }
0xa2: {  	_ =	swait.ge [sflag:s23], $0x1  }
0xa3: {  	[sflag:s23] =	ssyncset.done $0x0  }
0xa4: {  	s25 =	simm.s32 $0x1B8E;
	s24 =	sld [smem:$0x3FFE];
	[sflag:s23] =	ssyncadd.s32 $0xFFFFFFFF  }
0xa5: {  	s26 =	simm.s32 $execute0_lowered;
	[smem:$0x3FD2] =	sst s25  }
0xa6: {  	s5 =	sshll.u32 s26, $0x1;
	_ =	strace $0x8000004F;
	[dreg:$0x1] =	wrdreg $0xFFFFFFFF  }
0xa7: {  	s28 =	simm.s32 $_size_execute0_lowered;
	s3 =	sadd.s32 s3, s5;
	[dreg:$0x0] =	wrdreg $0x0  }
0xa8: {  	s5 =	sshll.u32 s28, $0x1;
	[dreg:$0x2] =	wrdreg s3  }
0xa9: {  	[dreg:$0x3] =	wrdreg s5  }
0xaa: {  	[dreg:$0x4] =	wrdreg $0xC0  }
0xab: {  	_ =	task [dreg:s7], $0x5FFFF  }
0xac: {  	[dreg:$0x1] =	wrdreg $0xFFFFFFFF  }
0xad: {  	[dreg:$0x0] =	wrdreg $0x60  }
0xae: {  	[dreg:$0x2] =	wrdreg s2  }
0xaf: {  	[dreg:$0x3] =	wrdreg s24  }
0xb0: {  	[dreg:$0x4] =	wrdreg $0x68000  }
0xb1: {  	[dreg:$0x5] =	wrdreg $0x9  }
0xb2: {  	_ =	task.clear_ibuf [dreg:s7], $0x6FFFF;
	_ =	strace $0x9000004F  }
0xb3: {  	s29 =	simm.s32 $0x9;
	_ =	strace $0x80000051  }
0xb4: {  	_ =	swait.ge [sflag:s29], $0x1  }
0xb5: {  	[sflag:s29] =	ssyncadd.s32 $0xFFFFFFFF  }
0xb6: {  	_ =	strace $0x90000051  }
0xb7: {  	_ =	sfence  }
0xb8: {  	s30 =	sld [smem:$0x0];
	_ =	sdelay $0x2  }
0xb9: {  	s31 =	sshll.u32 s1, $0xD;
	s1 =	sshrl.u32 s1, $0x2  }
0xba: {  	s3 =	sand.u32 $0x4000, s31;
	s1 =	sadd.s32 s1, s30  }
0xbb: {  	s0 =	sor.u32 s3, s0;
	s1 =	sshll.u32 s1, $0x11  }
0xbc: {  	s0 =	sor.u32 s1, s0  }
0xbd: {  	s0 =	sadd.s32 $0x8F2B, s0  }
0xbe: {  	[sflag:s0] =	ssyncadd.remote.s32 $0x1  }
0xbf: {  	_ =	sfence.sel $0xFFFF  }
0xc0: {  	[dreg:$0x0] =	wrdreg $0xFFFFFFFF;
	(pc) =	sbr.abs _section_cstart, $3  }
0xc1: {  	[dreg:$0x1] =	wrdreg $0xFFFFFFFF  }
0xc2: {  	_ =	task.clear_ibuf [dreg:s7], $0x2FFFF;
	_ =	strace $0x9FFFFFFF  }
0xc3: {  	(tm) =	ssettm $0x7FFFFFFF  }
tec
execute0_lowered:
.L_overlay_start_1:
0x0: {  	(tag) =	ssettag $0x1  }
0x1: {  	s1 =	rddreg [dreg:$0x0]  }
0x2: {  	s0 =	rddreg [dreg:$0x1]  }
0x3: {  	s2 =	rddreg [dreg:$0x2];
	s13 =	simm.s32 $0x0;
	s3 =	srdreg.scid  }
0x4: {  	s12 =	stileid.u32;
	s11 =	simm.s32 $0x146600;
	s15 =	simm.s32 $0x5  }
0x5: {  	s17 =	simm.s32 $0x80;
	s18 =	simm.s32 $0x2800;
	s19 =	simm.s32 $0x3800  }
0x6: {  	s21 =	simm.s32 $0x4800;
	s22 =	simm.s32 $0x5800;
	s23 =	simm.s32 $0x1  }
0x7: {  	s24 =	simm.s32 $0x2;
	s28 =	simm.s32 $0x1380;
	s29 =	simm.s32 $0x2600  }
0x8: {  	s30 =	simm.s32 $0x2680;
	s31 =	simm.s32 $0x2700;
	[smem:$0x7FF] =	sst s13  }
0x9: {  	s5 =	sadd.s32 $0x115800, s0;
	s3 =	sand.u32 $0x1, s3;
	s6 =	sadd.s32 $0x6800, s0  }
0xa: {  	s8 =	smul.u32 $0x18700, s12;
	s7 =	sadd.s32 $0x1F800, s0;
	s9 =	sadd.s32 $0x38800, s0  }
0xb: {  	s10 =	sshll.u32 s12, $0x6;
	_ =	strace $0x80000050;
	s4 =	ssub.s32 $0x2, s3  }
0xc: {  	[dreg:$0x5] =	wrdreg s9;
	s14 =	sor.u32 $0x1C05, s10;
	p0 =	seq.s32 s3, $0x1  }
0xd: {  	s10 =	smul.u32 $0x190, s12;
	p1 =	seq.s32 s3, $0x0;
	s12 =	smov.u32 s5  }
0xe: {  	s25 =	sshrl.u32 s4, $0x1;
	s26 =	sadd.s32 s8, s2;
	s11 =	simm.s32 @!p0 $0x177400  }
0xf: {  	s8 =	sshrl.u32 s8, $0x3;
	s12 =	smov.u32 @p1 s1;
	s4 =	ssub.s32 s4, s25  }
0x10: {  	[dreg:$0x6] =	wrdreg s14;
	s0 =	sadd.s32 s11, s0;
	s4 =	smax.u32 s4, $0x1  }
0x11: {  	p0 =	sne.s32 s3, $0x0;
	s0 =	sadd.s32 s0, s8;
	[dreg:$0x7] =	wrdreg s4  }
0x12: {  	s25 =	simm.s32 $0x3;
	[dreg:$0x8] =	wrdreg s0;
	s4 =	sshrl.u32 s26, $0x3  }
0x13: {  	s26 =	simm.s32 $0x4;
	s0 =	simm.s32 $0x2780;
	[dreg:$0x9] =	wrdreg s4  }
.LBB2_1:
0x14: {  	[dreg:$0x4] =	wrdreg s13  }
0x15: {  	s3 =	rddreg [dreg:$0x5]  }
0x16: {  	[spmem:s4], [sflag:s14] =	dma.local [hbm:s3], $0x30E0  }
0x17: {  	_ =	swait.ge [sflag:s15], $0x30E0  }
0x18: {  	[sflag:s15] =	ssyncset.done $0x0  }
0x19: {  	[sflag:s15] =	ssyncadd.s32 $0xFFFFCF20  }
0x1a: {  	s4 =	simm.s32 $0x0;
	[bflag:$0x0] =	sbarrier.arrive $0xFFFF  }
.LBB2_2:
0x1b: {  	s3 =	smul.u32 $0x28, s4;
	_ =	sdelay $0x1  }
0x1c: {  	s3 =	sadd.s32 s10, s3  }
0x1d: {  	s3 =	sshll.u32 s3, $0x4  }
0x1e: {  	s9 =	simm.s32 $0x0;
	s8 =	sadd.s32 s6, s3  }
0x1f: {  	[tilespmem:s9], [sflag:$0x5] =	stream.linear.gather [hbm4b:s8+s9], $0x1400, $0x38;
	[tilespmem:$0x1EF00] =	vst v63  }
0x20: {  	_ =	swait.ge [sflag:s15], $0x1400  }
0x21: {  	[sflag:s15] =	ssyncset.done $0x0  }
0x22: {  	s20 =	simm.s32 $0x1400;
	s3 =	sadd.s32 s7, s3;
	[sflag:s15] =	ssyncadd.s32 $0xFFFFEC00  }
0x23: {  	[tilespmem:s20], [sflag:$0x5] =	stream.linear.gather [hbm4b:s3+s9], $0x1400, $0x38;
	[tilespmem:$0x1EF00] =	vst v63  }
0x24: {  	_ =	swait.ge [sflag:s15], $0x1400  }
0x25: {  	[sflag:s15] =	ssyncset.done $0x0  }
0x26: {  	[sflag:s15] =	ssyncadd.s32 $0xFFFFEC00  }
0x27: {  	[tilespmem:s18], [sflag:$0x1] =	stream.indirect.gather [hbm4b:s12+s17], $0x20, s9, s17, $0xb8;
	[tilespmem:$0x1EF00] =	vst v63  }
0x28: {  	_ = 	snop  }
0x29: {  	[tilespmem:s19], [sflag:$0x2] =	stream.indirect.gather [hbm4b:s12+s17], $0x20, s17, s17, $0xb8;
	[tilespmem:$0x1EF00] =	vst v63  }
0x2a: {  	s11 =	simm.s32 $0x100  }
0x2b: {  	[tilespmem:s21], [sflag:$0x3] =	stream.indirect.gather [hbm4b:s12+s17], $0x20, s11, s17, $0xb8;
	[tilespmem:$0x1EF00] =	vst v63  }
0x2c: {  	s13 =	simm.s32 $0x180  }
0x2d: {  	[tilespmem:s22], [sflag:$0x4] =	stream.indirect.gather [hbm4b:s12+s17], $0x20, s13, s17, $0xb8;
	[tilespmem:$0x1EF00] =	vst v63  }
0x2e: {  	_ =	swait.ge [sflag:s23], $0x1000  }
0x2f: {  	[sflag:s23] =	ssyncset.done $0x0  }
0x30: {  	s14 =	simm.s32 $0x1400;
	[sflag:s23] =	ssyncadd.s32 $0xFFFFF000  }
0x31: {  	[spmem:s2] =	stream.indirect.scatter.add.f32 [tilespmem:s18], [sflag:$0x5], $0x20, s14, s17, $0xb8;
	[tilespmem:$0x1EF00] =	vst v63  }
0x32: {  	_ =	swait.ge [sflag:s15], $0x1000  }
0x33: {  	[sflag:s15] =	ssyncset.done $0x0  }
0x34: {  	s16 =	simm.s32 $0x200;
	[sflag:s15] =	ssyncadd.s32 $0xFFFFF000  }
0x35: {  	[tilespmem:s18], [sflag:$0x1] =	stream.indirect.gather [hbm4b:s12+s17], $0x20, s16, s17, $0xb8;
	[tilespmem:$0x1EF00] =	vst v63  }
0x36: {  	_ =	swait.ge [sflag:s24], $0x1000  }
0x37: {  	[sflag:s24] =	ssyncset.done $0x0  }
0x38: {  	s20 =	simm.s32 $0x1480;
	[sflag:s24] =	ssyncadd.s32 $0xFFFFF000  }
0x39: {  	[spmem:s2] =	stream.indirect.scatter.add.f32 [tilespmem:s19], [sflag:$0x5], $0x20, s20, s17, $0xb8;
	[tilespmem:$0x1EF00] =	vst v63  }
0x3a: {  	_ =	swait.ge [sflag:s15], $0x1000  }
0x3b: {  	s3 =	simm.s32 $0x280;
	[sflag:s15] =	ssyncset.done $0x0  }
0x3c: {  	s11 =	simm.s32 @p0 $0x3800;
	s13 =	simm.s32 @p0 $0x80;
	[sflag:s15] =	ssyncadd.s32 $0xFFFFF000  }
0x3d: {  	[tilespmem:s11], [sflag:$0x2] =	stream.indirect.gather @p0 [hbm4b:s5+s13], $0x20, s3, s13, $0xb8;
	[tilespmem:$0x1EF00] =	vst v63  }
0x3e: {  	s9 =	simm.s32 @!p0 $0x80;
	s14 =	simm.s32 @!p0 $0x3800  }
0x3f: {  	[tilespmem:s14], [sflag:$0x2] =	stream.indirect.gather @!p0 [hbm4b:s1+s9], $0x20, s3, s9, $0xb8;
	[tilespmem:$0x1EF00] =	vst v63  }
0x40: {  	_ =	swait.ge [sflag:s25], $0x1000  }
0x41: {  	[sflag:s25] =	ssyncset.done $0x0  }
0x42: {  	s8 =	simm.s32 $0x1500;
	[sflag:s25] =	ssyncadd.s32 $0xFFFFF000  }
0x43: {  	[spmem:s2] =	stream.indirect.scatter.add.f32 [tilespmem:s21], [sflag:$0x5], $0x20, s8, s17, $0xb8;
	[tilespmem:$0x1EF00] =	vst v63  }
0x44: {  	_ =	swait.ge [sflag:s15], $0x1000  }
0x45: {  	[sflag:s15] =	ssyncset.done $0x0  }
0x46: {  	s16 =	simm.s32 $0x300;
	[sflag:s15] =	ssyncadd.s32 $0xFFFFF000  }
0x47: {  	[tilespmem:s21], [sflag:$0x3] =	stream.indirect.gather [hbm4b:s12+s17], $0x20, s16, s17, $0xb8;
	[tilespmem:$0x1EF00] =	vst v63  }
0x48: {  	_ =	swait.ge [sflag:s26], $0x1000  }
0x49: {  	[sflag:s26] =	ssyncset.done $0x0  }
0x4a: {  	s20 =	simm.s32 $0x1580;
	[sflag:s26] =	ssyncadd.s32 $0xFFFFF000  }
0x4b: {  	[spmem:s2] =	stream.indirect.scatter.add.f32 [tilespmem:s22], [sflag:$0x5], $0x20, s20, s17, $0xb8;
	[tilespmem:$0x1EF00] =	vst v63  }
0x4c: {  	_ =	swait.ge [sflag:s15], $0x1000  }
0x4d: {  	s3 =	simm.s32 $0x1000;
	s8 =	simm.s32 $0x200;
	[sflag:s15] =	ssyncset.done $0x0  }
.LBB2_3:
0x4e: {  	s20 =	sadd.s32 $0x180, s8  }
0x4f: {  	[sflag:s15] =	ssyncadd.s32 $0xFFFFF000;
	s16 =	smov.u32 s3;
	s3 =	sadd.s32 $0x800, s3  }
0x50: {  	[tilespmem:s22], [sflag:$0x4] =	stream.indirect.gather [hbm4b:s12+s17], $0x20, s20, s17, $0xb8;
	[tilespmem:$0x1EF00] =	vst v63  }
0x51: {  	p1 =	sne.s32 s3, $0x4800;
	_ =	swait.ge [sflag:s23], $0x1000  }
0x52: {  	[sflag:s23] =	ssyncset.done $0x0  }
0x53: {  	s20 =	sadd.s32 $0x1400, s8;
	[sflag:s23] =	ssyncadd.s32 $0xFFFFF000  }
0x54: {  	[spmem:s2] =	stream.indirect.scatter.add.f32 [tilespmem:s18], [sflag:$0x5], $0x20, s20, s17, $0xb8;
	[tilespmem:$0x1EF00] =	vst v63  }
0x55: {  	_ =	swait.ge [sflag:s15], $0x1000  }
0x56: {  	[sflag:s15] =	ssyncset.done $0x0  }
0x57: {  	s20 =	sadd.s32 $0x200, s8;
	[sflag:s15] =	ssyncadd.s32 $0xFFFFF000  }
0x58: {  	[tilespmem:s18], [sflag:$0x1] =	stream.indirect.gather [hbm4b:s12+s17], $0x20, s20, s17, $0xb8;
	[tilespmem:$0x1EF00] =	vst v63  }
0x59: {  	_ =	swait.ge [sflag:s24], $0x1000  }
0x5a: {  	[sflag:s24] =	ssyncset.done $0x0  }
0x5b: {  	s20 =	sadd.s32 $0x1480, s8;
	[sflag:s24] =	ssyncadd.s32 $0xFFFFF000  }
0x5c: {  	[spmem:s2] =	stream.indirect.scatter.add.f32 [tilespmem:s19], [sflag:$0x5], $0x20, s20, s17, $0xb8;
	[tilespmem:$0x1EF00] =	vst v63  }
0x5d: {  	_ =	swait.ge [sflag:s15], $0x1000  }
0x5e: {  	[sflag:s15] =	ssyncset.done $0x0  }
0x5f: {  	s20 =	sadd.s32 $0x280, s8;
	[sflag:s15] =	ssyncadd.s32 $0xFFFFF000  }
0x60: {  	[tilespmem:s11], [sflag:$0x2] =	stream.indirect.gather @p0 [hbm4b:s5+s13], $0x20, s20, s13, $0xb8;
	[tilespmem:$0x1EF00] =	vst v63  }
0x61: {  	_ = 	snop  }
0x62: {  	[tilespmem:s14], [sflag:$0x2] =	stream.indirect.gather @!p0 [hbm4b:s1+s9], $0x20, s20, s9, $0xb8;
	[tilespmem:$0x1EF00] =	vst v63  }
0x63: {  	_ =	swait.ge [sflag:s25], $0x1000  }
0x64: {  	[sflag:s25] =	ssyncset.done $0x0  }
0x65: {  	s20 =	sadd.s32 $0x1500, s8;
	[sflag:s25] =	ssyncadd.s32 $0xFFFFF000  }
0x66: {  	[spmem:s2] =	stream.indirect.scatter.add.f32 [tilespmem:s21], [sflag:$0x5], $0x20, s20, s17, $0xb8;
	[tilespmem:$0x1EF00] =	vst v63  }
0x67: {  	_ =	swait.ge [sflag:s15], $0x1000  }
0x68: {  	[sflag:s15] =	ssyncset.done $0x0  }
0x69: {  	s20 =	sadd.s32 $0x300, s8;
	[sflag:s15] =	ssyncadd.s32 $0xFFFFF000  }
0x6a: {  	[tilespmem:s21], [sflag:$0x3] =	stream.indirect.gather [hbm4b:s12+s17], $0x20, s20, s17, $0xb8;
	[tilespmem:$0x1EF00] =	vst v63  }
0x6b: {  	_ =	swait.ge [sflag:s26], $0x1000  }
.Ltmp0:
0x6c: {  	[sflag:s26] =	ssyncset.done $0x0;
	(pc) =	sbr.rel @p1 .LBB2_3-.Ltmp0, $4  }
0x6d: {  	s8 =	sadd.s32 $0x1580, s8;
	[sflag:s26] =	ssyncadd.s32 $0xFFFFF000  }
0x6e: {  	[spmem:s2] =	stream.indirect.scatter.add.f32 [tilespmem:s22], [sflag:$0x5], $0x20, s8, s17, $0xb8;
	[tilespmem:$0x1EF00] =	vst v63  }
0x6f: {  	_ =	swait.ge [sflag:s15], $0x1000  }
0x70: {  	s8 =	sshra.s32 s16, $0x2;
	[sflag:s15] =	ssyncset.done $0x0  }
0x71: {  	s3 =	sadd.s32 $0x180, s8;
	[sflag:s15] =	ssyncadd.s32 $0xFFFFF000  }
0x72: {  	[tilespmem:s22], [sflag:$0x4] =	stream.indirect.gather [hbm4b:s12+s17], $0x20, s3, s17, $0xb8;
	[tilespmem:$0x1EF00] =	vst v63  }
0x73: {  	_ =	swait.ge [sflag:s23], $0x1000  }
0x74: {  	[sflag:s23] =	ssyncset.done $0x0  }
0x75: {  	s9 =	sadd.s32 $0x1400, s8;
	[sflag:s23] =	ssyncadd.s32 $0xFFFFF000  }
0x76: {  	[spmem:s2] =	stream.indirect.scatter.add.f32 [tilespmem:s18], [sflag:$0x5], $0x20, s9, s17, $0xb8;
	[tilespmem:$0x1EF00] =	vst v63  }
0x77: {  	_ =	swait.ge [sflag:s15], $0x1000  }
0x78: {  	[sflag:s15] =	ssyncset.done $0x0  }
0x79: {  	s11 =	sadd.s32 $0x200, s8;
	[sflag:s15] =	ssyncadd.s32 $0xFFFFF000  }
0x7a: {  	[tilespmem:s18], [sflag:$0x1] =	stream.indirect.gather [hbm4b:s12+s17], $0x20, s11, s17, $0xb8;
	[tilespmem:$0x1EF00] =	vst v63  }
0x7b: {  	_ =	swait.ge [sflag:s24], $0x1000  }
0x7c: {  	[sflag:s24] =	ssyncset.done $0x0  }
0x7d: {  	s13 =	sadd.s32 $0x1480, s8;
	[sflag:s24] =	ssyncadd.s32 $0xFFFFF000  }
0x7e: {  	[spmem:s2] =	stream.indirect.scatter.add.f32 [tilespmem:s19], [sflag:$0x5], $0x20, s13, s17, $0xb8;
	[tilespmem:$0x1EF00] =	vst v63  }
0x7f: {  	_ =	swait.ge [sflag:s15], $0x1000  }
0x80: {  	s3 =	simm.s32 @p0 $0x3800;
	[sflag:s15] =	ssyncset.done $0x0  }
0x81: {  	s9 =	sadd.s32 $0x280, s8;
	s11 =	simm.s32 @p0 $0x80;
	[sflag:s15] =	ssyncadd.s32 $0xFFFFF000  }
0x82: {  	[tilespmem:s3], [sflag:$0x2] =	stream.indirect.gather @p0 [hbm4b:s5+s11], $0x20, s9, s11, $0xb8;
	[tilespmem:$0x1EF00] =	vst v63  }
0x83: {  	s3 =	simm.s32 @!p0 $0x80;
	s11 =	simm.s32 @!p0 $0x3800  }
0x84: {  	[tilespmem:s11], [sflag:$0x2] =	stream.indirect.gather @!p0 [hbm4b:s1+s3], $0x20, s9, s3, $0xb8;
	[tilespmem:$0x1EF00] =	vst v63  }
0x85: {  	_ =	swait.ge [sflag:s25], $0x1000  }
0x86: {  	[sflag:s25] =	ssyncset.done $0x0  }
0x87: {  	s14 =	sadd.s32 $0x1500, s8;
	[sflag:s25] =	ssyncadd.s32 $0xFFFFF000  }
0x88: {  	[spmem:s2] =	stream.indirect.scatter.add.f32 [tilespmem:s21], [sflag:$0x5], $0x20, s14, s17, $0xb8;
	[tilespmem:$0x1EF00] =	vst v63  }
0x89: {  	_ =	swait.ge [sflag:s15], $0x1000  }
0x8a: {  	[sflag:s15] =	ssyncset.done $0x0  }
0x8b: {  	s16 =	sadd.s32 $0x300, s8;
	[sflag:s15] =	ssyncadd.s32 $0xFFFFF000  }
0x8c: {  	[tilespmem:s21], [sflag:$0x3] =	stream.indirect.gather [hbm4b:s12+s17], $0x20, s16, s17, $0xb8;
	[tilespmem:$0x1EF00] =	vst v63  }
0x8d: {  	_ =	swait.ge [sflag:s26], $0x1000  }
0x8e: {  	[sflag:s26] =	ssyncset.done $0x0  }
0x8f: {  	s20 =	sadd.s32 $0x1580, s8;
	[sflag:s26] =	ssyncadd.s32 $0xFFFFF000  }
0x90: {  	[spmem:s2] =	stream.indirect.scatter.add.f32 [tilespmem:s22], [sflag:$0x5], $0x20, s20, s17, $0xb8;
	[tilespmem:$0x1EF00] =	vst v63  }
0x91: {  	_ =	swait.ge [sflag:s15], $0x1000  }
0x92: {  	[sflag:s15] =	ssyncset.done $0x0  }
0x93: {  	[sflag:s15] =	ssyncadd.s32 $0xFFFFF000  }
0x94: {  	[tilespmem:s22], [sflag:$0x4] =	stream.indirect.gather [hbm4b:s12+s17], $0x20, s28, s17, $0xb8;
	[tilespmem:$0x1EF00] =	vst v63  }
0x95: {  	_ =	swait.ge [sflag:s23], $0x1000  }
0x96: {  	[sflag:s23] =	ssyncset.done $0x0  }
0x97: {  	[sflag:s23] =	ssyncadd.s32 $0xFFFFF000  }
0x98: {  	[spmem:s2] =	stream.indirect.scatter.add.f32 [tilespmem:s18], [sflag:$0x5], $0x20, s29, s17, $0xb8;
	[tilespmem:$0x1EF00] =	vst v63  }
0x99: {  	_ =	swait.ge [sflag:s15], $0x1000  }
0x9a: {  	[sflag:s15] =	ssyncset.done $0x0  }
0x9b: {  	[sflag:s15] =	ssyncadd.s32 $0xFFFFF000  }
0x9c: {  	_ =	swait.ge [sflag:s24], $0x1000  }
0x9d: {  	[sflag:s24] =	ssyncset.done $0x0  }
0x9e: {  	[sflag:s24] =	ssyncadd.s32 $0xFFFFF000  }
0x9f: {  	[spmem:s2] =	stream.indirect.scatter.add.f32 [tilespmem:s19], [sflag:$0x5], $0x20, s30, s17, $0xb8;
	[tilespmem:$0x1EF00] =	vst v63  }
0xa0: {  	_ =	swait.ge [sflag:s15], $0x1000  }
0xa1: {  	[sflag:s15] =	ssyncset.done $0x0  }
0xa2: {  	[sflag:s15] =	ssyncadd.s32 $0xFFFFF000  }
0xa3: {  	_ =	swait.ge [sflag:s25], $0x1000  }
0xa4: {  	[sflag:s25] =	ssyncset.done $0x0  }
0xa5: {  	[sflag:s25] =	ssyncadd.s32 $0xFFFFF000  }
0xa6: {  	[spmem:s2] =	stream.indirect.scatter.add.f32 [tilespmem:s21], [sflag:$0x5], $0x20, s31, s17, $0xb8;
	[tilespmem:$0x1EF00] =	vst v63  }
0xa7: {  	_ =	swait.ge [sflag:s15], $0x1000  }
0xa8: {  	[sflag:s15] =	ssyncset.done $0x0  }
0xa9: {  	[sflag:s15] =	ssyncadd.s32 $0xFFFFF000  }
0xaa: {  	s4 =	sadd.s32 $0x1, s4;
	_ =	swait.ge [sflag:s26], $0x1000  }
0xab: {  	p1 =	sne.s32 s4, $0xA;
	[sflag:s26] =	ssyncset.done $0x0  }
.Ltmp1:
0xac: {  	[sflag:s26] =	ssyncadd.s32 $0xFFFFF000;
	(pc) =	sbr.rel @p1 .LBB2_2-.Ltmp1, $4  }
0xad: {  	[spmem:s2] =	stream.indirect.scatter.add.f32 [tilespmem:s22], [sflag:$0x5], $0x20, s0, s17, $0xb8;
	[tilespmem:$0x1EF00] =	vst v63  }
0xae: {  	_ =	swait.ge [sflag:s15], $0x1000  }
0xaf: {  	[sflag:s15] =	ssyncset.done $0x0  }
0xb0: {  	[sflag:s15] =	ssyncadd.s32 $0xFFFFF000  }
0xb1: {  	[bflag:$0x0] =	sbarrier.arrive $0xFFFF  }
0xb2: {  	s14 =	rddreg [dreg:$0x6]  }
0xb3: {  	s3 =	rddreg [dreg:$0x8]  }
0xb4: {  	s4 =	rddreg [dreg:$0x9]  }
0xb5: {  	[hbm:s3], [sflag:s14] =	dma.local [spmem:s4], $0x30E0  }
0xb6: {  	_ =	swait.ge [sflag:s15], $0x30E0  }
0xb7: {  	s13 =	rddreg [dreg:$0x4]  }
0xb8: {  	s20 =	rddreg [dreg:$0x7];
	s13 =	sadd.s32 $0x1, s13  }
0xb9: {  	p1 =	sne.s32 s13, s20  }
.Ltmp2:
0xba: {  	_ = 	snop;
	(pc) =	sbr.rel @p1 .LBB2_1-.Ltmp2, $3  }
0xbb: {  	_ =	sdelay $0x1  }
0xbc: {  	[sflag:s15] =	ssyncset.done $0x0  }
0xbd: {  	[sflag:s15] =	ssyncadd.s32 $0xFFFFCF20  }
0xbe: {  	_ =	sfence.sel $0x180000  }
0xbf: {  	[bflag:$0x0] =	sbarrier.arrive $0xFFFF  }
0xc0: {  	_ =	strace $0x90000050  }
0xc1: {  	s0 =	stileid.u32;
	[bflag:$0x2] =	sbarrier.arrive $0xFFFF  }
0xc2: {  	p0 =	sne.s32 s0, $0x0;
	s0 =	rddreg [dreg:$0x3]  }
0xc3: {  	s0 =	sadd.s32 @!p0 $0x100000, s0  }
0xc4: {  	[sflag:s0] =	ssyncadd.tile.s32 @!p0 $0x1;
	_ =	shalt  }
.Lfunc_end2:
_tile_overlayer_lowered:
.L_overlay_start_2:
0xc5: {  	(tag) =	ssettag $0x2  }
0xc6: {  	s0 =	rddreg [dreg:$0x0];
	s2 =	stileid.u32  }
0xc7: {  	s1 =	rddreg [dreg:$0x1];
	p0 =	sne.s32 s2, $0x0  }
0xc8: {  	s3 =	rddreg [dreg:$0x2];
	[bflag:$0x3] =	sbarrier.arrive $0xFFFF;
	s2 =	simm.s32 @!p0 $0x1C05  }
0xc9: {  	[timem:s3], [sflag:s2] =	dma.local @!p0 [hbm:s0], s1  }
0xca: {  	s0 =	simm.s32 @!p0 $0x5  }
0xcb: {  	_ =	swait.ge @!p0 [sflag:s0], s1  }
0xcc: {  	s1 =	ssub.s32 @!p0 $0x0, s1;
	[sflag:s0] =	ssyncset.done @!p0 $0x0  }
0xcd: {  	[sflag:s0] =	ssyncadd.s32 @!p0 s1  }
0xce: {  	[bflag:$0x3] =	sbarrier.arrive $0xFFFF  }
0xcf: {  	_ =	shalt  }

// kernel: kernel.27.cloned.1.call-start
scs
__scs_entry_jumppad:
0x0: {  	(pc) =	sbr.rel $0x88, $3  }
0x1: {  	(tag) =	ssettag $0x0;
	lr =	simm.s32 $0x1  }
0x2: {  	[smem:$0x3F98] =	sst lr;
	_ =	strace $0xD0000000  }
0x3: {  	_ = 	snop  }
0x4: {  	_ = 	snop  }
0x5: {  	_ = 	snop  }
0x6: {  	_ = 	snop  }
0x7: {  	_ = 	snop  }
__scs_overlays_trampoline_lowered:
0x8: {  	[smem:$0x3FA7] =	sst s0  }
0x9: {  	[smem:$0x3FA8] =	sst s1  }
0xa: {  	[smem:$0x3FA9] =	sst s2  }
0xb: {  	[smem:$0x3FAA] =	sst s3  }
0xc: {  	[smem:$0x3FAB] =	sst s4  }
0xd: {  	[smem:$0x3FAC] =	sst s5  }
0xe: {  	[smem:$0x3FAD] =	sst s6  }
0xf: {  	[smem:$0x3FAE] =	sst s7  }
0x10: {  	[smem:$0x3FAF] =	sst s8  }
0x11: {  	[smem:$0x3FB0] =	sst s9;
	s0 =	simm.s32 @!p0 $0x0  }
0x12: {  	s1 =	sld [smem:$0x3F96];
	s0 =	simm.s32 @p0 $0x1  }
0x13: {  	[smem:$0x3FB1] =	sst s0;
	s0 =	simm.s32 @!p1 $0x0  }
0x14: {  	s2 =	sld [smem:$0x3F95];
	s0 =	simm.s32 @p1 $0x1  }
0x15: {  	[smem:$0x3FB2] =	sst s0;
	s0 =	simm.s32 @!p2 $0x0  }
0x16: {  	s3 =	sld [smem:$0x3FDB];
	s0 =	simm.s32 @p2 $0x1  }
0x17: {  	s4 =	simm.s32 $0x1BF5;
	[smem:$0x3FB4] =	sst s0  }
0x18: {  	s0 =	sld [smem:$0x3F97];
	_ =	swait.ge [sflag:s4], $0x0  }
0x19: {  	s7 =	sld [smem:$0x3F98]  }
0x1a: {  	s8 =	sadd.s32 $0xFFFFE003, lr  }
0x1b: {  	s9 =	sadd.s32 $0xFFFFFEF7, lr;
	s5 =	simm.s32 $0xFFFFFFFF;
	p2 =	slt.u32 s8, $0xFFFFF086  }
0x1c: {  	p1 =	slt.u32 s9, $0xF7A;
	s5 =	simm.s32 @!p2 $0x0  }
0x1d: {  	s5 =	simm.s32 @p1 $0x1;
	p0 =	seq.s32 s7, s2  }
0x1e: {  	s7 =	smul.u32 @!p0 $0xF7A, s2;
	p2 =	seq.s32 @!p0 s5, $0x0  }
0x1f: {  	s9 =	smul.u32 $0xF7A, s1;
	s8 =	simm.s32 @!p0 $0x1BF5;
	p2 =	por !p2, p0  }
0x20: {  	[sflag:s8] =	ssyncset.s32 @!p0 $0xFFFFF086;
	s6 =	sadd.s32 @!p0 s3, s7;
	s7 =	simm.s32 @!p0 $0x108  }
0x21: {  	s3 =	sadd.s32 s3, s9;
	s6 =	sadd.s32 @!p0 $0x88, s6;
	s7 =	simm.s32 @p2 $0x1082  }
0x22: {  	[simem:s7], [sflag:s8] =	dma.local @!p0 [hbm:s6], $0xF7A  }
0x23: {  	s9 =	sor.u32 $0xD0000000, s2;
	s6 =	simm.s32 $0x108;
	_ =	swait.ge @!p0 [sflag:s8], $0x0  }
0x24: {  	s3 =	sadd.s32 $0x88, s3;
	s6 =	simm.s32 @!p1 $0x1082;
	[sflag:s4] =	ssyncset.s32 $0xFFFFF086  }
0x25: {  	[simem:s6], [sflag:s4] =	dma.local [hbm:s3], $0xF7A  }
0x26: {  	[smem:$0x3F98] =	sst s1;
	(tag) =	ssettag s2;
	_ =	strace s9  }
0x27: {  	s1 =	sld [smem:$0x3FA8]  }
0x28: {  	s2 =	sld [smem:$0x3FA9]  }
0x29: {  	s4 =	sld [smem:$0x3FAB]  }
0x2a: {  	p0 =	seq.s32 s5, $0x0;
	s5 =	sld [smem:$0x3FAC]  }
0x2b: {  	s6 =	sld [smem:$0x3FAD]  }
0x2c: {  	s7 =	sld [smem:$0x3FAE]  }
0x2d: {  	s3 =	simm.s32 $0x108;
	s8 =	sld [smem:$0x3FAF]  }
0x2e: {  	s3 =	simm.s32 @!p0 $0x1082;
	s9 =	sld [smem:$0x3FB0]  }
0x2f: {  	lr =	sadd.s32 s0, s3;
	s0 =	sld [smem:$0x3FA7]  }
0x30: {  	s3 =	sld [smem:$0x3FAA]  }
0x31: {  	[smem:$0x3FB3] =	sst s10  }
0x32: {  	s10 =	sld [smem:$0x3FB1];
	_ =	sdelay $0x3  }
0x33: {  	p0 =	seq.s32 s10, $0x1;
	s10 =	sld [smem:$0x3FB3];
	_ =	sdelay $0x3  }
0x34: {  	[smem:$0x3FB3] =	sst s10  }
0x35: {  	s10 =	sld [smem:$0x3FB2];
	_ =	sdelay $0x3  }
0x36: {  	p1 =	seq.s32 s10, $0x1;
	s10 =	sld [smem:$0x3FB3];
	_ =	sdelay $0x3  }
0x37: {  	[smem:$0x3FB3] =	sst s10  }
0x38: {  	s10 =	sld [smem:$0x3FB4]  }
0x39: {  	_ = 	snop;
	(pc) =	sbr.ind lr, $3  }
0x3a: {  	_ = 	snop  }
0x3b: {  	_ = 	snop  }
0x3c: {  	p2 =	seq.s32 s10, $0x1;
	s10 =	sld [smem:$0x3FB3]  }
0x3d: {  	_ =	shalt  }
0x3e: {  	_ =	shalt  }
0x3f: {  	_ =	shalt  }
0x40: {  	_ =	shalt  }
0x41: {  	_ =	shalt  }
0x42: {  	_ =	shalt  }
0x43: {  	_ =	shalt  }
0x44: {  	_ =	shalt  }
0x45: {  	_ =	shalt  }
0x46: {  	_ =	shalt  }
0x47: {  	_ =	shalt  }
0x48: {  	_ =	shalt  }
0x49: {  	_ =	shalt  }
0x4a: {  	_ =	shalt  }
0x4b: {  	_ =	shalt  }
0x4c: {  	_ =	shalt  }
0x4d: {  	_ =	shalt  }
0x4e: {  	_ =	shalt  }
0x4f: {  	_ =	shalt  }
0x50: {  	_ =	shalt  }
0x51: {  	_ =	shalt  }
0x52: {  	_ =	shalt  }
0x53: {  	_ =	shalt  }
0x54: {  	_ =	shalt  }
0x55: {  	_ =	shalt  }
0x56: {  	_ =	shalt  }
0x57: {  	_ =	shalt  }
0x58: {  	_ =	shalt  }
0x59: {  	_ =	shalt  }
0x5a: {  	_ =	shalt  }
0x5b: {  	_ =	shalt  }
0x5c: {  	_ =	shalt  }
0x5d: {  	_ =	shalt  }
0x5e: {  	_ =	shalt  }
0x5f: {  	_ =	shalt  }
0x60: {  	_ =	shalt  }
0x61: {  	_ =	shalt  }
0x62: {  	_ =	shalt  }
0x63: {  	_ =	shalt  }
0x64: {  	_ =	shalt  }
0x65: {  	_ =	shalt  }
0x66: {  	_ =	shalt  }
0x67: {  	_ =	shalt  }
0x68: {  	_ =	shalt  }
0x69: {  	_ =	shalt  }
0x6a: {  	_ =	shalt  }
0x6b: {  	_ =	shalt  }
0x6c: {  	_ =	shalt  }
0x6d: {  	_ =	shalt  }
0x6e: {  	_ =	shalt  }
0x6f: {  	_ =	shalt  }
0x70: {  	_ =	shalt  }
0x71: {  	_ =	shalt  }
0x72: {  	_ =	shalt  }
0x73: {  	_ =	shalt  }
0x74: {  	_ =	shalt  }
0x75: {  	_ =	shalt  }
0x76: {  	_ =	shalt  }
0x77: {  	_ =	shalt  }
0x78: {  	_ =	shalt  }
0x79: {  	_ =	shalt  }
0x7a: {  	_ =	shalt  }
0x7b: {  	_ =	shalt  }
0x7c: {  	_ =	shalt  }
0x7d: {  	_ =	shalt  }
0x7e: {  	_ =	shalt  }
0x7f: {  	_ =	shalt  }
0x80: {  	_ =	shalt  }
0x81: {  	_ =	shalt  }
0x82: {  	_ =	shalt  }
0x83: {  	_ =	shalt  }
0x84: {  	_ =	shalt  }
0x85: {  	_ =	shalt  }
0x86: {  	_ =	shalt  }
0x87: {  	_ =	shalt  }
.Lfunc_end0:
.L_simem_size_0:
called_computation.4_lowered:
.L_overlay_start_0:
0x88: {  	s2 =	sld [smem:$0x3FD9]  }
0x89: {  	s3 =	sld [smem:$0x3FFE];
	_ =	sdelay $0x1  }
0x8a: {  	s1 =	srdreg.scid  }
0x8b: {  	s0 =	sand.u32 $0x1, s1  }
0x8c: {  	s17 =	sshll.u32 s0, $0xA;
	s2 =	sadd.s32 s3, s2  }
0x8d: {  	s2 =	sadd.s32 s2, s17  }
0x8e: {  	[smem:$0x3FBF] =	sst s2  }
0x8f: {  	_ = 	snop  }
0x90: {  	s2 =	sld [smem:$0x3FD0];
	(tm) =	ssettm $0x1  }
0x91: {  	s18 =	sld [smem:$0x3FFB];
	_ =	sdelay $0x3  }
0x92: {  	_ =	strace s18  }
0x93: {  	s3 =	sld [smem:$0x3FFC];
	_ =	sdelay $0x3  }
0x94: {  	_ =	strace s3  }
0x95: {  	s3 =	sld [smem:$0x3FFD];
	_ =	sdelay $0x3  }
0x96: {  	_ =	strace s3  }
0x97: {  	_ =	strace $0x8FFFFFFF  }
0x98: {  	s19 =	sld [smem:$0x3FDB];
	_ =	sdelay $0x1  }
0x99: {  	s4 =	simm.s32 $_scs_section_size  }
0x9a: {  	s5 =	simm.s32 $_size__tile_overlayer_lowered;
	s6 =	simm.s32 $_tile_overlayer_lowered  }
0x9b: {  	s22 =	simm.s32 $0x1BFF;
	s21 =	sshll.u32 s6, $0x1;
	s3 =	sadd.s32 s4, s19  }
0x9c: {  	s7 =	simm.s32 $0x0;
	s20 =	sshll.u32 s5, $0x1;
	s5 =	sadd.s32 s21, s3  }
0x9d: {  	[timem:s7], [sflag:s22] =	dma.local [hbm:s5], s20  }
0x9e: {  	_ =	swait.ge [sflag:s22], s20  }
0x9f: {  	s4 =	ssub.s32 $0x0, s20;
	[sflag:s22] =	ssyncset.done $0x0  }
0xa0: {  	[sflag:s22] =	ssyncadd.s32 s4;
	_ =	sdelay $0x1  }
0xa1: {  	s23 =	simm.s32 $0x1B8B  }
0xa2: {  	_ =	swait.ge [sflag:s23], $0x1  }
0xa3: {  	[sflag:s23] =	ssyncset.done $0x0  }
0xa4: {  	s25 =	simm.s32 $0x1B8E;
	s24 =	sld [smem:$0x3FFE];
	[sflag:s23] =	ssyncadd.s32 $0xFFFFFFFF  }
0xa5: {  	s26 =	simm.s32 $execute0_lowered;
	[smem:$0x3FD2] =	sst s25  }
0xa6: {  	s5 =	sshll.u32 s26, $0x1;
	_ =	strace $0x80000052;
	[dreg:$0x1] =	wrdreg $0xFFFFFFFF  }
0xa7: {  	s28 =	simm.s32 $_size_execute0_lowered;
	s3 =	sadd.s32 s3, s5;
	[dreg:$0x0] =	wrdreg $0x0  }
0xa8: {  	s5 =	sshll.u32 s28, $0x1;
	[dreg:$0x2] =	wrdreg s3  }
0xa9: {  	[dreg:$0x3] =	wrdreg s5  }
0xaa: {  	[dreg:$0x4] =	wrdreg $0xC0  }
0xab: {  	_ =	task [dreg:s7], $0x5FFFF  }
0xac: {  	[dreg:$0x1] =	wrdreg $0xFFFFFFFF  }
0xad: {  	[dreg:$0x0] =	wrdreg $0x60  }
0xae: {  	[dreg:$0x2] =	wrdreg s2  }
0xaf: {  	[dreg:$0x3] =	wrdreg s24  }
0xb0: {  	[dreg:$0x4] =	wrdreg $0x68000  }
0xb1: {  	[dreg:$0x5] =	wrdreg $0x9  }
0xb2: {  	_ =	task.clear_ibuf [dreg:s7], $0x6FFFF;
	_ =	strace $0x90000052  }
0xb3: {  	s29 =	simm.s32 $0x9;
	_ =	strace $0x80000054  }
0xb4: {  	_ =	swait.ge [sflag:s29], $0x1  }
0xb5: {  	[sflag:s29] =	ssyncadd.s32 $0xFFFFFFFF  }
0xb6: {  	_ =	strace $0x90000054  }
0xb7: {  	_ =	sfence  }
0xb8: {  	s30 =	sld [smem:$0x0];
	_ =	sdelay $0x2  }
0xb9: {  	s31 =	sshll.u32 s1, $0xD;
	s1 =	sshrl.u32 s1, $0x2  }
0xba: {  	s3 =	sand.u32 $0x4000, s31;
	s1 =	sadd.s32 s1, s30  }
0xbb: {  	s0 =	sor.u32 s3, s0;
	s1 =	sshll.u32 s1, $0x11  }
0xbc: {  	s0 =	sor.u32 s1, s0  }
0xbd: {  	s0 =	sadd.s32 $0x8F2B, s0  }
0xbe: {  	[sflag:s0] =	ssyncadd.remote.s32 $0x1  }
0xbf: {  	_ =	sfence.sel $0xFFFF  }
0xc0: {  	[dreg:$0x0] =	wrdreg $0xFFFFFFFF;
	(pc) =	sbr.abs _section_cstart, $3  }
0xc1: {  	[dreg:$0x1] =	wrdreg $0xFFFFFFFF  }
0xc2: {  	_ =	task.clear_ibuf [dreg:s7], $0x2FFFF;
	_ =	strace $0x9FFFFFFF  }
0xc3: {  	(tm) =	ssettm $0x7FFFFFFF  }
tec
execute0_lowered:
.L_overlay_start_1:
0x0: {  	(tag) =	ssettag $0x1  }
0x1: {  	s1 =	rddreg [dreg:$0x0]  }
0x2: {  	s0 =	rddreg [dreg:$0x1]  }
0x3: {  	s2 =	rddreg [dreg:$0x2];
	s13 =	simm.s32 $0x0;
	s3 =	srdreg.scid  }
0x4: {  	s12 =	stileid.u32;
	s11 =	simm.s32 $0x146600;
	s15 =	simm.s32 $0x5  }
0x5: {  	s17 =	simm.s32 $0x80;
	s18 =	simm.s32 $0x2800;
	s19 =	simm.s32 $0x3800  }
0x6: {  	s21 =	simm.s32 $0x4800;
	s22 =	simm.s32 $0x5800;
	s23 =	simm.s32 $0x1  }
0x7: {  	s24 =	simm.s32 $0x2;
	s28 =	simm.s32 $0x1380;
	s29 =	simm.s32 $0x2600  }
0x8: {  	s30 =	simm.s32 $0x2680;
	s31 =	simm.s32 $0x2700;
	[smem:$0x7FF] =	sst s13  }
0x9: {  	s5 =	sadd.s32 $0x115800, s0;
	s3 =	sand.u32 $0x1, s3;
	s6 =	sadd.s32 $0x6800, s0  }
0xa: {  	s8 =	smul.u32 $0x18700, s12;
	s7 =	sadd.s32 $0x1F800, s0;
	s9 =	sadd.s32 $0x38800, s0  }
0xb: {  	s10 =	sshll.u32 s12, $0x6;
	_ =	strace $0x80000053;
	s4 =	ssub.s32 $0x2, s3  }
0xc: {  	[dreg:$0x5] =	wrdreg s9;
	s14 =	sor.u32 $0x1C05, s10;
	p0 =	seq.s32 s3, $0x1  }
0xd: {  	s10 =	smul.u32 $0x190, s12;
	p1 =	seq.s32 s3, $0x0;
	s12 =	smov.u32 s5  }
0xe: {  	s25 =	sshrl.u32 s4, $0x1;
	s26 =	sadd.s32 s8, s2;
	s11 =	simm.s32 @!p0 $0x177400  }
0xf: {  	s8 =	sshrl.u32 s8, $0x3;
	s12 =	smov.u32 @p1 s1;
	s4 =	ssub.s32 s4, s25  }
0x10: {  	[dreg:$0x6] =	wrdreg s14;
	s0 =	sadd.s32 s11, s0;
	s4 =	smax.u32 s4, $0x1  }
0x11: {  	p0 =	sne.s32 s3, $0x0;
	s0 =	sadd.s32 s0, s8;
	[dreg:$0x7] =	wrdreg s4  }
0x12: {  	s25 =	simm.s32 $0x3;
	[dreg:$0x8] =	wrdreg s0;
	s4 =	sshrl.u32 s26, $0x3  }
0x13: {  	s26 =	simm.s32 $0x4;
	s0 =	simm.s32 $0x2780;
	[dreg:$0x9] =	wrdreg s4  }
.LBB2_1:
0x14: {  	[dreg:$0x4] =	wrdreg s13  }
0x15: {  	s3 =	rddreg [dreg:$0x5]  }
0x16: {  	[spmem:s4], [sflag:s14] =	dma.local [hbm:s3], $0x30E0  }
0x17: {  	_ =	swait.ge [sflag:s15], $0x30E0  }
0x18: {  	[sflag:s15] =	ssyncset.done $0x0  }
0x19: {  	[sflag:s15] =	ssyncadd.s32 $0xFFFFCF20  }
0x1a: {  	s4 =	simm.s32 $0x0;
	[bflag:$0x0] =	sbarrier.arrive $0xFFFF  }
.LBB2_2:
0x1b: {  	s3 =	smul.u32 $0x28, s4;
	_ =	sdelay $0x1  }
0x1c: {  	s3 =	sadd.s32 s10, s3  }
0x1d: {  	s3 =	sshll.u32 s3, $0x4  }
0x1e: {  	s9 =	simm.s32 $0x0;
	s8 =	sadd.s32 s6, s3  }
0x1f: {  	[tilespmem:s9], [sflag:$0x5] =	stream.linear.gather [hbm4b:s8+s9], $0x1400, $0x38;
	[tilespmem:$0x1EF00] =	vst v63  }
0x20: {  	_ =	swait.ge [sflag:s15], $0x1400  }
0x21: {  	[sflag:s15] =	ssyncset.done $0x0  }
0x22: {  	s20 =	simm.s32 $0x1400;
	s3 =	sadd.s32 s7, s3;
	[sflag:s15] =	ssyncadd.s32 $0xFFFFEC00  }
0x23: {  	[tilespmem:s20], [sflag:$0x5] =	stream.linear.gather [hbm4b:s3+s9], $0x1400, $0x38;
	[tilespmem:$0x1EF00] =	vst v63  }
0x24: {  	_ =	swait.ge [sflag:s15], $0x1400  }
0x25: {  	[sflag:s15] =	ssyncset.done $0x0  }
0x26: {  	[sflag:s15] =	ssyncadd.s32 $0xFFFFEC00  }
0x27: {  	[tilespmem:s18], [sflag:$0x1] =	stream.indirect.gather [hbm4b:s12+s17], $0x20, s9, s17, $0xb8;
	[tilespmem:$0x1EF00] =	vst v63  }
0x28: {  	_ = 	snop  }
0x29: {  	[tilespmem:s19], [sflag:$0x2] =	stream.indirect.gather [hbm4b:s12+s17], $0x20, s17, s17, $0xb8;
	[tilespmem:$0x1EF00] =	vst v63  }
0x2a: {  	s11 =	simm.s32 $0x100  }
0x2b: {  	[tilespmem:s21], [sflag:$0x3] =	stream.indirect.gather [hbm4b:s12+s17], $0x20, s11, s17, $0xb8;
	[tilespmem:$0x1EF00] =	vst v63  }
0x2c: {  	s13 =	simm.s32 $0x180  }
0x2d: {  	[tilespmem:s22], [sflag:$0x4] =	stream.indirect.gather [hbm4b:s12+s17], $0x20, s13, s17, $0xb8;
	[tilespmem:$0x1EF00] =	vst v63  }
0x2e: {  	_ =	swait.ge [sflag:s23], $0x1000  }
0x2f: {  	[sflag:s23] =	ssyncset.done $0x0  }
0x30: {  	s14 =	simm.s32 $0x1400;
	[sflag:s23] =	ssyncadd.s32 $0xFFFFF000  }
0x31: {  	[spmem:s2] =	stream.indirect.scatter.add.f32 [tilespmem:s18], [sflag:$0x5], $0x20, s14, s17, $0xb8;
	[tilespmem:$0x1EF00] =	vst v63  }
0x32: {  	_ =	swait.ge [sflag:s15], $0x1000  }
0x33: {  	[sflag:s15] =	ssyncset.done $0x0  }
0x34: {  	s16 =	simm.s32 $0x200;
	[sflag:s15] =	ssyncadd.s32 $0xFFFFF000  }
0x35: {  	[tilespmem:s18], [sflag:$0x1] =	stream.indirect.gather [hbm4b:s12+s17], $0x20, s16, s17, $0xb8;
	[tilespmem:$0x1EF00] =	vst v63  }
0x36: {  	_ =	swait.ge [sflag:s24], $0x1000  }
0x37: {  	[sflag:s24] =	ssyncset.done $0x0  }
0x38: {  	s20 =	simm.s32 $0x1480;
	[sflag:s24] =	ssyncadd.s32 $0xFFFFF000  }
0x39: {  	[spmem:s2] =	stream.indirect.scatter.add.f32 [tilespmem:s19], [sflag:$0x5], $0x20, s20, s17, $0xb8;
	[tilespmem:$0x1EF00] =	vst v63  }
0x3a: {  	_ =	swait.ge [sflag:s15], $0x1000  }
0x3b: {  	s3 =	simm.s32 $0x280;
	[sflag:s15] =	ssyncset.done $0x0  }
0x3c: {  	s11 =	simm.s32 @p0 $0x3800;
	s13 =	simm.s32 @p0 $0x80;
	[sflag:s15] =	ssyncadd.s32 $0xFFFFF000  }
0x3d: {  	[tilespmem:s11], [sflag:$0x2] =	stream.indirect.gather @p0 [hbm4b:s5+s13], $0x20, s3, s13, $0xb8;
	[tilespmem:$0x1EF00] =	vst v63  }
0x3e: {  	s9 =	simm.s32 @!p0 $0x80;
	s14 =	simm.s32 @!p0 $0x3800  }
0x3f: {  	[tilespmem:s14], [sflag:$0x2] =	stream.indirect.gather @!p0 [hbm4b:s1+s9], $0x20, s3, s9, $0xb8;
	[tilespmem:$0x1EF00] =	vst v63  }
0x40: {  	_ =	swait.ge [sflag:s25], $0x1000  }
0x41: {  	[sflag:s25] =	ssyncset.done $0x0  }
0x42: {  	s8 =	simm.s32 $0x1500;
	[sflag:s25] =	ssyncadd.s32 $0xFFFFF000  }
0x43: {  	[spmem:s2] =	stream.indirect.scatter.add.f32 [tilespmem:s21], [sflag:$0x5], $0x20, s8, s17, $0xb8;
	[tilespmem:$0x1EF00] =	vst v63  }
0x44: {  	_ =	swait.ge [sflag:s15], $0x1000  }
0x45: {  	[sflag:s15] =	ssyncset.done $0x0  }
0x46: {  	s16 =	simm.s32 $0x300;
	[sflag:s15] =	ssyncadd.s32 $0xFFFFF000  }
0x47: {  	[tilespmem:s21], [sflag:$0x3] =	stream.indirect.gather [hbm4b:s12+s17], $0x20, s16, s17, $0xb8;
	[tilespmem:$0x1EF00] =	vst v63  }
0x48: {  	_ =	swait.ge [sflag:s26], $0x1000  }
0x49: {  	[sflag:s26] =	ssyncset.done $0x0  }
0x4a: {  	s20 =	simm.s32 $0x1580;
	[sflag:s26] =	ssyncadd.s32 $0xFFFFF000  }
0x4b: {  	[spmem:s2] =	stream.indirect.scatter.add.f32 [tilespmem:s22], [sflag:$0x5], $0x20, s20, s17, $0xb8;
	[tilespmem:$0x1EF00] =	vst v63  }
0x4c: {  	_ =	swait.ge [sflag:s15], $0x1000  }
0x4d: {  	s3 =	simm.s32 $0x1000;
	s8 =	simm.s32 $0x200;
	[sflag:s15] =	ssyncset.done $0x0  }
.LBB2_3:
0x4e: {  	s20 =	sadd.s32 $0x180, s8  }
0x4f: {  	[sflag:s15] =	ssyncadd.s32 $0xFFFFF000;
	s16 =	smov.u32 s3;
	s3 =	sadd.s32 $0x800, s3  }
0x50: {  	[tilespmem:s22], [sflag:$0x4] =	stream.indirect.gather [hbm4b:s12+s17], $0x20, s20, s17, $0xb8;
	[tilespmem:$0x1EF00] =	vst v63  }
0x51: {  	p1 =	sne.s32 s3, $0x4800;
	_ =	swait.ge [sflag:s23], $0x1000  }
0x52: {  	[sflag:s23] =	ssyncset.done $0x0  }
0x53: {  	s20 =	sadd.s32 $0x1400, s8;
	[sflag:s23] =	ssyncadd.s32 $0xFFFFF000  }
0x54: {  	[spmem:s2] =	stream.indirect.scatter.add.f32 [tilespmem:s18], [sflag:$0x5], $0x20, s20, s17, $0xb8;
	[tilespmem:$0x1EF00] =	vst v63  }
0x55: {  	_ =	swait.ge [sflag:s15], $0x1000  }
0x56: {  	[sflag:s15] =	ssyncset.done $0x0  }
0x57: {  	s20 =	sadd.s32 $0x200, s8;
	[sflag:s15] =	ssyncadd.s32 $0xFFFFF000  }
0x58: {  	[tilespmem:s18], [sflag:$0x1] =	stream.indirect.gather [hbm4b:s12+s17], $0x20, s20, s17, $0xb8;
	[tilespmem:$0x1EF00] =	vst v63  }
0x59: {  	_ =	swait.ge [sflag:s24], $0x1000  }
0x5a: {  	[sflag:s24] =	ssyncset.done $0x0  }
0x5b: {  	s20 =	sadd.s32 $0x1480, s8;
	[sflag:s24] =	ssyncadd.s32 $0xFFFFF000  }
0x5c: {  	[spmem:s2] =	stream.indirect.scatter.add.f32 [tilespmem:s19], [sflag:$0x5], $0x20, s20, s17, $0xb8;
	[tilespmem:$0x1EF00] =	vst v63  }
0x5d: {  	_ =	swait.ge [sflag:s15], $0x1000  }
0x5e: {  	[sflag:s15] =	ssyncset.done $0x0  }
0x5f: {  	s20 =	sadd.s32 $0x280, s8;
	[sflag:s15] =	ssyncadd.s32 $0xFFFFF000  }
0x60: {  	[tilespmem:s11], [sflag:$0x2] =	stream.indirect.gather @p0 [hbm4b:s5+s13], $0x20, s20, s13, $0xb8;
	[tilespmem:$0x1EF00] =	vst v63  }
0x61: {  	_ = 	snop  }
0x62: {  	[tilespmem:s14], [sflag:$0x2] =	stream.indirect.gather @!p0 [hbm4b:s1+s9], $0x20, s20, s9, $0xb8;
	[tilespmem:$0x1EF00] =	vst v63  }
0x63: {  	_ =	swait.ge [sflag:s25], $0x1000  }
0x64: {  	[sflag:s25] =	ssyncset.done $0x0  }
0x65: {  	s20 =	sadd.s32 $0x1500, s8;
	[sflag:s25] =	ssyncadd.s32 $0xFFFFF000  }
0x66: {  	[spmem:s2] =	stream.indirect.scatter.add.f32 [tilespmem:s21], [sflag:$0x5], $0x20, s20, s17, $0xb8;
	[tilespmem:$0x1EF00] =	vst v63  }
0x67: {  	_ =	swait.ge [sflag:s15], $0x1000  }
0x68: {  	[sflag:s15] =	ssyncset.done $0x0  }
0x69: {  	s20 =	sadd.s32 $0x300, s8;
	[sflag:s15] =	ssyncadd.s32 $0xFFFFF000  }
0x6a: {  	[tilespmem:s21], [sflag:$0x3] =	stream.indirect.gather [hbm4b:s12+s17], $0x20, s20, s17, $0xb8;
	[tilespmem:$0x1EF00] =	vst v63  }
0x6b: {  	_ =	swait.ge [sflag:s26], $0x1000  }
.Ltmp0:
0x6c: {  	[sflag:s26] =	ssyncset.done $0x0;
	(pc) =	sbr.rel @p1 .LBB2_3-.Ltmp0, $4  }
0x6d: {  	s8 =	sadd.s32 $0x1580, s8;
	[sflag:s26] =	ssyncadd.s32 $0xFFFFF000  }
0x6e: {  	[spmem:s2] =	stream.indirect.scatter.add.f32 [tilespmem:s22], [sflag:$0x5], $0x20, s8, s17, $0xb8;
	[tilespmem:$0x1EF00] =	vst v63  }
0x6f: {  	_ =	swait.ge [sflag:s15], $0x1000  }
0x70: {  	s8 =	sshra.s32 s16, $0x2;
	[sflag:s15] =	ssyncset.done $0x0  }
0x71: {  	s3 =	sadd.s32 $0x180, s8;
	[sflag:s15] =	ssyncadd.s32 $0xFFFFF000  }
0x72: {  	[tilespmem:s22], [sflag:$0x4] =	stream.indirect.gather [hbm4b:s12+s17], $0x20, s3, s17, $0xb8;
	[tilespmem:$0x1EF00] =	vst v63  }
0x73: {  	_ =	swait.ge [sflag:s23], $0x1000  }
0x74: {  	[sflag:s23] =	ssyncset.done $0x0  }
0x75: {  	s9 =	sadd.s32 $0x1400, s8;
	[sflag:s23] =	ssyncadd.s32 $0xFFFFF000  }
0x76: {  	[spmem:s2] =	stream.indirect.scatter.add.f32 [tilespmem:s18], [sflag:$0x5], $0x20, s9, s17, $0xb8;
	[tilespmem:$0x1EF00] =	vst v63  }
0x77: {  	_ =	swait.ge [sflag:s15], $0x1000  }
0x78: {  	[sflag:s15] =	ssyncset.done $0x0  }
0x79: {  	s11 =	sadd.s32 $0x200, s8;
	[sflag:s15] =	ssyncadd.s32 $0xFFFFF000  }
0x7a: {  	[tilespmem:s18], [sflag:$0x1] =	stream.indirect.gather [hbm4b:s12+s17], $0x20, s11, s17, $0xb8;
	[tilespmem:$0x1EF00] =	vst v63  }
0x7b: {  	_ =	swait.ge [sflag:s24], $0x1000  }
0x7c: {  	[sflag:s24] =	ssyncset.done $0x0  }
0x7d: {  	s13 =	sadd.s32 $0x1480, s8;
	[sflag:s24] =	ssyncadd.s32 $0xFFFFF000  }
0x7e: {  	[spmem:s2] =	stream.indirect.scatter.add.f32 [tilespmem:s19], [sflag:$0x5], $0x20, s13, s17, $0xb8;
	[tilespmem:$0x1EF00] =	vst v63  }
0x7f: {  	_ =	swait.ge [sflag:s15], $0x1000  }
0x80: {  	s3 =	simm.s32 @p0 $0x3800;
	[sflag:s15] =	ssyncset.done $0x0  }
0x81: {  	s9 =	sadd.s32 $0x280, s8;
	s11 =	simm.s32 @p0 $0x80;
	[sflag:s15] =	ssyncadd.s32 $0xFFFFF000  }
0x82: {  	[tilespmem:s3], [sflag:$0x2] =	stream.indirect.gather @p0 [hbm4b:s5+s11], $0x20, s9, s11, $0xb8;
	[tilespmem:$0x1EF00] =	vst v63  }
0x83: {  	s3 =	simm.s32 @!p0 $0x80;
	s11 =	simm.s32 @!p0 $0x3800  }
0x84: {  	[tilespmem:s11], [sflag:$0x2] =	stream.indirect.gather @!p0 [hbm4b:s1+s3], $0x20, s9, s3, $0xb8;
	[tilespmem:$0x1EF00] =	vst v63  }
0x85: {  	_ =	swait.ge [sflag:s25], $0x1000  }
0x86: {  	[sflag:s25] =	ssyncset.done $0x0  }
0x87: {  	s14 =	sadd.s32 $0x1500, s8;
	[sflag:s25] =	ssyncadd.s32 $0xFFFFF000  }
0x88: {  	[spmem:s2] =	stream.indirect.scatter.add.f32 [tilespmem:s21], [sflag:$0x5], $0x20, s14, s17, $0xb8;
	[tilespmem:$0x1EF00] =	vst v63  }
0x89: {  	_ =	swait.ge [sflag:s15], $0x1000  }
0x8a: {  	[sflag:s15] =	ssyncset.done $0x0  }
0x8b: {  	s16 =	sadd.s32 $0x300, s8;
	[sflag:s15] =	ssyncadd.s32 $0xFFFFF000  }
0x8c: {  	[tilespmem:s21], [sflag:$0x3] =	stream.indirect.gather [hbm4b:s12+s17], $0x20, s16, s17, $0xb8;
	[tilespmem:$0x1EF00] =	vst v63  }
0x8d: {  	_ =	swait.ge [sflag:s26], $0x1000  }
0x8e: {  	[sflag:s26] =	ssyncset.done $0x0  }
0x8f: {  	s20 =	sadd.s32 $0x1580, s8;
	[sflag:s26] =	ssyncadd.s32 $0xFFFFF000  }
0x90: {  	[spmem:s2] =	stream.indirect.scatter.add.f32 [tilespmem:s22], [sflag:$0x5], $0x20, s20, s17, $0xb8;
	[tilespmem:$0x1EF00] =	vst v63  }
0x91: {  	_ =	swait.ge [sflag:s15], $0x1000  }
0x92: {  	[sflag:s15] =	ssyncset.done $0x0  }
0x93: {  	[sflag:s15] =	ssyncadd.s32 $0xFFFFF000  }
0x94: {  	[tilespmem:s22], [sflag:$0x4] =	stream.indirect.gather [hbm4b:s12+s17], $0x20, s28, s17, $0xb8;
	[tilespmem:$0x1EF00] =	vst v63  }
0x95: {  	_ =	swait.ge [sflag:s23], $0x1000  }
0x96: {  	[sflag:s23] =	ssyncset.done $0x0  }
0x97: {  	[sflag:s23] =	ssyncadd.s32 $0xFFFFF000  }
0x98: {  	[spmem:s2] =	stream.indirect.scatter.add.f32 [tilespmem:s18], [sflag:$0x5], $0x20, s29, s17, $0xb8;
	[tilespmem:$0x1EF00] =	vst v63  }
0x99: {  	_ =	swait.ge [sflag:s15], $0x1000  }
0x9a: {  	[sflag:s15] =	ssyncset.done $0x0  }
0x9b: {  	[sflag:s15] =	ssyncadd.s32 $0xFFFFF000  }
0x9c: {  	_ =	swait.ge [sflag:s24], $0x1000  }
0x9d: {  	[sflag:s24] =	ssyncset.done $0x0  }
0x9e: {  	[sflag:s24] =	ssyncadd.s32 $0xFFFFF000  }
0x9f: {  	[spmem:s2] =	stream.indirect.scatter.add.f32 [tilespmem:s19], [sflag:$0x5], $0x20, s30, s17, $0xb8;
	[tilespmem:$0x1EF00] =	vst v63  }
0xa0: {  	_ =	swait.ge [sflag:s15], $0x1000  }
0xa1: {  	[sflag:s15] =	ssyncset.done $0x0  }
0xa2: {  	[sflag:s15] =	ssyncadd.s32 $0xFFFFF000  }
0xa3: {  	_ =	swait.ge [sflag:s25], $0x1000  }
0xa4: {  	[sflag:s25] =	ssyncset.done $0x0  }
0xa5: {  	[sflag:s25] =	ssyncadd.s32 $0xFFFFF000  }
0xa6: {  	[spmem:s2] =	stream.indirect.scatter.add.f32 [tilespmem:s21], [sflag:$0x5], $0x20, s31, s17, $0xb8;
	[tilespmem:$0x1EF00] =	vst v63  }
0xa7: {  	_ =	swait.ge [sflag:s15], $0x1000  }
0xa8: {  	[sflag:s15] =	ssyncset.done $0x0  }
0xa9: {  	[sflag:s15] =	ssyncadd.s32 $0xFFFFF000  }
0xaa: {  	s4 =	sadd.s32 $0x1, s4;
	_ =	swait.ge [sflag:s26], $0x1000  }
0xab: {  	p1 =	sne.s32 s4, $0xA;
	[sflag:s26] =	ssyncset.done $0x0  }
.Ltmp1:
0xac: {  	[sflag:s26] =	ssyncadd.s32 $0xFFFFF000;
	(pc) =	sbr.rel @p1 .LBB2_2-.Ltmp1, $4  }
0xad: {  	[spmem:s2] =	stream.indirect.scatter.add.f32 [tilespmem:s22], [sflag:$0x5], $0x20, s0, s17, $0xb8;
	[tilespmem:$0x1EF00] =	vst v63  }
0xae: {  	_ =	swait.ge [sflag:s15], $0x1000  }
0xaf: {  	[sflag:s15] =	ssyncset.done $0x0  }
0xb0: {  	[sflag:s15] =	ssyncadd.s32 $0xFFFFF000  }
0xb1: {  	[bflag:$0x0] =	sbarrier.arrive $0xFFFF  }
0xb2: {  	s14 =	rddreg [dreg:$0x6]  }
0xb3: {  	s3 =	rddreg [dreg:$0x8]  }
0xb4: {  	s4 =	rddreg [dreg:$0x9]  }
0xb5: {  	[hbm:s3], [sflag:s14] =	dma.local [spmem:s4], $0x30E0  }
0xb6: {  	_ =	swait.ge [sflag:s15], $0x30E0  }
0xb7: {  	s13 =	rddreg [dreg:$0x4]  }
0xb8: {  	s20 =	rddreg [dreg:$0x7];
	s13 =	sadd.s32 $0x1, s13  }
0xb9: {  	p1 =	sne.s32 s13, s20  }
.Ltmp2:
0xba: {  	_ = 	snop;
	(pc) =	sbr.rel @p1 .LBB2_1-.Ltmp2, $3  }
0xbb: {  	_ =	sdelay $0x1  }
0xbc: {  	[sflag:s15] =	ssyncset.done $0x0  }
0xbd: {  	[sflag:s15] =	ssyncadd.s32 $0xFFFFCF20  }
0xbe: {  	_ =	sfence.sel $0x180000  }
0xbf: {  	[bflag:$0x0] =	sbarrier.arrive $0xFFFF  }
0xc0: {  	_ =	strace $0x90000053  }
0xc1: {  	s0 =	stileid.u32;
	[bflag:$0x2] =	sbarrier.arrive $0xFFFF  }
0xc2: {  	p0 =	sne.s32 s0, $0x0;
	s0 =	rddreg [dreg:$0x3]  }
0xc3: {  	s0 =	sadd.s32 @!p0 $0x100000, s0  }
0xc4: {  	[sflag:s0] =	ssyncadd.tile.s32 @!p0 $0x1;
	_ =	shalt  }
.Lfunc_end2:
_tile_overlayer_lowered:
.L_overlay_start_2:
0xc5: {  	(tag) =	ssettag $0x2  }
0xc6: {  	s0 =	rddreg [dreg:$0x0];
	s2 =	stileid.u32  }
0xc7: {  	s1 =	rddreg [dreg:$0x1];
	p0 =	sne.s32 s2, $0x0  }
0xc8: {  	s3 =	rddreg [dreg:$0x2];
	[bflag:$0x3] =	sbarrier.arrive $0xFFFF;
	s2 =	simm.s32 @!p0 $0x1C05  }
0xc9: {  	[timem:s3], [sflag:s2] =	dma.local @!p0 [hbm:s0], s1  }
0xca: {  	s0 =	simm.s32 @!p0 $0x5  }
0xcb: {  	_ =	swait.ge @!p0 [sflag:s0], s1  }
0xcc: {  	s1 =	ssub.s32 @!p0 $0x0, s1;
	[sflag:s0] =	ssyncset.done @!p0 $0x0  }
0xcd: {  	[sflag:s0] =	ssyncadd.s32 @!p0 s1  }
0xce: {  	[bflag:$0x3] =	sbarrier.arrive $0xFFFF  }
0xcf: {  	_ =	shalt  }

// kernel: kernel.30.cloned.1.call-start
scs
__scs_entry_jumppad:
0x0: {  	(pc) =	sbr.rel $0x88, $3  }
0x1: {  	(tag) =	ssettag $0x0;
	lr =	simm.s32 $0x1  }
0x2: {  	[smem:$0x3F98] =	sst lr;
	_ =	strace $0xD0000000  }
0x3: {  	_ = 	snop  }
0x4: {  	_ = 	snop  }
0x5: {  	_ = 	snop  }
0x6: {  	_ = 	snop  }
0x7: {  	_ = 	snop  }
__scs_overlays_trampoline_lowered:
0x8: {  	[smem:$0x3FA7] =	sst s0  }
0x9: {  	[smem:$0x3FA8] =	sst s1  }
0xa: {  	[smem:$0x3FA9] =	sst s2  }
0xb: {  	[smem:$0x3FAA] =	sst s3  }
0xc: {  	[smem:$0x3FAB] =	sst s4  }
0xd: {  	[smem:$0x3FAC] =	sst s5  }
0xe: {  	[smem:$0x3FAD] =	sst s6  }
0xf: {  	[smem:$0x3FAE] =	sst s7  }
0x10: {  	[smem:$0x3FAF] =	sst s8  }
0x11: {  	[smem:$0x3FB0] =	sst s9;
	s0 =	simm.s32 @!p0 $0x0  }
0x12: {  	s1 =	sld [smem:$0x3F96];
	s0 =	simm.s32 @p0 $0x1  }
0x13: {  	[smem:$0x3FB1] =	sst s0;
	s0 =	simm.s32 @!p1 $0x0  }
0x14: {  	s2 =	sld [smem:$0x3F95];
	s0 =	simm.s32 @p1 $0x1  }
0x15: {  	[smem:$0x3FB2] =	sst s0;
	s0 =	simm.s32 @!p2 $0x0  }
0x16: {  	s3 =	sld [smem:$0x3FDB];
	s0 =	simm.s32 @p2 $0x1  }
0x17: {  	s4 =	simm.s32 $0x1BF5;
	[smem:$0x3FB4] =	sst s0  }
0x18: {  	s0 =	sld [smem:$0x3F97];
	_ =	swait.ge [sflag:s4], $0x0  }
0x19: {  	s7 =	sld [smem:$0x3F98]  }
0x1a: {  	s8 =	sadd.s32 $0xFFFFE003, lr  }
0x1b: {  	s9 =	sadd.s32 $0xFFFFFEF7, lr;
	s5 =	simm.s32 $0xFFFFFFFF;
	p2 =	slt.u32 s8, $0xFFFFF086  }
0x1c: {  	p1 =	slt.u32 s9, $0xF7A;
	s5 =	simm.s32 @!p2 $0x0  }
0x1d: {  	s5 =	simm.s32 @p1 $0x1;
	p0 =	seq.s32 s7, s2  }
0x1e: {  	s7 =	smul.u32 @!p0 $0xF7A, s2;
	p2 =	seq.s32 @!p0 s5, $0x0  }
0x1f: {  	s9 =	smul.u32 $0xF7A, s1;
	s8 =	simm.s32 @!p0 $0x1BF5;
	p2 =	por !p2, p0  }
0x20: {  	[sflag:s8] =	ssyncset.s32 @!p0 $0xFFFFF086;
	s6 =	sadd.s32 @!p0 s3, s7;
	s7 =	simm.s32 @!p0 $0x108  }
0x21: {  	s3 =	sadd.s32 s3, s9;
	s6 =	sadd.s32 @!p0 $0x88, s6;
	s7 =	simm.s32 @p2 $0x1082  }
0x22: {  	[simem:s7], [sflag:s8] =	dma.local @!p0 [hbm:s6], $0xF7A  }
0x23: {  	s9 =	sor.u32 $0xD0000000, s2;
	s6 =	simm.s32 $0x108;
	_ =	swait.ge @!p0 [sflag:s8], $0x0  }
0x24: {  	s3 =	sadd.s32 $0x88, s3;
	s6 =	simm.s32 @!p1 $0x1082;
	[sflag:s4] =	ssyncset.s32 $0xFFFFF086  }
0x25: {  	[simem:s6], [sflag:s4] =	dma.local [hbm:s3], $0xF7A  }
0x26: {  	[smem:$0x3F98] =	sst s1;
	(tag) =	ssettag s2;
	_ =	strace s9  }
0x27: {  	s1 =	sld [smem:$0x3FA8]  }
0x28: {  	s2 =	sld [smem:$0x3FA9]  }
0x29: {  	s4 =	sld [smem:$0x3FAB]  }
0x2a: {  	p0 =	seq.s32 s5, $0x0;
	s5 =	sld [smem:$0x3FAC]  }
0x2b: {  	s6 =	sld [smem:$0x3FAD]  }
0x2c: {  	s7 =	sld [smem:$0x3FAE]  }
0x2d: {  	s3 =	simm.s32 $0x108;
	s8 =	sld [smem:$0x3FAF]  }
0x2e: {  	s3 =	simm.s32 @!p0 $0x1082;
	s9 =	sld [smem:$0x3FB0]  }
0x2f: {  	lr =	sadd.s32 s0, s3;
	s0 =	sld [smem:$0x3FA7]  }
0x30: {  	s3 =	sld [smem:$0x3FAA]  }
0x31: {  	[smem:$0x3FB3] =	sst s10  }
0x32: {  	s10 =	sld [smem:$0x3FB1];
	_ =	sdelay $0x3  }
0x33: {  	p0 =	seq.s32 s10, $0x1;
	s10 =	sld [smem:$0x3FB3];
	_ =	sdelay $0x3  }
0x34: {  	[smem:$0x3FB3] =	sst s10  }
0x35: {  	s10 =	sld [smem:$0x3FB2];
	_ =	sdelay $0x3  }
0x36: {  	p1 =	seq.s32 s10, $0x1;
	s10 =	sld [smem:$0x3FB3];
	_ =	sdelay $0x3  }
0x37: {  	[smem:$0x3FB3] =	sst s10  }
0x38: {  	s10 =	sld [smem:$0x3FB4]  }
0x39: {  	_ = 	snop;
	(pc) =	sbr.ind lr, $3  }
0x3a: {  	_ = 	snop  }
0x3b: {  	_ = 	snop  }
0x3c: {  	p2 =	seq.s32 s10, $0x1;
	s10 =	sld [smem:$0x3FB3]  }
0x3d: {  	_ =	shalt  }
0x3e: {  	_ =	shalt  }
0x3f: {  	_ =	shalt  }
0x40: {  	_ =	shalt  }
0x41: {  	_ =	shalt  }
0x42: {  	_ =	shalt  }
0x43: {  	_ =	shalt  }
0x44: {  	_ =	shalt  }
0x45: {  	_ =	shalt  }
0x46: {  	_ =	shalt  }
0x47: {  	_ =	shalt  }
0x48: {  	_ =	shalt  }
0x49: {  	_ =	shalt  }
0x4a: {  	_ =	shalt  }
0x4b: {  	_ =	shalt  }
0x4c: {  	_ =	shalt  }
0x4d: {  	_ =	shalt  }
0x4e: {  	_ =	shalt  }
0x4f: {  	_ =	shalt  }
0x50: {  	_ =	shalt  }
0x51: {  	_ =	shalt  }
0x52: {  	_ =	shalt  }
0x53: {  	_ =	shalt  }
0x54: {  	_ =	shalt  }
0x55: {  	_ =	shalt  }
0x56: {  	_ =	shalt  }
0x57: {  	_ =	shalt  }
0x58: {  	_ =	shalt  }
0x59: {  	_ =	shalt  }
0x5a: {  	_ =	shalt  }
0x5b: {  	_ =	shalt  }
0x5c: {  	_ =	shalt  }
0x5d: {  	_ =	shalt  }
0x5e: {  	_ =	shalt  }
0x5f: {  	_ =	shalt  }
0x60: {  	_ =	shalt  }
0x61: {  	_ =	shalt  }
0x62: {  	_ =	shalt  }
0x63: {  	_ =	shalt  }
0x64: {  	_ =	shalt  }
0x65: {  	_ =	shalt  }
0x66: {  	_ =	shalt  }
0x67: {  	_ =	shalt  }
0x68: {  	_ =	shalt  }
0x69: {  	_ =	shalt  }
0x6a: {  	_ =	shalt  }
0x6b: {  	_ =	shalt  }
0x6c: {  	_ =	shalt  }
0x6d: {  	_ =	shalt  }
0x6e: {  	_ =	shalt  }
0x6f: {  	_ =	shalt  }
0x70: {  	_ =	shalt  }
0x71: {  	_ =	shalt  }
0x72: {  	_ =	shalt  }
0x73: {  	_ =	shalt  }
0x74: {  	_ =	shalt  }
0x75: {  	_ =	shalt  }
0x76: {  	_ =	shalt  }
0x77: {  	_ =	shalt  }
0x78: {  	_ =	shalt  }
0x79: {  	_ =	shalt  }
0x7a: {  	_ =	shalt  }
0x7b: {  	_ =	shalt  }
0x7c: {  	_ =	shalt  }
0x7d: {  	_ =	shalt  }
0x7e: {  	_ =	shalt  }
0x7f: {  	_ =	shalt  }
0x80: {  	_ =	shalt  }
0x81: {  	_ =	shalt  }
0x82: {  	_ =	shalt  }
0x83: {  	_ =	shalt  }
0x84: {  	_ =	shalt  }
0x85: {  	_ =	shalt  }
0x86: {  	_ =	shalt  }
0x87: {  	_ =	shalt  }
.Lfunc_end0:
.L_simem_size_0:
called_computation.5_lowered:
.L_overlay_start_0:
0x88: {  	s2 =	sld [smem:$0x3FD9]  }
0x89: {  	s3 =	sld [smem:$0x3FFE];
	_ =	sdelay $0x1  }
0x8a: {  	s1 =	srdreg.scid  }
0x8b: {  	s0 =	sand.u32 $0x1, s1  }
0x8c: {  	s17 =	sshll.u32 s0, $0xA;
	s2 =	sadd.s32 s3, s2  }
0x8d: {  	s2 =	sadd.s32 s2, s17  }
0x8e: {  	[smem:$0x3FBF] =	sst s2  }
0x8f: {  	_ = 	snop  }
0x90: {  	s2 =	sld [smem:$0x3FD0];
	(tm) =	ssettm $0x1  }
0x91: {  	s18 =	sld [smem:$0x3FFB];
	_ =	sdelay $0x3  }
0x92: {  	_ =	strace s18  }
0x93: {  	s3 =	sld [smem:$0x3FFC];
	_ =	sdelay $0x3  }
0x94: {  	_ =	strace s3  }
0x95: {  	s3 =	sld [smem:$0x3FFD];
	_ =	sdelay $0x3  }
0x96: {  	_ =	strace s3  }
0x97: {  	_ =	strace $0x8FFFFFFF  }
0x98: {  	s19 =	sld [smem:$0x3FDB];
	_ =	sdelay $0x1  }
0x99: {  	s4 =	simm.s32 $_scs_section_size  }
0x9a: {  	s5 =	simm.s32 $_size__tile_overlayer_lowered;
	s6 =	simm.s32 $_tile_overlayer_lowered  }
0x9b: {  	s22 =	simm.s32 $0x1BFF;
	s21 =	sshll.u32 s6, $0x1;
	s3 =	sadd.s32 s4, s19  }
0x9c: {  	s7 =	simm.s32 $0x0;
	s20 =	sshll.u32 s5, $0x1;
	s5 =	sadd.s32 s21, s3  }
0x9d: {  	[timem:s7], [sflag:s22] =	dma.local [hbm:s5], s20  }
0x9e: {  	_ =	swait.ge [sflag:s22], s20  }
0x9f: {  	s4 =	ssub.s32 $0x0, s20;
	[sflag:s22] =	ssyncset.done $0x0  }
0xa0: {  	[sflag:s22] =	ssyncadd.s32 s4;
	_ =	sdelay $0x1  }
0xa1: {  	s23 =	simm.s32 $0x1B8B  }
0xa2: {  	_ =	swait.ge [sflag:s23], $0x1  }
0xa3: {  	[sflag:s23] =	ssyncset.done $0x0  }
0xa4: {  	s25 =	simm.s32 $0x1B8E;
	s24 =	sld [smem:$0x3FFE];
	[sflag:s23] =	ssyncadd.s32 $0xFFFFFFFF  }
0xa5: {  	s26 =	simm.s32 $execute0_lowered;
	[smem:$0x3FD2] =	sst s25  }
0xa6: {  	s5 =	sshll.u32 s26, $0x1;
	_ =	strace $0x80000055;
	[dreg:$0x1] =	wrdreg $0xFFFFFFFF  }
0xa7: {  	s28 =	simm.s32 $_size_execute0_lowered;
	s3 =	sadd.s32 s3, s5;
	[dreg:$0x0] =	wrdreg $0x0  }
0xa8: {  	s5 =	sshll.u32 s28, $0x1;
	[dreg:$0x2] =	wrdreg s3  }
0xa9: {  	[dreg:$0x3] =	wrdreg s5  }
0xaa: {  	[dreg:$0x4] =	wrdreg $0xC0  }
0xab: {  	_ =	task [dreg:s7], $0x5FFFF  }
0xac: {  	[dreg:$0x1] =	wrdreg $0xFFFFFFFF  }
0xad: {  	[dreg:$0x0] =	wrdreg $0x60  }
0xae: {  	[dreg:$0x2] =	wrdreg s2  }
0xaf: {  	[dreg:$0x3] =	wrdreg s24  }
0xb0: {  	[dreg:$0x4] =	wrdreg $0x68000  }
0xb1: {  	[dreg:$0x5] =	wrdreg $0x9  }
0xb2: {  	_ =	task.clear_ibuf [dreg:s7], $0x6FFFF;
	_ =	strace $0x90000055  }
0xb3: {  	s29 =	simm.s32 $0x9;
	_ =	strace $0x80000057  }
0xb4: {  	_ =	swait.ge [sflag:s29], $0x1  }
0xb5: {  	[sflag:s29] =	ssyncadd.s32 $0xFFFFFFFF  }
0xb6: {  	_ =	strace $0x90000057  }
0xb7: {  	_ =	sfence  }
0xb8: {  	s30 =	sld [smem:$0x0];
	_ =	sdelay $0x2  }
0xb9: {  	s31 =	sshll.u32 s1, $0xD;
	s1 =	sshrl.u32 s1, $0x2  }
0xba: {  	s3 =	sand.u32 $0x4000, s31;
	s1 =	sadd.s32 s1, s30  }
0xbb: {  	s0 =	sor.u32 s3, s0;
	s1 =	sshll.u32 s1, $0x11  }
0xbc: {  	s0 =	sor.u32 s1, s0  }
0xbd: {  	s0 =	sadd.s32 $0x8F2B, s0  }
0xbe: {  	[sflag:s0] =	ssyncadd.remote.s32 $0x1  }
0xbf: {  	_ =	sfence.sel $0xFFFF  }
0xc0: {  	[dreg:$0x0] =	wrdreg $0xFFFFFFFF;
	(pc) =	sbr.abs _section_cstart, $3  }
0xc1: {  	[dreg:$0x1] =	wrdreg $0xFFFFFFFF  }
0xc2: {  	_ =	task.clear_ibuf [dreg:s7], $0x2FFFF;
	_ =	strace $0x9FFFFFFF  }
0xc3: {  	(tm) =	ssettm $0x7FFFFFFF  }
tec
execute0_lowered:
.L_overlay_start_1:
0x0: {  	(tag) =	ssettag $0x1  }
0x1: {  	s1 =	rddreg [dreg:$0x0]  }
0x2: {  	s0 =	rddreg [dreg:$0x1]  }
0x3: {  	s2 =	rddreg [dreg:$0x2];
	s13 =	simm.s32 $0x0;
	s3 =	srdreg.scid  }
0x4: {  	s12 =	stileid.u32;
	s11 =	simm.s32 $0x146600;
	s15 =	simm.s32 $0x5  }
0x5: {  	s17 =	simm.s32 $0x80;
	s18 =	simm.s32 $0x2800;
	s19 =	simm.s32 $0x3800  }
0x6: {  	s21 =	simm.s32 $0x4800;
	s22 =	simm.s32 $0x5800;
	s23 =	simm.s32 $0x1  }
0x7: {  	s24 =	simm.s32 $0x2;
	s28 =	simm.s32 $0x1380;
	s29 =	simm.s32 $0x2600  }
0x8: {  	s30 =	simm.s32 $0x2680;
	s31 =	simm.s32 $0x2700;
	[smem:$0x7FF] =	sst s13  }
0x9: {  	s5 =	sadd.s32 $0x115800, s0;
	s3 =	sand.u32 $0x1, s3;
	s6 =	sadd.s32 $0x6800, s0  }
0xa: {  	s8 =	smul.u32 $0x18700, s12;
	s7 =	sadd.s32 $0x1F800, s0;
	s9 =	sadd.s32 $0x38800, s0  }
0xb: {  	s10 =	sshll.u32 s12, $0x6;
	_ =	strace $0x80000056;
	s4 =	ssub.s32 $0x2, s3  }
0xc: {  	[dreg:$0x5] =	wrdreg s9;
	s14 =	sor.u32 $0x1C05, s10;
	p0 =	seq.s32 s3, $0x1  }
0xd: {  	s10 =	smul.u32 $0x190, s12;
	p1 =	seq.s32 s3, $0x0;
	s12 =	smov.u32 s5  }
0xe: {  	s25 =	sshrl.u32 s4, $0x1;
	s26 =	sadd.s32 s8, s2;
	s11 =	simm.s32 @!p0 $0x177400  }
0xf: {  	s8 =	sshrl.u32 s8, $0x3;
	s12 =	smov.u32 @p1 s1;
	s4 =	ssub.s32 s4, s25  }
0x10: {  	[dreg:$0x6] =	wrdreg s14;
	s0 =	sadd.s32 s11, s0;
	s4 =	smax.u32 s4, $0x1  }
0x11: {  	p0 =	sne.s32 s3, $0x0;
	s0 =	sadd.s32 s0, s8;
	[dreg:$0x7] =	wrdreg s4  }
0x12: {  	s25 =	simm.s32 $0x3;
	[dreg:$0x8] =	wrdreg s0;
	s4 =	sshrl.u32 s26, $0x3  }
0x13: {  	s26 =	simm.s32 $0x4;
	s0 =	simm.s32 $0x2780;
	[dreg:$0x9] =	wrdreg s4  }
.LBB2_1:
0x14: {  	[dreg:$0x4] =	wrdreg s13  }
0x15: {  	s3 =	rddreg [dreg:$0x5]  }
0x16: {  	[spmem:s4], [sflag:s14] =	dma.local [hbm:s3], $0x30E0  }
0x17: {  	_ =	swait.ge [sflag:s15], $0x30E0  }
0x18: {  	[sflag:s15] =	ssyncset.done $0x0  }
0x19: {  	[sflag:s15] =	ssyncadd.s32 $0xFFFFCF20  }
0x1a: {  	s4 =	simm.s32 $0x0;
	[bflag:$0x0] =	sbarrier.arrive $0xFFFF  }
.LBB2_2:
0x1b: {  	s3 =	smul.u32 $0x28, s4;
	_ =	sdelay $0x1  }
0x1c: {  	s3 =	sadd.s32 s10, s3  }
0x1d: {  	s3 =	sshll.u32 s3, $0x4  }
0x1e: {  	s9 =	simm.s32 $0x0;
	s8 =	sadd.s32 s6, s3  }
0x1f: {  	[tilespmem:s9], [sflag:$0x5] =	stream.linear.gather [hbm4b:s8+s9], $0x1400, $0x38;
	[tilespmem:$0x1EF00] =	vst v63  }
0x20: {  	_ =	swait.ge [sflag:s15], $0x1400  }
0x21: {  	[sflag:s15] =	ssyncset.done $0x0  }
0x22: {  	s20 =	simm.s32 $0x1400;
	s3 =	sadd.s32 s7, s3;
	[sflag:s15] =	ssyncadd.s32 $0xFFFFEC00  }
0x23: {  	[tilespmem:s20], [sflag:$0x5] =	stream.linear.gather [hbm4b:s3+s9], $0x1400, $0x38;
	[tilespmem:$0x1EF00] =	vst v63  }
0x24: {  	_ =	swait.ge [sflag:s15], $0x1400  }
0x25: {  	[sflag:s15] =	ssyncset.done $0x0  }
0x26: {  	[sflag:s15] =	ssyncadd.s32 $0xFFFFEC00  }
0x27: {  	[tilespmem:s18], [sflag:$0x1] =	stream.indirect.gather [hbm4b:s12+s17], $0x20, s9, s17, $0xb8;
	[tilespmem:$0x1EF00] =	vst v63  }
0x28: {  	_ = 	snop  }
0x29: {  	[tilespmem:s19], [sflag:$0x2] =	stream.indirect.gather [hbm4b:s12+s17], $0x20, s17, s17, $0xb8;
	[tilespmem:$0x1EF00] =	vst v63  }
0x2a: {  	s11 =	simm.s32 $0x100  }
0x2b: {  	[tilespmem:s21], [sflag:$0x3] =	stream.indirect.gather [hbm4b:s12+s17], $0x20, s11, s17, $0xb8;
	[tilespmem:$0x1EF00] =	vst v63  }
0x2c: {  	s13 =	simm.s32 $0x180  }
0x2d: {  	[tilespmem:s22], [sflag:$0x4] =	stream.indirect.gather [hbm4b:s12+s17], $0x20, s13, s17, $0xb8;
	[tilespmem:$0x1EF00] =	vst v63  }
0x2e: {  	_ =	swait.ge [sflag:s23], $0x1000  }
0x2f: {  	[sflag:s23] =	ssyncset.done $0x0  }
0x30: {  	s14 =	simm.s32 $0x1400;
	[sflag:s23] =	ssyncadd.s32 $0xFFFFF000  }
0x31: {  	[spmem:s2] =	stream.indirect.scatter.add.f32 [tilespmem:s18], [sflag:$0x5], $0x20, s14, s17, $0xb8;
	[tilespmem:$0x1EF00] =	vst v63  }
0x32: {  	_ =	swait.ge [sflag:s15], $0x1000  }
0x33: {  	[sflag:s15] =	ssyncset.done $0x0  }
0x34: {  	s16 =	simm.s32 $0x200;
	[sflag:s15] =	ssyncadd.s32 $0xFFFFF000  }
0x35: {  	[tilespmem:s18], [sflag:$0x1] =	stream.indirect.gather [hbm4b:s12+s17], $0x20, s16, s17, $0xb8;
	[tilespmem:$0x1EF00] =	vst v63  }
0x36: {  	_ =	swait.ge [sflag:s24], $0x1000  }
0x37: {  	[sflag:s24] =	ssyncset.done $0x0  }
0x38: {  	s20 =	simm.s32 $0x1480;
	[sflag:s24] =	ssyncadd.s32 $0xFFFFF000  }
0x39: {  	[spmem:s2] =	stream.indirect.scatter.add.f32 [tilespmem:s19], [sflag:$0x5], $0x20, s20, s17, $0xb8;
	[tilespmem:$0x1EF00] =	vst v63  }
0x3a: {  	_ =	swait.ge [sflag:s15], $0x1000  }
0x3b: {  	s3 =	simm.s32 $0x280;
	[sflag:s15] =	ssyncset.done $0x0  }
0x3c: {  	s11 =	simm.s32 @p0 $0x3800;
	s13 =	simm.s32 @p0 $0x80;
	[sflag:s15] =	ssyncadd.s32 $0xFFFFF000  }
0x3d: {  	[tilespmem:s11], [sflag:$0x2] =	stream.indirect.gather @p0 [hbm4b:s5+s13], $0x20, s3, s13, $0xb8;
	[tilespmem:$0x1EF00] =	vst v63  }
0x3e: {  	s9 =	simm.s32 @!p0 $0x80;
	s14 =	simm.s32 @!p0 $0x3800  }
0x3f: {  	[tilespmem:s14], [sflag:$0x2] =	stream.indirect.gather @!p0 [hbm4b:s1+s9], $0x20, s3, s9, $0xb8;
	[tilespmem:$0x1EF00] =	vst v63  }
0x40: {  	_ =	swait.ge [sflag:s25], $0x1000  }
0x41: {  	[sflag:s25] =	ssyncset.done $0x0  }
0x42: {  	s8 =	simm.s32 $0x1500;
	[sflag:s25] =	ssyncadd.s32 $0xFFFFF000  }
0x43: {  	[spmem:s2] =	stream.indirect.scatter.add.f32 [tilespmem:s21], [sflag:$0x5], $0x20, s8, s17, $0xb8;
	[tilespmem:$0x1EF00] =	vst v63  }
0x44: {  	_ =	swait.ge [sflag:s15], $0x1000  }
0x45: {  	[sflag:s15] =	ssyncset.done $0x0  }
0x46: {  	s16 =	simm.s32 $0x300;
	[sflag:s15] =	ssyncadd.s32 $0xFFFFF000  }
0x47: {  	[tilespmem:s21], [sflag:$0x3] =	stream.indirect.gather [hbm4b:s12+s17], $0x20, s16, s17, $0xb8;
	[tilespmem:$0x1EF00] =	vst v63  }
0x48: {  	_ =	swait.ge [sflag:s26], $0x1000  }
0x49: {  	[sflag:s26] =	ssyncset.done $0x0  }
0x4a: {  	s20 =	simm.s32 $0x1580;
	[sflag:s26] =	ssyncadd.s32 $0xFFFFF000  }
0x4b: {  	[spmem:s2] =	stream.indirect.scatter.add.f32 [tilespmem:s22], [sflag:$0x5], $0x20, s20, s17, $0xb8;
	[tilespmem:$0x1EF00] =	vst v63  }
0x4c: {  	_ =	swait.ge [sflag:s15], $0x1000  }
0x4d: {  	s3 =	simm.s32 $0x1000;
	s8 =	simm.s32 $0x200;
	[sflag:s15] =	ssyncset.done $0x0  }
.LBB2_3:
0x4e: {  	s20 =	sadd.s32 $0x180, s8  }
0x4f: {  	[sflag:s15] =	ssyncadd.s32 $0xFFFFF000;
	s16 =	smov.u32 s3;
	s3 =	sadd.s32 $0x800, s3  }
0x50: {  	[tilespmem:s22], [sflag:$0x4] =	stream.indirect.gather [hbm4b:s12+s17], $0x20, s20, s17, $0xb8;
	[tilespmem:$0x1EF00] =	vst v63  }
0x51: {  	p1 =	sne.s32 s3, $0x4800;
	_ =	swait.ge [sflag:s23], $0x1000  }
0x52: {  	[sflag:s23] =	ssyncset.done $0x0  }
0x53: {  	s20 =	sadd.s32 $0x1400, s8;
	[sflag:s23] =	ssyncadd.s32 $0xFFFFF000  }
0x54: {  	[spmem:s2] =	stream.indirect.scatter.add.f32 [tilespmem:s18], [sflag:$0x5], $0x20, s20, s17, $0xb8;
	[tilespmem:$0x1EF00] =	vst v63  }
0x55: {  	_ =	swait.ge [sflag:s15], $0x1000  }
0x56: {  	[sflag:s15] =	ssyncset.done $0x0  }
0x57: {  	s20 =	sadd.s32 $0x200, s8;
	[sflag:s15] =	ssyncadd.s32 $0xFFFFF000  }
0x58: {  	[tilespmem:s18], [sflag:$0x1] =	stream.indirect.gather [hbm4b:s12+s17], $0x20, s20, s17, $0xb8;
	[tilespmem:$0x1EF00] =	vst v63  }
0x59: {  	_ =	swait.ge [sflag:s24], $0x1000  }
0x5a: {  	[sflag:s24] =	ssyncset.done $0x0  }
0x5b: {  	s20 =	sadd.s32 $0x1480, s8;
	[sflag:s24] =	ssyncadd.s32 $0xFFFFF000  }
0x5c: {  	[spmem:s2] =	stream.indirect.scatter.add.f32 [tilespmem:s19], [sflag:$0x5], $0x20, s20, s17, $0xb8;
	[tilespmem:$0x1EF00] =	vst v63  }
0x5d: {  	_ =	swait.ge [sflag:s15], $0x1000  }
0x5e: {  	[sflag:s15] =	ssyncset.done $0x0  }
0x5f: {  	s20 =	sadd.s32 $0x280, s8;
	[sflag:s15] =	ssyncadd.s32 $0xFFFFF000  }
0x60: {  	[tilespmem:s11], [sflag:$0x2] =	stream.indirect.gather @p0 [hbm4b:s5+s13], $0x20, s20, s13, $0xb8;
	[tilespmem:$0x1EF00] =	vst v63  }
0x61: {  	_ = 	snop  }
0x62: {  	[tilespmem:s14], [sflag:$0x2] =	stream.indirect.gather @!p0 [hbm4b:s1+s9], $0x20, s20, s9, $0xb8;
	[tilespmem:$0x1EF00] =	vst v63  }
0x63: {  	_ =	swait.ge [sflag:s25], $0x1000  }
0x64: {  	[sflag:s25] =	ssyncset.done $0x0  }
0x65: {  	s20 =	sadd.s32 $0x1500, s8;
	[sflag:s25] =	ssyncadd.s32 $0xFFFFF000  }
0x66: {  	[spmem:s2] =	stream.indirect.scatter.add.f32 [tilespmem:s21], [sflag:$0x5], $0x20, s20, s17, $0xb8;
	[tilespmem:$0x1EF00] =	vst v63  }
0x67: {  	_ =	swait.ge [sflag:s15], $0x1000  }
0x68: {  	[sflag:s15] =	ssyncset.done $0x0  }
0x69: {  	s20 =	sadd.s32 $0x300, s8;
	[sflag:s15] =	ssyncadd.s32 $0xFFFFF000  }
0x6a: {  	[tilespmem:s21], [sflag:$0x3] =	stream.indirect.gather [hbm4b:s12+s17], $0x20, s20, s17, $0xb8;
	[tilespmem:$0x1EF00] =	vst v63  }
0x6b: {  	_ =	swait.ge [sflag:s26], $0x1000  }
.Ltmp0:
0x6c: {  	[sflag:s26] =	ssyncset.done $0x0;
	(pc) =	sbr.rel @p1 .LBB2_3-.Ltmp0, $4  }
0x6d: {  	s8 =	sadd.s32 $0x1580, s8;
	[sflag:s26] =	ssyncadd.s32 $0xFFFFF000  }
0x6e: {  	[spmem:s2] =	stream.indirect.scatter.add.f32 [tilespmem:s22], [sflag:$0x5], $0x20, s8, s17, $0xb8;
	[tilespmem:$0x1EF00] =	vst v63  }
0x6f: {  	_ =	swait.ge [sflag:s15], $0x1000  }
0x70: {  	s8 =	sshra.s32 s16, $0x2;
	[sflag:s15] =	ssyncset.done $0x0  }
0x71: {  	s3 =	sadd.s32 $0x180, s8;
	[sflag:s15] =	ssyncadd.s32 $0xFFFFF000  }
0x72: {  	[tilespmem:s22], [sflag:$0x4] =	stream.indirect.gather [hbm4b:s12+s17], $0x20, s3, s17, $0xb8;
	[tilespmem:$0x1EF00] =	vst v63  }
0x73: {  	_ =	swait.ge [sflag:s23], $0x1000  }
0x74: {  	[sflag:s23] =	ssyncset.done $0x0  }
0x75: {  	s9 =	sadd.s32 $0x1400, s8;
	[sflag:s23] =	ssyncadd.s32 $0xFFFFF000  }
0x76: {  	[spmem:s2] =	stream.indirect.scatter.add.f32 [tilespmem:s18], [sflag:$0x5], $0x20, s9, s17, $0xb8;
	[tilespmem:$0x1EF00] =	vst v63  }
0x77: {  	_ =	swait.ge [sflag:s15], $0x1000  }
0x78: {  	[sflag:s15] =	ssyncset.done $0x0  }
0x79: {  	s11 =	sadd.s32 $0x200, s8;
	[sflag:s15] =	ssyncadd.s32 $0xFFFFF000  }
0x7a: {  	[tilespmem:s18], [sflag:$0x1] =	stream.indirect.gather [hbm4b:s12+s17], $0x20, s11, s17, $0xb8;
	[tilespmem:$0x1EF00] =	vst v63  }
0x7b: {  	_ =	swait.ge [sflag:s24], $0x1000  }
0x7c: {  	[sflag:s24] =	ssyncset.done $0x0  }
0x7d: {  	s13 =	sadd.s32 $0x1480, s8;
	[sflag:s24] =	ssyncadd.s32 $0xFFFFF000  }
0x7e: {  	[spmem:s2] =	stream.indirect.scatter.add.f32 [tilespmem:s19], [sflag:$0x5], $0x20, s13, s17, $0xb8;
	[tilespmem:$0x1EF00] =	vst v63  }
0x7f: {  	_ =	swait.ge [sflag:s15], $0x1000  }
0x80: {  	s3 =	simm.s32 @p0 $0x3800;
	[sflag:s15] =	ssyncset.done $0x0  }
0x81: {  	s9 =	sadd.s32 $0x280, s8;
	s11 =	simm.s32 @p0 $0x80;
	[sflag:s15] =	ssyncadd.s32 $0xFFFFF000  }
0x82: {  	[tilespmem:s3], [sflag:$0x2] =	stream.indirect.gather @p0 [hbm4b:s5+s11], $0x20, s9, s11, $0xb8;
	[tilespmem:$0x1EF00] =	vst v63  }
0x83: {  	s3 =	simm.s32 @!p0 $0x80;
	s11 =	simm.s32 @!p0 $0x3800  }
0x84: {  	[tilespmem:s11], [sflag:$0x2] =	stream.indirect.gather @!p0 [hbm4b:s1+s3], $0x20, s9, s3, $0xb8;
	[tilespmem:$0x1EF00] =	vst v63  }
0x85: {  	_ =	swait.ge [sflag:s25], $0x1000  }
0x86: {  	[sflag:s25] =	ssyncset.done $0x0  }
0x87: {  	s14 =	sadd.s32 $0x1500, s8;
	[sflag:s25] =	ssyncadd.s32 $0xFFFFF000  }
0x88: {  	[spmem:s2] =	stream.indirect.scatter.add.f32 [tilespmem:s21], [sflag:$0x5], $0x20, s14, s17, $0xb8;
	[tilespmem:$0x1EF00] =	vst v63  }
0x89: {  	_ =	swait.ge [sflag:s15], $0x1000  }
0x8a: {  	[sflag:s15] =	ssyncset.done $0x0  }
0x8b: {  	s16 =	sadd.s32 $0x300, s8;
	[sflag:s15] =	ssyncadd.s32 $0xFFFFF000  }
0x8c: {  	[tilespmem:s21], [sflag:$0x3] =	stream.indirect.gather [hbm4b:s12+s17], $0x20, s16, s17, $0xb8;
	[tilespmem:$0x1EF00] =	vst v63  }
0x8d: {  	_ =	swait.ge [sflag:s26], $0x1000  }
0x8e: {  	[sflag:s26] =	ssyncset.done $0x0  }
0x8f: {  	s20 =	sadd.s32 $0x1580, s8;
	[sflag:s26] =	ssyncadd.s32 $0xFFFFF000  }
0x90: {  	[spmem:s2] =	stream.indirect.scatter.add.f32 [tilespmem:s22], [sflag:$0x5], $0x20, s20, s17, $0xb8;
	[tilespmem:$0x1EF00] =	vst v63  }
0x91: {  	_ =	swait.ge [sflag:s15], $0x1000  }
0x92: {  	[sflag:s15] =	ssyncset.done $0x0  }
0x93: {  	[sflag:s15] =	ssyncadd.s32 $0xFFFFF000  }
0x94: {  	[tilespmem:s22], [sflag:$0x4] =	stream.indirect.gather [hbm4b:s12+s17], $0x20, s28, s17, $0xb8;
	[tilespmem:$0x1EF00] =	vst v63  }
0x95: {  	_ =	swait.ge [sflag:s23], $0x1000  }
0x96: {  	[sflag:s23] =	ssyncset.done $0x0  }
0x97: {  	[sflag:s23] =	ssyncadd.s32 $0xFFFFF000  }
0x98: {  	[spmem:s2] =	stream.indirect.scatter.add.f32 [tilespmem:s18], [sflag:$0x5], $0x20, s29, s17, $0xb8;
	[tilespmem:$0x1EF00] =	vst v63  }
0x99: {  	_ =	swait.ge [sflag:s15], $0x1000  }
0x9a: {  	[sflag:s15] =	ssyncset.done $0x0  }
0x9b: {  	[sflag:s15] =	ssyncadd.s32 $0xFFFFF000  }
0x9c: {  	_ =	swait.ge [sflag:s24], $0x1000  }
0x9d: {  	[sflag:s24] =	ssyncset.done $0x0  }
0x9e: {  	[sflag:s24] =	ssyncadd.s32 $0xFFFFF000  }
0x9f: {  	[spmem:s2] =	stream.indirect.scatter.add.f32 [tilespmem:s19], [sflag:$0x5], $0x20, s30, s17, $0xb8;
	[tilespmem:$0x1EF00] =	vst v63  }
0xa0: {  	_ =	swait.ge [sflag:s15], $0x1000  }
0xa1: {  	[sflag:s15] =	ssyncset.done $0x0  }
0xa2: {  	[sflag:s15] =	ssyncadd.s32 $0xFFFFF000  }
0xa3: {  	_ =	swait.ge [sflag:s25], $0x1000  }
0xa4: {  	[sflag:s25] =	ssyncset.done $0x0  }
0xa5: {  	[sflag:s25] =	ssyncadd.s32 $0xFFFFF000  }
0xa6: {  	[spmem:s2] =	stream.indirect.scatter.add.f32 [tilespmem:s21], [sflag:$0x5], $0x20, s31, s17, $0xb8;
	[tilespmem:$0x1EF00] =	vst v63  }
0xa7: {  	_ =	swait.ge [sflag:s15], $0x1000  }
0xa8: {  	[sflag:s15] =	ssyncset.done $0x0  }
0xa9: {  	[sflag:s15] =	ssyncadd.s32 $0xFFFFF000  }
0xaa: {  	s4 =	sadd.s32 $0x1, s4;
	_ =	swait.ge [sflag:s26], $0x1000  }
0xab: {  	p1 =	sne.s32 s4, $0xA;
	[sflag:s26] =	ssyncset.done $0x0  }
.Ltmp1:
0xac: {  	[sflag:s26] =	ssyncadd.s32 $0xFFFFF000;
	(pc) =	sbr.rel @p1 .LBB2_2-.Ltmp1, $4  }
0xad: {  	[spmem:s2] =	stream.indirect.scatter.add.f32 [tilespmem:s22], [sflag:$0x5], $0x20, s0, s17, $0xb8;
	[tilespmem:$0x1EF00] =	vst v63  }
0xae: {  	_ =	swait.ge [sflag:s15], $0x1000  }
0xaf: {  	[sflag:s15] =	ssyncset.done $0x0  }
0xb0: {  	[sflag:s15] =	ssyncadd.s32 $0xFFFFF000  }
0xb1: {  	[bflag:$0x0] =	sbarrier.arrive $0xFFFF  }
0xb2: {  	s14 =	rddreg [dreg:$0x6]  }
0xb3: {  	s3 =	rddreg [dreg:$0x8]  }
0xb4: {  	s4 =	rddreg [dreg:$0x9]  }
0xb5: {  	[hbm:s3], [sflag:s14] =	dma.local [spmem:s4], $0x30E0  }
0xb6: {  	_ =	swait.ge [sflag:s15], $0x30E0  }
0xb7: {  	s13 =	rddreg [dreg:$0x4]  }
0xb8: {  	s20 =	rddreg [dreg:$0x7];
	s13 =	sadd.s32 $0x1, s13  }
0xb9: {  	p1 =	sne.s32 s13, s20  }
.Ltmp2:
0xba: {  	_ = 	snop;
	(pc) =	sbr.rel @p1 .LBB2_1-.Ltmp2, $3  }
0xbb: {  	_ =	sdelay $0x1  }
0xbc: {  	[sflag:s15] =	ssyncset.done $0x0  }
0xbd: {  	[sflag:s15] =	ssyncadd.s32 $0xFFFFCF20  }
0xbe: {  	_ =	sfence.sel $0x180000  }
0xbf: {  	[bflag:$0x0] =	sbarrier.arrive $0xFFFF  }
0xc0: {  	_ =	strace $0x90000056  }
0xc1: {  	s0 =	stileid.u32;
	[bflag:$0x2] =	sbarrier.arrive $0xFFFF  }
0xc2: {  	p0 =	sne.s32 s0, $0x0;
	s0 =	rddreg [dreg:$0x3]  }
0xc3: {  	s0 =	sadd.s32 @!p0 $0x100000, s0  }
0xc4: {  	[sflag:s0] =	ssyncadd.tile.s32 @!p0 $0x1;
	_ =	shalt  }
.Lfunc_end2:
_tile_overlayer_lowered:
.L_overlay_start_2:
0xc5: {  	(tag) =	ssettag $0x2  }
0xc6: {  	s0 =	rddreg [dreg:$0x0];
	s2 =	stileid.u32  }
0xc7: {  	s1 =	rddreg [dreg:$0x1];
	p0 =	sne.s32 s2, $0x0  }
0xc8: {  	s3 =	rddreg [dreg:$0x2];
	[bflag:$0x3] =	sbarrier.arrive $0xFFFF;
	s2 =	simm.s32 @!p0 $0x1C05  }
0xc9: {  	[timem:s3], [sflag:s2] =	dma.local @!p0 [hbm:s0], s1  }
0xca: {  	s0 =	simm.s32 @!p0 $0x5  }
0xcb: {  	_ =	swait.ge @!p0 [sflag:s0], s1  }
0xcc: {  	s1 =	ssub.s32 @!p0 $0x0, s1;
	[sflag:s0] =	ssyncset.done @!p0 $0x0  }
0xcd: {  	[sflag:s0] =	ssyncadd.s32 @!p0 s1  }
0xce: {  	[bflag:$0x3] =	sbarrier.arrive $0xFFFF  }
0xcf: {  	_ =	shalt  }

</sc_bundles>
